<compile_context>
chip_gen: v7x
topology: tpu7x:2x2x1
jax: 0.10.2.dev20260603
libtpu: 0.0.44.dev20260713+nightly
codegen_flags: <defaults>
</compile_context>

<pallas_src>
import functools
import math

import jax
import jax.numpy as jnp
import numpy as np
from jax import lax
from jax.experimental import pallas as pl
from jax.experimental.pallas import tpu as pltpu
from jax.experimental.pallas import tpu_sc as plsc

_B, _P, _K = 8, 1024, 32
_SCALE = 1.0 / math.sqrt(1.0 + 1e-5)


def _fused_mlp_body(nl, relu_last, logsoftmax, h_ref, *refs):
    out_ref = refs[-1]
    a = h_ref[...]
    for i in range(nl):
        w = refs[2 * i][...]
        b = refs[2 * i + 1][...]
        a = jnp.dot(a, w, preferred_element_type=jnp.float32) + b
        if i < nl - 1 or relu_last:
            a = jnp.maximum(a * _SCALE, 0.0)
    if logsoftmax:
        m = jnp.max(a, axis=-1, keepdims=True)
        s = a - m
        lse = jnp.log(jnp.sum(jnp.exp(s), axis=-1, keepdims=True))
        a = s - lse
    out_ref[...] = a


def _mlp_pallas(params, h, blk=1024, relu_last=False, logsoftmax=False):
    m, din = h.shape
    nl = len(params)
    dout = params[-1][0].shape[1]
    assert m % blk == 0, (m, blk)
    wb = []
    in_specs = [pl.BlockSpec((blk, din), lambda i: (i, 0))]
    for w, b in params:
        wb.append(w)
        wb.append(b.reshape(1, -1))
        in_specs.append(pl.BlockSpec(w.shape, lambda i: (0, 0)))
        in_specs.append(pl.BlockSpec((1, b.shape[0]), lambda i: (0, 0)))
    return pl.pallas_call(
        functools.partial(_fused_mlp_body, nl, relu_last, logsoftmax),
        grid=(m // blk,),
        in_specs=in_specs,
        out_specs=pl.BlockSpec((blk, dout), lambda i: (i, 0)),
        out_shape=jax.ShapeDtypeStruct((m, dout), jnp.float32),
    )(h, *wb)


_T = 1024


def _radius_conv_body(r2, h3, z_ref, q_ref, idx_ref, d2_ref,
                      w2_ref, b2_ref, w3_ref, b3_ref, out_ref):
    zb = z_ref[0]
    qb = q_ref[0]
    idx = idx_ref[0]
    d2 = d2_ref[0]
    w2, b2 = w2_ref[...], b2_ref[...]
    w3, b3 = w3_ref[...], b3_ref[...]
    iota = jax.lax.broadcasted_iota(jnp.int32, (_T, _P), 1)
    z_hi = zb.astype(jnp.bfloat16)
    z_lo = (zb - z_hi.astype(jnp.float32)).astype(jnp.bfloat16)
    m = jnp.full((_T, h3), -jnp.inf, dtype=jnp.float32)
    for k in range(_K):
        oh = (iota == idx[:, k:k + 1]).astype(jnp.bfloat16)
        g = (jnp.dot(oh, z_hi, preferred_element_type=jnp.float32)
             + jnp.dot(oh, z_lo, preferred_element_type=jnp.float32))
        a = jnp.maximum((g - qb) * _SCALE, 0.0)
        a = jnp.dot(a, w2, preferred_element_type=jnp.float32) + b2
        a = jnp.maximum(a * _SCALE, 0.0)
        a = jnp.dot(a, w3, preferred_element_type=jnp.float32) + b3
        valid = d2[:, k:k + 1] <= r2
        m = jnp.maximum(m, jnp.where(valid, a, -jnp.inf))
    out_ref[0] = m


def _radius_conv_pallas(feat, pos3, idx, d2k, params, r):
    (w1, b1), (w2, b2), (w3, b3) = params
    f = feat.shape[1]
    h1 = w1.shape[1]
    h3 = w3.shape[1]
    wz = jnp.concatenate([w1, jnp.concatenate(
        [jnp.zeros((f, h1), jnp.float32), w1[f:]], axis=0)], axis=1)
    bz = jnp.concatenate([b1, jnp.zeros((h1,), jnp.float32)])
    zq = _mlp_pallas([(wz, bz)], jnp.concatenate([feat, pos3], axis=1),
                     blk=4096)
    z = zq[:, :h1].reshape(_B, _P, h1)
    q = zq[:, h1:].reshape(_B, _P, h1)
    out = pl.pallas_call(
        functools.partial(_radius_conv_body, r * r + 1e-12, h3),
        grid=(_B, _P // _T),
        in_specs=[
            pl.BlockSpec((1, _P, h1), lambda b, t: (b, 0, 0)),
            pl.BlockSpec((1, _T, h1), lambda b, t: (b, t, 0)),
            pl.BlockSpec((1, _T, _K), lambda b, t: (b, t, 0)),
            pl.BlockSpec((1, _T, _K), lambda b, t: (b, t, 0)),
            pl.BlockSpec(w2.shape, lambda b, t: (0, 0)),
            pl.BlockSpec((1, w2.shape[1]), lambda b, t: (0, 0)),
            pl.BlockSpec(w3.shape, lambda b, t: (0, 0)),
            pl.BlockSpec((1, h3), lambda b, t: (0, 0)),
        ],
        out_specs=pl.BlockSpec((1, _T, h3), lambda b, t: (b, t, 0)),
        out_shape=jax.ShapeDtypeStruct((_B, _P, h3), jnp.float32),
    )(z, q, idx, d2k, w2, b2.reshape(1, -1), w3, b3.reshape(1, -1))
    return out.reshape(_B * _P, h3)


_TN = 512


def _knn_body(pt_ref, pa_ref, idx_ref, d2_ref):
    pt = pt_ref[0]
    pa = pa_ref[0]
    xt, yt = pt[:, 0:1], pt[:, 1:2]
    xa, ya = pa[0:1, :], pa[1:2, :]
    dx = xt - xa
    dy = yt - ya
    d2 = dx * dx + dy * dy
    iota = jax.lax.broadcasted_iota(jnp.int32, (_TN, _P), 1)
    idxs, d2s = [], []
    for k in range(_K):
        mn = jnp.min(d2, axis=1, keepdims=True)
        sel = jnp.where(d2 == mn, iota, _P)
        amin = jnp.min(sel, axis=1, keepdims=True)
        idxs.append(amin)
        d2s.append(mn)
        if k < _K - 1:
            d2 = jnp.where(iota == amin, jnp.inf, d2)
    idx_ref[0] = jnp.concatenate(idxs, axis=1)
    d2_ref[0] = jnp.concatenate(d2s, axis=1)


def _neighbors(pos):
    pb = pos.reshape(_B, _P, 2)
    pt = jnp.transpose(pb, (0, 2, 1))
    return pl.pallas_call(
        _knn_body,
        grid=(_B, _P // _TN),
        in_specs=[
            pl.BlockSpec((1, _TN, 2), lambda b, t: (b, t, 0)),
            pl.BlockSpec((1, 2, _P), lambda b, t: (b, 0, 0)),
        ],
        out_specs=[
            pl.BlockSpec((1, _TN, _K), lambda b, t: (b, t, 0)),
            pl.BlockSpec((1, _TN, _K), lambda b, t: (b, t, 0)),
        ],
        out_shape=[
            jax.ShapeDtypeStruct((_B, _P, _K), jnp.int32),
            jax.ShapeDtypeStruct((_B, _P, _K), jnp.float32),
        ],
    )(pb, pt)


def _sc_num_workers():
    try:
        info = plsc.get_sparse_core_info()
        return info.num_cores, info.num_subcores
    except Exception:
        return 2, 16


_SC_CH = 128


def _sc_gather_rows(table, fidx, d):
    n = fidx.shape[0]
    nc, ns = _sc_num_workers()
    nw = nc * ns
    per_w = n // nw
    assert n % nw == 0 and per_w % _SC_CH == 0, (n, nw)
    mesh = plsc.VectorSubcoreMesh(core_axis_name="c", subcore_axis_name="s")

    @functools.partial(
        pl.kernel, mesh=mesh,
        out_type=jax.ShapeDtypeStruct((n, d), jnp.float32),
        scratch_types=[
            pltpu.VMEM((_SC_CH,), jnp.int32),
            pltpu.VMEM((_SC_CH, d), jnp.float32),
            pltpu.SemaphoreType.DMA,
        ],
    )
    def gk(table_hbm, idx_hbm, out_hbm, idx_v, rows_v, sem):
        wid = lax.axis_index("s") * nc + lax.axis_index("c")
        base = wid * per_w
        for c in range(per_w // _SC_CH):
            off = base + c * _SC_CH
            pltpu.sync_copy(idx_hbm.at[pl.ds(off, _SC_CH)], idx_v)
            pltpu.async_copy(table_hbm.at[idx_v], rows_v, sem).wait()
            pltpu.sync_copy(rows_v, out_hbm.at[pl.ds(off, _SC_CH)])

    return gk(table, fidx)


def _interp_body(r0_ref, r1_ref, r2_ref, d2_ref, out_ref):
    w = 1.0 / jnp.maximum(d2_ref[...], 1e-16)
    s = jnp.sum(w, axis=1, keepdims=True)
    out_ref[...] = (r0_ref[...] * w[:, 0:1] + r1_ref[...] * w[:, 1:2]
                    + r2_ref[...] * w[:, 2:3]) / s


def _interp_pallas(rows, d23, d):
    n = d23.shape[0]
    blk = 1024
    nb = n // blk
    return pl.pallas_call(
        _interp_body,
        grid=(nb,),
        in_specs=[
            pl.BlockSpec((blk, d), lambda i: (i, 0)),
            pl.BlockSpec((blk, d), lambda i: (i + nb, 0)),
            pl.BlockSpec((blk, d), lambda i: (i + 2 * nb, 0)),
            pl.BlockSpec((blk, 3), lambda i: (i, 0)),
        ],
        out_specs=pl.BlockSpec((blk, d), lambda i: (i, 0)),
        out_shape=jax.ShapeDtypeStruct((n, d), jnp.float32),
    )(rows, rows, rows, d23)


def kernel(x, pos, batch, sa1_params, sa2_params, sa3_params,
           fp3_params, fp2_params, fp1_params, head_params):
    del batch
    idx, d2k = _neighbors(pos)
    bidx = jnp.arange(_B)[:, None, None]
    fidx3 = jnp.transpose(idx[:, :, :3] + bidx * _P, (2, 0, 1)).reshape(-1)
    d23 = d2k[:, :, :3].reshape(_B * _P, 3)

    x1 = _radius_conv_pallas(x, pos, idx, d2k, sa1_params, 0.1)
    x2 = _radius_conv_pallas(x1, pos, idx, d2k, sa2_params, 0.2)

    g = _mlp_pallas(sa3_params, jnp.concatenate([x2, pos], axis=1), blk=1024)
    x3 = jnp.max(g.reshape(_B, _P, -1), axis=1)

    up3 = jnp.broadcast_to(x3[:, None, :], (_B, _P, x3.shape[-1])).reshape(_B * _P, -1)
    h3 = _mlp_pallas(fp3_params, jnp.concatenate([up3, x2], axis=1), blk=1024)

    def interp(feat):
        d = feat.shape[1]
        rows = _sc_gather_rows(feat, fidx3, d)
        return _interp_pallas(rows, d23, d)

    up2 = interp(h3)
    h2 = _mlp_pallas(fp2_params, jnp.concatenate([up2, x1], axis=1), blk=1024)
    up1 = interp(h2)
    h1 = _mlp_pallas(fp1_params, jnp.concatenate([up1, x], axis=1), blk=1024)
    return _mlp_pallas(head_params, h1, blk=1024, logsoftmax=True)

# --- scband reference (transcript-rebuilt; emitter-appended) ---
"""Pipeline reference for scband-point-net-seg-89438398972534 (READ-ONLY COPY).

The authoritative reference and input builder live on the scoring server;
editing this copy changes nothing except your own understanding.
"""

import jax, jax.numpy as jnp
import numpy as np

B, P, K_NB = 8, 1024, 32
R1, R2 = 0.1, 0.2
K_INTERP = 3
F_IN, N_OUT = 3, 13


def _make_mlp(key, dims):
    params = []
    for i in range(len(dims) - 1):
        key, k1 = jax.random.split(key)
        W = jax.random.normal(k1, (dims[i], dims[i + 1]), jnp.float32) * (1.0 / np.sqrt(dims[i]))
        b = jnp.zeros((dims[i + 1],), jnp.float32)
        params.append((W, b))
    return params


def setup_inputs(seed: int = 0):
    key = jax.random.key(seed)
    ks = jax.random.split(key, 10)
    N = B * P
    x = jax.random.normal(ks[0], (N, F_IN), jnp.float32)
    pos = jax.random.uniform(ks[1], (N, 2), jnp.float32)
    batch = jnp.repeat(jnp.arange(B, dtype=jnp.int32), P)
    return {
        'x': x, 'pos': pos, 'batch': batch,
        'sa1_params': _make_mlp(ks[2], [2 + F_IN, 64, 64, 128]),
        'sa2_params': _make_mlp(ks[3], [128 + 2, 128, 128, 256]),
        'sa3_params': _make_mlp(ks[4], [256 + 2, 256, 512, 1024]),
        'fp3_params': _make_mlp(ks[5], [1024 + 256, 256, 256]),
        'fp2_params': _make_mlp(ks[6], [256 + 128, 256, 128]),
        'fp1_params': _make_mlp(ks[7], [128 + F_IN, 128, 128, 128]),
        'head_params': _make_mlp(ks[8], [128, 128, 128, N_OUT]),
    }


def _mlp(params, h):
    # PyG MLP, plain_last=True; BatchNorm in eval mode with default running
    # stats (mean=0, var=1, affine=identity) -> scale by 1/sqrt(1+eps).
    n = len(params)
    for i, (W, b) in enumerate(params):
        h = h @ W + b
        if i < n - 1:
            h = h * (1.0 / jnp.sqrt(1.0 + 1e-5))
            h = jax.nn.relu(h)
    return h


def _radius_conv(x, pos, params, r, k):
    # SetAbstraction with idx = all points: radius graph (<= k nearest within r,
    # batch-local), PointNetConv message nn([x_j, pos_j - pos_i]), max aggregation.
    pb = pos.reshape(B, P, 2)
    d2 = jnp.sum((pb[:, :, None, :] - pb[:, None, :, :]) ** 2, axis=-1)  # [B,P,P]
    negd, idx = jax.lax.top_k(-d2, k)  # k nearest per target (self included, d=0)
    valid = (-negd) <= r * r + 1e-12
    bidx = jnp.arange(B)[:, None, None]
    pos_j = pb[bidx, idx]                       # [B,P,k,2]
    rel = pos_j - pb[:, :, None, :]
    xb = x.reshape(B, P, -1)
    x_j = xb[bidx, idx]                         # [B,P,k,F]
    msg = _mlp(params, jnp.concatenate([x_j, rel], axis=-1))
    msg = jnp.where(valid[..., None], msg, -jnp.inf)
    out = jnp.max(msg, axis=2)                  # max aggr; self edge always valid
    return out.reshape(B * P, -1)


def _knn_interpolate_same(x, pos, k):
    # knn_interpolate with identical source/target positions (idx = all points)
    pb = pos.reshape(B, P, 2)
    d2 = jnp.sum((pb[:, :, None, :] - pb[:, None, :, :]) ** 2, axis=-1)
    negd, idx = jax.lax.top_k(-d2, k)
    d2k = jax.lax.stop_gradient(-negd)          # torch computes knn weights under no_grad
    w = 1.0 / jnp.maximum(d2k, 1e-16)           # [B,P,k]
    bidx = jnp.arange(B)[:, None, None]
    xb = x.reshape(B, P, -1)
    x_j = xb[bidx, idx]
    y = jnp.sum(x_j * w[..., None], axis=2) / jnp.sum(w, axis=2, keepdims=True)
    return y.reshape(B * P, -1)


def reference(x, pos, batch, sa1_params, sa2_params, sa3_params,
              fp3_params, fp2_params, fp1_params, head_params):
    x0, pos0 = x, pos
    # SA1 / SA2
    x1 = _radius_conv(x0, pos0, sa1_params, R1, K_NB)
    x2 = _radius_conv(x1, pos0, sa2_params, R2, K_NB)
    # GlobalSetAbstraction: nn([x, pos]) then global_max_pool over batch
    g = _mlp(sa3_params, jnp.concatenate([x2, pos0], axis=1))
    x3 = jnp.max(g.reshape(B, P, -1), axis=1)   # [B, 1024]
    # FP3: knn_interpolate k=1 from single global point per cloud -> broadcast
    up3 = x3[batch]                             # [N, 1024]
    h3 = _mlp(fp3_params, jnp.concatenate([up3, x2], axis=1))
    # FP2: k=3 interpolation (source/target coords identical)
    up2 = _knn_interpolate_same(h3, pos0, K_INTERP)
    h2 = _mlp(fp2_params, jnp.concatenate([up2, x1], axis=1))
    # FP1
    up1 = _knn_interpolate_same(h2, pos0, K_INTERP)
    h1 = _mlp(fp1_params, jnp.concatenate([up1, x0], axis=1))
    # head MLP (dropout inactive in eval) + log_softmax
    out = _mlp(head_params, h1)
    return jax.nn.log_softmax(out, axis=1)

if __name__ == "__main__":
    import jax
    _d = setup_inputs()
    print(jax.jit(kernel)(*tuple(_d.values())))

</pallas_src>

<mosaic_0001>
#map = affine_map<(d0, d1) -> (0, 0)>
#map1 = affine_map<(d0, d1) -> (0)>
module attributes {stable_mosaic.version = 14 : i64} {
  func.func @gk(%arg0: i32, %arg1: i32, %arg2: memref<8192x256xf32, #tpu.memory_space<hbm>>, %arg3: memref<24576xi32, #tpu.memory_space<hbm>>, %arg4: memref<24576x256xf32, #tpu.memory_space<hbm>>, %arg5: memref<128xi32, #tpu.memory_space<vmem>>, %arg6: memref<128x256xf32, #tpu.memory_space<vmem>>, %arg7: memref<!tpu.dma_semaphore, #tpu.memory_space<semaphore_mem>>) attributes {dimension_semantics = [#tpu.dimension_semantics<core_parallel>, #tpu.dimension_semantics<subcore_parallel>], iteration_bounds = array<i64: 2, 16>, scalar_prefetch = 0 : i64, scratch_operands = 3 : i64, tpu.core_type = #tpu.core_type<sc_vector_subcore>, window_params = [{transform_indices = #map}, {transform_indices = #map1}, {transform_indices = #map}]} {
    %mul3A = arith.constant 2 : i32
    %mul3A_0 = arith.muli %arg1, %mul3A : i32
    %add3A = arith.addi %mul3A_0, %arg0 : i32
    %mul3A_1 = arith.constant 768 : i32
    %mul3A_2 = arith.muli %add3A, %mul3A_1 : i32
    %add3A_3 = arith.constant 0 : i32
    %add3A_4 = arith.addi %mul3A_2, %add3A_3 : i32
    "tpu.region"() ({
      %run_scoped3A = tpu.sem_alloc : memref<!tpu.dma_semaphore, #tpu.memory_space<semaphore_mem>>
      %dma_start3A_49 = tpu.memref_slice %arg3[%add3A_4] : memref<24576xi32, #tpu.memory_space<hbm>> -> memref<128xi32, #tpu.memory_space<hbm>>
      %dma_start3A_50 = tpu.memref_slice %arg3[%add3A_4] : memref<24576xi32, #tpu.memory_space<hbm>> -> memref<128xi32, #tpu.memory_space<hbm>>
      tpu.enqueue_dma source(%dma_start3A_50 : memref<128xi32, #tpu.memory_space<hbm>>) target(%arg5 : memref<128xi32, #tpu.memory_space<vmem>>) target_semaphore(%run_scoped3A : memref<!tpu.dma_semaphore, #tpu.memory_space<semaphore_mem>>)
      %dma_wait3A_51 = tpu.memref_slice %arg3[%add3A_4] : memref<24576xi32, #tpu.memory_space<hbm>> -> memref<128xi32, #tpu.memory_space<hbm>>
      %dma_wait3A_52 = tpu.memref_slice %arg3[%add3A_4] : memref<24576xi32, #tpu.memory_space<hbm>> -> memref<128xi32, #tpu.memory_space<hbm>>
      tpu.wait_dma2 semaphore(%run_scoped3A : memref<!tpu.dma_semaphore, #tpu.memory_space<semaphore_mem>>) src(%dma_wait3A_52 : memref<128xi32, #tpu.memory_space<hbm>>) dst(%arg5 : memref<128xi32, #tpu.memory_space<vmem>>)
      tpu.yield
    }) : () -> ()
    %dma_start3A = arith.constant 0 : i32
    %dma_start3A_5 = arith.constant 0 : i32
    %dma_start3A_6 = tpu.memref_slice %arg2[%dma_start3A, %dma_start3A_5] : memref<8192x256xf32, #tpu.memory_space<hbm>> -> memref<8192x256xf32, #tpu.memory_space<hbm>>
    tpu.enqueue_indirect_dma source(%dma_start3A_6 : memref<8192x256xf32, #tpu.memory_space<hbm>>) target(%arg6 : memref<128x256xf32, #tpu.memory_space<vmem>>) offsets(%arg5 : memref<128xi32, #tpu.memory_space<vmem>>) semaphore(%arg7 : memref<!tpu.dma_semaphore, #tpu.memory_space<semaphore_mem>>)
    %dma_wait3A = arith.constant 0 : i32
    %dma_wait3A_7 = arith.constant 0 : i32
    %dma_wait3A_8 = tpu.memref_slice %arg2[%dma_wait3A, %dma_wait3A_7] : memref<8192x256xf32, #tpu.memory_space<hbm>> -> memref<8192x256xf32, #tpu.memory_space<hbm>>
    tpu.wait_indirect_dma semaphore(%arg7 : memref<!tpu.dma_semaphore, #tpu.memory_space<semaphore_mem>>) src(%dma_wait3A_8 : memref<8192x256xf32, #tpu.memory_space<hbm>>) dst(%arg6 : memref<128x256xf32, #tpu.memory_space<vmem>>)
    "tpu.region"() ({
      %run_scoped3A = tpu.sem_alloc : memref<!tpu.dma_semaphore, #tpu.memory_space<semaphore_mem>>
      %dma_start3A_49 = arith.constant 0 : i32
      %dma_start3A_50 = tpu.memref_slice %arg4[%add3A_4, %dma_start3A_49] : memref<24576x256xf32, #tpu.memory_space<hbm>> -> memref<128x256xf32, #tpu.memory_space<hbm>>
      %dma_start3A_51 = arith.constant 0 : i32
      %dma_start3A_52 = tpu.memref_slice %arg4[%add3A_4, %dma_start3A_51] : memref<24576x256xf32, #tpu.memory_space<hbm>> -> memref<128x256xf32, #tpu.memory_space<hbm>>
      tpu.enqueue_dma source(%arg6 : memref<128x256xf32, #tpu.memory_space<vmem>>) target(%dma_start3A_52 : memref<128x256xf32, #tpu.memory_space<hbm>>) target_semaphore(%run_scoped3A : memref<!tpu.dma_semaphore, #tpu.memory_space<semaphore_mem>>)
      %dma_wait3A_53 = arith.constant 0 : i32
      %dma_wait3A_54 = tpu.memref_slice %arg4[%add3A_4, %dma_wait3A_53] : memref<24576x256xf32, #tpu.memory_space<hbm>> -> memref<128x256xf32, #tpu.memory_space<hbm>>
      %dma_wait3A_55 = arith.constant 0 : i32
      %dma_wait3A_56 = tpu.memref_slice %arg4[%add3A_4, %dma_wait3A_55] : memref<24576x256xf32, #tpu.memory_space<hbm>> -> memref<128x256xf32, #tpu.memory_space<hbm>>
      tpu.wait_dma2 semaphore(%run_scoped3A : memref<!tpu.dma_semaphore, #tpu.memory_space<semaphore_mem>>) src(%arg6 : memref<128x256xf32, #tpu.memory_space<vmem>>) dst(%dma_wait3A_56 : memref<128x256xf32, #tpu.memory_space<hbm>>)
      tpu.yield
    }) : () -> ()
    %add3A_9 = arith.constant 128 : i32
    %add3A_10 = arith.addi %mul3A_2, %add3A_9 : i32
    "tpu.region"() ({
      %run_scoped3A = tpu.sem_alloc : memref<!tpu.dma_semaphore, #tpu.memory_space<semaphore_mem>>
      %dma_start3A_49 = tpu.memref_slice %arg3[%add3A_10] : memref<24576xi32, #tpu.memory_space<hbm>> -> memref<128xi32, #tpu.memory_space<hbm>>
      %dma_start3A_50 = tpu.memref_slice %arg3[%add3A_10] : memref<24576xi32, #tpu.memory_space<hbm>> -> memref<128xi32, #tpu.memory_space<hbm>>
      tpu.enqueue_dma source(%dma_start3A_50 : memref<128xi32, #tpu.memory_space<hbm>>) target(%arg5 : memref<128xi32, #tpu.memory_space<vmem>>) target_semaphore(%run_scoped3A : memref<!tpu.dma_semaphore, #tpu.memory_space<semaphore_mem>>)
      %dma_wait3A_51 = tpu.memref_slice %arg3[%add3A_10] : memref<24576xi32, #tpu.memory_space<hbm>> -> memref<128xi32, #tpu.memory_space<hbm>>
      %dma_wait3A_52 = tpu.memref_slice %arg3[%add3A_10] : memref<24576xi32, #tpu.memory_space<hbm>> -> memref<128xi32, #tpu.memory_space<hbm>>
      tpu.wait_dma2 semaphore(%run_scoped3A : memref<!tpu.dma_semaphore, #tpu.memory_space<semaphore_mem>>) src(%dma_wait3A_52 : memref<128xi32, #tpu.memory_space<hbm>>) dst(%arg5 : memref<128xi32, #tpu.memory_space<vmem>>)
      tpu.yield
    }) : () -> ()
    %dma_start3A_11 = arith.constant 0 : i32
    %dma_start3A_12 = arith.constant 0 : i32
    %dma_start3A_13 = tpu.memref_slice %arg2[%dma_start3A_11, %dma_start3A_12] : memref<8192x256xf32, #tpu.memory_space<hbm>> -> memref<8192x256xf32, #tpu.memory_space<hbm>>
    tpu.enqueue_indirect_dma source(%dma_start3A_13 : memref<8192x256xf32, #tpu.memory_space<hbm>>) target(%arg6 : memref<128x256xf32, #tpu.memory_space<vmem>>) offsets(%arg5 : memref<128xi32, #tpu.memory_space<vmem>>) semaphore(%arg7 : memref<!tpu.dma_semaphore, #tpu.memory_space<semaphore_mem>>)
    %dma_wait3A_14 = arith.constant 0 : i32
    %dma_wait3A_15 = arith.constant 0 : i32
    %dma_wait3A_16 = tpu.memref_slice %arg2[%dma_wait3A_14, %dma_wait3A_15] : memref<8192x256xf32, #tpu.memory_space<hbm>> -> memref<8192x256xf32, #tpu.memory_space<hbm>>
    tpu.wait_indirect_dma semaphore(%arg7 : memref<!tpu.dma_semaphore, #tpu.memory_space<semaphore_mem>>) src(%dma_wait3A_16 : memref<8192x256xf32, #tpu.memory_space<hbm>>) dst(%arg6 : memref<128x256xf32, #tpu.memory_space<vmem>>)
    "tpu.region"() ({
      %run_scoped3A = tpu.sem_alloc : memref<!tpu.dma_semaphore, #tpu.memory_space<semaphore_mem>>
      %dma_start3A_49 = arith.constant 0 : i32
      %dma_start3A_50 = tpu.memref_slice %arg4[%add3A_10, %dma_start3A_49] : memref<24576x256xf32, #tpu.memory_space<hbm>> -> memref<128x256xf32, #tpu.memory_space<hbm>>
      %dma_start3A_51 = arith.constant 0 : i32
      %dma_start3A_52 = tpu.memref_slice %arg4[%add3A_10, %dma_start3A_51] : memref<24576x256xf32, #tpu.memory_space<hbm>> -> memref<128x256xf32, #tpu.memory_space<hbm>>
      tpu.enqueue_dma source(%arg6 : memref<128x256xf32, #tpu.memory_space<vmem>>) target(%dma_start3A_52 : memref<128x256xf32, #tpu.memory_space<hbm>>) target_semaphore(%run_scoped3A : memref<!tpu.dma_semaphore, #tpu.memory_space<semaphore_mem>>)
      %dma_wait3A_53 = arith.constant 0 : i32
      %dma_wait3A_54 = tpu.memref_slice %arg4[%add3A_10, %dma_wait3A_53] : memref<24576x256xf32, #tpu.memory_space<hbm>> -> memref<128x256xf32, #tpu.memory_space<hbm>>
      %dma_wait3A_55 = arith.constant 0 : i32
      %dma_wait3A_56 = tpu.memref_slice %arg4[%add3A_10, %dma_wait3A_55] : memref<24576x256xf32, #tpu.memory_space<hbm>> -> memref<128x256xf32, #tpu.memory_space<hbm>>
      tpu.wait_dma2 semaphore(%run_scoped3A : memref<!tpu.dma_semaphore, #tpu.memory_space<semaphore_mem>>) src(%arg6 : memref<128x256xf32, #tpu.memory_space<vmem>>) dst(%dma_wait3A_56 : memref<128x256xf32, #tpu.memory_space<hbm>>)
      tpu.yield
    }) : () -> ()
    %add3A_17 = arith.constant 256 : i32
    %add3A_18 = arith.addi %mul3A_2, %add3A_17 : i32
    "tpu.region"() ({
      %run_scoped3A = tpu.sem_alloc : memref<!tpu.dma_semaphore, #tpu.memory_space<semaphore_mem>>
      %dma_start3A_49 = tpu.memref_slice %arg3[%add3A_18] : memref<24576xi32, #tpu.memory_space<hbm>> -> memref<128xi32, #tpu.memory_space<hbm>>
      %dma_start3A_50 = tpu.memref_slice %arg3[%add3A_18] : memref<24576xi32, #tpu.memory_space<hbm>> -> memref<128xi32, #tpu.memory_space<hbm>>
      tpu.enqueue_dma source(%dma_start3A_50 : memref<128xi32, #tpu.memory_space<hbm>>) target(%arg5 : memref<128xi32, #tpu.memory_space<vmem>>) target_semaphore(%run_scoped3A : memref<!tpu.dma_semaphore, #tpu.memory_space<semaphore_mem>>)
      %dma_wait3A_51 = tpu.memref_slice %arg3[%add3A_18] : memref<24576xi32, #tpu.memory_space<hbm>> -> memref<128xi32, #tpu.memory_space<hbm>>
      %dma_wait3A_52 = tpu.memref_slice %arg3[%add3A_18] : memref<24576xi32, #tpu.memory_space<hbm>> -> memref<128xi32, #tpu.memory_space<hbm>>
      tpu.wait_dma2 semaphore(%run_scoped3A : memref<!tpu.dma_semaphore, #tpu.memory_space<semaphore_mem>>) src(%dma_wait3A_52 : memref<128xi32, #tpu.memory_space<hbm>>) dst(%arg5 : memref<128xi32, #tpu.memory_space<vmem>>)
      tpu.yield
    }) : () -> ()
    %dma_start3A_19 = arith.constant 0 : i32
    %dma_start3A_20 = arith.constant 0 : i32
    %dma_start3A_21 = tpu.memref_slice %arg2[%dma_start3A_19, %dma_start3A_20] : memref<8192x256xf32, #tpu.memory_space<hbm>> -> memref<8192x256xf32, #tpu.memory_space<hbm>>
    tpu.enqueue_indirect_dma source(%dma_start3A_21 : memref<8192x256xf32, #tpu.memory_space<hbm>>) target(%arg6 : memref<128x256xf32, #tpu.memory_space<vmem>>) offsets(%arg5 : memref<128xi32, #tpu.memory_space<vmem>>) semaphore(%arg7 : memref<!tpu.dma_semaphore, #tpu.memory_space<semaphore_mem>>)
    %dma_wait3A_22 = arith.constant 0 : i32
    %dma_wait3A_23 = arith.constant 0 : i32
    %dma_wait3A_24 = tpu.memref_slice %arg2[%dma_wait3A_22, %dma_wait3A_23] : memref<8192x256xf32, #tpu.memory_space<hbm>> -> memref<8192x256xf32, #tpu.memory_space<hbm>>
    tpu.wait_indirect_dma semaphore(%arg7 : memref<!tpu.dma_semaphore, #tpu.memory_space<semaphore_mem>>) src(%dma_wait3A_24 : memref<8192x256xf32, #tpu.memory_space<hbm>>) dst(%arg6 : memref<128x256xf32, #tpu.memory_space<vmem>>)
    "tpu.region"() ({
      %run_scoped3A = tpu.sem_alloc : memref<!tpu.dma_semaphore, #tpu.memory_space<semaphore_mem>>
      %dma_start3A_49 = arith.constant 0 : i32
      %dma_start3A_50 = tpu.memref_slice %arg4[%add3A_18, %dma_start3A_49] : memref<24576x256xf32, #tpu.memory_space<hbm>> -> memref<128x256xf32, #tpu.memory_space<hbm>>
      %dma_start3A_51 = arith.constant 0 : i32
      %dma_start3A_52 = tpu.memref_slice %arg4[%add3A_18, %dma_start3A_51] : memref<24576x256xf32, #tpu.memory_space<hbm>> -> memref<128x256xf32, #tpu.memory_space<hbm>>
      tpu.enqueue_dma source(%arg6 : memref<128x256xf32, #tpu.memory_space<vmem>>) target(%dma_start3A_52 : memref<128x256xf32, #tpu.memory_space<hbm>>) target_semaphore(%run_scoped3A : memref<!tpu.dma_semaphore, #tpu.memory_space<semaphore_mem>>)
      %dma_wait3A_53 = arith.constant 0 : i32
      %dma_wait3A_54 = tpu.memref_slice %arg4[%add3A_18, %dma_wait3A_53] : memref<24576x256xf32, #tpu.memory_space<hbm>> -> memref<128x256xf32, #tpu.memory_space<hbm>>
      %dma_wait3A_55 = arith.constant 0 : i32
      %dma_wait3A_56 = tpu.memref_slice %arg4[%add3A_18, %dma_wait3A_55] : memref<24576x256xf32, #tpu.memory_space<hbm>> -> memref<128x256xf32, #tpu.memory_space<hbm>>
      tpu.wait_dma2 semaphore(%run_scoped3A : memref<!tpu.dma_semaphore, #tpu.memory_space<semaphore_mem>>) src(%arg6 : memref<128x256xf32, #tpu.memory_space<vmem>>) dst(%dma_wait3A_56 : memref<128x256xf32, #tpu.memory_space<hbm>>)
      tpu.yield
    }) : () -> ()
    %add3A_25 = arith.constant 384 : i32
    %add3A_26 = arith.addi %mul3A_2, %add3A_25 : i32
    "tpu.region"() ({
      %run_scoped3A = tpu.sem_alloc : memref<!tpu.dma_semaphore, #tpu.memory_space<semaphore_mem>>
      %dma_start3A_49 = tpu.memref_slice %arg3[%add3A_26] : memref<24576xi32, #tpu.memory_space<hbm>> -> memref<128xi32, #tpu.memory_space<hbm>>
      %dma_start3A_50 = tpu.memref_slice %arg3[%add3A_26] : memref<24576xi32, #tpu.memory_space<hbm>> -> memref<128xi32, #tpu.memory_space<hbm>>
      tpu.enqueue_dma source(%dma_start3A_50 : memref<128xi32, #tpu.memory_space<hbm>>) target(%arg5 : memref<128xi32, #tpu.memory_space<vmem>>) target_semaphore(%run_scoped3A : memref<!tpu.dma_semaphore, #tpu.memory_space<semaphore_mem>>)
      %dma_wait3A_51 = tpu.memref_slice %arg3[%add3A_26] : memref<24576xi32, #tpu.memory_space<hbm>> -> memref<128xi32, #tpu.memory_space<hbm>>
      %dma_wait3A_52 = tpu.memref_slice %arg3[%add3A_26] : memref<24576xi32, #tpu.memory_space<hbm>> -> memref<128xi32, #tpu.memory_space<hbm>>
      tpu.wait_dma2 semaphore(%run_scoped3A : memref<!tpu.dma_semaphore, #tpu.memory_space<semaphore_mem>>) src(%dma_wait3A_52 : memref<128xi32, #tpu.memory_space<hbm>>) dst(%arg5 : memref<128xi32, #tpu.memory_space<vmem>>)
      tpu.yield
    }) : () -> ()
    %dma_start3A_27 = arith.constant 0 : i32
    %dma_start3A_28 = arith.constant 0 : i32
    %dma_start3A_29 = tpu.memref_slice %arg2[%dma_start3A_27, %dma_start3A_28] : memref<8192x256xf32, #tpu.memory_space<hbm>> -> memref<8192x256xf32, #tpu.memory_space<hbm>>
    tpu.enqueue_indirect_dma source(%dma_start3A_29 : memref<8192x256xf32, #tpu.memory_space<hbm>>) target(%arg6 : memref<128x256xf32, #tpu.memory_space<vmem>>) offsets(%arg5 : memref<128xi32, #tpu.memory_space<vmem>>) semaphore(%arg7 : memref<!tpu.dma_semaphore, #tpu.memory_space<semaphore_mem>>)
    %dma_wait3A_30 = arith.constant 0 : i32
    %dma_wait3A_31 = arith.constant 0 : i32
    %dma_wait3A_32 = tpu.memref_slice %arg2[%dma_wait3A_30, %dma_wait3A_31] : memref<8192x256xf32, #tpu.memory_space<hbm>> -> memref<8192x256xf32, #tpu.memory_space<hbm>>
    tpu.wait_indirect_dma semaphore(%arg7 : memref<!tpu.dma_semaphore, #tpu.memory_space<semaphore_mem>>) src(%dma_wait3A_32 : memref<8192x256xf32, #tpu.memory_space<hbm>>) dst(%arg6 : memref<128x256xf32, #tpu.memory_space<vmem>>)
    "tpu.region"() ({
      %run_scoped3A = tpu.sem_alloc : memref<!tpu.dma_semaphore, #tpu.memory_space<semaphore_mem>>
      %dma_start3A_49 = arith.constant 0 : i32
      %dma_start3A_50 = tpu.memref_slice %arg4[%add3A_26, %dma_start3A_49] : memref<24576x256xf32, #tpu.memory_space<hbm>> -> memref<128x256xf32, #tpu.memory_space<hbm>>
      %dma_start3A_51 = arith.constant 0 : i32
      %dma_start3A_52 = tpu.memref_slice %arg4[%add3A_26, %dma_start3A_51] : memref<24576x256xf32, #tpu.memory_space<hbm>> -> memref<128x256xf32, #tpu.memory_space<hbm>>
      tpu.enqueue_dma source(%arg6 : memref<128x256xf32, #tpu.memory_space<vmem>>) target(%dma_start3A_52 : memref<128x256xf32, #tpu.memory_space<hbm>>) target_semaphore(%run_scoped3A : memref<!tpu.dma_semaphore, #tpu.memory_space<semaphore_mem>>)
      %dma_wait3A_53 = arith.constant 0 : i32
      %dma_wait3A_54 = tpu.memref_slice %arg4[%add3A_26, %dma_wait3A_53] : memref<24576x256xf32, #tpu.memory_space<hbm>> -> memref<128x256xf32, #tpu.memory_space<hbm>>
      %dma_wait3A_55 = arith.constant 0 : i32
      %dma_wait3A_56 = tpu.memref_slice %arg4[%add3A_26, %dma_wait3A_55] : memref<24576x256xf32, #tpu.memory_space<hbm>> -> memref<128x256xf32, #tpu.memory_space<hbm>>
      tpu.wait_dma2 semaphore(%run_scoped3A : memref<!tpu.dma_semaphore, #tpu.memory_space<semaphore_mem>>) src(%arg6 : memref<128x256xf32, #tpu.memory_space<vmem>>) dst(%dma_wait3A_56 : memref<128x256xf32, #tpu.memory_space<hbm>>)
      tpu.yield
    }) : () -> ()
    %add3A_33 = arith.constant 512 : i32
    %add3A_34 = arith.addi %mul3A_2, %add3A_33 : i32
    "tpu.region"() ({
      %run_scoped3A = tpu.sem_alloc : memref<!tpu.dma_semaphore, #tpu.memory_space<semaphore_mem>>
      %dma_start3A_49 = tpu.memref_slice %arg3[%add3A_34] : memref<24576xi32, #tpu.memory_space<hbm>> -> memref<128xi32, #tpu.memory_space<hbm>>
      %dma_start3A_50 = tpu.memref_slice %arg3[%add3A_34] : memref<24576xi32, #tpu.memory_space<hbm>> -> memref<128xi32, #tpu.memory_space<hbm>>
      tpu.enqueue_dma source(%dma_start3A_50 : memref<128xi32, #tpu.memory_space<hbm>>) target(%arg5 : memref<128xi32, #tpu.memory_space<vmem>>) target_semaphore(%run_scoped3A : memref<!tpu.dma_semaphore, #tpu.memory_space<semaphore_mem>>)
      %dma_wait3A_51 = tpu.memref_slice %arg3[%add3A_34] : memref<24576xi32, #tpu.memory_space<hbm>> -> memref<128xi32, #tpu.memory_space<hbm>>
      %dma_wait3A_52 = tpu.memref_slice %arg3[%add3A_34] : memref<24576xi32, #tpu.memory_space<hbm>> -> memref<128xi32, #tpu.memory_space<hbm>>
      tpu.wait_dma2 semaphore(%run_scoped3A : memref<!tpu.dma_semaphore, #tpu.memory_space<semaphore_mem>>) src(%dma_wait3A_52 : memref<128xi32, #tpu.memory_space<hbm>>) dst(%arg5 : memref<128xi32, #tpu.memory_space<vmem>>)
      tpu.yield
    }) : () -> ()
    %dma_start3A_35 = arith.constant 0 : i32
    %dma_start3A_36 = arith.constant 0 : i32
    %dma_start3A_37 = tpu.memref_slice %arg2[%dma_start3A_35, %dma_start3A_36] : memref<8192x256xf32, #tpu.memory_space<hbm>> -> memref<8192x256xf32, #tpu.memory_space<hbm>>
    tpu.enqueue_indirect_dma source(%dma_start3A_37 : memref<8192x256xf32, #tpu.memory_space<hbm>>) target(%arg6 : memref<128x256xf32, #tpu.memory_space<vmem>>) offsets(%arg5 : memref<128xi32, #tpu.memory_space<vmem>>) semaphore(%arg7 : memref<!tpu.dma_semaphore, #tpu.memory_space<semaphore_mem>>)
    %dma_wait3A_38 = arith.constant 0 : i32
    %dma_wait3A_39 = arith.constant 0 : i32
    %dma_wait3A_40 = tpu.memref_slice %arg2[%dma_wait3A_38, %dma_wait3A_39] : memref<8192x256xf32, #tpu.memory_space<hbm>> -> memref<8192x256xf32, #tpu.memory_space<hbm>>
    tpu.wait_indirect_dma semaphore(%arg7 : memref<!tpu.dma_semaphore, #tpu.memory_space<semaphore_mem>>) src(%dma_wait3A_40 : memref<8192x256xf32, #tpu.memory_space<hbm>>) dst(%arg6 : memref<128x256xf32, #tpu.memory_space<vmem>>)
    "tpu.region"() ({
      %run_scoped3A = tpu.sem_alloc : memref<!tpu.dma_semaphore, #tpu.memory_space<semaphore_mem>>
      %dma_start3A_49 = arith.constant 0 : i32
      %dma_start3A_50 = tpu.memref_slice %arg4[%add3A_34, %dma_start3A_49] : memref<24576x256xf32, #tpu.memory_space<hbm>> -> memref<128x256xf32, #tpu.memory_space<hbm>>
      %dma_start3A_51 = arith.constant 0 : i32
      %dma_start3A_52 = tpu.memref_slice %arg4[%add3A_34, %dma_start3A_51] : memref<24576x256xf32, #tpu.memory_space<hbm>> -> memref<128x256xf32, #tpu.memory_space<hbm>>
      tpu.enqueue_dma source(%arg6 : memref<128x256xf32, #tpu.memory_space<vmem>>) target(%dma_start3A_52 : memref<128x256xf32, #tpu.memory_space<hbm>>) target_semaphore(%run_scoped3A : memref<!tpu.dma_semaphore, #tpu.memory_space<semaphore_mem>>)
      %dma_wait3A_53 = arith.constant 0 : i32
      %dma_wait3A_54 = tpu.memref_slice %arg4[%add3A_34, %dma_wait3A_53] : memref<24576x256xf32, #tpu.memory_space<hbm>> -> memref<128x256xf32, #tpu.memory_space<hbm>>
      %dma_wait3A_55 = arith.constant 0 : i32
      %dma_wait3A_56 = tpu.memref_slice %arg4[%add3A_34, %dma_wait3A_55] : memref<24576x256xf32, #tpu.memory_space<hbm>> -> memref<128x256xf32, #tpu.memory_space<hbm>>
      tpu.wait_dma2 semaphore(%run_scoped3A : memref<!tpu.dma_semaphore, #tpu.memory_space<semaphore_mem>>) src(%arg6 : memref<128x256xf32, #tpu.memory_space<vmem>>) dst(%dma_wait3A_56 : memref<128x256xf32, #tpu.memory_space<hbm>>)
      tpu.yield
    }) : () -> ()
    %add3A_41 = arith.constant 640 : i32
    %add3A_42 = arith.addi %mul3A_2, %add3A_41 : i32
    "tpu.region"() ({
      %run_scoped3A = tpu.sem_alloc : memref<!tpu.dma_semaphore, #tpu.memory_space<semaphore_mem>>
      %dma_start3A_49 = tpu.memref_slice %arg3[%add3A_42] : memref<24576xi32, #tpu.memory_space<hbm>> -> memref<128xi32, #tpu.memory_space<hbm>>
      %dma_start3A_50 = tpu.memref_slice %arg3[%add3A_42] : memref<24576xi32, #tpu.memory_space<hbm>> -> memref<128xi32, #tpu.memory_space<hbm>>
      tpu.enqueue_dma source(%dma_start3A_50 : memref<128xi32, #tpu.memory_space<hbm>>) target(%arg5 : memref<128xi32, #tpu.memory_space<vmem>>) target_semaphore(%run_scoped3A : memref<!tpu.dma_semaphore, #tpu.memory_space<semaphore_mem>>)
      %dma_wait3A_51 = tpu.memref_slice %arg3[%add3A_42] : memref<24576xi32, #tpu.memory_space<hbm>> -> memref<128xi32, #tpu.memory_space<hbm>>
      %dma_wait3A_52 = tpu.memref_slice %arg3[%add3A_42] : memref<24576xi32, #tpu.memory_space<hbm>> -> memref<128xi32, #tpu.memory_space<hbm>>
      tpu.wait_dma2 semaphore(%run_scoped3A : memref<!tpu.dma_semaphore, #tpu.memory_space<semaphore_mem>>) src(%dma_wait3A_52 : memref<128xi32, #tpu.memory_space<hbm>>) dst(%arg5 : memref<128xi32, #tpu.memory_space<vmem>>)
      tpu.yield
    }) : () -> ()
    %dma_start3A_43 = arith.constant 0 : i32
    %dma_start3A_44 = arith.constant 0 : i32
    %dma_start3A_45 = tpu.memref_slice %arg2[%dma_start3A_43, %dma_start3A_44] : memref<8192x256xf32, #tpu.memory_space<hbm>> -> memref<8192x256xf32, #tpu.memory_space<hbm>>
    tpu.enqueue_indirect_dma source(%dma_start3A_45 : memref<8192x256xf32, #tpu.memory_space<hbm>>) target(%arg6 : memref<128x256xf32, #tpu.memory_space<vmem>>) offsets(%arg5 : memref<128xi32, #tpu.memory_space<vmem>>) semaphore(%arg7 : memref<!tpu.dma_semaphore, #tpu.memory_space<semaphore_mem>>)
    %dma_wait3A_46 = arith.constant 0 : i32
    %dma_wait3A_47 = arith.constant 0 : i32
    %dma_wait3A_48 = tpu.memref_slice %arg2[%dma_wait3A_46, %dma_wait3A_47] : memref<8192x256xf32, #tpu.memory_space<hbm>> -> memref<8192x256xf32, #tpu.memory_space<hbm>>
    tpu.wait_indirect_dma semaphore(%arg7 : memref<!tpu.dma_semaphore, #tpu.memory_space<semaphore_mem>>) src(%dma_wait3A_48 : memref<8192x256xf32, #tpu.memory_space<hbm>>) dst(%arg6 : memref<128x256xf32, #tpu.memory_space<vmem>>)
    "tpu.region"() ({
      %run_scoped3A = tpu.sem_alloc : memref<!tpu.dma_semaphore, #tpu.memory_space<semaphore_mem>>
      %dma_start3A_49 = arith.constant 0 : i32
      %dma_start3A_50 = tpu.memref_slice %arg4[%add3A_42, %dma_start3A_49] : memref<24576x256xf32, #tpu.memory_space<hbm>> -> memref<128x256xf32, #tpu.memory_space<hbm>>
      %dma_start3A_51 = arith.constant 0 : i32
      %dma_start3A_52 = tpu.memref_slice %arg4[%add3A_42, %dma_start3A_51] : memref<24576x256xf32, #tpu.memory_space<hbm>> -> memref<128x256xf32, #tpu.memory_space<hbm>>
      tpu.enqueue_dma source(%arg6 : memref<128x256xf32, #tpu.memory_space<vmem>>) target(%dma_start3A_52 : memref<128x256xf32, #tpu.memory_space<hbm>>) target_semaphore(%run_scoped3A : memref<!tpu.dma_semaphore, #tpu.memory_space<semaphore_mem>>)
      %dma_wait3A_53 = arith.constant 0 : i32
      %dma_wait3A_54 = tpu.memref_slice %arg4[%add3A_42, %dma_wait3A_53] : memref<24576x256xf32, #tpu.memory_space<hbm>> -> memref<128x256xf32, #tpu.memory_space<hbm>>
      %dma_wait3A_55 = arith.constant 0 : i32
      %dma_wait3A_56 = tpu.memref_slice %arg4[%add3A_42, %dma_wait3A_55] : memref<24576x256xf32, #tpu.memory_space<hbm>> -> memref<128x256xf32, #tpu.memory_space<hbm>>
      tpu.wait_dma2 semaphore(%run_scoped3A : memref<!tpu.dma_semaphore, #tpu.memory_space<semaphore_mem>>) src(%arg6 : memref<128x256xf32, #tpu.memory_space<vmem>>) dst(%dma_wait3A_56 : memref<128x256xf32, #tpu.memory_space<hbm>>)
      tpu.yield
    }) : () -> ()
    return
  }
}

#map = affine_map<(d0, d1) -> (0, 0)>
#map1 = affine_map<(d0, d1) -> (0)>
module attributes {stable_mosaic.version = 14 : i64} {
  func.func @gk(%arg0: i32, %arg1: i32, %arg2: memref<8192x128xf32, #tpu.memory_space<hbm>>, %arg3: memref<24576xi32, #tpu.memory_space<hbm>>, %arg4: memref<24576x128xf32, #tpu.memory_space<hbm>>, %arg5: memref<128xi32, #tpu.memory_space<vmem>>, %arg6: memref<128x128xf32, #tpu.memory_space<vmem>>, %arg7: memref<!tpu.dma_semaphore, #tpu.memory_space<semaphore_mem>>) attributes {dimension_semantics = [#tpu.dimension_semantics<core_parallel>, #tpu.dimension_semantics<subcore_parallel>], iteration_bounds = array<i64: 2, 16>, scalar_prefetch = 0 : i64, scratch_operands = 3 : i64, tpu.core_type = #tpu.core_type<sc_vector_subcore>, window_params = [{transform_indices = #map}, {transform_indices = #map1}, {transform_indices = #map}]} {
    %mul3A = arith.constant 2 : i32
    %mul3A_0 = arith.muli %arg1, %mul3A : i32
    %add3A = arith.addi %mul3A_0, %arg0 : i32
    %mul3A_1 = arith.constant 768 : i32
    %mul3A_2 = arith.muli %add3A, %mul3A_1 : i32
    %add3A_3 = arith.constant 0 : i32
    %add3A_4 = arith.addi %mul3A_2, %add3A_3 : i32
    "tpu.region"() ({
      %run_scoped3A = tpu.sem_alloc : memref<!tpu.dma_semaphore, #tpu.memory_space<semaphore_mem>>
      %dma_start3A_49 = tpu.memref_slice %arg3[%add3A_4] : memref<24576xi32, #tpu.memory_space<hbm>> -> memref<128xi32, #tpu.memory_space<hbm>>
      %dma_start3A_50 = tpu.memref_slice %arg3[%add3A_4] : memref<24576xi32, #tpu.memory_space<hbm>> -> memref<128xi32, #tpu.memory_space<hbm>>
      tpu.enqueue_dma source(%dma_start3A_50 : memref<128xi32, #tpu.memory_space<hbm>>) target(%arg5 : memref<128xi32, #tpu.memory_space<vmem>>) target_semaphore(%run_scoped3A : memref<!tpu.dma_semaphore, #tpu.memory_space<semaphore_mem>>)
      %dma_wait3A_51 = tpu.memref_slice %arg3[%add3A_4] : memref<24576xi32, #tpu.memory_space<hbm>> -> memref<128xi32, #tpu.memory_space<hbm>>
      %dma_wait3A_52 = tpu.memref_slice %arg3[%add3A_4] : memref<24576xi32, #tpu.memory_space<hbm>> -> memref<128xi32, #tpu.memory_space<hbm>>
      tpu.wait_dma2 semaphore(%run_scoped3A : memref<!tpu.dma_semaphore, #tpu.memory_space<semaphore_mem>>) src(%dma_wait3A_52 : memref<128xi32, #tpu.memory_space<hbm>>) dst(%arg5 : memref<128xi32, #tpu.memory_space<vmem>>)
      tpu.yield
    }) : () -> ()
    %dma_start3A = arith.constant 0 : i32
    %dma_start3A_5 = arith.constant 0 : i32
    %dma_start3A_6 = tpu.memref_slice %arg2[%dma_start3A, %dma_start3A_5] : memref<8192x128xf32, #tpu.memory_space<hbm>> -> memref<8192x128xf32, #tpu.memory_space<hbm>>
    tpu.enqueue_indirect_dma source(%dma_start3A_6 : memref<8192x128xf32, #tpu.memory_space<hbm>>) target(%arg6 : memref<128x128xf32, #tpu.memory_space<vmem>>) offsets(%arg5 : memref<128xi32, #tpu.memory_space<vmem>>) semaphore(%arg7 : memref<!tpu.dma_semaphore, #tpu.memory_space<semaphore_mem>>)
    %dma_wait3A = arith.constant 0 : i32
    %dma_wait3A_7 = arith.constant 0 : i32
    %dma_wait3A_8 = tpu.memref_slice %arg2[%dma_wait3A, %dma_wait3A_7] : memref<8192x128xf32, #tpu.memory_space<hbm>> -> memref<8192x128xf32, #tpu.memory_space<hbm>>
    tpu.wait_indirect_dma semaphore(%arg7 : memref<!tpu.dma_semaphore, #tpu.memory_space<semaphore_mem>>) src(%dma_wait3A_8 : memref<8192x128xf32, #tpu.memory_space<hbm>>) dst(%arg6 : memref<128x128xf32, #tpu.memory_space<vmem>>)
    "tpu.region"() ({
      %run_scoped3A = tpu.sem_alloc : memref<!tpu.dma_semaphore, #tpu.memory_space<semaphore_mem>>
      %dma_start3A_49 = arith.constant 0 : i32
      %dma_start3A_50 = tpu.memref_slice %arg4[%add3A_4, %dma_start3A_49] : memref<24576x128xf32, #tpu.memory_space<hbm>> -> memref<128x128xf32, #tpu.memory_space<hbm>>
      %dma_start3A_51 = arith.constant 0 : i32
      %dma_start3A_52 = tpu.memref_slice %arg4[%add3A_4, %dma_start3A_51] : memref<24576x128xf32, #tpu.memory_space<hbm>> -> memref<128x128xf32, #tpu.memory_space<hbm>>
      tpu.enqueue_dma source(%arg6 : memref<128x128xf32, #tpu.memory_space<vmem>>) target(%dma_start3A_52 : memref<128x128xf32, #tpu.memory_space<hbm>>) target_semaphore(%run_scoped3A : memref<!tpu.dma_semaphore, #tpu.memory_space<semaphore_mem>>)
      %dma_wait3A_53 = arith.constant 0 : i32
      %dma_wait3A_54 = tpu.memref_slice %arg4[%add3A_4, %dma_wait3A_53] : memref<24576x128xf32, #tpu.memory_space<hbm>> -> memref<128x128xf32, #tpu.memory_space<hbm>>
      %dma_wait3A_55 = arith.constant 0 : i32
      %dma_wait3A_56 = tpu.memref_slice %arg4[%add3A_4, %dma_wait3A_55] : memref<24576x128xf32, #tpu.memory_space<hbm>> -> memref<128x128xf32, #tpu.memory_space<hbm>>
      tpu.wait_dma2 semaphore(%run_scoped3A : memref<!tpu.dma_semaphore, #tpu.memory_space<semaphore_mem>>) src(%arg6 : memref<128x128xf32, #tpu.memory_space<vmem>>) dst(%dma_wait3A_56 : memref<128x128xf32, #tpu.memory_space<hbm>>)
      tpu.yield
    }) : () -> ()
    %add3A_9 = arith.constant 128 : i32
    %add3A_10 = arith.addi %mul3A_2, %add3A_9 : i32
    "tpu.region"() ({
      %run_scoped3A = tpu.sem_alloc : memref<!tpu.dma_semaphore, #tpu.memory_space<semaphore_mem>>
      %dma_start3A_49 = tpu.memref_slice %arg3[%add3A_10] : memref<24576xi32, #tpu.memory_space<hbm>> -> memref<128xi32, #tpu.memory_space<hbm>>
      %dma_start3A_50 = tpu.memref_slice %arg3[%add3A_10] : memref<24576xi32, #tpu.memory_space<hbm>> -> memref<128xi32, #tpu.memory_space<hbm>>
      tpu.enqueue_dma source(%dma_start3A_50 : memref<128xi32, #tpu.memory_space<hbm>>) target(%arg5 : memref<128xi32, #tpu.memory_space<vmem>>) target_semaphore(%run_scoped3A : memref<!tpu.dma_semaphore, #tpu.memory_space<semaphore_mem>>)
      %dma_wait3A_51 = tpu.memref_slice %arg3[%add3A_10] : memref<24576xi32, #tpu.memory_space<hbm>> -> memref<128xi32, #tpu.memory_space<hbm>>
      %dma_wait3A_52 = tpu.memref_slice %arg3[%add3A_10] : memref<24576xi32, #tpu.memory_space<hbm>> -> memref<128xi32, #tpu.memory_space<hbm>>
      tpu.wait_dma2 semaphore(%run_scoped3A : memref<!tpu.dma_semaphore, #tpu.memory_space<semaphore_mem>>) src(%dma_wait3A_52 : memref<128xi32, #tpu.memory_space<hbm>>) dst(%arg5 : memref<128xi32, #tpu.memory_space<vmem>>)
      tpu.yield
    }) : () -> ()
    %dma_start3A_11 = arith.constant 0 : i32
    %dma_start3A_12 = arith.constant 0 : i32
    %dma_start3A_13 = tpu.memref_slice %arg2[%dma_start3A_11, %dma_start3A_12] : memref<8192x128xf32, #tpu.memory_space<hbm>> -> memref<8192x128xf32, #tpu.memory_space<hbm>>
    tpu.enqueue_indirect_dma source(%dma_start3A_13 : memref<8192x128xf32, #tpu.memory_space<hbm>>) target(%arg6 : memref<128x128xf32, #tpu.memory_space<vmem>>) offsets(%arg5 : memref<128xi32, #tpu.memory_space<vmem>>) semaphore(%arg7 : memref<!tpu.dma_semaphore, #tpu.memory_space<semaphore_mem>>)
    %dma_wait3A_14 = arith.constant 0 : i32
    %dma_wait3A_15 = arith.constant 0 : i32
    %dma_wait3A_16 = tpu.memref_slice %arg2[%dma_wait3A_14, %dma_wait3A_15] : memref<8192x128xf32, #tpu.memory_space<hbm>> -> memref<8192x128xf32, #tpu.memory_space<hbm>>
    tpu.wait_indirect_dma semaphore(%arg7 : memref<!tpu.dma_semaphore, #tpu.memory_space<semaphore_mem>>) src(%dma_wait3A_16 : memref<8192x128xf32, #tpu.memory_space<hbm>>) dst(%arg6 : memref<128x128xf32, #tpu.memory_space<vmem>>)
    "tpu.region"() ({
      %run_scoped3A = tpu.sem_alloc : memref<!tpu.dma_semaphore, #tpu.memory_space<semaphore_mem>>
      %dma_start3A_49 = arith.constant 0 : i32
      %dma_start3A_50 = tpu.memref_slice %arg4[%add3A_10, %dma_start3A_49] : memref<24576x128xf32, #tpu.memory_space<hbm>> -> memref<128x128xf32, #tpu.memory_space<hbm>>
      %dma_start3A_51 = arith.constant 0 : i32
      %dma_start3A_52 = tpu.memref_slice %arg4[%add3A_10, %dma_start3A_51] : memref<24576x128xf32, #tpu.memory_space<hbm>> -> memref<128x128xf32, #tpu.memory_space<hbm>>
      tpu.enqueue_dma source(%arg6 : memref<128x128xf32, #tpu.memory_space<vmem>>) target(%dma_start3A_52 : memref<128x128xf32, #tpu.memory_space<hbm>>) target_semaphore(%run_scoped3A : memref<!tpu.dma_semaphore, #tpu.memory_space<semaphore_mem>>)
      %dma_wait3A_53 = arith.constant 0 : i32
      %dma_wait3A_54 = tpu.memref_slice %arg4[%add3A_10, %dma_wait3A_53] : memref<24576x128xf32, #tpu.memory_space<hbm>> -> memref<128x128xf32, #tpu.memory_space<hbm>>
      %dma_wait3A_55 = arith.constant 0 : i32
      %dma_wait3A_56 = tpu.memref_slice %arg4[%add3A_10, %dma_wait3A_55] : memref<24576x128xf32, #tpu.memory_space<hbm>> -> memref<128x128xf32, #tpu.memory_space<hbm>>
      tpu.wait_dma2 semaphore(%run_scoped3A : memref<!tpu.dma_semaphore, #tpu.memory_space<semaphore_mem>>) src(%arg6 : memref<128x128xf32, #tpu.memory_space<vmem>>) dst(%dma_wait3A_56 : memref<128x128xf32, #tpu.memory_space<hbm>>)
      tpu.yield
    }) : () -> ()
    %add3A_17 = arith.constant 256 : i32
    %add3A_18 = arith.addi %mul3A_2, %add3A_17 : i32
    "tpu.region"() ({
      %run_scoped3A = tpu.sem_alloc : memref<!tpu.dma_semaphore, #tpu.memory_space<semaphore_mem>>
      %dma_start3A_49 = tpu.memref_slice %arg3[%add3A_18] : memref<24576xi32, #tpu.memory_space<hbm>> -> memref<128xi32, #tpu.memory_space<hbm>>
      %dma_start3A_50 = tpu.memref_slice %arg3[%add3A_18] : memref<24576xi32, #tpu.memory_space<hbm>> -> memref<128xi32, #tpu.memory_space<hbm>>
      tpu.enqueue_dma source(%dma_start3A_50 : memref<128xi32, #tpu.memory_space<hbm>>) target(%arg5 : memref<128xi32, #tpu.memory_space<vmem>>) target_semaphore(%run_scoped3A : memref<!tpu.dma_semaphore, #tpu.memory_space<semaphore_mem>>)
      %dma_wait3A_51 = tpu.memref_slice %arg3[%add3A_18] : memref<24576xi32, #tpu.memory_space<hbm>> -> memref<128xi32, #tpu.memory_space<hbm>>
      %dma_wait3A_52 = tpu.memref_slice %arg3[%add3A_18] : memref<24576xi32, #tpu.memory_space<hbm>> -> memref<128xi32, #tpu.memory_space<hbm>>
      tpu.wait_dma2 semaphore(%run_scoped3A : memref<!tpu.dma_semaphore, #tpu.memory_space<semaphore_mem>>) src(%dma_wait3A_52 : memref<128xi32, #tpu.memory_space<hbm>>) dst(%arg5 : memref<128xi32, #tpu.memory_space<vmem>>)
      tpu.yield
    }) : () -> ()
    %dma_start3A_19 = arith.constant 0 : i32
    %dma_start3A_20 = arith.constant 0 : i32
    %dma_start3A_21 = tpu.memref_slice %arg2[%dma_start3A_19, %dma_start3A_20] : memref<8192x128xf32, #tpu.memory_space<hbm>> -> memref<8192x128xf32, #tpu.memory_space<hbm>>
    tpu.enqueue_indirect_dma source(%dma_start3A_21 : memref<8192x128xf32, #tpu.memory_space<hbm>>) target(%arg6 : memref<128x128xf32, #tpu.memory_space<vmem>>) offsets(%arg5 : memref<128xi32, #tpu.memory_space<vmem>>) semaphore(%arg7 : memref<!tpu.dma_semaphore, #tpu.memory_space<semaphore_mem>>)
    %dma_wait3A_22 = arith.constant 0 : i32
    %dma_wait3A_23 = arith.constant 0 : i32
    %dma_wait3A_24 = tpu.memref_slice %arg2[%dma_wait3A_22, %dma_wait3A_23] : memref<8192x128xf32, #tpu.memory_space<hbm>> -> memref<8192x128xf32, #tpu.memory_space<hbm>>
    tpu.wait_indirect_dma semaphore(%arg7 : memref<!tpu.dma_semaphore, #tpu.memory_space<semaphore_mem>>) src(%dma_wait3A_24 : memref<8192x128xf32, #tpu.memory_space<hbm>>) dst(%arg6 : memref<128x128xf32, #tpu.memory_space<vmem>>)
    "tpu.region"() ({
      %run_scoped3A = tpu.sem_alloc : memref<!tpu.dma_semaphore, #tpu.memory_space<semaphore_mem>>
      %dma_start3A_49 = arith.constant 0 : i32
      %dma_start3A_50 = tpu.memref_slice %arg4[%add3A_18, %dma_start3A_49] : memref<24576x128xf32, #tpu.memory_space<hbm>> -> memref<128x128xf32, #tpu.memory_space<hbm>>
      %dma_start3A_51 = arith.constant 0 : i32
      %dma_start3A_52 = tpu.memref_slice %arg4[%add3A_18, %dma_start3A_51] : memref<24576x128xf32, #tpu.memory_space<hbm>> -> memref<128x128xf32, #tpu.memory_space<hbm>>
      tpu.enqueue_dma source(%arg6 : memref<128x128xf32, #tpu.memory_space<vmem>>) target(%dma_start3A_52 : memref<128x128xf32, #tpu.memory_space<hbm>>) target_semaphore(%run_scoped3A : memref<!tpu.dma_semaphore, #tpu.memory_space<semaphore_mem>>)
      %dma_wait3A_53 = arith.constant 0 : i32
      %dma_wait3A_54 = tpu.memref_slice %arg4[%add3A_18, %dma_wait3A_53] : memref<24576x128xf32, #tpu.memory_space<hbm>> -> memref<128x128xf32, #tpu.memory_space<hbm>>
      %dma_wait3A_55 = arith.constant 0 : i32
      %dma_wait3A_56 = tpu.memref_slice %arg4[%add3A_18, %dma_wait3A_55] : memref<24576x128xf32, #tpu.memory_space<hbm>> -> memref<128x128xf32, #tpu.memory_space<hbm>>
      tpu.wait_dma2 semaphore(%run_scoped3A : memref<!tpu.dma_semaphore, #tpu.memory_space<semaphore_mem>>) src(%arg6 : memref<128x128xf32, #tpu.memory_space<vmem>>) dst(%dma_wait3A_56 : memref<128x128xf32, #tpu.memory_space<hbm>>)
      tpu.yield
    }) : () -> ()
    %add3A_25 = arith.constant 384 : i32
    %add3A_26 = arith.addi %mul3A_2, %add3A_25 : i32
    "tpu.region"() ({
      %run_scoped3A = tpu.sem_alloc : memref<!tpu.dma_semaphore, #tpu.memory_space<semaphore_mem>>
      %dma_start3A_49 = tpu.memref_slice %arg3[%add3A_26] : memref<24576xi32, #tpu.memory_space<hbm>> -> memref<128xi32, #tpu.memory_space<hbm>>
      %dma_start3A_50 = tpu.memref_slice %arg3[%add3A_26] : memref<24576xi32, #tpu.memory_space<hbm>> -> memref<128xi32, #tpu.memory_space<hbm>>
      tpu.enqueue_dma source(%dma_start3A_50 : memref<128xi32, #tpu.memory_space<hbm>>) target(%arg5 : memref<128xi32, #tpu.memory_space<vmem>>) target_semaphore(%run_scoped3A : memref<!tpu.dma_semaphore, #tpu.memory_space<semaphore_mem>>)
      %dma_wait3A_51 = tpu.memref_slice %arg3[%add3A_26] : memref<24576xi32, #tpu.memory_space<hbm>> -> memref<128xi32, #tpu.memory_space<hbm>>
      %dma_wait3A_52 = tpu.memref_slice %arg3[%add3A_26] : memref<24576xi32, #tpu.memory_space<hbm>> -> memref<128xi32, #tpu.memory_space<hbm>>
      tpu.wait_dma2 semaphore(%run_scoped3A : memref<!tpu.dma_semaphore, #tpu.memory_space<semaphore_mem>>) src(%dma_wait3A_52 : memref<128xi32, #tpu.memory_space<hbm>>) dst(%arg5 : memref<128xi32, #tpu.memory_space<vmem>>)
      tpu.yield
    }) : () -> ()
    %dma_start3A_27 = arith.constant 0 : i32
    %dma_start3A_28 = arith.constant 0 : i32
    %dma_start3A_29 = tpu.memref_slice %arg2[%dma_start3A_27, %dma_start3A_28] : memref<8192x128xf32, #tpu.memory_space<hbm>> -> memref<8192x128xf32, #tpu.memory_space<hbm>>
    tpu.enqueue_indirect_dma source(%dma_start3A_29 : memref<8192x128xf32, #tpu.memory_space<hbm>>) target(%arg6 : memref<128x128xf32, #tpu.memory_space<vmem>>) offsets(%arg5 : memref<128xi32, #tpu.memory_space<vmem>>) semaphore(%arg7 : memref<!tpu.dma_semaphore, #tpu.memory_space<semaphore_mem>>)
    %dma_wait3A_30 = arith.constant 0 : i32
    %dma_wait3A_31 = arith.constant 0 : i32
    %dma_wait3A_32 = tpu.memref_slice %arg2[%dma_wait3A_30, %dma_wait3A_31] : memref<8192x128xf32, #tpu.memory_space<hbm>> -> memref<8192x128xf32, #tpu.memory_space<hbm>>
    tpu.wait_indirect_dma semaphore(%arg7 : memref<!tpu.dma_semaphore, #tpu.memory_space<semaphore_mem>>) src(%dma_wait3A_32 : memref<8192x128xf32, #tpu.memory_space<hbm>>) dst(%arg6 : memref<128x128xf32, #tpu.memory_space<vmem>>)
    "tpu.region"() ({
      %run_scoped3A = tpu.sem_alloc : memref<!tpu.dma_semaphore, #tpu.memory_space<semaphore_mem>>
      %dma_start3A_49 = arith.constant 0 : i32
      %dma_start3A_50 = tpu.memref_slice %arg4[%add3A_26, %dma_start3A_49] : memref<24576x128xf32, #tpu.memory_space<hbm>> -> memref<128x128xf32, #tpu.memory_space<hbm>>
      %dma_start3A_51 = arith.constant 0 : i32
      %dma_start3A_52 = tpu.memref_slice %arg4[%add3A_26, %dma_start3A_51] : memref<24576x128xf32, #tpu.memory_space<hbm>> -> memref<128x128xf32, #tpu.memory_space<hbm>>
      tpu.enqueue_dma source(%arg6 : memref<128x128xf32, #tpu.memory_space<vmem>>) target(%dma_start3A_52 : memref<128x128xf32, #tpu.memory_space<hbm>>) target_semaphore(%run_scoped3A : memref<!tpu.dma_semaphore, #tpu.memory_space<semaphore_mem>>)
      %dma_wait3A_53 = arith.constant 0 : i32
      %dma_wait3A_54 = tpu.memref_slice %arg4[%add3A_26, %dma_wait3A_53] : memref<24576x128xf32, #tpu.memory_space<hbm>> -> memref<128x128xf32, #tpu.memory_space<hbm>>
      %dma_wait3A_55 = arith.constant 0 : i32
      %dma_wait3A_56 = tpu.memref_slice %arg4[%add3A_26, %dma_wait3A_55] : memref<24576x128xf32, #tpu.memory_space<hbm>> -> memref<128x128xf32, #tpu.memory_space<hbm>>
      tpu.wait_dma2 semaphore(%run_scoped3A : memref<!tpu.dma_semaphore, #tpu.memory_space<semaphore_mem>>) src(%arg6 : memref<128x128xf32, #tpu.memory_space<vmem>>) dst(%dma_wait3A_56 : memref<128x128xf32, #tpu.memory_space<hbm>>)
      tpu.yield
    }) : () -> ()
    %add3A_33 = arith.constant 512 : i32
    %add3A_34 = arith.addi %mul3A_2, %add3A_33 : i32
    "tpu.region"() ({
      %run_scoped3A = tpu.sem_alloc : memref<!tpu.dma_semaphore, #tpu.memory_space<semaphore_mem>>
      %dma_start3A_49 = tpu.memref_slice %arg3[%add3A_34] : memref<24576xi32, #tpu.memory_space<hbm>> -> memref<128xi32, #tpu.memory_space<hbm>>
      %dma_start3A_50 = tpu.memref_slice %arg3[%add3A_34] : memref<24576xi32, #tpu.memory_space<hbm>> -> memref<128xi32, #tpu.memory_space<hbm>>
      tpu.enqueue_dma source(%dma_start3A_50 : memref<128xi32, #tpu.memory_space<hbm>>) target(%arg5 : memref<128xi32, #tpu.memory_space<vmem>>) target_semaphore(%run_scoped3A : memref<!tpu.dma_semaphore, #tpu.memory_space<semaphore_mem>>)
      %dma_wait3A_51 = tpu.memref_slice %arg3[%add3A_34] : memref<24576xi32, #tpu.memory_space<hbm>> -> memref<128xi32, #tpu.memory_space<hbm>>
      %dma_wait3A_52 = tpu.memref_slice %arg3[%add3A_34] : memref<24576xi32, #tpu.memory_space<hbm>> -> memref<128xi32, #tpu.memory_space<hbm>>
      tpu.wait_dma2 semaphore(%run_scoped3A : memref<!tpu.dma_semaphore, #tpu.memory_space<semaphore_mem>>) src(%dma_wait3A_52 : memref<128xi32, #tpu.memory_space<hbm>>) dst(%arg5 : memref<128xi32, #tpu.memory_space<vmem>>)
      tpu.yield
    }) : () -> ()
    %dma_start3A_35 = arith.constant 0 : i32
    %dma_start3A_36 = arith.constant 0 : i32
    %dma_start3A_37 = tpu.memref_slice %arg2[%dma_start3A_35, %dma_start3A_36] : memref<8192x128xf32, #tpu.memory_space<hbm>> -> memref<8192x128xf32, #tpu.memory_space<hbm>>
    tpu.enqueue_indirect_dma source(%dma_start3A_37 : memref<8192x128xf32, #tpu.memory_space<hbm>>) target(%arg6 : memref<128x128xf32, #tpu.memory_space<vmem>>) offsets(%arg5 : memref<128xi32, #tpu.memory_space<vmem>>) semaphore(%arg7 : memref<!tpu.dma_semaphore, #tpu.memory_space<semaphore_mem>>)
    %dma_wait3A_38 = arith.constant 0 : i32
    %dma_wait3A_39 = arith.constant 0 : i32
    %dma_wait3A_40 = tpu.memref_slice %arg2[%dma_wait3A_38, %dma_wait3A_39] : memref<8192x128xf32, #tpu.memory_space<hbm>> -> memref<8192x128xf32, #tpu.memory_space<hbm>>
    tpu.wait_indirect_dma semaphore(%arg7 : memref<!tpu.dma_semaphore, #tpu.memory_space<semaphore_mem>>) src(%dma_wait3A_40 : memref<8192x128xf32, #tpu.memory_space<hbm>>) dst(%arg6 : memref<128x128xf32, #tpu.memory_space<vmem>>)
    "tpu.region"() ({
      %run_scoped3A = tpu.sem_alloc : memref<!tpu.dma_semaphore, #tpu.memory_space<semaphore_mem>>
      %dma_start3A_49 = arith.constant 0 : i32
      %dma_start3A_50 = tpu.memref_slice %arg4[%add3A_34, %dma_start3A_49] : memref<24576x128xf32, #tpu.memory_space<hbm>> -> memref<128x128xf32, #tpu.memory_space<hbm>>
      %dma_start3A_51 = arith.constant 0 : i32
      %dma_start3A_52 = tpu.memref_slice %arg4[%add3A_34, %dma_start3A_51] : memref<24576x128xf32, #tpu.memory_space<hbm>> -> memref<128x128xf32, #tpu.memory_space<hbm>>
      tpu.enqueue_dma source(%arg6 : memref<128x128xf32, #tpu.memory_space<vmem>>) target(%dma_start3A_52 : memref<128x128xf32, #tpu.memory_space<hbm>>) target_semaphore(%run_scoped3A : memref<!tpu.dma_semaphore, #tpu.memory_space<semaphore_mem>>)
      %dma_wait3A_53 = arith.constant 0 : i32
      %dma_wait3A_54 = tpu.memref_slice %arg4[%add3A_34, %dma_wait3A_53] : memref<24576x128xf32, #tpu.memory_space<hbm>> -> memref<128x128xf32, #tpu.memory_space<hbm>>
      %dma_wait3A_55 = arith.constant 0 : i32
      %dma_wait3A_56 = tpu.memref_slice %arg4[%add3A_34, %dma_wait3A_55] : memref<24576x128xf32, #tpu.memory_space<hbm>> -> memref<128x128xf32, #tpu.memory_space<hbm>>
      tpu.wait_dma2 semaphore(%run_scoped3A : memref<!tpu.dma_semaphore, #tpu.memory_space<semaphore_mem>>) src(%arg6 : memref<128x128xf32, #tpu.memory_space<vmem>>) dst(%dma_wait3A_56 : memref<128x128xf32, #tpu.memory_space<hbm>>)
      tpu.yield
    }) : () -> ()
    %add3A_41 = arith.constant 640 : i32
    %add3A_42 = arith.addi %mul3A_2, %add3A_41 : i32
    "tpu.region"() ({
      %run_scoped3A = tpu.sem_alloc : memref<!tpu.dma_semaphore, #tpu.memory_space<semaphore_mem>>
      %dma_start3A_49 = tpu.memref_slice %arg3[%add3A_42] : memref<24576xi32, #tpu.memory_space<hbm>> -> memref<128xi32, #tpu.memory_space<hbm>>
      %dma_start3A_50 = tpu.memref_slice %arg3[%add3A_42] : memref<24576xi32, #tpu.memory_space<hbm>> -> memref<128xi32, #tpu.memory_space<hbm>>
      tpu.enqueue_dma source(%dma_start3A_50 : memref<128xi32, #tpu.memory_space<hbm>>) target(%arg5 : memref<128xi32, #tpu.memory_space<vmem>>) target_semaphore(%run_scoped3A : memref<!tpu.dma_semaphore, #tpu.memory_space<semaphore_mem>>)
      %dma_wait3A_51 = tpu.memref_slice %arg3[%add3A_42] : memref<24576xi32, #tpu.memory_space<hbm>> -> memref<128xi32, #tpu.memory_space<hbm>>
      %dma_wait3A_52 = tpu.memref_slice %arg3[%add3A_42] : memref<24576xi32, #tpu.memory_space<hbm>> -> memref<128xi32, #tpu.memory_space<hbm>>
      tpu.wait_dma2 semaphore(%run_scoped3A : memref<!tpu.dma_semaphore, #tpu.memory_space<semaphore_mem>>) src(%dma_wait3A_52 : memref<128xi32, #tpu.memory_space<hbm>>) dst(%arg5 : memref<128xi32, #tpu.memory_space<vmem>>)
      tpu.yield
    }) : () -> ()
    %dma_start3A_43 = arith.constant 0 : i32
    %dma_start3A_44 = arith.constant 0 : i32
    %dma_start3A_45 = tpu.memref_slice %arg2[%dma_start3A_43, %dma_start3A_44] : memref<8192x128xf32, #tpu.memory_space<hbm>> -> memref<8192x128xf32, #tpu.memory_space<hbm>>
    tpu.enqueue_indirect_dma source(%dma_start3A_45 : memref<8192x128xf32, #tpu.memory_space<hbm>>) target(%arg6 : memref<128x128xf32, #tpu.memory_space<vmem>>) offsets(%arg5 : memref<128xi32, #tpu.memory_space<vmem>>) semaphore(%arg7 : memref<!tpu.dma_semaphore, #tpu.memory_space<semaphore_mem>>)
    %dma_wait3A_46 = arith.constant 0 : i32
    %dma_wait3A_47 = arith.constant 0 : i32
    %dma_wait3A_48 = tpu.memref_slice %arg2[%dma_wait3A_46, %dma_wait3A_47] : memref<8192x128xf32, #tpu.memory_space<hbm>> -> memref<8192x128xf32, #tpu.memory_space<hbm>>
    tpu.wait_indirect_dma semaphore(%arg7 : memref<!tpu.dma_semaphore, #tpu.memory_space<semaphore_mem>>) src(%dma_wait3A_48 : memref<8192x128xf32, #tpu.memory_space<hbm>>) dst(%arg6 : memref<128x128xf32, #tpu.memory_space<vmem>>)
    "tpu.region"() ({
      %run_scoped3A = tpu.sem_alloc : memref<!tpu.dma_semaphore, #tpu.memory_space<semaphore_mem>>
      %dma_start3A_49 = arith.constant 0 : i32
      %dma_start3A_50 = tpu.memref_slice %arg4[%add3A_42, %dma_start3A_49] : memref<24576x128xf32, #tpu.memory_space<hbm>> -> memref<128x128xf32, #tpu.memory_space<hbm>>
      %dma_start3A_51 = arith.constant 0 : i32
      %dma_start3A_52 = tpu.memref_slice %arg4[%add3A_42, %dma_start3A_51] : memref<24576x128xf32, #tpu.memory_space<hbm>> -> memref<128x128xf32, #tpu.memory_space<hbm>>
      tpu.enqueue_dma source(%arg6 : memref<128x128xf32, #tpu.memory_space<vmem>>) target(%dma_start3A_52 : memref<128x128xf32, #tpu.memory_space<hbm>>) target_semaphore(%run_scoped3A : memref<!tpu.dma_semaphore, #tpu.memory_space<semaphore_mem>>)
      %dma_wait3A_53 = arith.constant 0 : i32
      %dma_wait3A_54 = tpu.memref_slice %arg4[%add3A_42, %dma_wait3A_53] : memref<24576x128xf32, #tpu.memory_space<hbm>> -> memref<128x128xf32, #tpu.memory_space<hbm>>
      %dma_wait3A_55 = arith.constant 0 : i32
      %dma_wait3A_56 = tpu.memref_slice %arg4[%add3A_42, %dma_wait3A_55] : memref<24576x128xf32, #tpu.memory_space<hbm>> -> memref<128x128xf32, #tpu.memory_space<hbm>>
      tpu.wait_dma2 semaphore(%run_scoped3A : memref<!tpu.dma_semaphore, #tpu.memory_space<semaphore_mem>>) src(%arg6 : memref<128x128xf32, #tpu.memory_space<vmem>>) dst(%dma_wait3A_56 : memref<128x128xf32, #tpu.memory_space<hbm>>)
      tpu.yield
    }) : () -> ()
    return
  }
}

module attributes {stable_mosaic.version = 14 : i64} {
  func.func @_fused_mlp_body(%arg0: i32, %arg1: memref<4096x5xf32, #tpu.memory_space<vmem>>, %arg2: memref<5x128xf32, #tpu.memory_space<vmem>>, %arg3: memref<1x128xf32, #tpu.memory_space<vmem>>, %arg4: memref<4096x128xf32, #tpu.memory_space<vmem>>) attributes {dimension_semantics = [#tpu.dimension_semantics<arbitrary>], iteration_bounds = array<i64: 2>, scalar_prefetch = 0 : i64, scratch_operands = 0 : i64, tpu.core_type = #tpu.core_type<tc>, window_params = [{transform_indices = @transform_0, window_bounds = array<i64: 4096, 5>}, {pipeline_mode = #tpu.pipeline_mode<synchronous>, transform_indices = @transform_1, window_bounds = array<i64: 5, 128>}, {pipeline_mode = #tpu.pipeline_mode<synchronous>, transform_indices = @transform_2, window_bounds = array<i64: 1, 128>}, {transform_indices = @transform_3, window_bounds = array<i64: 4096, 128>}]} {
    %get3A = arith.constant 0 : index
    %get3A_0 = arith.constant 0 : index
    %get3A_1 = vector.load %arg1[%get3A, %get3A_0] : memref<4096x5xf32, #tpu.memory_space<vmem>>, vector<4096x5xf32>
    %get3A_2 = arith.constant 0 : index
    %get3A_3 = arith.constant 0 : index
    %get3A_4 = vector.load %arg2[%get3A_2, %get3A_3] : memref<5x128xf32, #tpu.memory_space<vmem>>, vector<5x128xf32>
    %get3A_5 = arith.constant 0 : index
    %get3A_6 = arith.constant 0 : index
    %get3A_7 = vector.load %arg3[%get3A_5, %get3A_6] : memref<1x128xf32, #tpu.memory_space<vmem>>, vector<1x128xf32>
    %dot_general3A = arith.constant dense<0.000000e+00> : vector<4096x128xf32>
    %dot_general3A_8 = tpu.matmul %get3A_1, %get3A_4, %dot_general3A {dimension_numbers = #tpu.dot_dimension_numbers<[1], [0], [0], [1], [0, 0, 1, 1], [], []>, transpose_lhs_hint = false} : vector<4096x5xf32>, vector<5x128xf32>, vector<4096x128xf32> -> vector<4096x128xf32>
    %add3A = vector.broadcast %get3A_7 : vector<1x128xf32> to vector<4096x128xf32>
    %add3A_9 = arith.addf %dot_general3A_8, %add3A : vector<4096x128xf32>
    %swap3A = arith.constant 0 : index
    %swap3A_10 = arith.constant 0 : index
    %swap3A_11 = vector.load %arg4[%swap3A, %swap3A_10] : memref<4096x128xf32, #tpu.memory_space<vmem>>, vector<4096x128xf32>
    tpu.vector_store %arg4[%swap3A, %swap3A_10], %add3A_9 {strides = array<i32>} : memref<4096x128xf32, #tpu.memory_space<vmem>>, vector<4096x128xf32>,
    return
  }
  func.func @transform_0(%arg0: i32) -> (i32, i32) {
    %c0_i32 = arith.constant 0 : i32
    %c0_i32_0 = arith.constant 0 : i32
    return %arg0, %c0_i32 : i32, i32
  }
  func.func @transform_1(%arg0: i32) -> (i32, i32) {
    %c0_i32 = arith.constant 0 : i32
    %c0_i32_0 = arith.constant 0 : i32
    %c0_i32_1 = arith.constant 0 : i32
    return %c0_i32, %c0_i32_0 : i32, i32
  }
  func.func @transform_2(%arg0: i32) -> (i32, i32) {
    %c0_i32 = arith.constant 0 : i32
    %c0_i32_0 = arith.constant 0 : i32
    %c0_i32_1 = arith.constant 0 : i32
    return %c0_i32, %c0_i32_0 : i32, i32
  }
  func.func @transform_3(%arg0: i32) -> (i32, i32) {
    %c0_i32 = arith.constant 0 : i32
    %c0_i32_0 = arith.constant 0 : i32
    return %arg0, %c0_i32 : i32, i32
  }
}

module attributes {stable_mosaic.version = 14 : i64} {
  func.func @_knn_body(%arg0: i32, %arg1: i32, %arg2: memref<1x512x2xf32, #tpu.memory_space<vmem>>, %arg3: memref<1x2x1024xf32, #tpu.memory_space<vmem>>, %arg4: memref<1x512x32xi32, #tpu.memory_space<vmem>>, %arg5: memref<1x512x32xf32, #tpu.memory_space<vmem>>) attributes {dimension_semantics = [#tpu.dimension_semantics<arbitrary>, #tpu.dimension_semantics<arbitrary>], iteration_bounds = array<i64: 8, 2>, scalar_prefetch = 0 : i64, scratch_operands = 0 : i64, tpu.core_type = #tpu.core_type<tc>, window_params = [{transform_indices = @transform_0, window_bounds = array<i64: 1, 512, 2>}, {transform_indices = @transform_1, window_bounds = array<i64: 1, 2, 1024>}, {transform_indices = @transform_2, window_bounds = array<i64: 1, 512, 32>}, {transform_indices = @transform_3, window_bounds = array<i64: 1, 512, 32>}]} {
    %get3A = arith.constant 0 : index
    %get3A_0 = arith.constant 0 : index
    %get3A_1 = arith.constant 0 : index
    %get3A_2 = vector.load %arg2[%get3A, %get3A_0, %get3A_1] : memref<1x512x2xf32, #tpu.memory_space<vmem>>, vector<1x512x2xf32>
    %get3A_3 = vector.shape_cast %get3A_2 : vector<1x512x2xf32> to vector<512x2xf32>
    %get3A_4 = arith.constant 0 : index
    %get3A_5 = arith.constant 0 : index
    %get3A_6 = arith.constant 0 : index
    %get3A_7 = vector.load %arg3[%get3A_4, %get3A_5, %get3A_6] : memref<1x2x1024xf32, #tpu.memory_space<vmem>>, vector<1x2x1024xf32>
    %get3A_8 = vector.shape_cast %get3A_7 : vector<1x2x1024xf32> to vector<2x1024xf32>
    %slice3A = vector.extract_strided_slice %get3A_3 {offsets = [0, 0], sizes = [512, 1], strides = [1, 1]} : vector<512x2xf32> to vector<512x1xf32>
    %slice3A_9 = vector.extract_strided_slice %get3A_3 {offsets = [0, 1], sizes = [512, 1], strides = [1, 1]} : vector<512x2xf32> to vector<512x1xf32>
    %slice3A_10 = vector.extract_strided_slice %get3A_8 {offsets = [0, 0], sizes = [1, 1024], strides = [1, 1]} : vector<2x1024xf32> to vector<1x1024xf32>
    %slice3A_11 = vector.extract_strided_slice %get3A_8 {offsets = [1, 0], sizes = [1, 1024], strides = [1, 1]} : vector<2x1024xf32> to vector<1x1024xf32>
    %sub3A = vector.broadcast %slice3A : vector<512x1xf32> to vector<512x1024xf32>
    %sub3A_12 = vector.broadcast %slice3A_10 : vector<1x1024xf32> to vector<512x1024xf32>
    %sub3A_13 = arith.subf %sub3A, %sub3A_12 : vector<512x1024xf32>
    %sub3A_14 = vector.broadcast %slice3A_9 : vector<512x1xf32> to vector<512x1024xf32>
    %sub3A_15 = vector.broadcast %slice3A_11 : vector<1x1024xf32> to vector<512x1024xf32>
    %sub3A_16 = arith.subf %sub3A_14, %sub3A_15 : vector<512x1024xf32>
    %mul3A = arith.mulf %sub3A_13, %sub3A_13 : vector<512x1024xf32>
    %mul3A_17 = arith.mulf %sub3A_16, %sub3A_16 : vector<512x1024xf32>
    %add3A = arith.addf %mul3A, %mul3A_17 : vector<512x1024xf32>
    %iota3A = tpu.iota {dimensions = array<i32: 1>} : vector<512x1024xi32>
    %reduce_min3A = arith.constant dense<0x7F800000> : vector<512xf32>
    %reduce_min3A_18 = vector.multi_reduction <minimumf>, %add3A, %reduce_min3A [1] : vector<512x1024xf32> to vector<512xf32>
    %broadcast_in_dim3A = vector.shape_cast %reduce_min3A_18 : vector<512xf32> to vector<512x1xf32>
    %eq3A = vector.broadcast %broadcast_in_dim3A : vector<512x1xf32> to vector<512x1024xf32>
    %eq3A_19 = arith.cmpf oeq, %add3A, %eq3A : vector<512x1024xf32>
    %jit3A = arith.constant 1024 : i32
    %broadcast_in_dim3A_20 = vector.broadcast %jit3A : i32 to vector<512x1024xi32>
    %select_n3A = arith.select %eq3A_19, %iota3A, %broadcast_in_dim3A_20 : vector<512x1024xi1>, vector<512x1024xi32>
    %reduce_min3A_21 = arith.constant dense<2147483647> : vector<512xi32>
    %reduce_min3A_22 = vector.multi_reduction <minsi>, %select_n3A, %reduce_min3A_21 [1] : vector<512x1024xi32> to vector<512xi32>
    %broadcast_in_dim3A_23 = vector.shape_cast %reduce_min3A_22 : vector<512xi32> to vector<512x1xi32>
    %eq3A_24 = vector.broadcast %broadcast_in_dim3A_23 : vector<512x1xi32> to vector<512x1024xi32>
    %eq3A_25 = arith.cmpi eq, %iota3A, %eq3A_24 : vector<512x1024xi32>
    %jit3A_26 = arith.constant 0x7F800000 : f32
    %broadcast_in_dim3A_27 = vector.broadcast %jit3A_26 : f32 to vector<512x1024xf32>
    %select_n3A_28 = arith.select %eq3A_25, %broadcast_in_dim3A_27, %add3A : vector<512x1024xi1>, vector<512x1024xf32>
    %reduce_min3A_29 = arith.constant dense<0x7F800000> : vector<512xf32>
    %reduce_min3A_30 = vector.multi_reduction <minimumf>, %select_n3A_28, %reduce_min3A_29 [1] : vector<512x1024xf32> to vector<512xf32>
    %broadcast_in_dim3A_31 = vector.shape_cast %reduce_min3A_30 : vector<512xf32> to vector<512x1xf32>
    %eq3A_32 = vector.broadcast %broadcast_in_dim3A_31 : vector<512x1xf32> to vector<512x1024xf32>
    %eq3A_33 = arith.cmpf oeq, %select_n3A_28, %eq3A_32 : vector<512x1024xf32>
    %jit3A_34 = arith.constant 1024 : i32
    %broadcast_in_dim3A_35 = vector.broadcast %jit3A_34 : i32 to vector<512x1024xi32>
    %select_n3A_36 = arith.select %eq3A_33, %iota3A, %broadcast_in_dim3A_35 : vector<512x1024xi1>, vector<512x1024xi32>
    %reduce_min3A_37 = arith.constant dense<2147483647> : vector<512xi32>
    %reduce_min3A_38 = vector.multi_reduction <minsi>, %select_n3A_36, %reduce_min3A_37 [1] : vector<512x1024xi32> to vector<512xi32>
    %broadcast_in_dim3A_39 = vector.shape_cast %reduce_min3A_38 : vector<512xi32> to vector<512x1xi32>
    %eq3A_40 = vector.broadcast %broadcast_in_dim3A_39 : vector<512x1xi32> to vector<512x1024xi32>
    %eq3A_41 = arith.cmpi eq, %iota3A, %eq3A_40 : vector<512x1024xi32>
    %jit3A_42 = arith.constant 0x7F800000 : f32
    %broadcast_in_dim3A_43 = vector.broadcast %jit3A_42 : f32 to vector<512x1024xf32>
    %select_n3A_44 = arith.select %eq3A_41, %broadcast_in_dim3A_43, %select_n3A_28 : vector<512x1024xi1>, vector<512x1024xf32>
    %reduce_min3A_45 = arith.constant dense<0x7F800000> : vector<512xf32>
    %reduce_min3A_46 = vector.multi_reduction <minimumf>, %select_n3A_44, %reduce_min3A_45 [1] : vector<512x1024xf32> to vector<512xf32>
    %broadcast_in_dim3A_47 = vector.shape_cast %reduce_min3A_46 : vector<512xf32> to vector<512x1xf32>
    %eq3A_48 = vector.broadcast %broadcast_in_dim3A_47 : vector<512x1xf32> to vector<512x1024xf32>
    %eq3A_49 = arith.cmpf oeq, %select_n3A_44, %eq3A_48 : vector<512x1024xf32>
    %jit3A_50 = arith.constant 1024 : i32
    %broadcast_in_dim3A_51 = vector.broadcast %jit3A_50 : i32 to vector<512x1024xi32>
    %select_n3A_52 = arith.select %eq3A_49, %iota3A, %broadcast_in_dim3A_51 : vector<512x1024xi1>, vector<512x1024xi32>
    %reduce_min3A_53 = arith.constant dense<2147483647> : vector<512xi32>
    %reduce_min3A_54 = vector.multi_reduction <minsi>, %select_n3A_52, %reduce_min3A_53 [1] : vector<512x1024xi32> to vector<512xi32>
    %broadcast_in_dim3A_55 = vector.shape_cast %reduce_min3A_54 : vector<512xi32> to vector<512x1xi32>
    %eq3A_56 = vector.broadcast %broadcast_in_dim3A_55 : vector<512x1xi32> to vector<512x1024xi32>
    %eq3A_57 = arith.cmpi eq, %iota3A, %eq3A_56 : vector<512x1024xi32>
    %jit3A_58 = arith.constant 0x7F800000 : f32
    %broadcast_in_dim3A_59 = vector.broadcast %jit3A_58 : f32 to vector<512x1024xf32>
    %select_n3A_60 = arith.select %eq3A_57, %broadcast_in_dim3A_59, %select_n3A_44 : vector<512x1024xi1>, vector<512x1024xf32>
    %reduce_min3A_61 = arith.constant dense<0x7F800000> : vector<512xf32>
    %reduce_min3A_62 = vector.multi_reduction <minimumf>, %select_n3A_60, %reduce_min3A_61 [1] : vector<512x1024xf32> to vector<512xf32>
    %broadcast_in_dim3A_63 = vector.shape_cast %reduce_min3A_62 : vector<512xf32> to vector<512x1xf32>
    %eq3A_64 = vector.broadcast %broadcast_in_dim3A_63 : vector<512x1xf32> to vector<512x1024xf32>
    %eq3A_65 = arith.cmpf oeq, %select_n3A_60, %eq3A_64 : vector<512x1024xf32>
    %jit3A_66 = arith.constant 1024 : i32
    %broadcast_in_dim3A_67 = vector.broadcast %jit3A_66 : i32 to vector<512x1024xi32>
    %select_n3A_68 = arith.select %eq3A_65, %iota3A, %broadcast_in_dim3A_67 : vector<512x1024xi1>, vector<512x1024xi32>
    %reduce_min3A_69 = arith.constant dense<2147483647> : vector<512xi32>
    %reduce_min3A_70 = vector.multi_reduction <minsi>, %select_n3A_68, %reduce_min3A_69 [1] : vector<512x1024xi32> to vector<512xi32>
    %broadcast_in_dim3A_71 = vector.shape_cast %reduce_min3A_70 : vector<512xi32> to vector<512x1xi32>
    %eq3A_72 = vector.broadcast %broadcast_in_dim3A_71 : vector<512x1xi32> to vector<512x1024xi32>
    %eq3A_73 = arith.cmpi eq, %iota3A, %eq3A_72 : vector<512x1024xi32>
    %jit3A_74 = arith.constant 0x7F800000 : f32
    %broadcast_in_dim3A_75 = vector.broadcast %jit3A_74 : f32 to vector<512x1024xf32>
    %select_n3A_76 = arith.select %eq3A_73, %broadcast_in_dim3A_75, %select_n3A_60 : vector<512x1024xi1>, vector<512x1024xf32>
    %reduce_min3A_77 = arith.constant dense<0x7F800000> : vector<512xf32>
    %reduce_min3A_78 = vector.multi_reduction <minimumf>, %select_n3A_76, %reduce_min3A_77 [1] : vector<512x1024xf32> to vector<512xf32>
    %broadcast_in_dim3A_79 = vector.shape_cast %reduce_min3A_78 : vector<512xf32> to vector<512x1xf32>
    %eq3A_80 = vector.broadcast %broadcast_in_dim3A_79 : vector<512x1xf32> to vector<512x1024xf32>
    %eq3A_81 = arith.cmpf oeq, %select_n3A_76, %eq3A_80 : vector<512x1024xf32>
    %jit3A_82 = arith.constant 1024 : i32
    %broadcast_in_dim3A_83 = vector.broadcast %jit3A_82 : i32 to vector<512x1024xi32>
    %select_n3A_84 = arith.select %eq3A_81, %iota3A, %broadcast_in_dim3A_83 : vector<512x1024xi1>, vector<512x1024xi32>
    %reduce_min3A_85 = arith.constant dense<2147483647> : vector<512xi32>
    %reduce_min3A_86 = vector.multi_reduction <minsi>, %select_n3A_84, %reduce_min3A_85 [1] : vector<512x1024xi32> to vector<512xi32>
    %broadcast_in_dim3A_87 = vector.shape_cast %reduce_min3A_86 : vector<512xi32> to vector<512x1xi32>
    %eq3A_88 = vector.broadcast %broadcast_in_dim3A_87 : vector<512x1xi32> to vector<512x1024xi32>
    %eq3A_89 = arith.cmpi eq, %iota3A, %eq3A_88 : vector<512x1024xi32>
    %jit3A_90 = arith.constant 0x7F800000 : f32
    %broadcast_in_dim3A_91 = vector.broadcast %jit3A_90 : f32 to vector<512x1024xf32>
    %select_n3A_92 = arith.select %eq3A_89, %broadcast_in_dim3A_91, %select_n3A_76 : vector<512x1024xi1>, vector<512x1024xf32>
    %reduce_min3A_93 = arith.constant dense<0x7F800000> : vector<512xf32>
    %reduce_min3A_94 = vector.multi_reduction <minimumf>, %select_n3A_92, %reduce_min3A_93 [1] : vector<512x1024xf32> to vector<512xf32>
    %broadcast_in_dim3A_95 = vector.shape_cast %reduce_min3A_94 : vector<512xf32> to vector<512x1xf32>
    %eq3A_96 = vector.broadcast %broadcast_in_dim3A_95 : vector<512x1xf32> to vector<512x1024xf32>
    %eq3A_97 = arith.cmpf oeq, %select_n3A_92, %eq3A_96 : vector<512x1024xf32>
    %jit3A_98 = arith.constant 1024 : i32
    %broadcast_in_dim3A_99 = vector.broadcast %jit3A_98 : i32 to vector<512x1024xi32>
    %select_n3A_100 = arith.select %eq3A_97, %iota3A, %broadcast_in_dim3A_99 : vector<512x1024xi1>, vector<512x1024xi32>
    %reduce_min3A_101 = arith.constant dense<2147483647> : vector<512xi32>
    %reduce_min3A_102 = vector.multi_reduction <minsi>, %select_n3A_100, %reduce_min3A_101 [1] : vector<512x1024xi32> to vector<512xi32>
    %broadcast_in_dim3A_103 = vector.shape_cast %reduce_min3A_102 : vector<512xi32> to vector<512x1xi32>
    %eq3A_104 = vector.broadcast %broadcast_in_dim3A_103 : vector<512x1xi32> to vector<512x1024xi32>
    %eq3A_105 = arith.cmpi eq, %iota3A, %eq3A_104 : vector<512x1024xi32>
    %jit3A_106 = arith.constant 0x7F800000 : f32
    %broadcast_in_dim3A_107 = vector.broadcast %jit3A_106 : f32 to vector<512x1024xf32>
    %select_n3A_108 = arith.select %eq3A_105, %broadcast_in_dim3A_107, %select_n3A_92 : vector<512x1024xi1>, vector<512x1024xf32>
    %reduce_min3A_109 = arith.constant dense<0x7F800000> : vector<512xf32>
    %reduce_min3A_110 = vector.multi_reduction <minimumf>, %select_n3A_108, %reduce_min3A_109 [1] : vector<512x1024xf32> to vector<512xf32>
    %broadcast_in_dim3A_111 = vector.shape_cast %reduce_min3A_110 : vector<512xf32> to vector<512x1xf32>
    %eq3A_112 = vector.broadcast %broadcast_in_dim3A_111 : vector<512x1xf32> to vector<512x1024xf32>
    %eq3A_113 = arith.cmpf oeq, %select_n3A_108, %eq3A_112 : vector<512x1024xf32>
    %jit3A_114 = arith.constant 1024 : i32
    %broadcast_in_dim3A_115 = vector.broadcast %jit3A_114 : i32 to vector<512x1024xi32>
    %select_n3A_116 = arith.select %eq3A_113, %iota3A, %broadcast_in_dim3A_115 : vector<512x1024xi1>, vector<512x1024xi32>
    %reduce_min3A_117 = arith.constant dense<2147483647> : vector<512xi32>
    %reduce_min3A_118 = vector.multi_reduction <minsi>, %select_n3A_116, %reduce_min3A_117 [1] : vector<512x1024xi32> to vector<512xi32>
    %broadcast_in_dim3A_119 = vector.shape_cast %reduce_min3A_118 : vector<512xi32> to vector<512x1xi32>
    %eq3A_120 = vector.broadcast %broadcast_in_dim3A_119 : vector<512x1xi32> to vector<512x1024xi32>
    %eq3A_121 = arith.cmpi eq, %iota3A, %eq3A_120 : vector<512x1024xi32>
    %jit3A_122 = arith.constant 0x7F800000 : f32
    %broadcast_in_dim3A_123 = vector.broadcast %jit3A_122 : f32 to vector<512x1024xf32>
    %select_n3A_124 = arith.select %eq3A_121, %broadcast_in_dim3A_123, %select_n3A_108 : vector<512x1024xi1>, vector<512x1024xf32>
    %reduce_min3A_125 = arith.constant dense<0x7F800000> : vector<512xf32>
    %reduce_min3A_126 = vector.multi_reduction <minimumf>, %select_n3A_124, %reduce_min3A_125 [1] : vector<512x1024xf32> to vector<512xf32>
    %broadcast_in_dim3A_127 = vector.shape_cast %reduce_min3A_126 : vector<512xf32> to vector<512x1xf32>
    %eq3A_128 = vector.broadcast %broadcast_in_dim3A_127 : vector<512x1xf32> to vector<512x1024xf32>
    %eq3A_129 = arith.cmpf oeq, %select_n3A_124, %eq3A_128 : vector<512x1024xf32>
    %jit3A_130 = arith.constant 1024 : i32
    %broadcast_in_dim3A_131 = vector.broadcast %jit3A_130 : i32 to vector<512x1024xi32>
    %select_n3A_132 = arith.select %eq3A_129, %iota3A, %broadcast_in_dim3A_131 : vector<512x1024xi1>, vector<512x1024xi32>
    %reduce_min3A_133 = arith.constant dense<2147483647> : vector<512xi32>
    %reduce_min3A_134 = vector.multi_reduction <minsi>, %select_n3A_132, %reduce_min3A_133 [1] : vector<512x1024xi32> to vector<512xi32>
    %broadcast_in_dim3A_135 = vector.shape_cast %reduce_min3A_134 : vector<512xi32> to vector<512x1xi32>
    %eq3A_136 = vector.broadcast %broadcast_in_dim3A_135 : vector<512x1xi32> to vector<512x1024xi32>
    %eq3A_137 = arith.cmpi eq, %iota3A, %eq3A_136 : vector<512x1024xi32>
    %jit3A_138 = arith.constant 0x7F800000 : f32
    %broadcast_in_dim3A_139 = vector.broadcast %jit3A_138 : f32 to vector<512x1024xf32>
    %select_n3A_140 = arith.select %eq3A_137, %broadcast_in_dim3A_139, %select_n3A_124 : vector<512x1024xi1>, vector<512x1024xf32>
    %reduce_min3A_141 = arith.constant dense<0x7F800000> : vector<512xf32>
    %reduce_min3A_142 = vector.multi_reduction <minimumf>, %select_n3A_140, %reduce_min3A_141 [1] : vector<512x1024xf32> to vector<512xf32>
    %broadcast_in_dim3A_143 = vector.shape_cast %reduce_min3A_142 : vector<512xf32> to vector<512x1xf32>
    %eq3A_144 = vector.broadcast %broadcast_in_dim3A_143 : vector<512x1xf32> to vector<512x1024xf32>
    %eq3A_145 = arith.cmpf oeq, %select_n3A_140, %eq3A_144 : vector<512x1024xf32>
    %jit3A_146 = arith.constant 1024 : i32
    %broadcast_in_dim3A_147 = vector.broadcast %jit3A_146 : i32 to vector<512x1024xi32>
    %select_n3A_148 = arith.select %eq3A_145, %iota3A, %broadcast_in_dim3A_147 : vector<512x1024xi1>, vector<512x1024xi32>
    %reduce_min3A_149 = arith.constant dense<2147483647> : vector<512xi32>
    %reduce_min3A_150 = vector.multi_reduction <minsi>, %select_n3A_148, %reduce_min3A_149 [1] : vector<512x1024xi32> to vector<512xi32>
    %broadcast_in_dim3A_151 = vector.shape_cast %reduce_min3A_150 : vector<512xi32> to vector<512x1xi32>
    %eq3A_152 = vector.broadcast %broadcast_in_dim3A_151 : vector<512x1xi32> to vector<512x1024xi32>
    %eq3A_153 = arith.cmpi eq, %iota3A, %eq3A_152 : vector<512x1024xi32>
    %jit3A_154 = arith.constant 0x7F800000 : f32
    %broadcast_in_dim3A_155 = vector.broadcast %jit3A_154 : f32 to vector<512x1024xf32>
    %select_n3A_156 = arith.select %eq3A_153, %broadcast_in_dim3A_155, %select_n3A_140 : vector<512x1024xi1>, vector<512x1024xf32>
    %reduce_min3A_157 = arith.constant dense<0x7F800000> : vector<512xf32>
    %reduce_min3A_158 = vector.multi_reduction <minimumf>, %select_n3A_156, %reduce_min3A_157 [1] : vector<512x1024xf32> to vector<512xf32>
    %broadcast_in_dim3A_159 = vector.shape_cast %reduce_min3A_158 : vector<512xf32> to vector<512x1xf32>
    %eq3A_160 = vector.broadcast %broadcast_in_dim3A_159 : vector<512x1xf32> to vector<512x1024xf32>
    %eq3A_161 = arith.cmpf oeq, %select_n3A_156, %eq3A_160 : vector<512x1024xf32>
    %jit3A_162 = arith.constant 1024 : i32
    %broadcast_in_dim3A_163 = vector.broadcast %jit3A_162 : i32 to vector<512x1024xi32>
    %select_n3A_164 = arith.select %eq3A_161, %iota3A, %broadcast_in_dim3A_163 : vector<512x1024xi1>, vector<512x1024xi32>
    %reduce_min3A_165 = arith.constant dense<2147483647> : vector<512xi32>
    %reduce_min3A_166 = vector.multi_reduction <minsi>, %select_n3A_164, %reduce_min3A_165 [1] : vector<512x1024xi32> to vector<512xi32>
    %broadcast_in_dim3A_167 = vector.shape_cast %reduce_min3A_166 : vector<512xi32> to vector<512x1xi32>
    %eq3A_168 = vector.broadcast %broadcast_in_dim3A_167 : vector<512x1xi32> to vector<512x1024xi32>
    %eq3A_169 = arith.cmpi eq, %iota3A, %eq3A_168 : vector<512x1024xi32>
    %jit3A_170 = arith.constant 0x7F800000 : f32
    %broadcast_in_dim3A_171 = vector.broadcast %jit3A_170 : f32 to vector<512x1024xf32>
    %select_n3A_172 = arith.select %eq3A_169, %broadcast_in_dim3A_171, %select_n3A_156 : vector<512x1024xi1>, vector<512x1024xf32>
    %reduce_min3A_173 = arith.constant dense<0x7F800000> : vector<512xf32>
    %reduce_min3A_174 = vector.multi_reduction <minimumf>, %select_n3A_172, %reduce_min3A_173 [1] : vector<512x1024xf32> to vector<512xf32>
    %broadcast_in_dim3A_175 = vector.shape_cast %reduce_min3A_174 : vector<512xf32> to vector<512x1xf32>
    %eq3A_176 = vector.broadcast %broadcast_in_dim3A_175 : vector<512x1xf32> to vector<512x1024xf32>
    %eq3A_177 = arith.cmpf oeq, %select_n3A_172, %eq3A_176 : vector<512x1024xf32>
    %jit3A_178 = arith.constant 1024 : i32
    %broadcast_in_dim3A_179 = vector.broadcast %jit3A_178 : i32 to vector<512x1024xi32>
    %select_n3A_180 = arith.select %eq3A_177, %iota3A, %broadcast_in_dim3A_179 : vector<512x1024xi1>, vector<512x1024xi32>
    %reduce_min3A_181 = arith.constant dense<2147483647> : vector<512xi32>
    %reduce_min3A_182 = vector.multi_reduction <minsi>, %select_n3A_180, %reduce_min3A_181 [1] : vector<512x1024xi32> to vector<512xi32>
    %broadcast_in_dim3A_183 = vector.shape_cast %reduce_min3A_182 : vector<512xi32> to vector<512x1xi32>
    %eq3A_184 = vector.broadcast %broadcast_in_dim3A_183 : vector<512x1xi32> to vector<512x1024xi32>
    %eq3A_185 = arith.cmpi eq, %iota3A, %eq3A_184 : vector<512x1024xi32>
    %jit3A_186 = arith.constant 0x7F800000 : f32
    %broadcast_in_dim3A_187 = vector.broadcast %jit3A_186 : f32 to vector<512x1024xf32>
    %select_n3A_188 = arith.select %eq3A_185, %broadcast_in_dim3A_187, %select_n3A_172 : vector<512x1024xi1>, vector<512x1024xf32>
    %reduce_min3A_189 = arith.constant dense<0x7F800000> : vector<512xf32>
    %reduce_min3A_190 = vector.multi_reduction <minimumf>, %select_n3A_188, %reduce_min3A_189 [1] : vector<512x1024xf32> to vector<512xf32>
    %broadcast_in_dim3A_191 = vector.shape_cast %reduce_min3A_190 : vector<512xf32> to vector<512x1xf32>
    %eq3A_192 = vector.broadcast %broadcast_in_dim3A_191 : vector<512x1xf32> to vector<512x1024xf32>
    %eq3A_193 = arith.cmpf oeq, %select_n3A_188, %eq3A_192 : vector<512x1024xf32>
    %jit3A_194 = arith.constant 1024 : i32
    %broadcast_in_dim3A_195 = vector.broadcast %jit3A_194 : i32 to vector<512x1024xi32>
    %select_n3A_196 = arith.select %eq3A_193, %iota3A, %broadcast_in_dim3A_195 : vector<512x1024xi1>, vector<512x1024xi32>
    %reduce_min3A_197 = arith.constant dense<2147483647> : vector<512xi32>
    %reduce_min3A_198 = vector.multi_reduction <minsi>, %select_n3A_196, %reduce_min3A_197 [1] : vector<512x1024xi32> to vector<512xi32>
    %broadcast_in_dim3A_199 = vector.shape_cast %reduce_min3A_198 : vector<512xi32> to vector<512x1xi32>
    %eq3A_200 = vector.broadcast %broadcast_in_dim3A_199 : vector<512x1xi32> to vector<512x1024xi32>
    %eq3A_201 = arith.cmpi eq, %iota3A, %eq3A_200 : vector<512x1024xi32>
    %jit3A_202 = arith.constant 0x7F800000 : f32
    %broadcast_in_dim3A_203 = vector.broadcast %jit3A_202 : f32 to vector<512x1024xf32>
    %select_n3A_204 = arith.select %eq3A_201, %broadcast_in_dim3A_203, %select_n3A_188 : vector<512x1024xi1>, vector<512x1024xf32>
    %reduce_min3A_205 = arith.constant dense<0x7F800000> : vector<512xf32>
    %reduce_min3A_206 = vector.multi_reduction <minimumf>, %select_n3A_204, %reduce_min3A_205 [1] : vector<512x1024xf32> to vector<512xf32>
    %broadcast_in_dim3A_207 = vector.shape_cast %reduce_min3A_206 : vector<512xf32> to vector<512x1xf32>
    %eq3A_208 = vector.broadcast %broadcast_in_dim3A_207 : vector<512x1xf32> to vector<512x1024xf32>
    %eq3A_209 = arith.cmpf oeq, %select_n3A_204, %eq3A_208 : vector<512x1024xf32>
    %jit3A_210 = arith.constant 1024 : i32
    %broadcast_in_dim3A_211 = vector.broadcast %jit3A_210 : i32 to vector<512x1024xi32>
    %select_n3A_212 = arith.select %eq3A_209, %iota3A, %broadcast_in_dim3A_211 : vector<512x1024xi1>, vector<512x1024xi32>
    %reduce_min3A_213 = arith.constant dense<2147483647> : vector<512xi32>
    %reduce_min3A_214 = vector.multi_reduction <minsi>, %select_n3A_212, %reduce_min3A_213 [1] : vector<512x1024xi32> to vector<512xi32>
    %broadcast_in_dim3A_215 = vector.shape_cast %reduce_min3A_214 : vector<512xi32> to vector<512x1xi32>
    %eq3A_216 = vector.broadcast %broadcast_in_dim3A_215 : vector<512x1xi32> to vector<512x1024xi32>
    %eq3A_217 = arith.cmpi eq, %iota3A, %eq3A_216 : vector<512x1024xi32>
    %jit3A_218 = arith.constant 0x7F800000 : f32
    %broadcast_in_dim3A_219 = vector.broadcast %jit3A_218 : f32 to vector<512x1024xf32>
    %select_n3A_220 = arith.select %eq3A_217, %broadcast_in_dim3A_219, %select_n3A_204 : vector<512x1024xi1>, vector<512x1024xf32>
    %reduce_min3A_221 = arith.constant dense<0x7F800000> : vector<512xf32>
    %reduce_min3A_222 = vector.multi_reduction <minimumf>, %select_n3A_220, %reduce_min3A_221 [1] : vector<512x1024xf32> to vector<512xf32>
    %broadcast_in_dim3A_223 = vector.shape_cast %reduce_min3A_222 : vector<512xf32> to vector<512x1xf32>
    %eq3A_224 = vector.broadcast %broadcast_in_dim3A_223 : vector<512x1xf32> to vector<512x1024xf32>
    %eq3A_225 = arith.cmpf oeq, %select_n3A_220, %eq3A_224 : vector<512x1024xf32>
    %jit3A_226 = arith.constant 1024 : i32
    %broadcast_in_dim3A_227 = vector.broadcast %jit3A_226 : i32 to vector<512x1024xi32>
    %select_n3A_228 = arith.select %eq3A_225, %iota3A, %broadcast_in_dim3A_227 : vector<512x1024xi1>, vector<512x1024xi32>
    %reduce_min3A_229 = arith.constant dense<2147483647> : vector<512xi32>
    %reduce_min3A_230 = vector.multi_reduction <minsi>, %select_n3A_228, %reduce_min3A_229 [1] : vector<512x1024xi32> to vector<512xi32>
    %broadcast_in_dim3A_231 = vector.shape_cast %reduce_min3A_230 : vector<512xi32> to vector<512x1xi32>
    %eq3A_232 = vector.broadcast %broadcast_in_dim3A_231 : vector<512x1xi32> to vector<512x1024xi32>
    %eq3A_233 = arith.cmpi eq, %iota3A, %eq3A_232 : vector<512x1024xi32>
    %jit3A_234 = arith.constant 0x7F800000 : f32
    %broadcast_in_dim3A_235 = vector.broadcast %jit3A_234 : f32 to vector<512x1024xf32>
    %select_n3A_236 = arith.select %eq3A_233, %broadcast_in_dim3A_235, %select_n3A_220 : vector<512x1024xi1>, vector<512x1024xf32>
    %reduce_min3A_237 = arith.constant dense<0x7F800000> : vector<512xf32>
    %reduce_min3A_238 = vector.multi_reduction <minimumf>, %select_n3A_236, %reduce_min3A_237 [1] : vector<512x1024xf32> to vector<512xf32>
    %broadcast_in_dim3A_239 = vector.shape_cast %reduce_min3A_238 : vector<512xf32> to vector<512x1xf32>
    %eq3A_240 = vector.broadcast %broadcast_in_dim3A_239 : vector<512x1xf32> to vector<512x1024xf32>
    %eq3A_241 = arith.cmpf oeq, %select_n3A_236, %eq3A_240 : vector<512x1024xf32>
    %jit3A_242 = arith.constant 1024 : i32
    %broadcast_in_dim3A_243 = vector.broadcast %jit3A_242 : i32 to vector<512x1024xi32>
    %select_n3A_244 = arith.select %eq3A_241, %iota3A, %broadcast_in_dim3A_243 : vector<512x1024xi1>, vector<512x1024xi32>
    %reduce_min3A_245 = arith.constant dense<2147483647> : vector<512xi32>
    %reduce_min3A_246 = vector.multi_reduction <minsi>, %select_n3A_244, %reduce_min3A_245 [1] : vector<512x1024xi32> to vector<512xi32>
    %broadcast_in_dim3A_247 = vector.shape_cast %reduce_min3A_246 : vector<512xi32> to vector<512x1xi32>
    %eq3A_248 = vector.broadcast %broadcast_in_dim3A_247 : vector<512x1xi32> to vector<512x1024xi32>
    %eq3A_249 = arith.cmpi eq, %iota3A, %eq3A_248 : vector<512x1024xi32>
    %jit3A_250 = arith.constant 0x7F800000 : f32
    %broadcast_in_dim3A_251 = vector.broadcast %jit3A_250 : f32 to vector<512x1024xf32>
    %select_n3A_252 = arith.select %eq3A_249, %broadcast_in_dim3A_251, %select_n3A_236 : vector<512x1024xi1>, vector<512x1024xf32>
    %reduce_min3A_253 = arith.constant dense<0x7F800000> : vector<512xf32>
    %reduce_min3A_254 = vector.multi_reduction <minimumf>, %select_n3A_252, %reduce_min3A_253 [1] : vector<512x1024xf32> to vector<512xf32>
    %broadcast_in_dim3A_255 = vector.shape_cast %reduce_min3A_254 : vector<512xf32> to vector<512x1xf32>
    %eq3A_256 = vector.broadcast %broadcast_in_dim3A_255 : vector<512x1xf32> to vector<512x1024xf32>
    %eq3A_257 = arith.cmpf oeq, %select_n3A_252, %eq3A_256 : vector<512x1024xf32>
    %jit3A_258 = arith.constant 1024 : i32
    %broadcast_in_dim3A_259 = vector.broadcast %jit3A_258 : i32 to vector<512x1024xi32>
    %select_n3A_260 = arith.select %eq3A_257, %iota3A, %broadcast_in_dim3A_259 : vector<512x1024xi1>, vector<512x1024xi32>
    %reduce_min3A_261 = arith.constant dense<2147483647> : vector<512xi32>
    %reduce_min3A_262 = vector.multi_reduction <minsi>, %select_n3A_260, %reduce_min3A_261 [1] : vector<512x1024xi32> to vector<512xi32>
    %broadcast_in_dim3A_263 = vector.shape_cast %reduce_min3A_262 : vector<512xi32> to vector<512x1xi32>
    %eq3A_264 = vector.broadcast %broadcast_in_dim3A_263 : vector<512x1xi32> to vector<512x1024xi32>
    %eq3A_265 = arith.cmpi eq, %iota3A, %eq3A_264 : vector<512x1024xi32>
    %jit3A_266 = arith.constant 0x7F800000 : f32
    %broadcast_in_dim3A_267 = vector.broadcast %jit3A_266 : f32 to vector<512x1024xf32>
    %select_n3A_268 = arith.select %eq3A_265, %broadcast_in_dim3A_267, %select_n3A_252 : vector<512x1024xi1>, vector<512x1024xf32>
    %reduce_min3A_269 = arith.constant dense<0x7F800000> : vector<512xf32>
    %reduce_min3A_270 = vector.multi_reduction <minimumf>, %select_n3A_268, %reduce_min3A_269 [1] : vector<512x1024xf32> to vector<512xf32>
    %broadcast_in_dim3A_271 = vector.shape_cast %reduce_min3A_270 : vector<512xf32> to vector<512x1xf32>
    %eq3A_272 = vector.broadcast %broadcast_in_dim3A_271 : vector<512x1xf32> to vector<512x1024xf32>
    %eq3A_273 = arith.cmpf oeq, %select_n3A_268, %eq3A_272 : vector<512x1024xf32>
    %jit3A_274 = arith.constant 1024 : i32
    %broadcast_in_dim3A_275 = vector.broadcast %jit3A_274 : i32 to vector<512x1024xi32>
    %select_n3A_276 = arith.select %eq3A_273, %iota3A, %broadcast_in_dim3A_275 : vector<512x1024xi1>, vector<512x1024xi32>
    %reduce_min3A_277 = arith.constant dense<2147483647> : vector<512xi32>
    %reduce_min3A_278 = vector.multi_reduction <minsi>, %select_n3A_276, %reduce_min3A_277 [1] : vector<512x1024xi32> to vector<512xi32>
    %broadcast_in_dim3A_279 = vector.shape_cast %reduce_min3A_278 : vector<512xi32> to vector<512x1xi32>
    %eq3A_280 = vector.broadcast %broadcast_in_dim3A_279 : vector<512x1xi32> to vector<512x1024xi32>
    %eq3A_281 = arith.cmpi eq, %iota3A, %eq3A_280 : vector<512x1024xi32>
    %jit3A_282 = arith.constant 0x7F800000 : f32
    %broadcast_in_dim3A_283 = vector.broadcast %jit3A_282 : f32 to vector<512x1024xf32>
    %select_n3A_284 = arith.select %eq3A_281, %broadcast_in_dim3A_283, %select_n3A_268 : vector<512x1024xi1>, vector<512x1024xf32>
    %reduce_min3A_285 = arith.constant dense<0x7F800000> : vector<512xf32>
    %reduce_min3A_286 = vector.multi_reduction <minimumf>, %select_n3A_284, %reduce_min3A_285 [1] : vector<512x1024xf32> to vector<512xf32>
    %broadcast_in_dim3A_287 = vector.shape_cast %reduce_min3A_286 : vector<512xf32> to vector<512x1xf32>
    %eq3A_288 = vector.broadcast %broadcast_in_dim3A_287 : vector<512x1xf32> to vector<512x1024xf32>
    %eq3A_289 = arith.cmpf oeq, %select_n3A_284, %eq3A_288 : vector<512x1024xf32>
    %jit3A_290 = arith.constant 1024 : i32
    %broadcast_in_dim3A_291 = vector.broadcast %jit3A_290 : i32 to vector<512x1024xi32>
    %select_n3A_292 = arith.select %eq3A_289, %iota3A, %broadcast_in_dim3A_291 : vector<512x1024xi1>, vector<512x1024xi32>
    %reduce_min3A_293 = arith.constant dense<2147483647> : vector<512xi32>
    %reduce_min3A_294 = vector.multi_reduction <minsi>, %select_n3A_292, %reduce_min3A_293 [1] : vector<512x1024xi32> to vector<512xi32>
    %broadcast_in_dim3A_295 = vector.shape_cast %reduce_min3A_294 : vector<512xi32> to vector<512x1xi32>
    %eq3A_296 = vector.broadcast %broadcast_in_dim3A_295 : vector<512x1xi32> to vector<512x1024xi32>
    %eq3A_297 = arith.cmpi eq, %iota3A, %eq3A_296 : vector<512x1024xi32>
    %jit3A_298 = arith.constant 0x7F800000 : f32
    %broadcast_in_dim3A_299 = vector.broadcast %jit3A_298 : f32 to vector<512x1024xf32>
    %select_n3A_300 = arith.select %eq3A_297, %broadcast_in_dim3A_299, %select_n3A_284 : vector<512x1024xi1>, vector<512x1024xf32>
    %reduce_min3A_301 = arith.constant dense<0x7F800000> : vector<512xf32>
    %reduce_min3A_302 = vector.multi_reduction <minimumf>, %select_n3A_300, %reduce_min3A_301 [1] : vector<512x1024xf32> to vector<512xf32>
    %broadcast_in_dim3A_303 = vector.shape_cast %reduce_min3A_302 : vector<512xf32> to vector<512x1xf32>
    %eq3A_304 = vector.broadcast %broadcast_in_dim3A_303 : vector<512x1xf32> to vector<512x1024xf32>
    %eq3A_305 = arith.cmpf oeq, %select_n3A_300, %eq3A_304 : vector<512x1024xf32>
    %jit3A_306 = arith.constant 1024 : i32
    %broadcast_in_dim3A_307 = vector.broadcast %jit3A_306 : i32 to vector<512x1024xi32>
    %select_n3A_308 = arith.select %eq3A_305, %iota3A, %broadcast_in_dim3A_307 : vector<512x1024xi1>, vector<512x1024xi32>
    %reduce_min3A_309 = arith.constant dense<2147483647> : vector<512xi32>
    %reduce_min3A_310 = vector.multi_reduction <minsi>, %select_n3A_308, %reduce_min3A_309 [1] : vector<512x1024xi32> to vector<512xi32>
    %broadcast_in_dim3A_311 = vector.shape_cast %reduce_min3A_310 : vector<512xi32> to vector<512x1xi32>
    %eq3A_312 = vector.broadcast %broadcast_in_dim3A_311 : vector<512x1xi32> to vector<512x1024xi32>
    %eq3A_313 = arith.cmpi eq, %iota3A, %eq3A_312 : vector<512x1024xi32>
    %jit3A_314 = arith.constant 0x7F800000 : f32
    %broadcast_in_dim3A_315 = vector.broadcast %jit3A_314 : f32 to vector<512x1024xf32>
    %select_n3A_316 = arith.select %eq3A_313, %broadcast_in_dim3A_315, %select_n3A_300 : vector<512x1024xi1>, vector<512x1024xf32>
    %reduce_min3A_317 = arith.constant dense<0x7F800000> : vector<512xf32>
    %reduce_min3A_318 = vector.multi_reduction <minimumf>, %select_n3A_316, %reduce_min3A_317 [1] : vector<512x1024xf32> to vector<512xf32>
    %broadcast_in_dim3A_319 = vector.shape_cast %reduce_min3A_318 : vector<512xf32> to vector<512x1xf32>
    %eq3A_320 = vector.broadcast %broadcast_in_dim3A_319 : vector<512x1xf32> to vector<512x1024xf32>
    %eq3A_321 = arith.cmpf oeq, %select_n3A_316, %eq3A_320 : vector<512x1024xf32>
    %jit3A_322 = arith.constant 1024 : i32
    %broadcast_in_dim3A_323 = vector.broadcast %jit3A_322 : i32 to vector<512x1024xi32>
    %select_n3A_324 = arith.select %eq3A_321, %iota3A, %broadcast_in_dim3A_323 : vector<512x1024xi1>, vector<512x1024xi32>
    %reduce_min3A_325 = arith.constant dense<2147483647> : vector<512xi32>
    %reduce_min3A_326 = vector.multi_reduction <minsi>, %select_n3A_324, %reduce_min3A_325 [1] : vector<512x1024xi32> to vector<512xi32>
    %broadcast_in_dim3A_327 = vector.shape_cast %reduce_min3A_326 : vector<512xi32> to vector<512x1xi32>
    %eq3A_328 = vector.broadcast %broadcast_in_dim3A_327 : vector<512x1xi32> to vector<512x1024xi32>
    %eq3A_329 = arith.cmpi eq, %iota3A, %eq3A_328 : vector<512x1024xi32>
    %jit3A_330 = arith.constant 0x7F800000 : f32
    %broadcast_in_dim3A_331 = vector.broadcast %jit3A_330 : f32 to vector<512x1024xf32>
    %select_n3A_332 = arith.select %eq3A_329, %broadcast_in_dim3A_331, %select_n3A_316 : vector<512x1024xi1>, vector<512x1024xf32>
    %reduce_min3A_333 = arith.constant dense<0x7F800000> : vector<512xf32>
    %reduce_min3A_334 = vector.multi_reduction <minimumf>, %select_n3A_332, %reduce_min3A_333 [1] : vector<512x1024xf32> to vector<512xf32>
    %broadcast_in_dim3A_335 = vector.shape_cast %reduce_min3A_334 : vector<512xf32> to vector<512x1xf32>
    %eq3A_336 = vector.broadcast %broadcast_in_dim3A_335 : vector<512x1xf32> to vector<512x1024xf32>
    %eq3A_337 = arith.cmpf oeq, %select_n3A_332, %eq3A_336 : vector<512x1024xf32>
    %jit3A_338 = arith.constant 1024 : i32
    %broadcast_in_dim3A_339 = vector.broadcast %jit3A_338 : i32 to vector<512x1024xi32>
    %select_n3A_340 = arith.select %eq3A_337, %iota3A, %broadcast_in_dim3A_339 : vector<512x1024xi1>, vector<512x1024xi32>
    %reduce_min3A_341 = arith.constant dense<2147483647> : vector<512xi32>
    %reduce_min3A_342 = vector.multi_reduction <minsi>, %select_n3A_340, %reduce_min3A_341 [1] : vector<512x1024xi32> to vector<512xi32>
    %broadcast_in_dim3A_343 = vector.shape_cast %reduce_min3A_342 : vector<512xi32> to vector<512x1xi32>
    %eq3A_344 = vector.broadcast %broadcast_in_dim3A_343 : vector<512x1xi32> to vector<512x1024xi32>
    %eq3A_345 = arith.cmpi eq, %iota3A, %eq3A_344 : vector<512x1024xi32>
    %jit3A_346 = arith.constant 0x7F800000 : f32
    %broadcast_in_dim3A_347 = vector.broadcast %jit3A_346 : f32 to vector<512x1024xf32>
    %select_n3A_348 = arith.select %eq3A_345, %broadcast_in_dim3A_347, %select_n3A_332 : vector<512x1024xi1>, vector<512x1024xf32>
    %reduce_min3A_349 = arith.constant dense<0x7F800000> : vector<512xf32>
    %reduce_min3A_350 = vector.multi_reduction <minimumf>, %select_n3A_348, %reduce_min3A_349 [1] : vector<512x1024xf32> to vector<512xf32>
    %broadcast_in_dim3A_351 = vector.shape_cast %reduce_min3A_350 : vector<512xf32> to vector<512x1xf32>
    %eq3A_352 = vector.broadcast %broadcast_in_dim3A_351 : vector<512x1xf32> to vector<512x1024xf32>
    %eq3A_353 = arith.cmpf oeq, %select_n3A_348, %eq3A_352 : vector<512x1024xf32>
    %jit3A_354 = arith.constant 1024 : i32
    %broadcast_in_dim3A_355 = vector.broadcast %jit3A_354 : i32 to vector<512x1024xi32>
    %select_n3A_356 = arith.select %eq3A_353, %iota3A, %broadcast_in_dim3A_355 : vector<512x1024xi1>, vector<512x1024xi32>
    %reduce_min3A_357 = arith.constant dense<2147483647> : vector<512xi32>
    %reduce_min3A_358 = vector.multi_reduction <minsi>, %select_n3A_356, %reduce_min3A_357 [1] : vector<512x1024xi32> to vector<512xi32>
    %broadcast_in_dim3A_359 = vector.shape_cast %reduce_min3A_358 : vector<512xi32> to vector<512x1xi32>
    %eq3A_360 = vector.broadcast %broadcast_in_dim3A_359 : vector<512x1xi32> to vector<512x1024xi32>
    %eq3A_361 = arith.cmpi eq, %iota3A, %eq3A_360 : vector<512x1024xi32>
    %jit3A_362 = arith.constant 0x7F800000 : f32
    %broadcast_in_dim3A_363 = vector.broadcast %jit3A_362 : f32 to vector<512x1024xf32>
    %select_n3A_364 = arith.select %eq3A_361, %broadcast_in_dim3A_363, %select_n3A_348 : vector<512x1024xi1>, vector<512x1024xf32>
    %reduce_min3A_365 = arith.constant dense<0x7F800000> : vector<512xf32>
    %reduce_min3A_366 = vector.multi_reduction <minimumf>, %select_n3A_364, %reduce_min3A_365 [1] : vector<512x1024xf32> to vector<512xf32>
    %broadcast_in_dim3A_367 = vector.shape_cast %reduce_min3A_366 : vector<512xf32> to vector<512x1xf32>
    %eq3A_368 = vector.broadcast %broadcast_in_dim3A_367 : vector<512x1xf32> to vector<512x1024xf32>
    %eq3A_369 = arith.cmpf oeq, %select_n3A_364, %eq3A_368 : vector<512x1024xf32>
    %jit3A_370 = arith.constant 1024 : i32
    %broadcast_in_dim3A_371 = vector.broadcast %jit3A_370 : i32 to vector<512x1024xi32>
    %select_n3A_372 = arith.select %eq3A_369, %iota3A, %broadcast_in_dim3A_371 : vector<512x1024xi1>, vector<512x1024xi32>
    %reduce_min3A_373 = arith.constant dense<2147483647> : vector<512xi32>
    %reduce_min3A_374 = vector.multi_reduction <minsi>, %select_n3A_372, %reduce_min3A_373 [1] : vector<512x1024xi32> to vector<512xi32>
    %broadcast_in_dim3A_375 = vector.shape_cast %reduce_min3A_374 : vector<512xi32> to vector<512x1xi32>
    %eq3A_376 = vector.broadcast %broadcast_in_dim3A_375 : vector<512x1xi32> to vector<512x1024xi32>
    %eq3A_377 = arith.cmpi eq, %iota3A, %eq3A_376 : vector<512x1024xi32>
    %jit3A_378 = arith.constant 0x7F800000 : f32
    %broadcast_in_dim3A_379 = vector.broadcast %jit3A_378 : f32 to vector<512x1024xf32>
    %select_n3A_380 = arith.select %eq3A_377, %broadcast_in_dim3A_379, %select_n3A_364 : vector<512x1024xi1>, vector<512x1024xf32>
    %reduce_min3A_381 = arith.constant dense<0x7F800000> : vector<512xf32>
    %reduce_min3A_382 = vector.multi_reduction <minimumf>, %select_n3A_380, %reduce_min3A_381 [1] : vector<512x1024xf32> to vector<512xf32>
    %broadcast_in_dim3A_383 = vector.shape_cast %reduce_min3A_382 : vector<512xf32> to vector<512x1xf32>
    %eq3A_384 = vector.broadcast %broadcast_in_dim3A_383 : vector<512x1xf32> to vector<512x1024xf32>
    %eq3A_385 = arith.cmpf oeq, %select_n3A_380, %eq3A_384 : vector<512x1024xf32>
    %jit3A_386 = arith.constant 1024 : i32
    %broadcast_in_dim3A_387 = vector.broadcast %jit3A_386 : i32 to vector<512x1024xi32>
    %select_n3A_388 = arith.select %eq3A_385, %iota3A, %broadcast_in_dim3A_387 : vector<512x1024xi1>, vector<512x1024xi32>
    %reduce_min3A_389 = arith.constant dense<2147483647> : vector<512xi32>
    %reduce_min3A_390 = vector.multi_reduction <minsi>, %select_n3A_388, %reduce_min3A_389 [1] : vector<512x1024xi32> to vector<512xi32>
    %broadcast_in_dim3A_391 = vector.shape_cast %reduce_min3A_390 : vector<512xi32> to vector<512x1xi32>
    %eq3A_392 = vector.broadcast %broadcast_in_dim3A_391 : vector<512x1xi32> to vector<512x1024xi32>
    %eq3A_393 = arith.cmpi eq, %iota3A, %eq3A_392 : vector<512x1024xi32>
    %jit3A_394 = arith.constant 0x7F800000 : f32
    %broadcast_in_dim3A_395 = vector.broadcast %jit3A_394 : f32 to vector<512x1024xf32>
    %select_n3A_396 = arith.select %eq3A_393, %broadcast_in_dim3A_395, %select_n3A_380 : vector<512x1024xi1>, vector<512x1024xf32>
    %reduce_min3A_397 = arith.constant dense<0x7F800000> : vector<512xf32>
    %reduce_min3A_398 = vector.multi_reduction <minimumf>, %select_n3A_396, %reduce_min3A_397 [1] : vector<512x1024xf32> to vector<512xf32>
    %broadcast_in_dim3A_399 = vector.shape_cast %reduce_min3A_398 : vector<512xf32> to vector<512x1xf32>
    %eq3A_400 = vector.broadcast %broadcast_in_dim3A_399 : vector<512x1xf32> to vector<512x1024xf32>
    %eq3A_401 = arith.cmpf oeq, %select_n3A_396, %eq3A_400 : vector<512x1024xf32>
    %jit3A_402 = arith.constant 1024 : i32
    %broadcast_in_dim3A_403 = vector.broadcast %jit3A_402 : i32 to vector<512x1024xi32>
    %select_n3A_404 = arith.select %eq3A_401, %iota3A, %broadcast_in_dim3A_403 : vector<512x1024xi1>, vector<512x1024xi32>
    %reduce_min3A_405 = arith.constant dense<2147483647> : vector<512xi32>
    %reduce_min3A_406 = vector.multi_reduction <minsi>, %select_n3A_404, %reduce_min3A_405 [1] : vector<512x1024xi32> to vector<512xi32>
    %broadcast_in_dim3A_407 = vector.shape_cast %reduce_min3A_406 : vector<512xi32> to vector<512x1xi32>
    %eq3A_408 = vector.broadcast %broadcast_in_dim3A_407 : vector<512x1xi32> to vector<512x1024xi32>
    %eq3A_409 = arith.cmpi eq, %iota3A, %eq3A_408 : vector<512x1024xi32>
    %jit3A_410 = arith.constant 0x7F800000 : f32
    %broadcast_in_dim3A_411 = vector.broadcast %jit3A_410 : f32 to vector<512x1024xf32>
    %select_n3A_412 = arith.select %eq3A_409, %broadcast_in_dim3A_411, %select_n3A_396 : vector<512x1024xi1>, vector<512x1024xf32>
    %reduce_min3A_413 = arith.constant dense<0x7F800000> : vector<512xf32>
    %reduce_min3A_414 = vector.multi_reduction <minimumf>, %select_n3A_412, %reduce_min3A_413 [1] : vector<512x1024xf32> to vector<512xf32>
    %broadcast_in_dim3A_415 = vector.shape_cast %reduce_min3A_414 : vector<512xf32> to vector<512x1xf32>
    %eq3A_416 = vector.broadcast %broadcast_in_dim3A_415 : vector<512x1xf32> to vector<512x1024xf32>
    %eq3A_417 = arith.cmpf oeq, %select_n3A_412, %eq3A_416 : vector<512x1024xf32>
    %jit3A_418 = arith.constant 1024 : i32
    %broadcast_in_dim3A_419 = vector.broadcast %jit3A_418 : i32 to vector<512x1024xi32>
    %select_n3A_420 = arith.select %eq3A_417, %iota3A, %broadcast_in_dim3A_419 : vector<512x1024xi1>, vector<512x1024xi32>
    %reduce_min3A_421 = arith.constant dense<2147483647> : vector<512xi32>
    %reduce_min3A_422 = vector.multi_reduction <minsi>, %select_n3A_420, %reduce_min3A_421 [1] : vector<512x1024xi32> to vector<512xi32>
    %broadcast_in_dim3A_423 = vector.shape_cast %reduce_min3A_422 : vector<512xi32> to vector<512x1xi32>
    %eq3A_424 = vector.broadcast %broadcast_in_dim3A_423 : vector<512x1xi32> to vector<512x1024xi32>
    %eq3A_425 = arith.cmpi eq, %iota3A, %eq3A_424 : vector<512x1024xi32>
    %jit3A_426 = arith.constant 0x7F800000 : f32
    %broadcast_in_dim3A_427 = vector.broadcast %jit3A_426 : f32 to vector<512x1024xf32>
    %select_n3A_428 = arith.select %eq3A_425, %broadcast_in_dim3A_427, %select_n3A_412 : vector<512x1024xi1>, vector<512x1024xf32>
    %reduce_min3A_429 = arith.constant dense<0x7F800000> : vector<512xf32>
    %reduce_min3A_430 = vector.multi_reduction <minimumf>, %select_n3A_428, %reduce_min3A_429 [1] : vector<512x1024xf32> to vector<512xf32>
    %broadcast_in_dim3A_431 = vector.shape_cast %reduce_min3A_430 : vector<512xf32> to vector<512x1xf32>
    %eq3A_432 = vector.broadcast %broadcast_in_dim3A_431 : vector<512x1xf32> to vector<512x1024xf32>
    %eq3A_433 = arith.cmpf oeq, %select_n3A_428, %eq3A_432 : vector<512x1024xf32>
    %jit3A_434 = arith.constant 1024 : i32
    %broadcast_in_dim3A_435 = vector.broadcast %jit3A_434 : i32 to vector<512x1024xi32>
    %select_n3A_436 = arith.select %eq3A_433, %iota3A, %broadcast_in_dim3A_435 : vector<512x1024xi1>, vector<512x1024xi32>
    %reduce_min3A_437 = arith.constant dense<2147483647> : vector<512xi32>
    %reduce_min3A_438 = vector.multi_reduction <minsi>, %select_n3A_436, %reduce_min3A_437 [1] : vector<512x1024xi32> to vector<512xi32>
    %broadcast_in_dim3A_439 = vector.shape_cast %reduce_min3A_438 : vector<512xi32> to vector<512x1xi32>
    %eq3A_440 = vector.broadcast %broadcast_in_dim3A_439 : vector<512x1xi32> to vector<512x1024xi32>
    %eq3A_441 = arith.cmpi eq, %iota3A, %eq3A_440 : vector<512x1024xi32>
    %jit3A_442 = arith.constant 0x7F800000 : f32
    %broadcast_in_dim3A_443 = vector.broadcast %jit3A_442 : f32 to vector<512x1024xf32>
    %select_n3A_444 = arith.select %eq3A_441, %broadcast_in_dim3A_443, %select_n3A_428 : vector<512x1024xi1>, vector<512x1024xf32>
    %reduce_min3A_445 = arith.constant dense<0x7F800000> : vector<512xf32>
    %reduce_min3A_446 = vector.multi_reduction <minimumf>, %select_n3A_444, %reduce_min3A_445 [1] : vector<512x1024xf32> to vector<512xf32>
    %broadcast_in_dim3A_447 = vector.shape_cast %reduce_min3A_446 : vector<512xf32> to vector<512x1xf32>
    %eq3A_448 = vector.broadcast %broadcast_in_dim3A_447 : vector<512x1xf32> to vector<512x1024xf32>
    %eq3A_449 = arith.cmpf oeq, %select_n3A_444, %eq3A_448 : vector<512x1024xf32>
    %jit3A_450 = arith.constant 1024 : i32
    %broadcast_in_dim3A_451 = vector.broadcast %jit3A_450 : i32 to vector<512x1024xi32>
    %select_n3A_452 = arith.select %eq3A_449, %iota3A, %broadcast_in_dim3A_451 : vector<512x1024xi1>, vector<512x1024xi32>
    %reduce_min3A_453 = arith.constant dense<2147483647> : vector<512xi32>
    %reduce_min3A_454 = vector.multi_reduction <minsi>, %select_n3A_452, %reduce_min3A_453 [1] : vector<512x1024xi32> to vector<512xi32>
    %broadcast_in_dim3A_455 = vector.shape_cast %reduce_min3A_454 : vector<512xi32> to vector<512x1xi32>
    %eq3A_456 = vector.broadcast %broadcast_in_dim3A_455 : vector<512x1xi32> to vector<512x1024xi32>
    %eq3A_457 = arith.cmpi eq, %iota3A, %eq3A_456 : vector<512x1024xi32>
    %jit3A_458 = arith.constant 0x7F800000 : f32
    %broadcast_in_dim3A_459 = vector.broadcast %jit3A_458 : f32 to vector<512x1024xf32>
    %select_n3A_460 = arith.select %eq3A_457, %broadcast_in_dim3A_459, %select_n3A_444 : vector<512x1024xi1>, vector<512x1024xf32>
    %reduce_min3A_461 = arith.constant dense<0x7F800000> : vector<512xf32>
    %reduce_min3A_462 = vector.multi_reduction <minimumf>, %select_n3A_460, %reduce_min3A_461 [1] : vector<512x1024xf32> to vector<512xf32>
    %broadcast_in_dim3A_463 = vector.shape_cast %reduce_min3A_462 : vector<512xf32> to vector<512x1xf32>
    %eq3A_464 = vector.broadcast %broadcast_in_dim3A_463 : vector<512x1xf32> to vector<512x1024xf32>
    %eq3A_465 = arith.cmpf oeq, %select_n3A_460, %eq3A_464 : vector<512x1024xf32>
    %jit3A_466 = arith.constant 1024 : i32
    %broadcast_in_dim3A_467 = vector.broadcast %jit3A_466 : i32 to vector<512x1024xi32>
    %select_n3A_468 = arith.select %eq3A_465, %iota3A, %broadcast_in_dim3A_467 : vector<512x1024xi1>, vector<512x1024xi32>
    %reduce_min3A_469 = arith.constant dense<2147483647> : vector<512xi32>
    %reduce_min3A_470 = vector.multi_reduction <minsi>, %select_n3A_468, %reduce_min3A_469 [1] : vector<512x1024xi32> to vector<512xi32>
    %broadcast_in_dim3A_471 = vector.shape_cast %reduce_min3A_470 : vector<512xi32> to vector<512x1xi32>
    %eq3A_472 = vector.broadcast %broadcast_in_dim3A_471 : vector<512x1xi32> to vector<512x1024xi32>
    %eq3A_473 = arith.cmpi eq, %iota3A, %eq3A_472 : vector<512x1024xi32>
    %jit3A_474 = arith.constant 0x7F800000 : f32
    %broadcast_in_dim3A_475 = vector.broadcast %jit3A_474 : f32 to vector<512x1024xf32>
    %select_n3A_476 = arith.select %eq3A_473, %broadcast_in_dim3A_475, %select_n3A_460 : vector<512x1024xi1>, vector<512x1024xf32>
    %reduce_min3A_477 = arith.constant dense<0x7F800000> : vector<512xf32>
    %reduce_min3A_478 = vector.multi_reduction <minimumf>, %select_n3A_476, %reduce_min3A_477 [1] : vector<512x1024xf32> to vector<512xf32>
    %broadcast_in_dim3A_479 = vector.shape_cast %reduce_min3A_478 : vector<512xf32> to vector<512x1xf32>
    %eq3A_480 = vector.broadcast %broadcast_in_dim3A_479 : vector<512x1xf32> to vector<512x1024xf32>
    %eq3A_481 = arith.cmpf oeq, %select_n3A_476, %eq3A_480 : vector<512x1024xf32>
    %jit3A_482 = arith.constant 1024 : i32
    %broadcast_in_dim3A_483 = vector.broadcast %jit3A_482 : i32 to vector<512x1024xi32>
    %select_n3A_484 = arith.select %eq3A_481, %iota3A, %broadcast_in_dim3A_483 : vector<512x1024xi1>, vector<512x1024xi32>
    %reduce_min3A_485 = arith.constant dense<2147483647> : vector<512xi32>
    %reduce_min3A_486 = vector.multi_reduction <minsi>, %select_n3A_484, %reduce_min3A_485 [1] : vector<512x1024xi32> to vector<512xi32>
    %broadcast_in_dim3A_487 = vector.shape_cast %reduce_min3A_486 : vector<512xi32> to vector<512x1xi32>
    %eq3A_488 = vector.broadcast %broadcast_in_dim3A_487 : vector<512x1xi32> to vector<512x1024xi32>
    %eq3A_489 = arith.cmpi eq, %iota3A, %eq3A_488 : vector<512x1024xi32>
    %jit3A_490 = arith.constant 0x7F800000 : f32
    %broadcast_in_dim3A_491 = vector.broadcast %jit3A_490 : f32 to vector<512x1024xf32>
    %select_n3A_492 = arith.select %eq3A_489, %broadcast_in_dim3A_491, %select_n3A_476 : vector<512x1024xi1>, vector<512x1024xf32>
    %reduce_min3A_493 = arith.constant dense<0x7F800000> : vector<512xf32>
    %reduce_min3A_494 = vector.multi_reduction <minimumf>, %select_n3A_492, %reduce_min3A_493 [1] : vector<512x1024xf32> to vector<512xf32>
    %broadcast_in_dim3A_495 = vector.shape_cast %reduce_min3A_494 : vector<512xf32> to vector<512x1xf32>
    %eq3A_496 = vector.broadcast %broadcast_in_dim3A_495 : vector<512x1xf32> to vector<512x1024xf32>
    %eq3A_497 = arith.cmpf oeq, %select_n3A_492, %eq3A_496 : vector<512x1024xf32>
    %jit3A_498 = arith.constant 1024 : i32
    %broadcast_in_dim3A_499 = vector.broadcast %jit3A_498 : i32 to vector<512x1024xi32>
    %select_n3A_500 = arith.select %eq3A_497, %iota3A, %broadcast_in_dim3A_499 : vector<512x1024xi1>, vector<512x1024xi32>
    %reduce_min3A_501 = arith.constant dense<2147483647> : vector<512xi32>
    %reduce_min3A_502 = vector.multi_reduction <minsi>, %select_n3A_500, %reduce_min3A_501 [1] : vector<512x1024xi32> to vector<512xi32>
    %broadcast_in_dim3A_503 = vector.shape_cast %reduce_min3A_502 : vector<512xi32> to vector<512x1xi32>
    %eq3A_504 = vector.broadcast %broadcast_in_dim3A_503 : vector<512x1xi32> to vector<512x1024xi32>
    %eq3A_505 = arith.cmpi eq, %iota3A, %eq3A_504 : vector<512x1024xi32>
    %jit3A_506 = arith.constant 0x7F800000 : f32
    %broadcast_in_dim3A_507 = vector.broadcast %jit3A_506 : f32 to vector<512x1024xf32>
    %select_n3A_508 = arith.select %eq3A_505, %broadcast_in_dim3A_507, %select_n3A_492 : vector<512x1024xi1>, vector<512x1024xf32>
    %reduce_min3A_509 = arith.constant dense<0x7F800000> : vector<512xf32>
    %reduce_min3A_510 = vector.multi_reduction <minimumf>, %select_n3A_508, %reduce_min3A_509 [1] : vector<512x1024xf32> to vector<512xf32>
    %broadcast_in_dim3A_511 = vector.shape_cast %reduce_min3A_510 : vector<512xf32> to vector<512x1xf32>
    %eq3A_512 = vector.broadcast %broadcast_in_dim3A_511 : vector<512x1xf32> to vector<512x1024xf32>
    %eq3A_513 = arith.cmpf oeq, %select_n3A_508, %eq3A_512 : vector<512x1024xf32>
    %jit3A_514 = arith.constant 1024 : i32
    %broadcast_in_dim3A_515 = vector.broadcast %jit3A_514 : i32 to vector<512x1024xi32>
    %select_n3A_516 = arith.select %eq3A_513, %iota3A, %broadcast_in_dim3A_515 : vector<512x1024xi1>, vector<512x1024xi32>
    %reduce_min3A_517 = arith.constant dense<2147483647> : vector<512xi32>
    %reduce_min3A_518 = vector.multi_reduction <minsi>, %select_n3A_516, %reduce_min3A_517 [1] : vector<512x1024xi32> to vector<512xi32>
    %broadcast_in_dim3A_519 = vector.shape_cast %reduce_min3A_518 : vector<512xi32> to vector<512x1xi32>
    %concatenate3A = tpu.concatenate %broadcast_in_dim3A_23, %broadcast_in_dim3A_39, %broadcast_in_dim3A_55, %broadcast_in_dim3A_71, %broadcast_in_dim3A_87, %broadcast_in_dim3A_103, %broadcast_in_dim3A_119, %broadcast_in_dim3A_135, %broadcast_in_dim3A_151, %broadcast_in_dim3A_167, %broadcast_in_dim3A_183, %broadcast_in_dim3A_199, %broadcast_in_dim3A_215, %broadcast_in_dim3A_231, %broadcast_in_dim3A_247, %broadcast_in_dim3A_263, %broadcast_in_dim3A_279, %broadcast_in_dim3A_295, %broadcast_in_dim3A_311, %broadcast_in_dim3A_327, %broadcast_in_dim3A_343, %broadcast_in_dim3A_359, %broadcast_in_dim3A_375, %broadcast_in_dim3A_391, %broadcast_in_dim3A_407, %broadcast_in_dim3A_423, %broadcast_in_dim3A_439, %broadcast_in_dim3A_455, %broadcast_in_dim3A_471, %broadcast_in_dim3A_487, %broadcast_in_dim3A_503, %broadcast_in_dim3A_519 in 1 : vector<512x1xi32>, vector<512x1xi32>, vector<512x1xi32>, vector<512x1xi32>, vector<512x1xi32>, vector<512x1xi32>, vector<512x1xi32>, vector<512x1xi32>, vector<512x1xi32>, vector<512x1xi32>, vector<512x1xi32>, vector<512x1xi32>, vector<512x1xi32>, vector<512x1xi32>, vector<512x1xi32>, vector<512x1xi32>, vector<512x1xi32>, vector<512x1xi32>, vector<512x1xi32>, vector<512x1xi32>, vector<512x1xi32>, vector<512x1xi32>, vector<512x1xi32>, vector<512x1xi32>, vector<512x1xi32>, vector<512x1xi32>, vector<512x1xi32>, vector<512x1xi32>, vector<512x1xi32>, vector<512x1xi32>, vector<512x1xi32>, vector<512x1xi32> -> vector<512x32xi32>
    %swap3A = arith.constant 0 : index
    %swap3A_520 = arith.constant 0 : index
    %swap3A_521 = arith.constant 0 : index
    %swap3A_522 = vector.load %arg4[%swap3A, %swap3A_520, %swap3A_521] : memref<1x512x32xi32, #tpu.memory_space<vmem>>, vector<1x512x32xi32>
    %swap3A_523 = vector.shape_cast %swap3A_522 : vector<1x512x32xi32> to vector<512x32xi32>
    %swap3A_524 = vector.shape_cast %concatenate3A : vector<512x32xi32> to vector<1x512x32xi32>
    tpu.vector_store %arg4[%swap3A, %swap3A_520, %swap3A_521], %swap3A_524 {strides = array<i32>} : memref<1x512x32xi32, #tpu.memory_space<vmem>>, vector<1x512x32xi32>,
    %concatenate3A_525 = tpu.concatenate %broadcast_in_dim3A, %broadcast_in_dim3A_31, %broadcast_in_dim3A_47, %broadcast_in_dim3A_63, %broadcast_in_dim3A_79, %broadcast_in_dim3A_95, %broadcast_in_dim3A_111, %broadcast_in_dim3A_127, %broadcast_in_dim3A_143, %broadcast_in_dim3A_159, %broadcast_in_dim3A_175, %broadcast_in_dim3A_191, %broadcast_in_dim3A_207, %broadcast_in_dim3A_223, %broadcast_in_dim3A_239, %broadcast_in_dim3A_255, %broadcast_in_dim3A_271, %broadcast_in_dim3A_287, %broadcast_in_dim3A_303, %broadcast_in_dim3A_319, %broadcast_in_dim3A_335, %broadcast_in_dim3A_351, %broadcast_in_dim3A_367, %broadcast_in_dim3A_383, %broadcast_in_dim3A_399, %broadcast_in_dim3A_415, %broadcast_in_dim3A_431, %broadcast_in_dim3A_447, %broadcast_in_dim3A_463, %broadcast_in_dim3A_479, %broadcast_in_dim3A_495, %broadcast_in_dim3A_511 in 1 : vector<512x1xf32>, vector<512x1xf32>, vector<512x1xf32>, vector<512x1xf32>, vector<512x1xf32>, vector<512x1xf32>, vector<512x1xf32>, vector<512x1xf32>, vector<512x1xf32>, vector<512x1xf32>, vector<512x1xf32>, vector<512x1xf32>, vector<512x1xf32>, vector<512x1xf32>, vector<512x1xf32>, vector<512x1xf32>, vector<512x1xf32>, vector<512x1xf32>, vector<512x1xf32>, vector<512x1xf32>, vector<512x1xf32>, vector<512x1xf32>, vector<512x1xf32>, vector<512x1xf32>, vector<512x1xf32>, vector<512x1xf32>, vector<512x1xf32>, vector<512x1xf32>, vector<512x1xf32>, vector<512x1xf32>, vector<512x1xf32>, vector<512x1xf32> -> vector<512x32xf32>
    %swap3A_526 = arith.constant 0 : index
    %swap3A_527 = arith.constant 0 : index
    %swap3A_528 = arith.constant 0 : index
    %swap3A_529 = vector.load %arg5[%swap3A_526, %swap3A_527, %swap3A_528] : memref<1x512x32xf32, #tpu.memory_space<vmem>>, vector<1x512x32xf32>
    %swap3A_530 = vector.shape_cast %swap3A_529 : vector<1x512x32xf32> to vector<512x32xf32>
    %swap3A_531 = vector.shape_cast %concatenate3A_525 : vector<512x32xf32> to vector<1x512x32xf32>
    tpu.vector_store %arg5[%swap3A_526, %swap3A_527, %swap3A_528], %swap3A_531 {strides = array<i32>} : memref<1x512x32xf32, #tpu.memory_space<vmem>>, vector<1x512x32xf32>,
    return
  }
  func.func @transform_0(%arg0: i32, %arg1: i32) -> (i32, i32, i32) {
    %c0_i32 = arith.constant 0 : i32
    %c0_i32_0 = arith.constant 0 : i32
    return %arg0, %arg1, %c0_i32 : i32, i32, i32
  }
  func.func @transform_1(%arg0: i32, %arg1: i32) -> (i32, i32, i32) {
    %c0_i32 = arith.constant 0 : i32
    %c0_i32_0 = arith.constant 0 : i32
    %c0_i32_1 = arith.constant 0 : i32
    return %arg0, %c0_i32, %c0_i32_0 : i32, i32, i32
  }
  func.func @transform_2(%arg0: i32, %arg1: i32) -> (i32, i32, i32) {
    %c0_i32 = arith.constant 0 : i32
    %c0_i32_0 = arith.constant 0 : i32
    return %arg0, %arg1, %c0_i32 : i32, i32, i32
  }
  func.func @transform_3(%arg0: i32, %arg1: i32) -> (i32, i32, i32) {
    %c0_i32 = arith.constant 0 : i32
    %c0_i32_0 = arith.constant 0 : i32
    return %arg0, %arg1, %c0_i32 : i32, i32, i32
  }
}

module attributes {stable_mosaic.version = 14 : i64} {
  func.func @_radius_conv_body(%arg0: i32, %arg1: i32, %arg2: memref<1x1024x64xf32, #tpu.memory_space<vmem>>, %arg3: memref<1x1024x64xf32, #tpu.memory_space<vmem>>, %arg4: memref<1x1024x32xi32, #tpu.memory_space<vmem>>, %arg5: memref<1x1024x32xf32, #tpu.memory_space<vmem>>, %arg6: memref<64x64xf32, #tpu.memory_space<vmem>>, %arg7: memref<1x64xf32, #tpu.memory_space<vmem>>, %arg8: memref<64x128xf32, #tpu.memory_space<vmem>>, %arg9: memref<1x128xf32, #tpu.memory_space<vmem>>, %arg10: memref<1x1024x128xf32, #tpu.memory_space<vmem>>) attributes {dimension_semantics = [#tpu.dimension_semantics<arbitrary>, #tpu.dimension_semantics<arbitrary>], iteration_bounds = array<i64: 8, 1>, scalar_prefetch = 0 : i64, scratch_operands = 0 : i64, tpu.core_type = #tpu.core_type<tc>, window_params = [{transform_indices = @transform_0, window_bounds = array<i64: 1, 1024, 64>}, {transform_indices = @transform_1, window_bounds = array<i64: 1, 1024, 64>}, {transform_indices = @transform_2, window_bounds = array<i64: 1, 1024, 32>}, {transform_indices = @transform_3, window_bounds = array<i64: 1, 1024, 32>}, {pipeline_mode = #tpu.pipeline_mode<synchronous>, transform_indices = @transform_4, window_bounds = array<i64: 64, 64>}, {pipeline_mode = #tpu.pipeline_mode<synchronous>, transform_indices = @transform_5, window_bounds = array<i64: 1, 64>}, {pipeline_mode = #tpu.pipeline_mode<synchronous>, transform_indices = @transform_6, window_bounds = array<i64: 64, 128>}, {pipeline_mode = #tpu.pipeline_mode<synchronous>, transform_indices = @transform_7, window_bounds = array<i64: 1, 128>}, {transform_indices = @transform_8, window_bounds = array<i64: 1, 1024, 128>}]} {
    %get3A = arith.constant 0 : index
    %get3A_0 = arith.constant 0 : index
    %get3A_1 = arith.constant 0 : index
    %get3A_2 = vector.load %arg2[%get3A, %get3A_0, %get3A_1] : memref<1x1024x64xf32, #tpu.memory_space<vmem>>, vector<1x1024x64xf32>
    %get3A_3 = vector.shape_cast %get3A_2 : vector<1x1024x64xf32> to vector<1024x64xf32>
    %get3A_4 = arith.constant 0 : index
    %get3A_5 = arith.constant 0 : index
    %get3A_6 = arith.constant 0 : index
    %get3A_7 = vector.load %arg3[%get3A_4, %get3A_5, %get3A_6] : memref<1x1024x64xf32, #tpu.memory_space<vmem>>, vector<1x1024x64xf32>
    %get3A_8 = vector.shape_cast %get3A_7 : vector<1x1024x64xf32> to vector<1024x64xf32>
    %get3A_9 = arith.constant 0 : index
    %get3A_10 = arith.constant 0 : index
    %get3A_11 = arith.constant 0 : index
    %get3A_12 = vector.load %arg4[%get3A_9, %get3A_10, %get3A_11] : memref<1x1024x32xi32, #tpu.memory_space<vmem>>, vector<1x1024x32xi32>
    %get3A_13 = vector.shape_cast %get3A_12 : vector<1x1024x32xi32> to vector<1024x32xi32>
    %get3A_14 = arith.constant 0 : index
    %get3A_15 = arith.constant 0 : index
    %get3A_16 = arith.constant 0 : index
    %get3A_17 = vector.load %arg5[%get3A_14, %get3A_15, %get3A_16] : memref<1x1024x32xf32, #tpu.memory_space<vmem>>, vector<1x1024x32xf32>
    %get3A_18 = vector.shape_cast %get3A_17 : vector<1x1024x32xf32> to vector<1024x32xf32>
    %get3A_19 = arith.constant 0 : index
    %get3A_20 = arith.constant 0 : index
    %get3A_21 = vector.load %arg6[%get3A_19, %get3A_20] : memref<64x64xf32, #tpu.memory_space<vmem>>, vector<64x64xf32>
    %get3A_22 = arith.constant 0 : index
    %get3A_23 = arith.constant 0 : index
    %get3A_24 = vector.load %arg7[%get3A_22, %get3A_23] : memref<1x64xf32, #tpu.memory_space<vmem>>, vector<1x64xf32>
    %get3A_25 = arith.constant 0 : index
    %get3A_26 = arith.constant 0 : index
    %get3A_27 = vector.load %arg8[%get3A_25, %get3A_26] : memref<64x128xf32, #tpu.memory_space<vmem>>, vector<64x128xf32>
    %get3A_28 = arith.constant 0 : index
    %get3A_29 = arith.constant 0 : index
    %get3A_30 = vector.load %arg9[%get3A_28, %get3A_29] : memref<1x128xf32, #tpu.memory_space<vmem>>, vector<1x128xf32>
    %iota3A = tpu.iota {dimensions = array<i32: 1>} : vector<1024x1024xi32>
    %convert_element_type3A = arith.truncf %get3A_3 : vector<1024x64xf32> to vector<1024x64xbf16>
    %convert_element_type3A_31 = arith.extf %convert_element_type3A : vector<1024x64xbf16> to vector<1024x64xf32>
    %sub3A = arith.subf %get3A_3, %convert_element_type3A_31 : vector<1024x64xf32>
    %convert_element_type3A_32 = arith.truncf %sub3A : vector<1024x64xf32> to vector<1024x64xbf16>
    %broadcast_in_dim3A = arith.constant 0xFF800000 : f32
    %broadcast_in_dim3A_33 = vector.broadcast %broadcast_in_dim3A : f32 to vector<1024x128xf32>
    %slice3A = vector.extract_strided_slice %get3A_13 {offsets = [0, 0], sizes = [1024, 1], strides = [1, 1]} : vector<1024x32xi32> to vector<1024x1xi32>
    %eq3A = vector.broadcast %slice3A : vector<1024x1xi32> to vector<1024x1024xi32>
    %eq3A_34 = arith.cmpi eq, %iota3A, %eq3A : vector<1024x1024xi32>
    %convert_element_type3A_35 = arith.extui %eq3A_34 : vector<1024x1024xi1> to vector<1024x1024xi32>
    %convert_element_type3A_36 = arith.sitofp %convert_element_type3A_35 : vector<1024x1024xi32> to vector<1024x1024xf32>
    %convert_element_type3A_37 = arith.truncf %convert_element_type3A_36 : vector<1024x1024xf32> to vector<1024x1024xbf16>
    %dot_general3A = arith.constant dense<0.000000e+00> : vector<1024x64xf32>
    %dot_general3A_38 = tpu.matmul %convert_element_type3A_37, %convert_element_type3A, %dot_general3A {dimension_numbers = #tpu.dot_dimension_numbers<[1], [0], [0], [1], [0, 0, 1, 1], [], []>, transpose_lhs_hint = false} : vector<1024x1024xbf16>, vector<1024x64xbf16>, vector<1024x64xf32> -> vector<1024x64xf32>
    %dot_general3A_39 = arith.constant dense<0.000000e+00> : vector<1024x64xf32>
    %dot_general3A_40 = tpu.matmul %convert_element_type3A_37, %convert_element_type3A_32, %dot_general3A_39 {dimension_numbers = #tpu.dot_dimension_numbers<[1], [0], [0], [1], [0, 0, 1, 1], [], []>, transpose_lhs_hint = false} : vector<1024x1024xbf16>, vector<1024x64xbf16>, vector<1024x64xf32> -> vector<1024x64xf32>
    %add3A = arith.addf %dot_general3A_38, %dot_general3A_40 : vector<1024x64xf32>
    %sub3A_41 = arith.subf %add3A, %get3A_8 : vector<1024x64xf32>
    %mul3A = arith.constant 0.999994993 : f32
    %mul3A_42 = vector.broadcast %mul3A : f32 to vector<1024x64xf32>
    %mul3A_43 = arith.mulf %sub3A_41, %mul3A_42 : vector<1024x64xf32>
    %max3A = arith.constant 0.000000e+00 : f32
    %max3A_44 = vector.broadcast %max3A : f32 to vector<1024x64xf32>
    %max3A_45 = arith.maximumf %mul3A_43, %max3A_44 : vector<1024x64xf32>
    %dot_general3A_46 = arith.constant dense<0.000000e+00> : vector<1024x64xf32>
    %dot_general3A_47 = tpu.matmul %max3A_45, %get3A_21, %dot_general3A_46 {dimension_numbers = #tpu.dot_dimension_numbers<[1], [0], [0], [1], [0, 0, 1, 1], [], []>, transpose_lhs_hint = false} : vector<1024x64xf32>, vector<64x64xf32>, vector<1024x64xf32> -> vector<1024x64xf32>
    %add3A_48 = vector.broadcast %get3A_24 : vector<1x64xf32> to vector<1024x64xf32>
    %add3A_49 = arith.addf %dot_general3A_47, %add3A_48 : vector<1024x64xf32>
    %mul3A_50 = arith.constant 0.999994993 : f32
    %mul3A_51 = vector.broadcast %mul3A_50 : f32 to vector<1024x64xf32>
    %mul3A_52 = arith.mulf %add3A_49, %mul3A_51 : vector<1024x64xf32>
    %max3A_53 = arith.constant 0.000000e+00 : f32
    %max3A_54 = vector.broadcast %max3A_53 : f32 to vector<1024x64xf32>
    %max3A_55 = arith.maximumf %mul3A_52, %max3A_54 : vector<1024x64xf32>
    %dot_general3A_56 = arith.constant dense<0.000000e+00> : vector<1024x128xf32>
    %dot_general3A_57 = tpu.matmul %max3A_55, %get3A_27, %dot_general3A_56 {dimension_numbers = #tpu.dot_dimension_numbers<[1], [0], [0], [1], [0, 0, 1, 1], [], []>, transpose_lhs_hint = false} : vector<1024x64xf32>, vector<64x128xf32>, vector<1024x128xf32> -> vector<1024x128xf32>
    %add3A_58 = vector.broadcast %get3A_30 : vector<1x128xf32> to vector<1024x128xf32>
    %add3A_59 = arith.addf %dot_general3A_57, %add3A_58 : vector<1024x128xf32>
    %slice3A_60 = vector.extract_strided_slice %get3A_18 {offsets = [0, 0], sizes = [1024, 1], strides = [1, 1]} : vector<1024x32xf32> to vector<1024x1xf32>
    %le3A = arith.constant 0.00999999977 : f32
    %le3A_61 = vector.broadcast %le3A : f32 to vector<1024x1xf32>
    %le3A_62 = arith.cmpf ole, %slice3A_60, %le3A_61 : vector<1024x1xf32>
    %jit3A = arith.constant 0xFF800000 : f32
    %broadcast_in_dim3A_63 = vector.shape_cast %le3A_62 : vector<1024x1xi1> to vector<1024x1xi1>
    %broadcast_in_dim3A_64 = vector.broadcast %broadcast_in_dim3A_63 : vector<1024x1xi1> to vector<1024x128xi1>
    %broadcast_in_dim3A_65 = vector.broadcast %jit3A : f32 to vector<1024x128xf32>
    %select_n3A = arith.select %broadcast_in_dim3A_64, %add3A_59, %broadcast_in_dim3A_65 : vector<1024x128xi1>, vector<1024x128xf32>
    %max3A_66 = arith.maximumf %broadcast_in_dim3A_33, %select_n3A : vector<1024x128xf32>
    %slice3A_67 = vector.extract_strided_slice %get3A_13 {offsets = [0, 1], sizes = [1024, 1], strides = [1, 1]} : vector<1024x32xi32> to vector<1024x1xi32>
    %eq3A_68 = vector.broadcast %slice3A_67 : vector<1024x1xi32> to vector<1024x1024xi32>
    %eq3A_69 = arith.cmpi eq, %iota3A, %eq3A_68 : vector<1024x1024xi32>
    %convert_element_type3A_70 = arith.extui %eq3A_69 : vector<1024x1024xi1> to vector<1024x1024xi32>
    %convert_element_type3A_71 = arith.sitofp %convert_element_type3A_70 : vector<1024x1024xi32> to vector<1024x1024xf32>
    %convert_element_type3A_72 = arith.truncf %convert_element_type3A_71 : vector<1024x1024xf32> to vector<1024x1024xbf16>
    %dot_general3A_73 = arith.constant dense<0.000000e+00> : vector<1024x64xf32>
    %dot_general3A_74 = tpu.matmul %convert_element_type3A_72, %convert_element_type3A, %dot_general3A_73 {dimension_numbers = #tpu.dot_dimension_numbers<[1], [0], [0], [1], [0, 0, 1, 1], [], []>, transpose_lhs_hint = false} : vector<1024x1024xbf16>, vector<1024x64xbf16>, vector<1024x64xf32> -> vector<1024x64xf32>
    %dot_general3A_75 = arith.constant dense<0.000000e+00> : vector<1024x64xf32>
    %dot_general3A_76 = tpu.matmul %convert_element_type3A_72, %convert_element_type3A_32, %dot_general3A_75 {dimension_numbers = #tpu.dot_dimension_numbers<[1], [0], [0], [1], [0, 0, 1, 1], [], []>, transpose_lhs_hint = false} : vector<1024x1024xbf16>, vector<1024x64xbf16>, vector<1024x64xf32> -> vector<1024x64xf32>
    %add3A_77 = arith.addf %dot_general3A_74, %dot_general3A_76 : vector<1024x64xf32>
    %sub3A_78 = arith.subf %add3A_77, %get3A_8 : vector<1024x64xf32>
    %mul3A_79 = arith.constant 0.999994993 : f32
    %mul3A_80 = vector.broadcast %mul3A_79 : f32 to vector<1024x64xf32>
    %mul3A_81 = arith.mulf %sub3A_78, %mul3A_80 : vector<1024x64xf32>
    %max3A_82 = arith.constant 0.000000e+00 : f32
    %max3A_83 = vector.broadcast %max3A_82 : f32 to vector<1024x64xf32>
    %max3A_84 = arith.maximumf %mul3A_81, %max3A_83 : vector<1024x64xf32>
    %dot_general3A_85 = arith.constant dense<0.000000e+00> : vector<1024x64xf32>
    %dot_general3A_86 = tpu.matmul %max3A_84, %get3A_21, %dot_general3A_85 {dimension_numbers = #tpu.dot_dimension_numbers<[1], [0], [0], [1], [0, 0, 1, 1], [], []>, transpose_lhs_hint = false} : vector<1024x64xf32>, vector<64x64xf32>, vector<1024x64xf32> -> vector<1024x64xf32>
    %add3A_87 = vector.broadcast %get3A_24 : vector<1x64xf32> to vector<1024x64xf32>
    %add3A_88 = arith.addf %dot_general3A_86, %add3A_87 : vector<1024x64xf32>
    %mul3A_89 = arith.constant 0.999994993 : f32
    %mul3A_90 = vector.broadcast %mul3A_89 : f32 to vector<1024x64xf32>
    %mul3A_91 = arith.mulf %add3A_88, %mul3A_90 : vector<1024x64xf32>
    %max3A_92 = arith.constant 0.000000e+00 : f32
    %max3A_93 = vector.broadcast %max3A_92 : f32 to vector<1024x64xf32>
    %max3A_94 = arith.maximumf %mul3A_91, %max3A_93 : vector<1024x64xf32>
    %dot_general3A_95 = arith.constant dense<0.000000e+00> : vector<1024x128xf32>
    %dot_general3A_96 = tpu.matmul %max3A_94, %get3A_27, %dot_general3A_95 {dimension_numbers = #tpu.dot_dimension_numbers<[1], [0], [0], [1], [0, 0, 1, 1], [], []>, transpose_lhs_hint = false} : vector<1024x64xf32>, vector<64x128xf32>, vector<1024x128xf32> -> vector<1024x128xf32>
    %add3A_97 = vector.broadcast %get3A_30 : vector<1x128xf32> to vector<1024x128xf32>
    %add3A_98 = arith.addf %dot_general3A_96, %add3A_97 : vector<1024x128xf32>
    %slice3A_99 = vector.extract_strided_slice %get3A_18 {offsets = [0, 1], sizes = [1024, 1], strides = [1, 1]} : vector<1024x32xf32> to vector<1024x1xf32>
    %le3A_100 = arith.constant 0.00999999977 : f32
    %le3A_101 = vector.broadcast %le3A_100 : f32 to vector<1024x1xf32>
    %le3A_102 = arith.cmpf ole, %slice3A_99, %le3A_101 : vector<1024x1xf32>
    %jit3A_103 = arith.constant 0xFF800000 : f32
    %broadcast_in_dim3A_104 = vector.shape_cast %le3A_102 : vector<1024x1xi1> to vector<1024x1xi1>
    %broadcast_in_dim3A_105 = vector.broadcast %broadcast_in_dim3A_104 : vector<1024x1xi1> to vector<1024x128xi1>
    %broadcast_in_dim3A_106 = vector.broadcast %jit3A_103 : f32 to vector<1024x128xf32>
    %select_n3A_107 = arith.select %broadcast_in_dim3A_105, %add3A_98, %broadcast_in_dim3A_106 : vector<1024x128xi1>, vector<1024x128xf32>
    %max3A_108 = arith.maximumf %max3A_66, %select_n3A_107 : vector<1024x128xf32>
    %slice3A_109 = vector.extract_strided_slice %get3A_13 {offsets = [0, 2], sizes = [1024, 1], strides = [1, 1]} : vector<1024x32xi32> to vector<1024x1xi32>
    %eq3A_110 = vector.broadcast %slice3A_109 : vector<1024x1xi32> to vector<1024x1024xi32>
    %eq3A_111 = arith.cmpi eq, %iota3A, %eq3A_110 : vector<1024x1024xi32>
    %convert_element_type3A_112 = arith.extui %eq3A_111 : vector<1024x1024xi1> to vector<1024x1024xi32>
    %convert_element_type3A_113 = arith.sitofp %convert_element_type3A_112 : vector<1024x1024xi32> to vector<1024x1024xf32>
    %convert_element_type3A_114 = arith.truncf %convert_element_type3A_113 : vector<1024x1024xf32> to vector<1024x1024xbf16>
    %dot_general3A_115 = arith.constant dense<0.000000e+00> : vector<1024x64xf32>
    %dot_general3A_116 = tpu.matmul %convert_element_type3A_114, %convert_element_type3A, %dot_general3A_115 {dimension_numbers = #tpu.dot_dimension_numbers<[1], [0], [0], [1], [0, 0, 1, 1], [], []>, transpose_lhs_hint = false} : vector<1024x1024xbf16>, vector<1024x64xbf16>, vector<1024x64xf32> -> vector<1024x64xf32>
    %dot_general3A_117 = arith.constant dense<0.000000e+00> : vector<1024x64xf32>
    %dot_general3A_118 = tpu.matmul %convert_element_type3A_114, %convert_element_type3A_32, %dot_general3A_117 {dimension_numbers = #tpu.dot_dimension_numbers<[1], [0], [0], [1], [0, 0, 1, 1], [], []>, transpose_lhs_hint = false} : vector<1024x1024xbf16>, vector<1024x64xbf16>, vector<1024x64xf32> -> vector<1024x64xf32>
    %add3A_119 = arith.addf %dot_general3A_116, %dot_general3A_118 : vector<1024x64xf32>
    %sub3A_120 = arith.subf %add3A_119, %get3A_8 : vector<1024x64xf32>
    %mul3A_121 = arith.constant 0.999994993 : f32
    %mul3A_122 = vector.broadcast %mul3A_121 : f32 to vector<1024x64xf32>
    %mul3A_123 = arith.mulf %sub3A_120, %mul3A_122 : vector<1024x64xf32>
    %max3A_124 = arith.constant 0.000000e+00 : f32
    %max3A_125 = vector.broadcast %max3A_124 : f32 to vector<1024x64xf32>
    %max3A_126 = arith.maximumf %mul3A_123, %max3A_125 : vector<1024x64xf32>
    %dot_general3A_127 = arith.constant dense<0.000000e+00> : vector<1024x64xf32>
    %dot_general3A_128 = tpu.matmul %max3A_126, %get3A_21, %dot_general3A_127 {dimension_numbers = #tpu.dot_dimension_numbers<[1], [0], [0], [1], [0, 0, 1, 1], [], []>, transpose_lhs_hint = false} : vector<1024x64xf32>, vector<64x64xf32>, vector<1024x64xf32> -> vector<1024x64xf32>
    %add3A_129 = vector.broadcast %get3A_24 : vector<1x64xf32> to vector<1024x64xf32>
    %add3A_130 = arith.addf %dot_general3A_128, %add3A_129 : vector<1024x64xf32>
    %mul3A_131 = arith.constant 0.999994993 : f32
    %mul3A_132 = vector.broadcast %mul3A_131 : f32 to vector<1024x64xf32>
    %mul3A_133 = arith.mulf %add3A_130, %mul3A_132 : vector<1024x64xf32>
    %max3A_134 = arith.constant 0.000000e+00 : f32
    %max3A_135 = vector.broadcast %max3A_134 : f32 to vector<1024x64xf32>
    %max3A_136 = arith.maximumf %mul3A_133, %max3A_135 : vector<1024x64xf32>
    %dot_general3A_137 = arith.constant dense<0.000000e+00> : vector<1024x128xf32>
    %dot_general3A_138 = tpu.matmul %max3A_136, %get3A_27, %dot_general3A_137 {dimension_numbers = #tpu.dot_dimension_numbers<[1], [0], [0], [1], [0, 0, 1, 1], [], []>, transpose_lhs_hint = false} : vector<1024x64xf32>, vector<64x128xf32>, vector<1024x128xf32> -> vector<1024x128xf32>
    %add3A_139 = vector.broadcast %get3A_30 : vector<1x128xf32> to vector<1024x128xf32>
    %add3A_140 = arith.addf %dot_general3A_138, %add3A_139 : vector<1024x128xf32>
    %slice3A_141 = vector.extract_strided_slice %get3A_18 {offsets = [0, 2], sizes = [1024, 1], strides = [1, 1]} : vector<1024x32xf32> to vector<1024x1xf32>
    %le3A_142 = arith.constant 0.00999999977 : f32
    %le3A_143 = vector.broadcast %le3A_142 : f32 to vector<1024x1xf32>
    %le3A_144 = arith.cmpf ole, %slice3A_141, %le3A_143 : vector<1024x1xf32>
    %jit3A_145 = arith.constant 0xFF800000 : f32
    %broadcast_in_dim3A_146 = vector.shape_cast %le3A_144 : vector<1024x1xi1> to vector<1024x1xi1>
    %broadcast_in_dim3A_147 = vector.broadcast %broadcast_in_dim3A_146 : vector<1024x1xi1> to vector<1024x128xi1>
    %broadcast_in_dim3A_148 = vector.broadcast %jit3A_145 : f32 to vector<1024x128xf32>
    %select_n3A_149 = arith.select %broadcast_in_dim3A_147, %add3A_140, %broadcast_in_dim3A_148 : vector<1024x128xi1>, vector<1024x128xf32>
    %max3A_150 = arith.maximumf %max3A_108, %select_n3A_149 : vector<1024x128xf32>
    %slice3A_151 = vector.extract_strided_slice %get3A_13 {offsets = [0, 3], sizes = [1024, 1], strides = [1, 1]} : vector<1024x32xi32> to vector<1024x1xi32>
    %eq3A_152 = vector.broadcast %slice3A_151 : vector<1024x1xi32> to vector<1024x1024xi32>
    %eq3A_153 = arith.cmpi eq, %iota3A, %eq3A_152 : vector<1024x1024xi32>
    %convert_element_type3A_154 = arith.extui %eq3A_153 : vector<1024x1024xi1> to vector<1024x1024xi32>
    %convert_element_type3A_155 = arith.sitofp %convert_element_type3A_154 : vector<1024x1024xi32> to vector<1024x1024xf32>
    %convert_element_type3A_156 = arith.truncf %convert_element_type3A_155 : vector<1024x1024xf32> to vector<1024x1024xbf16>
    %dot_general3A_157 = arith.constant dense<0.000000e+00> : vector<1024x64xf32>
    %dot_general3A_158 = tpu.matmul %convert_element_type3A_156, %convert_element_type3A, %dot_general3A_157 {dimension_numbers = #tpu.dot_dimension_numbers<[1], [0], [0], [1], [0, 0, 1, 1], [], []>, transpose_lhs_hint = false} : vector<1024x1024xbf16>, vector<1024x64xbf16>, vector<1024x64xf32> -> vector<1024x64xf32>
    %dot_general3A_159 = arith.constant dense<0.000000e+00> : vector<1024x64xf32>
    %dot_general3A_160 = tpu.matmul %convert_element_type3A_156, %convert_element_type3A_32, %dot_general3A_159 {dimension_numbers = #tpu.dot_dimension_numbers<[1], [0], [0], [1], [0, 0, 1, 1], [], []>, transpose_lhs_hint = false} : vector<1024x1024xbf16>, vector<1024x64xbf16>, vector<1024x64xf32> -> vector<1024x64xf32>
    %add3A_161 = arith.addf %dot_general3A_158, %dot_general3A_160 : vector<1024x64xf32>
    %sub3A_162 = arith.subf %add3A_161, %get3A_8 : vector<1024x64xf32>
    %mul3A_163 = arith.constant 0.999994993 : f32
    %mul3A_164 = vector.broadcast %mul3A_163 : f32 to vector<1024x64xf32>
    %mul3A_165 = arith.mulf %sub3A_162, %mul3A_164 : vector<1024x64xf32>
    %max3A_166 = arith.constant 0.000000e+00 : f32
    %max3A_167 = vector.broadcast %max3A_166 : f32 to vector<1024x64xf32>
    %max3A_168 = arith.maximumf %mul3A_165, %max3A_167 : vector<1024x64xf32>
    %dot_general3A_169 = arith.constant dense<0.000000e+00> : vector<1024x64xf32>
    %dot_general3A_170 = tpu.matmul %max3A_168, %get3A_21, %dot_general3A_169 {dimension_numbers = #tpu.dot_dimension_numbers<[1], [0], [0], [1], [0, 0, 1, 1], [], []>, transpose_lhs_hint = false} : vector<1024x64xf32>, vector<64x64xf32>, vector<1024x64xf32> -> vector<1024x64xf32>
    %add3A_171 = vector.broadcast %get3A_24 : vector<1x64xf32> to vector<1024x64xf32>
    %add3A_172 = arith.addf %dot_general3A_170, %add3A_171 : vector<1024x64xf32>
    %mul3A_173 = arith.constant 0.999994993 : f32
    %mul3A_174 = vector.broadcast %mul3A_173 : f32 to vector<1024x64xf32>
    %mul3A_175 = arith.mulf %add3A_172, %mul3A_174 : vector<1024x64xf32>
    %max3A_176 = arith.constant 0.000000e+00 : f32
    %max3A_177 = vector.broadcast %max3A_176 : f32 to vector<1024x64xf32>
    %max3A_178 = arith.maximumf %mul3A_175, %max3A_177 : vector<1024x64xf32>
    %dot_general3A_179 = arith.constant dense<0.000000e+00> : vector<1024x128xf32>
    %dot_general3A_180 = tpu.matmul %max3A_178, %get3A_27, %dot_general3A_179 {dimension_numbers = #tpu.dot_dimension_numbers<[1], [0], [0], [1], [0, 0, 1, 1], [], []>, transpose_lhs_hint = false} : vector<1024x64xf32>, vector<64x128xf32>, vector<1024x128xf32> -> vector<1024x128xf32>
    %add3A_181 = vector.broadcast %get3A_30 : vector<1x128xf32> to vector<1024x128xf32>
    %add3A_182 = arith.addf %dot_general3A_180, %add3A_181 : vector<1024x128xf32>
    %slice3A_183 = vector.extract_strided_slice %get3A_18 {offsets = [0, 3], sizes = [1024, 1], strides = [1, 1]} : vector<1024x32xf32> to vector<1024x1xf32>
    %le3A_184 = arith.constant 0.00999999977 : f32
    %le3A_185 = vector.broadcast %le3A_184 : f32 to vector<1024x1xf32>
    %le3A_186 = arith.cmpf ole, %slice3A_183, %le3A_185 : vector<1024x1xf32>
    %jit3A_187 = arith.constant 0xFF800000 : f32
    %broadcast_in_dim3A_188 = vector.shape_cast %le3A_186 : vector<1024x1xi1> to vector<1024x1xi1>
    %broadcast_in_dim3A_189 = vector.broadcast %broadcast_in_dim3A_188 : vector<1024x1xi1> to vector<1024x128xi1>
    %broadcast_in_dim3A_190 = vector.broadcast %jit3A_187 : f32 to vector<1024x128xf32>
    %select_n3A_191 = arith.select %broadcast_in_dim3A_189, %add3A_182, %broadcast_in_dim3A_190 : vector<1024x128xi1>, vector<1024x128xf32>
    %max3A_192 = arith.maximumf %max3A_150, %select_n3A_191 : vector<1024x128xf32>
    %slice3A_193 = vector.extract_strided_slice %get3A_13 {offsets = [0, 4], sizes = [1024, 1], strides = [1, 1]} : vector<1024x32xi32> to vector<1024x1xi32>
    %eq3A_194 = vector.broadcast %slice3A_193 : vector<1024x1xi32> to vector<1024x1024xi32>
    %eq3A_195 = arith.cmpi eq, %iota3A, %eq3A_194 : vector<1024x1024xi32>
    %convert_element_type3A_196 = arith.extui %eq3A_195 : vector<1024x1024xi1> to vector<1024x1024xi32>
    %convert_element_type3A_197 = arith.sitofp %convert_element_type3A_196 : vector<1024x1024xi32> to vector<1024x1024xf32>
    %convert_element_type3A_198 = arith.truncf %convert_element_type3A_197 : vector<1024x1024xf32> to vector<1024x1024xbf16>
    %dot_general3A_199 = arith.constant dense<0.000000e+00> : vector<1024x64xf32>
    %dot_general3A_200 = tpu.matmul %convert_element_type3A_198, %convert_element_type3A, %dot_general3A_199 {dimension_numbers = #tpu.dot_dimension_numbers<[1], [0], [0], [1], [0, 0, 1, 1], [], []>, transpose_lhs_hint = false} : vector<1024x1024xbf16>, vector<1024x64xbf16>, vector<1024x64xf32> -> vector<1024x64xf32>
    %dot_general3A_201 = arith.constant dense<0.000000e+00> : vector<1024x64xf32>
    %dot_general3A_202 = tpu.matmul %convert_element_type3A_198, %convert_element_type3A_32, %dot_general3A_201 {dimension_numbers = #tpu.dot_dimension_numbers<[1], [0], [0], [1], [0, 0, 1, 1], [], []>, transpose_lhs_hint = false} : vector<1024x1024xbf16>, vector<1024x64xbf16>, vector<1024x64xf32> -> vector<1024x64xf32>
    %add3A_203 = arith.addf %dot_general3A_200, %dot_general3A_202 : vector<1024x64xf32>
    %sub3A_204 = arith.subf %add3A_203, %get3A_8 : vector<1024x64xf32>
    %mul3A_205 = arith.constant 0.999994993 : f32
    %mul3A_206 = vector.broadcast %mul3A_205 : f32 to vector<1024x64xf32>
    %mul3A_207 = arith.mulf %sub3A_204, %mul3A_206 : vector<1024x64xf32>
    %max3A_208 = arith.constant 0.000000e+00 : f32
    %max3A_209 = vector.broadcast %max3A_208 : f32 to vector<1024x64xf32>
    %max3A_210 = arith.maximumf %mul3A_207, %max3A_209 : vector<1024x64xf32>
    %dot_general3A_211 = arith.constant dense<0.000000e+00> : vector<1024x64xf32>
    %dot_general3A_212 = tpu.matmul %max3A_210, %get3A_21, %dot_general3A_211 {dimension_numbers = #tpu.dot_dimension_numbers<[1], [0], [0], [1], [0, 0, 1, 1], [], []>, transpose_lhs_hint = false} : vector<1024x64xf32>, vector<64x64xf32>, vector<1024x64xf32> -> vector<1024x64xf32>
    %add3A_213 = vector.broadcast %get3A_24 : vector<1x64xf32> to vector<1024x64xf32>
    %add3A_214 = arith.addf %dot_general3A_212, %add3A_213 : vector<1024x64xf32>
    %mul3A_215 = arith.constant 0.999994993 : f32
    %mul3A_216 = vector.broadcast %mul3A_215 : f32 to vector<1024x64xf32>
    %mul3A_217 = arith.mulf %add3A_214, %mul3A_216 : vector<1024x64xf32>
    %max3A_218 = arith.constant 0.000000e+00 : f32
    %max3A_219 = vector.broadcast %max3A_218 : f32 to vector<1024x64xf32>
    %max3A_220 = arith.maximumf %mul3A_217, %max3A_219 : vector<1024x64xf32>
    %dot_general3A_221 = arith.constant dense<0.000000e+00> : vector<1024x128xf32>
    %dot_general3A_222 = tpu.matmul %max3A_220, %get3A_27, %dot_general3A_221 {dimension_numbers = #tpu.dot_dimension_numbers<[1], [0], [0], [1], [0, 0, 1, 1], [], []>, transpose_lhs_hint = false} : vector<1024x64xf32>, vector<64x128xf32>, vector<1024x128xf32> -> vector<1024x128xf32>
    %add3A_223 = vector.broadcast %get3A_30 : vector<1x128xf32> to vector<1024x128xf32>
    %add3A_224 = arith.addf %dot_general3A_222, %add3A_223 : vector<1024x128xf32>
    %slice3A_225 = vector.extract_strided_slice %get3A_18 {offsets = [0, 4], sizes = [1024, 1], strides = [1, 1]} : vector<1024x32xf32> to vector<1024x1xf32>
    %le3A_226 = arith.constant 0.00999999977 : f32
    %le3A_227 = vector.broadcast %le3A_226 : f32 to vector<1024x1xf32>
    %le3A_228 = arith.cmpf ole, %slice3A_225, %le3A_227 : vector<1024x1xf32>
    %jit3A_229 = arith.constant 0xFF800000 : f32
    %broadcast_in_dim3A_230 = vector.shape_cast %le3A_228 : vector<1024x1xi1> to vector<1024x1xi1>
    %broadcast_in_dim3A_231 = vector.broadcast %broadcast_in_dim3A_230 : vector<1024x1xi1> to vector<1024x128xi1>
    %broadcast_in_dim3A_232 = vector.broadcast %jit3A_229 : f32 to vector<1024x128xf32>
    %select_n3A_233 = arith.select %broadcast_in_dim3A_231, %add3A_224, %broadcast_in_dim3A_232 : vector<1024x128xi1>, vector<1024x128xf32>
    %max3A_234 = arith.maximumf %max3A_192, %select_n3A_233 : vector<1024x128xf32>
    %slice3A_235 = vector.extract_strided_slice %get3A_13 {offsets = [0, 5], sizes = [1024, 1], strides = [1, 1]} : vector<1024x32xi32> to vector<1024x1xi32>
    %eq3A_236 = vector.broadcast %slice3A_235 : vector<1024x1xi32> to vector<1024x1024xi32>
    %eq3A_237 = arith.cmpi eq, %iota3A, %eq3A_236 : vector<1024x1024xi32>
    %convert_element_type3A_238 = arith.extui %eq3A_237 : vector<1024x1024xi1> to vector<1024x1024xi32>
    %convert_element_type3A_239 = arith.sitofp %convert_element_type3A_238 : vector<1024x1024xi32> to vector<1024x1024xf32>
    %convert_element_type3A_240 = arith.truncf %convert_element_type3A_239 : vector<1024x1024xf32> to vector<1024x1024xbf16>
    %dot_general3A_241 = arith.constant dense<0.000000e+00> : vector<1024x64xf32>
    %dot_general3A_242 = tpu.matmul %convert_element_type3A_240, %convert_element_type3A, %dot_general3A_241 {dimension_numbers = #tpu.dot_dimension_numbers<[1], [0], [0], [1], [0, 0, 1, 1], [], []>, transpose_lhs_hint = false} : vector<1024x1024xbf16>, vector<1024x64xbf16>, vector<1024x64xf32> -> vector<1024x64xf32>
    %dot_general3A_243 = arith.constant dense<0.000000e+00> : vector<1024x64xf32>
    %dot_general3A_244 = tpu.matmul %convert_element_type3A_240, %convert_element_type3A_32, %dot_general3A_243 {dimension_numbers = #tpu.dot_dimension_numbers<[1], [0], [0], [1], [0, 0, 1, 1], [], []>, transpose_lhs_hint = false} : vector<1024x1024xbf16>, vector<1024x64xbf16>, vector<1024x64xf32> -> vector<1024x64xf32>
    %add3A_245 = arith.addf %dot_general3A_242, %dot_general3A_244 : vector<1024x64xf32>
    %sub3A_246 = arith.subf %add3A_245, %get3A_8 : vector<1024x64xf32>
    %mul3A_247 = arith.constant 0.999994993 : f32
    %mul3A_248 = vector.broadcast %mul3A_247 : f32 to vector<1024x64xf32>
    %mul3A_249 = arith.mulf %sub3A_246, %mul3A_248 : vector<1024x64xf32>
    %max3A_250 = arith.constant 0.000000e+00 : f32
    %max3A_251 = vector.broadcast %max3A_250 : f32 to vector<1024x64xf32>
    %max3A_252 = arith.maximumf %mul3A_249, %max3A_251 : vector<1024x64xf32>
    %dot_general3A_253 = arith.constant dense<0.000000e+00> : vector<1024x64xf32>
    %dot_general3A_254 = tpu.matmul %max3A_252, %get3A_21, %dot_general3A_253 {dimension_numbers = #tpu.dot_dimension_numbers<[1], [0], [0], [1], [0, 0, 1, 1], [], []>, transpose_lhs_hint = false} : vector<1024x64xf32>, vector<64x64xf32>, vector<1024x64xf32> -> vector<1024x64xf32>
    %add3A_255 = vector.broadcast %get3A_24 : vector<1x64xf32> to vector<1024x64xf32>
    %add3A_256 = arith.addf %dot_general3A_254, %add3A_255 : vector<1024x64xf32>
    %mul3A_257 = arith.constant 0.999994993 : f32
    %mul3A_258 = vector.broadcast %mul3A_257 : f32 to vector<1024x64xf32>
    %mul3A_259 = arith.mulf %add3A_256, %mul3A_258 : vector<1024x64xf32>
    %max3A_260 = arith.constant 0.000000e+00 : f32
    %max3A_261 = vector.broadcast %max3A_260 : f32 to vector<1024x64xf32>
    %max3A_262 = arith.maximumf %mul3A_259, %max3A_261 : vector<1024x64xf32>
    %dot_general3A_263 = arith.constant dense<0.000000e+00> : vector<1024x128xf32>
    %dot_general3A_264 = tpu.matmul %max3A_262, %get3A_27, %dot_general3A_263 {dimension_numbers = #tpu.dot_dimension_numbers<[1], [0], [0], [1], [0, 0, 1, 1], [], []>, transpose_lhs_hint = false} : vector<1024x64xf32>, vector<64x128xf32>, vector<1024x128xf32> -> vector<1024x128xf32>
    %add3A_265 = vector.broadcast %get3A_30 : vector<1x128xf32> to vector<1024x128xf32>
    %add3A_266 = arith.addf %dot_general3A_264, %add3A_265 : vector<1024x128xf32>
    %slice3A_267 = vector.extract_strided_slice %get3A_18 {offsets = [0, 5], sizes = [1024, 1], strides = [1, 1]} : vector<1024x32xf32> to vector<1024x1xf32>
    %le3A_268 = arith.constant 0.00999999977 : f32
    %le3A_269 = vector.broadcast %le3A_268 : f32 to vector<1024x1xf32>
    %le3A_270 = arith.cmpf ole, %slice3A_267, %le3A_269 : vector<1024x1xf32>
    %jit3A_271 = arith.constant 0xFF800000 : f32
    %broadcast_in_dim3A_272 = vector.shape_cast %le3A_270 : vector<1024x1xi1> to vector<1024x1xi1>
    %broadcast_in_dim3A_273 = vector.broadcast %broadcast_in_dim3A_272 : vector<1024x1xi1> to vector<1024x128xi1>
    %broadcast_in_dim3A_274 = vector.broadcast %jit3A_271 : f32 to vector<1024x128xf32>
    %select_n3A_275 = arith.select %broadcast_in_dim3A_273, %add3A_266, %broadcast_in_dim3A_274 : vector<1024x128xi1>, vector<1024x128xf32>
    %max3A_276 = arith.maximumf %max3A_234, %select_n3A_275 : vector<1024x128xf32>
    %slice3A_277 = vector.extract_strided_slice %get3A_13 {offsets = [0, 6], sizes = [1024, 1], strides = [1, 1]} : vector<1024x32xi32> to vector<1024x1xi32>
    %eq3A_278 = vector.broadcast %slice3A_277 : vector<1024x1xi32> to vector<1024x1024xi32>
    %eq3A_279 = arith.cmpi eq, %iota3A, %eq3A_278 : vector<1024x1024xi32>
    %convert_element_type3A_280 = arith.extui %eq3A_279 : vector<1024x1024xi1> to vector<1024x1024xi32>
    %convert_element_type3A_281 = arith.sitofp %convert_element_type3A_280 : vector<1024x1024xi32> to vector<1024x1024xf32>
    %convert_element_type3A_282 = arith.truncf %convert_element_type3A_281 : vector<1024x1024xf32> to vector<1024x1024xbf16>
    %dot_general3A_283 = arith.constant dense<0.000000e+00> : vector<1024x64xf32>
    %dot_general3A_284 = tpu.matmul %convert_element_type3A_282, %convert_element_type3A, %dot_general3A_283 {dimension_numbers = #tpu.dot_dimension_numbers<[1], [0], [0], [1], [0, 0, 1, 1], [], []>, transpose_lhs_hint = false} : vector<1024x1024xbf16>, vector<1024x64xbf16>, vector<1024x64xf32> -> vector<1024x64xf32>
    %dot_general3A_285 = arith.constant dense<0.000000e+00> : vector<1024x64xf32>
    %dot_general3A_286 = tpu.matmul %convert_element_type3A_282, %convert_element_type3A_32, %dot_general3A_285 {dimension_numbers = #tpu.dot_dimension_numbers<[1], [0], [0], [1], [0, 0, 1, 1], [], []>, transpose_lhs_hint = false} : vector<1024x1024xbf16>, vector<1024x64xbf16>, vector<1024x64xf32> -> vector<1024x64xf32>
    %add3A_287 = arith.addf %dot_general3A_284, %dot_general3A_286 : vector<1024x64xf32>
    %sub3A_288 = arith.subf %add3A_287, %get3A_8 : vector<1024x64xf32>
    %mul3A_289 = arith.constant 0.999994993 : f32
    %mul3A_290 = vector.broadcast %mul3A_289 : f32 to vector<1024x64xf32>
    %mul3A_291 = arith.mulf %sub3A_288, %mul3A_290 : vector<1024x64xf32>
    %max3A_292 = arith.constant 0.000000e+00 : f32
    %max3A_293 = vector.broadcast %max3A_292 : f32 to vector<1024x64xf32>
    %max3A_294 = arith.maximumf %mul3A_291, %max3A_293 : vector<1024x64xf32>
    %dot_general3A_295 = arith.constant dense<0.000000e+00> : vector<1024x64xf32>
    %dot_general3A_296 = tpu.matmul %max3A_294, %get3A_21, %dot_general3A_295 {dimension_numbers = #tpu.dot_dimension_numbers<[1], [0], [0], [1], [0, 0, 1, 1], [], []>, transpose_lhs_hint = false} : vector<1024x64xf32>, vector<64x64xf32>, vector<1024x64xf32> -> vector<1024x64xf32>
    %add3A_297 = vector.broadcast %get3A_24 : vector<1x64xf32> to vector<1024x64xf32>
    %add3A_298 = arith.addf %dot_general3A_296, %add3A_297 : vector<1024x64xf32>
    %mul3A_299 = arith.constant 0.999994993 : f32
    %mul3A_300 = vector.broadcast %mul3A_299 : f32 to vector<1024x64xf32>
    %mul3A_301 = arith.mulf %add3A_298, %mul3A_300 : vector<1024x64xf32>
    %max3A_302 = arith.constant 0.000000e+00 : f32
    %max3A_303 = vector.broadcast %max3A_302 : f32 to vector<1024x64xf32>
    %max3A_304 = arith.maximumf %mul3A_301, %max3A_303 : vector<1024x64xf32>
    %dot_general3A_305 = arith.constant dense<0.000000e+00> : vector<1024x128xf32>
    %dot_general3A_306 = tpu.matmul %max3A_304, %get3A_27, %dot_general3A_305 {dimension_numbers = #tpu.dot_dimension_numbers<[1], [0], [0], [1], [0, 0, 1, 1], [], []>, transpose_lhs_hint = false} : vector<1024x64xf32>, vector<64x128xf32>, vector<1024x128xf32> -> vector<1024x128xf32>
    %add3A_307 = vector.broadcast %get3A_30 : vector<1x128xf32> to vector<1024x128xf32>
    %add3A_308 = arith.addf %dot_general3A_306, %add3A_307 : vector<1024x128xf32>
    %slice3A_309 = vector.extract_strided_slice %get3A_18 {offsets = [0, 6], sizes = [1024, 1], strides = [1, 1]} : vector<1024x32xf32> to vector<1024x1xf32>
    %le3A_310 = arith.constant 0.00999999977 : f32
    %le3A_311 = vector.broadcast %le3A_310 : f32 to vector<1024x1xf32>
    %le3A_312 = arith.cmpf ole, %slice3A_309, %le3A_311 : vector<1024x1xf32>
    %jit3A_313 = arith.constant 0xFF800000 : f32
    %broadcast_in_dim3A_314 = vector.shape_cast %le3A_312 : vector<1024x1xi1> to vector<1024x1xi1>
    %broadcast_in_dim3A_315 = vector.broadcast %broadcast_in_dim3A_314 : vector<1024x1xi1> to vector<1024x128xi1>
    %broadcast_in_dim3A_316 = vector.broadcast %jit3A_313 : f32 to vector<1024x128xf32>
    %select_n3A_317 = arith.select %broadcast_in_dim3A_315, %add3A_308, %broadcast_in_dim3A_316 : vector<1024x128xi1>, vector<1024x128xf32>
    %max3A_318 = arith.maximumf %max3A_276, %select_n3A_317 : vector<1024x128xf32>
    %slice3A_319 = vector.extract_strided_slice %get3A_13 {offsets = [0, 7], sizes = [1024, 1], strides = [1, 1]} : vector<1024x32xi32> to vector<1024x1xi32>
    %eq3A_320 = vector.broadcast %slice3A_319 : vector<1024x1xi32> to vector<1024x1024xi32>
    %eq3A_321 = arith.cmpi eq, %iota3A, %eq3A_320 : vector<1024x1024xi32>
    %convert_element_type3A_322 = arith.extui %eq3A_321 : vector<1024x1024xi1> to vector<1024x1024xi32>
    %convert_element_type3A_323 = arith.sitofp %convert_element_type3A_322 : vector<1024x1024xi32> to vector<1024x1024xf32>
    %convert_element_type3A_324 = arith.truncf %convert_element_type3A_323 : vector<1024x1024xf32> to vector<1024x1024xbf16>
    %dot_general3A_325 = arith.constant dense<0.000000e+00> : vector<1024x64xf32>
    %dot_general3A_326 = tpu.matmul %convert_element_type3A_324, %convert_element_type3A, %dot_general3A_325 {dimension_numbers = #tpu.dot_dimension_numbers<[1], [0], [0], [1], [0, 0, 1, 1], [], []>, transpose_lhs_hint = false} : vector<1024x1024xbf16>, vector<1024x64xbf16>, vector<1024x64xf32> -> vector<1024x64xf32>
    %dot_general3A_327 = arith.constant dense<0.000000e+00> : vector<1024x64xf32>
    %dot_general3A_328 = tpu.matmul %convert_element_type3A_324, %convert_element_type3A_32, %dot_general3A_327 {dimension_numbers = #tpu.dot_dimension_numbers<[1], [0], [0], [1], [0, 0, 1, 1], [], []>, transpose_lhs_hint = false} : vector<1024x1024xbf16>, vector<1024x64xbf16>, vector<1024x64xf32> -> vector<1024x64xf32>
    %add3A_329 = arith.addf %dot_general3A_326, %dot_general3A_328 : vector<1024x64xf32>
    %sub3A_330 = arith.subf %add3A_329, %get3A_8 : vector<1024x64xf32>
    %mul3A_331 = arith.constant 0.999994993 : f32
    %mul3A_332 = vector.broadcast %mul3A_331 : f32 to vector<1024x64xf32>
    %mul3A_333 = arith.mulf %sub3A_330, %mul3A_332 : vector<1024x64xf32>
    %max3A_334 = arith.constant 0.000000e+00 : f32
    %max3A_335 = vector.broadcast %max3A_334 : f32 to vector<1024x64xf32>
    %max3A_336 = arith.maximumf %mul3A_333, %max3A_335 : vector<1024x64xf32>
    %dot_general3A_337 = arith.constant dense<0.000000e+00> : vector<1024x64xf32>
    %dot_general3A_338 = tpu.matmul %max3A_336, %get3A_21, %dot_general3A_337 {dimension_numbers = #tpu.dot_dimension_numbers<[1], [0], [0], [1], [0, 0, 1, 1], [], []>, transpose_lhs_hint = false} : vector<1024x64xf32>, vector<64x64xf32>, vector<1024x64xf32> -> vector<1024x64xf32>
    %add3A_339 = vector.broadcast %get3A_24 : vector<1x64xf32> to vector<1024x64xf32>
    %add3A_340 = arith.addf %dot_general3A_338, %add3A_339 : vector<1024x64xf32>
    %mul3A_341 = arith.constant 0.999994993 : f32
    %mul3A_342 = vector.broadcast %mul3A_341 : f32 to vector<1024x64xf32>
    %mul3A_343 = arith.mulf %add3A_340, %mul3A_342 : vector<1024x64xf32>
    %max3A_344 = arith.constant 0.000000e+00 : f32
    %max3A_345 = vector.broadcast %max3A_344 : f32 to vector<1024x64xf32>
    %max3A_346 = arith.maximumf %mul3A_343, %max3A_345 : vector<1024x64xf32>
    %dot_general3A_347 = arith.constant dense<0.000000e+00> : vector<1024x128xf32>
    %dot_general3A_348 = tpu.matmul %max3A_346, %get3A_27, %dot_general3A_347 {dimension_numbers = #tpu.dot_dimension_numbers<[1], [0], [0], [1], [0, 0, 1, 1], [], []>, transpose_lhs_hint = false} : vector<1024x64xf32>, vector<64x128xf32>, vector<1024x128xf32> -> vector<1024x128xf32>
    %add3A_349 = vector.broadcast %get3A_30 : vector<1x128xf32> to vector<1024x128xf32>
    %add3A_350 = arith.addf %dot_general3A_348, %add3A_349 : vector<1024x128xf32>
    %slice3A_351 = vector.extract_strided_slice %get3A_18 {offsets = [0, 7], sizes = [1024, 1], strides = [1, 1]} : vector<1024x32xf32> to vector<1024x1xf32>
    %le3A_352 = arith.constant 0.00999999977 : f32
    %le3A_353 = vector.broadcast %le3A_352 : f32 to vector<1024x1xf32>
    %le3A_354 = arith.cmpf ole, %slice3A_351, %le3A_353 : vector<1024x1xf32>
    %jit3A_355 = arith.constant 0xFF800000 : f32
    %broadcast_in_dim3A_356 = vector.shape_cast %le3A_354 : vector<1024x1xi1> to vector<1024x1xi1>
    %broadcast_in_dim3A_357 = vector.broadcast %broadcast_in_dim3A_356 : vector<1024x1xi1> to vector<1024x128xi1>
    %broadcast_in_dim3A_358 = vector.broadcast %jit3A_355 : f32 to vector<1024x128xf32>
    %select_n3A_359 = arith.select %broadcast_in_dim3A_357, %add3A_350, %broadcast_in_dim3A_358 : vector<1024x128xi1>, vector<1024x128xf32>
    %max3A_360 = arith.maximumf %max3A_318, %select_n3A_359 : vector<1024x128xf32>
    %slice3A_361 = vector.extract_strided_slice %get3A_13 {offsets = [0, 8], sizes = [1024, 1], strides = [1, 1]} : vector<1024x32xi32> to vector<1024x1xi32>
    %eq3A_362 = vector.broadcast %slice3A_361 : vector<1024x1xi32> to vector<1024x1024xi32>
    %eq3A_363 = arith.cmpi eq, %iota3A, %eq3A_362 : vector<1024x1024xi32>
    %convert_element_type3A_364 = arith.extui %eq3A_363 : vector<1024x1024xi1> to vector<1024x1024xi32>
    %convert_element_type3A_365 = arith.sitofp %convert_element_type3A_364 : vector<1024x1024xi32> to vector<1024x1024xf32>
    %convert_element_type3A_366 = arith.truncf %convert_element_type3A_365 : vector<1024x1024xf32> to vector<1024x1024xbf16>
    %dot_general3A_367 = arith.constant dense<0.000000e+00> : vector<1024x64xf32>
    %dot_general3A_368 = tpu.matmul %convert_element_type3A_366, %convert_element_type3A, %dot_general3A_367 {dimension_numbers = #tpu.dot_dimension_numbers<[1], [0], [0], [1], [0, 0, 1, 1], [], []>, transpose_lhs_hint = false} : vector<1024x1024xbf16>, vector<1024x64xbf16>, vector<1024x64xf32> -> vector<1024x64xf32>
    %dot_general3A_369 = arith.constant dense<0.000000e+00> : vector<1024x64xf32>
    %dot_general3A_370 = tpu.matmul %convert_element_type3A_366, %convert_element_type3A_32, %dot_general3A_369 {dimension_numbers = #tpu.dot_dimension_numbers<[1], [0], [0], [1], [0, 0, 1, 1], [], []>, transpose_lhs_hint = false} : vector<1024x1024xbf16>, vector<1024x64xbf16>, vector<1024x64xf32> -> vector<1024x64xf32>
    %add3A_371 = arith.addf %dot_general3A_368, %dot_general3A_370 : vector<1024x64xf32>
    %sub3A_372 = arith.subf %add3A_371, %get3A_8 : vector<1024x64xf32>
    %mul3A_373 = arith.constant 0.999994993 : f32
    %mul3A_374 = vector.broadcast %mul3A_373 : f32 to vector<1024x64xf32>
    %mul3A_375 = arith.mulf %sub3A_372, %mul3A_374 : vector<1024x64xf32>
    %max3A_376 = arith.constant 0.000000e+00 : f32
    %max3A_377 = vector.broadcast %max3A_376 : f32 to vector<1024x64xf32>
    %max3A_378 = arith.maximumf %mul3A_375, %max3A_377 : vector<1024x64xf32>
    %dot_general3A_379 = arith.constant dense<0.000000e+00> : vector<1024x64xf32>
    %dot_general3A_380 = tpu.matmul %max3A_378, %get3A_21, %dot_general3A_379 {dimension_numbers = #tpu.dot_dimension_numbers<[1], [0], [0], [1], [0, 0, 1, 1], [], []>, transpose_lhs_hint = false} : vector<1024x64xf32>, vector<64x64xf32>, vector<1024x64xf32> -> vector<1024x64xf32>
    %add3A_381 = vector.broadcast %get3A_24 : vector<1x64xf32> to vector<1024x64xf32>
    %add3A_382 = arith.addf %dot_general3A_380, %add3A_381 : vector<1024x64xf32>
    %mul3A_383 = arith.constant 0.999994993 : f32
    %mul3A_384 = vector.broadcast %mul3A_383 : f32 to vector<1024x64xf32>
    %mul3A_385 = arith.mulf %add3A_382, %mul3A_384 : vector<1024x64xf32>
    %max3A_386 = arith.constant 0.000000e+00 : f32
    %max3A_387 = vector.broadcast %max3A_386 : f32 to vector<1024x64xf32>
    %max3A_388 = arith.maximumf %mul3A_385, %max3A_387 : vector<1024x64xf32>
    %dot_general3A_389 = arith.constant dense<0.000000e+00> : vector<1024x128xf32>
    %dot_general3A_390 = tpu.matmul %max3A_388, %get3A_27, %dot_general3A_389 {dimension_numbers = #tpu.dot_dimension_numbers<[1], [0], [0], [1], [0, 0, 1, 1], [], []>, transpose_lhs_hint = false} : vector<1024x64xf32>, vector<64x128xf32>, vector<1024x128xf32> -> vector<1024x128xf32>
    %add3A_391 = vector.broadcast %get3A_30 : vector<1x128xf32> to vector<1024x128xf32>
    %add3A_392 = arith.addf %dot_general3A_390, %add3A_391 : vector<1024x128xf32>
    %slice3A_393 = vector.extract_strided_slice %get3A_18 {offsets = [0, 8], sizes = [1024, 1], strides = [1, 1]} : vector<1024x32xf32> to vector<1024x1xf32>
    %le3A_394 = arith.constant 0.00999999977 : f32
    %le3A_395 = vector.broadcast %le3A_394 : f32 to vector<1024x1xf32>
    %le3A_396 = arith.cmpf ole, %slice3A_393, %le3A_395 : vector<1024x1xf32>
    %jit3A_397 = arith.constant 0xFF800000 : f32
    %broadcast_in_dim3A_398 = vector.shape_cast %le3A_396 : vector<1024x1xi1> to vector<1024x1xi1>
    %broadcast_in_dim3A_399 = vector.broadcast %broadcast_in_dim3A_398 : vector<1024x1xi1> to vector<1024x128xi1>
    %broadcast_in_dim3A_400 = vector.broadcast %jit3A_397 : f32 to vector<1024x128xf32>
    %select_n3A_401 = arith.select %broadcast_in_dim3A_399, %add3A_392, %broadcast_in_dim3A_400 : vector<1024x128xi1>, vector<1024x128xf32>
    %max3A_402 = arith.maximumf %max3A_360, %select_n3A_401 : vector<1024x128xf32>
    %slice3A_403 = vector.extract_strided_slice %get3A_13 {offsets = [0, 9], sizes = [1024, 1], strides = [1, 1]} : vector<1024x32xi32> to vector<1024x1xi32>
    %eq3A_404 = vector.broadcast %slice3A_403 : vector<1024x1xi32> to vector<1024x1024xi32>
    %eq3A_405 = arith.cmpi eq, %iota3A, %eq3A_404 : vector<1024x1024xi32>
    %convert_element_type3A_406 = arith.extui %eq3A_405 : vector<1024x1024xi1> to vector<1024x1024xi32>
    %convert_element_type3A_407 = arith.sitofp %convert_element_type3A_406 : vector<1024x1024xi32> to vector<1024x1024xf32>
    %convert_element_type3A_408 = arith.truncf %convert_element_type3A_407 : vector<1024x1024xf32> to vector<1024x1024xbf16>
    %dot_general3A_409 = arith.constant dense<0.000000e+00> : vector<1024x64xf32>
    %dot_general3A_410 = tpu.matmul %convert_element_type3A_408, %convert_element_type3A, %dot_general3A_409 {dimension_numbers = #tpu.dot_dimension_numbers<[1], [0], [0], [1], [0, 0, 1, 1], [], []>, transpose_lhs_hint = false} : vector<1024x1024xbf16>, vector<1024x64xbf16>, vector<1024x64xf32> -> vector<1024x64xf32>
    %dot_general3A_411 = arith.constant dense<0.000000e+00> : vector<1024x64xf32>
    %dot_general3A_412 = tpu.matmul %convert_element_type3A_408, %convert_element_type3A_32, %dot_general3A_411 {dimension_numbers = #tpu.dot_dimension_numbers<[1], [0], [0], [1], [0, 0, 1, 1], [], []>, transpose_lhs_hint = false} : vector<1024x1024xbf16>, vector<1024x64xbf16>, vector<1024x64xf32> -> vector<1024x64xf32>
    %add3A_413 = arith.addf %dot_general3A_410, %dot_general3A_412 : vector<1024x64xf32>
    %sub3A_414 = arith.subf %add3A_413, %get3A_8 : vector<1024x64xf32>
    %mul3A_415 = arith.constant 0.999994993 : f32
    %mul3A_416 = vector.broadcast %mul3A_415 : f32 to vector<1024x64xf32>
    %mul3A_417 = arith.mulf %sub3A_414, %mul3A_416 : vector<1024x64xf32>
    %max3A_418 = arith.constant 0.000000e+00 : f32
    %max3A_419 = vector.broadcast %max3A_418 : f32 to vector<1024x64xf32>
    %max3A_420 = arith.maximumf %mul3A_417, %max3A_419 : vector<1024x64xf32>
    %dot_general3A_421 = arith.constant dense<0.000000e+00> : vector<1024x64xf32>
    %dot_general3A_422 = tpu.matmul %max3A_420, %get3A_21, %dot_general3A_421 {dimension_numbers = #tpu.dot_dimension_numbers<[1], [0], [0], [1], [0, 0, 1, 1], [], []>, transpose_lhs_hint = false} : vector<1024x64xf32>, vector<64x64xf32>, vector<1024x64xf32> -> vector<1024x64xf32>
    %add3A_423 = vector.broadcast %get3A_24 : vector<1x64xf32> to vector<1024x64xf32>
    %add3A_424 = arith.addf %dot_general3A_422, %add3A_423 : vector<1024x64xf32>
    %mul3A_425 = arith.constant 0.999994993 : f32
    %mul3A_426 = vector.broadcast %mul3A_425 : f32 to vector<1024x64xf32>
    %mul3A_427 = arith.mulf %add3A_424, %mul3A_426 : vector<1024x64xf32>
    %max3A_428 = arith.constant 0.000000e+00 : f32
    %max3A_429 = vector.broadcast %max3A_428 : f32 to vector<1024x64xf32>
    %max3A_430 = arith.maximumf %mul3A_427, %max3A_429 : vector<1024x64xf32>
    %dot_general3A_431 = arith.constant dense<0.000000e+00> : vector<1024x128xf32>
    %dot_general3A_432 = tpu.matmul %max3A_430, %get3A_27, %dot_general3A_431 {dimension_numbers = #tpu.dot_dimension_numbers<[1], [0], [0], [1], [0, 0, 1, 1], [], []>, transpose_lhs_hint = false} : vector<1024x64xf32>, vector<64x128xf32>, vector<1024x128xf32> -> vector<1024x128xf32>
    %add3A_433 = vector.broadcast %get3A_30 : vector<1x128xf32> to vector<1024x128xf32>
    %add3A_434 = arith.addf %dot_general3A_432, %add3A_433 : vector<1024x128xf32>
    %slice3A_435 = vector.extract_strided_slice %get3A_18 {offsets = [0, 9], sizes = [1024, 1], strides = [1, 1]} : vector<1024x32xf32> to vector<1024x1xf32>
    %le3A_436 = arith.constant 0.00999999977 : f32
    %le3A_437 = vector.broadcast %le3A_436 : f32 to vector<1024x1xf32>
    %le3A_438 = arith.cmpf ole, %slice3A_435, %le3A_437 : vector<1024x1xf32>
    %jit3A_439 = arith.constant 0xFF800000 : f32
    %broadcast_in_dim3A_440 = vector.shape_cast %le3A_438 : vector<1024x1xi1> to vector<1024x1xi1>
    %broadcast_in_dim3A_441 = vector.broadcast %broadcast_in_dim3A_440 : vector<1024x1xi1> to vector<1024x128xi1>
    %broadcast_in_dim3A_442 = vector.broadcast %jit3A_439 : f32 to vector<1024x128xf32>
    %select_n3A_443 = arith.select %broadcast_in_dim3A_441, %add3A_434, %broadcast_in_dim3A_442 : vector<1024x128xi1>, vector<1024x128xf32>
    %max3A_444 = arith.maximumf %max3A_402, %select_n3A_443 : vector<1024x128xf32>
    %slice3A_445 = vector.extract_strided_slice %get3A_13 {offsets = [0, 10], sizes = [1024, 1], strides = [1, 1]} : vector<1024x32xi32> to vector<1024x1xi32>
    %eq3A_446 = vector.broadcast %slice3A_445 : vector<1024x1xi32> to vector<1024x1024xi32>
    %eq3A_447 = arith.cmpi eq, %iota3A, %eq3A_446 : vector<1024x1024xi32>
    %convert_element_type3A_448 = arith.extui %eq3A_447 : vector<1024x1024xi1> to vector<1024x1024xi32>
    %convert_element_type3A_449 = arith.sitofp %convert_element_type3A_448 : vector<1024x1024xi32> to vector<1024x1024xf32>
    %convert_element_type3A_450 = arith.truncf %convert_element_type3A_449 : vector<1024x1024xf32> to vector<1024x1024xbf16>
    %dot_general3A_451 = arith.constant dense<0.000000e+00> : vector<1024x64xf32>
    %dot_general3A_452 = tpu.matmul %convert_element_type3A_450, %convert_element_type3A, %dot_general3A_451 {dimension_numbers = #tpu.dot_dimension_numbers<[1], [0], [0], [1], [0, 0, 1, 1], [], []>, transpose_lhs_hint = false} : vector<1024x1024xbf16>, vector<1024x64xbf16>, vector<1024x64xf32> -> vector<1024x64xf32>
    %dot_general3A_453 = arith.constant dense<0.000000e+00> : vector<1024x64xf32>
    %dot_general3A_454 = tpu.matmul %convert_element_type3A_450, %convert_element_type3A_32, %dot_general3A_453 {dimension_numbers = #tpu.dot_dimension_numbers<[1], [0], [0], [1], [0, 0, 1, 1], [], []>, transpose_lhs_hint = false} : vector<1024x1024xbf16>, vector<1024x64xbf16>, vector<1024x64xf32> -> vector<1024x64xf32>
    %add3A_455 = arith.addf %dot_general3A_452, %dot_general3A_454 : vector<1024x64xf32>
    %sub3A_456 = arith.subf %add3A_455, %get3A_8 : vector<1024x64xf32>
    %mul3A_457 = arith.constant 0.999994993 : f32
    %mul3A_458 = vector.broadcast %mul3A_457 : f32 to vector<1024x64xf32>
    %mul3A_459 = arith.mulf %sub3A_456, %mul3A_458 : vector<1024x64xf32>
    %max3A_460 = arith.constant 0.000000e+00 : f32
    %max3A_461 = vector.broadcast %max3A_460 : f32 to vector<1024x64xf32>
    %max3A_462 = arith.maximumf %mul3A_459, %max3A_461 : vector<1024x64xf32>
    %dot_general3A_463 = arith.constant dense<0.000000e+00> : vector<1024x64xf32>
    %dot_general3A_464 = tpu.matmul %max3A_462, %get3A_21, %dot_general3A_463 {dimension_numbers = #tpu.dot_dimension_numbers<[1], [0], [0], [1], [0, 0, 1, 1], [], []>, transpose_lhs_hint = false} : vector<1024x64xf32>, vector<64x64xf32>, vector<1024x64xf32> -> vector<1024x64xf32>
    %add3A_465 = vector.broadcast %get3A_24 : vector<1x64xf32> to vector<1024x64xf32>
    %add3A_466 = arith.addf %dot_general3A_464, %add3A_465 : vector<1024x64xf32>
    %mul3A_467 = arith.constant 0.999994993 : f32
    %mul3A_468 = vector.broadcast %mul3A_467 : f32 to vector<1024x64xf32>
    %mul3A_469 = arith.mulf %add3A_466, %mul3A_468 : vector<1024x64xf32>
    %max3A_470 = arith.constant 0.000000e+00 : f32
    %max3A_471 = vector.broadcast %max3A_470 : f32 to vector<1024x64xf32>
    %max3A_472 = arith.maximumf %mul3A_469, %max3A_471 : vector<1024x64xf32>
    %dot_general3A_473 = arith.constant dense<0.000000e+00> : vector<1024x128xf32>
    %dot_general3A_474 = tpu.matmul %max3A_472, %get3A_27, %dot_general3A_473 {dimension_numbers = #tpu.dot_dimension_numbers<[1], [0], [0], [1], [0, 0, 1, 1], [], []>, transpose_lhs_hint = false} : vector<1024x64xf32>, vector<64x128xf32>, vector<1024x128xf32> -> vector<1024x128xf32>
    %add3A_475 = vector.broadcast %get3A_30 : vector<1x128xf32> to vector<1024x128xf32>
    %add3A_476 = arith.addf %dot_general3A_474, %add3A_475 : vector<1024x128xf32>
    %slice3A_477 = vector.extract_strided_slice %get3A_18 {offsets = [0, 10], sizes = [1024, 1], strides = [1, 1]} : vector<1024x32xf32> to vector<1024x1xf32>
    %le3A_478 = arith.constant 0.00999999977 : f32
    %le3A_479 = vector.broadcast %le3A_478 : f32 to vector<1024x1xf32>
    %le3A_480 = arith.cmpf ole, %slice3A_477, %le3A_479 : vector<1024x1xf32>
    %jit3A_481 = arith.constant 0xFF800000 : f32
    %broadcast_in_dim3A_482 = vector.shape_cast %le3A_480 : vector<1024x1xi1> to vector<1024x1xi1>
    %broadcast_in_dim3A_483 = vector.broadcast %broadcast_in_dim3A_482 : vector<1024x1xi1> to vector<1024x128xi1>
    %broadcast_in_dim3A_484 = vector.broadcast %jit3A_481 : f32 to vector<1024x128xf32>
    %select_n3A_485 = arith.select %broadcast_in_dim3A_483, %add3A_476, %broadcast_in_dim3A_484 : vector<1024x128xi1>, vector<1024x128xf32>
    %max3A_486 = arith.maximumf %max3A_444, %select_n3A_485 : vector<1024x128xf32>
    %slice3A_487 = vector.extract_strided_slice %get3A_13 {offsets = [0, 11], sizes = [1024, 1], strides = [1, 1]} : vector<1024x32xi32> to vector<1024x1xi32>
    %eq3A_488 = vector.broadcast %slice3A_487 : vector<1024x1xi32> to vector<1024x1024xi32>
    %eq3A_489 = arith.cmpi eq, %iota3A, %eq3A_488 : vector<1024x1024xi32>
    %convert_element_type3A_490 = arith.extui %eq3A_489 : vector<1024x1024xi1> to vector<1024x1024xi32>
    %convert_element_type3A_491 = arith.sitofp %convert_element_type3A_490 : vector<1024x1024xi32> to vector<1024x1024xf32>
    %convert_element_type3A_492 = arith.truncf %convert_element_type3A_491 : vector<1024x1024xf32> to vector<1024x1024xbf16>
    %dot_general3A_493 = arith.constant dense<0.000000e+00> : vector<1024x64xf32>
    %dot_general3A_494 = tpu.matmul %convert_element_type3A_492, %convert_element_type3A, %dot_general3A_493 {dimension_numbers = #tpu.dot_dimension_numbers<[1], [0], [0], [1], [0, 0, 1, 1], [], []>, transpose_lhs_hint = false} : vector<1024x1024xbf16>, vector<1024x64xbf16>, vector<1024x64xf32> -> vector<1024x64xf32>
    %dot_general3A_495 = arith.constant dense<0.000000e+00> : vector<1024x64xf32>
    %dot_general3A_496 = tpu.matmul %convert_element_type3A_492, %convert_element_type3A_32, %dot_general3A_495 {dimension_numbers = #tpu.dot_dimension_numbers<[1], [0], [0], [1], [0, 0, 1, 1], [], []>, transpose_lhs_hint = false} : vector<1024x1024xbf16>, vector<1024x64xbf16>, vector<1024x64xf32> -> vector<1024x64xf32>
    %add3A_497 = arith.addf %dot_general3A_494, %dot_general3A_496 : vector<1024x64xf32>
    %sub3A_498 = arith.subf %add3A_497, %get3A_8 : vector<1024x64xf32>
    %mul3A_499 = arith.constant 0.999994993 : f32
    %mul3A_500 = vector.broadcast %mul3A_499 : f32 to vector<1024x64xf32>
    %mul3A_501 = arith.mulf %sub3A_498, %mul3A_500 : vector<1024x64xf32>
    %max3A_502 = arith.constant 0.000000e+00 : f32
    %max3A_503 = vector.broadcast %max3A_502 : f32 to vector<1024x64xf32>
    %max3A_504 = arith.maximumf %mul3A_501, %max3A_503 : vector<1024x64xf32>
    %dot_general3A_505 = arith.constant dense<0.000000e+00> : vector<1024x64xf32>
    %dot_general3A_506 = tpu.matmul %max3A_504, %get3A_21, %dot_general3A_505 {dimension_numbers = #tpu.dot_dimension_numbers<[1], [0], [0], [1], [0, 0, 1, 1], [], []>, transpose_lhs_hint = false} : vector<1024x64xf32>, vector<64x64xf32>, vector<1024x64xf32> -> vector<1024x64xf32>
    %add3A_507 = vector.broadcast %get3A_24 : vector<1x64xf32> to vector<1024x64xf32>
    %add3A_508 = arith.addf %dot_general3A_506, %add3A_507 : vector<1024x64xf32>
    %mul3A_509 = arith.constant 0.999994993 : f32
    %mul3A_510 = vector.broadcast %mul3A_509 : f32 to vector<1024x64xf32>
    %mul3A_511 = arith.mulf %add3A_508, %mul3A_510 : vector<1024x64xf32>
    %max3A_512 = arith.constant 0.000000e+00 : f32
    %max3A_513 = vector.broadcast %max3A_512 : f32 to vector<1024x64xf32>
    %max3A_514 = arith.maximumf %mul3A_511, %max3A_513 : vector<1024x64xf32>
    %dot_general3A_515 = arith.constant dense<0.000000e+00> : vector<1024x128xf32>
    %dot_general3A_516 = tpu.matmul %max3A_514, %get3A_27, %dot_general3A_515 {dimension_numbers = #tpu.dot_dimension_numbers<[1], [0], [0], [1], [0, 0, 1, 1], [], []>, transpose_lhs_hint = false} : vector<1024x64xf32>, vector<64x128xf32>, vector<1024x128xf32> -> vector<1024x128xf32>
    %add3A_517 = vector.broadcast %get3A_30 : vector<1x128xf32> to vector<1024x128xf32>
    %add3A_518 = arith.addf %dot_general3A_516, %add3A_517 : vector<1024x128xf32>
    %slice3A_519 = vector.extract_strided_slice %get3A_18 {offsets = [0, 11], sizes = [1024, 1], strides = [1, 1]} : vector<1024x32xf32> to vector<1024x1xf32>
    %le3A_520 = arith.constant 0.00999999977 : f32
    %le3A_521 = vector.broadcast %le3A_520 : f32 to vector<1024x1xf32>
    %le3A_522 = arith.cmpf ole, %slice3A_519, %le3A_521 : vector<1024x1xf32>
    %jit3A_523 = arith.constant 0xFF800000 : f32
    %broadcast_in_dim3A_524 = vector.shape_cast %le3A_522 : vector<1024x1xi1> to vector<1024x1xi1>
    %broadcast_in_dim3A_525 = vector.broadcast %broadcast_in_dim3A_524 : vector<1024x1xi1> to vector<1024x128xi1>
    %broadcast_in_dim3A_526 = vector.broadcast %jit3A_523 : f32 to vector<1024x128xf32>
    %select_n3A_527 = arith.select %broadcast_in_dim3A_525, %add3A_518, %broadcast_in_dim3A_526 : vector<1024x128xi1>, vector<1024x128xf32>
    %max3A_528 = arith.maximumf %max3A_486, %select_n3A_527 : vector<1024x128xf32>
    %slice3A_529 = vector.extract_strided_slice %get3A_13 {offsets = [0, 12], sizes = [1024, 1], strides = [1, 1]} : vector<1024x32xi32> to vector<1024x1xi32>
    %eq3A_530 = vector.broadcast %slice3A_529 : vector<1024x1xi32> to vector<1024x1024xi32>
    %eq3A_531 = arith.cmpi eq, %iota3A, %eq3A_530 : vector<1024x1024xi32>
    %convert_element_type3A_532 = arith.extui %eq3A_531 : vector<1024x1024xi1> to vector<1024x1024xi32>
    %convert_element_type3A_533 = arith.sitofp %convert_element_type3A_532 : vector<1024x1024xi32> to vector<1024x1024xf32>
    %convert_element_type3A_534 = arith.truncf %convert_element_type3A_533 : vector<1024x1024xf32> to vector<1024x1024xbf16>
    %dot_general3A_535 = arith.constant dense<0.000000e+00> : vector<1024x64xf32>
    %dot_general3A_536 = tpu.matmul %convert_element_type3A_534, %convert_element_type3A, %dot_general3A_535 {dimension_numbers = #tpu.dot_dimension_numbers<[1], [0], [0], [1], [0, 0, 1, 1], [], []>, transpose_lhs_hint = false} : vector<1024x1024xbf16>, vector<1024x64xbf16>, vector<1024x64xf32> -> vector<1024x64xf32>
    %dot_general3A_537 = arith.constant dense<0.000000e+00> : vector<1024x64xf32>
    %dot_general3A_538 = tpu.matmul %convert_element_type3A_534, %convert_element_type3A_32, %dot_general3A_537 {dimension_numbers = #tpu.dot_dimension_numbers<[1], [0], [0], [1], [0, 0, 1, 1], [], []>, transpose_lhs_hint = false} : vector<1024x1024xbf16>, vector<1024x64xbf16>, vector<1024x64xf32> -> vector<1024x64xf32>
    %add3A_539 = arith.addf %dot_general3A_536, %dot_general3A_538 : vector<1024x64xf32>
    %sub3A_540 = arith.subf %add3A_539, %get3A_8 : vector<1024x64xf32>
    %mul3A_541 = arith.constant 0.999994993 : f32
    %mul3A_542 = vector.broadcast %mul3A_541 : f32 to vector<1024x64xf32>
    %mul3A_543 = arith.mulf %sub3A_540, %mul3A_542 : vector<1024x64xf32>
    %max3A_544 = arith.constant 0.000000e+00 : f32
    %max3A_545 = vector.broadcast %max3A_544 : f32 to vector<1024x64xf32>
    %max3A_546 = arith.maximumf %mul3A_543, %max3A_545 : vector<1024x64xf32>
    %dot_general3A_547 = arith.constant dense<0.000000e+00> : vector<1024x64xf32>
    %dot_general3A_548 = tpu.matmul %max3A_546, %get3A_21, %dot_general3A_547 {dimension_numbers = #tpu.dot_dimension_numbers<[1], [0], [0], [1], [0, 0, 1, 1], [], []>, transpose_lhs_hint = false} : vector<1024x64xf32>, vector<64x64xf32>, vector<1024x64xf32> -> vector<1024x64xf32>
    %add3A_549 = vector.broadcast %get3A_24 : vector<1x64xf32> to vector<1024x64xf32>
    %add3A_550 = arith.addf %dot_general3A_548, %add3A_549 : vector<1024x64xf32>
    %mul3A_551 = arith.constant 0.999994993 : f32
    %mul3A_552 = vector.broadcast %mul3A_551 : f32 to vector<1024x64xf32>
    %mul3A_553 = arith.mulf %add3A_550, %mul3A_552 : vector<1024x64xf32>
    %max3A_554 = arith.constant 0.000000e+00 : f32
    %max3A_555 = vector.broadcast %max3A_554 : f32 to vector<1024x64xf32>
    %max3A_556 = arith.maximumf %mul3A_553, %max3A_555 : vector<1024x64xf32>
    %dot_general3A_557 = arith.constant dense<0.000000e+00> : vector<1024x128xf32>
    %dot_general3A_558 = tpu.matmul %max3A_556, %get3A_27, %dot_general3A_557 {dimension_numbers = #tpu.dot_dimension_numbers<[1], [0], [0], [1], [0, 0, 1, 1], [], []>, transpose_lhs_hint = false} : vector<1024x64xf32>, vector<64x128xf32>, vector<1024x128xf32> -> vector<1024x128xf32>
    %add3A_559 = vector.broadcast %get3A_30 : vector<1x128xf32> to vector<1024x128xf32>
    %add3A_560 = arith.addf %dot_general3A_558, %add3A_559 : vector<1024x128xf32>
    %slice3A_561 = vector.extract_strided_slice %get3A_18 {offsets = [0, 12], sizes = [1024, 1], strides = [1, 1]} : vector<1024x32xf32> to vector<1024x1xf32>
    %le3A_562 = arith.constant 0.00999999977 : f32
    %le3A_563 = vector.broadcast %le3A_562 : f32 to vector<1024x1xf32>
    %le3A_564 = arith.cmpf ole, %slice3A_561, %le3A_563 : vector<1024x1xf32>
    %jit3A_565 = arith.constant 0xFF800000 : f32
    %broadcast_in_dim3A_566 = vector.shape_cast %le3A_564 : vector<1024x1xi1> to vector<1024x1xi1>
    %broadcast_in_dim3A_567 = vector.broadcast %broadcast_in_dim3A_566 : vector<1024x1xi1> to vector<1024x128xi1>
    %broadcast_in_dim3A_568 = vector.broadcast %jit3A_565 : f32 to vector<1024x128xf32>
    %select_n3A_569 = arith.select %broadcast_in_dim3A_567, %add3A_560, %broadcast_in_dim3A_568 : vector<1024x128xi1>, vector<1024x128xf32>
    %max3A_570 = arith.maximumf %max3A_528, %select_n3A_569 : vector<1024x128xf32>
    %slice3A_571 = vector.extract_strided_slice %get3A_13 {offsets = [0, 13], sizes = [1024, 1], strides = [1, 1]} : vector<1024x32xi32> to vector<1024x1xi32>
    %eq3A_572 = vector.broadcast %slice3A_571 : vector<1024x1xi32> to vector<1024x1024xi32>
    %eq3A_573 = arith.cmpi eq, %iota3A, %eq3A_572 : vector<1024x1024xi32>
    %convert_element_type3A_574 = arith.extui %eq3A_573 : vector<1024x1024xi1> to vector<1024x1024xi32>
    %convert_element_type3A_575 = arith.sitofp %convert_element_type3A_574 : vector<1024x1024xi32> to vector<1024x1024xf32>
    %convert_element_type3A_576 = arith.truncf %convert_element_type3A_575 : vector<1024x1024xf32> to vector<1024x1024xbf16>
    %dot_general3A_577 = arith.constant dense<0.000000e+00> : vector<1024x64xf32>
    %dot_general3A_578 = tpu.matmul %convert_element_type3A_576, %convert_element_type3A, %dot_general3A_577 {dimension_numbers = #tpu.dot_dimension_numbers<[1], [0], [0], [1], [0, 0, 1, 1], [], []>, transpose_lhs_hint = false} : vector<1024x1024xbf16>, vector<1024x64xbf16>, vector<1024x64xf32> -> vector<1024x64xf32>
    %dot_general3A_579 = arith.constant dense<0.000000e+00> : vector<1024x64xf32>
    %dot_general3A_580 = tpu.matmul %convert_element_type3A_576, %convert_element_type3A_32, %dot_general3A_579 {dimension_numbers = #tpu.dot_dimension_numbers<[1], [0], [0], [1], [0, 0, 1, 1], [], []>, transpose_lhs_hint = false} : vector<1024x1024xbf16>, vector<1024x64xbf16>, vector<1024x64xf32> -> vector<1024x64xf32>
    %add3A_581 = arith.addf %dot_general3A_578, %dot_general3A_580 : vector<1024x64xf32>
    %sub3A_582 = arith.subf %add3A_581, %get3A_8 : vector<1024x64xf32>
    %mul3A_583 = arith.constant 0.999994993 : f32
    %mul3A_584 = vector.broadcast %mul3A_583 : f32 to vector<1024x64xf32>
    %mul3A_585 = arith.mulf %sub3A_582, %mul3A_584 : vector<1024x64xf32>
    %max3A_586 = arith.constant 0.000000e+00 : f32
    %max3A_587 = vector.broadcast %max3A_586 : f32 to vector<1024x64xf32>
    %max3A_588 = arith.maximumf %mul3A_585, %max3A_587 : vector<1024x64xf32>
    %dot_general3A_589 = arith.constant dense<0.000000e+00> : vector<1024x64xf32>
    %dot_general3A_590 = tpu.matmul %max3A_588, %get3A_21, %dot_general3A_589 {dimension_numbers = #tpu.dot_dimension_numbers<[1], [0], [0], [1], [0, 0, 1, 1], [], []>, transpose_lhs_hint = false} : vector<1024x64xf32>, vector<64x64xf32>, vector<1024x64xf32> -> vector<1024x64xf32>
    %add3A_591 = vector.broadcast %get3A_24 : vector<1x64xf32> to vector<1024x64xf32>
    %add3A_592 = arith.addf %dot_general3A_590, %add3A_591 : vector<1024x64xf32>
    %mul3A_593 = arith.constant 0.999994993 : f32
    %mul3A_594 = vector.broadcast %mul3A_593 : f32 to vector<1024x64xf32>
    %mul3A_595 = arith.mulf %add3A_592, %mul3A_594 : vector<1024x64xf32>
    %max3A_596 = arith.constant 0.000000e+00 : f32
    %max3A_597 = vector.broadcast %max3A_596 : f32 to vector<1024x64xf32>
    %max3A_598 = arith.maximumf %mul3A_595, %max3A_597 : vector<1024x64xf32>
    %dot_general3A_599 = arith.constant dense<0.000000e+00> : vector<1024x128xf32>
    %dot_general3A_600 = tpu.matmul %max3A_598, %get3A_27, %dot_general3A_599 {dimension_numbers = #tpu.dot_dimension_numbers<[1], [0], [0], [1], [0, 0, 1, 1], [], []>, transpose_lhs_hint = false} : vector<1024x64xf32>, vector<64x128xf32>, vector<1024x128xf32> -> vector<1024x128xf32>
    %add3A_601 = vector.broadcast %get3A_30 : vector<1x128xf32> to vector<1024x128xf32>
    %add3A_602 = arith.addf %dot_general3A_600, %add3A_601 : vector<1024x128xf32>
    %slice3A_603 = vector.extract_strided_slice %get3A_18 {offsets = [0, 13], sizes = [1024, 1], strides = [1, 1]} : vector<1024x32xf32> to vector<1024x1xf32>
    %le3A_604 = arith.constant 0.00999999977 : f32
    %le3A_605 = vector.broadcast %le3A_604 : f32 to vector<1024x1xf32>
    %le3A_606 = arith.cmpf ole, %slice3A_603, %le3A_605 : vector<1024x1xf32>
    %jit3A_607 = arith.constant 0xFF800000 : f32
    %broadcast_in_dim3A_608 = vector.shape_cast %le3A_606 : vector<1024x1xi1> to vector<1024x1xi1>
    %broadcast_in_dim3A_609 = vector.broadcast %broadcast_in_dim3A_608 : vector<1024x1xi1> to vector<1024x128xi1>
    %broadcast_in_dim3A_610 = vector.broadcast %jit3A_607 : f32 to vector<1024x128xf32>
    %select_n3A_611 = arith.select %broadcast_in_dim3A_609, %add3A_602, %broadcast_in_dim3A_610 : vector<1024x128xi1>, vector<1024x128xf32>
    %max3A_612 = arith.maximumf %max3A_570, %select_n3A_611 : vector<1024x128xf32>
    %slice3A_613 = vector.extract_strided_slice %get3A_13 {offsets = [0, 14], sizes = [1024, 1], strides = [1, 1]} : vector<1024x32xi32> to vector<1024x1xi32>
    %eq3A_614 = vector.broadcast %slice3A_613 : vector<1024x1xi32> to vector<1024x1024xi32>
    %eq3A_615 = arith.cmpi eq, %iota3A, %eq3A_614 : vector<1024x1024xi32>
    %convert_element_type3A_616 = arith.extui %eq3A_615 : vector<1024x1024xi1> to vector<1024x1024xi32>
    %convert_element_type3A_617 = arith.sitofp %convert_element_type3A_616 : vector<1024x1024xi32> to vector<1024x1024xf32>
    %convert_element_type3A_618 = arith.truncf %convert_element_type3A_617 : vector<1024x1024xf32> to vector<1024x1024xbf16>
    %dot_general3A_619 = arith.constant dense<0.000000e+00> : vector<1024x64xf32>
    %dot_general3A_620 = tpu.matmul %convert_element_type3A_618, %convert_element_type3A, %dot_general3A_619 {dimension_numbers = #tpu.dot_dimension_numbers<[1], [0], [0], [1], [0, 0, 1, 1], [], []>, transpose_lhs_hint = false} : vector<1024x1024xbf16>, vector<1024x64xbf16>, vector<1024x64xf32> -> vector<1024x64xf32>
    %dot_general3A_621 = arith.constant dense<0.000000e+00> : vector<1024x64xf32>
    %dot_general3A_622 = tpu.matmul %convert_element_type3A_618, %convert_element_type3A_32, %dot_general3A_621 {dimension_numbers = #tpu.dot_dimension_numbers<[1], [0], [0], [1], [0, 0, 1, 1], [], []>, transpose_lhs_hint = false} : vector<1024x1024xbf16>, vector<1024x64xbf16>, vector<1024x64xf32> -> vector<1024x64xf32>
    %add3A_623 = arith.addf %dot_general3A_620, %dot_general3A_622 : vector<1024x64xf32>
    %sub3A_624 = arith.subf %add3A_623, %get3A_8 : vector<1024x64xf32>
    %mul3A_625 = arith.constant 0.999994993 : f32
    %mul3A_626 = vector.broadcast %mul3A_625 : f32 to vector<1024x64xf32>
    %mul3A_627 = arith.mulf %sub3A_624, %mul3A_626 : vector<1024x64xf32>
    %max3A_628 = arith.constant 0.000000e+00 : f32
    %max3A_629 = vector.broadcast %max3A_628 : f32 to vector<1024x64xf32>
    %max3A_630 = arith.maximumf %mul3A_627, %max3A_629 : vector<1024x64xf32>
    %dot_general3A_631 = arith.constant dense<0.000000e+00> : vector<1024x64xf32>
    %dot_general3A_632 = tpu.matmul %max3A_630, %get3A_21, %dot_general3A_631 {dimension_numbers = #tpu.dot_dimension_numbers<[1], [0], [0], [1], [0, 0, 1, 1], [], []>, transpose_lhs_hint = false} : vector<1024x64xf32>, vector<64x64xf32>, vector<1024x64xf32> -> vector<1024x64xf32>
    %add3A_633 = vector.broadcast %get3A_24 : vector<1x64xf32> to vector<1024x64xf32>
    %add3A_634 = arith.addf %dot_general3A_632, %add3A_633 : vector<1024x64xf32>
    %mul3A_635 = arith.constant 0.999994993 : f32
    %mul3A_636 = vector.broadcast %mul3A_635 : f32 to vector<1024x64xf32>
    %mul3A_637 = arith.mulf %add3A_634, %mul3A_636 : vector<1024x64xf32>
    %max3A_638 = arith.constant 0.000000e+00 : f32
    %max3A_639 = vector.broadcast %max3A_638 : f32 to vector<1024x64xf32>
    %max3A_640 = arith.maximumf %mul3A_637, %max3A_639 : vector<1024x64xf32>
    %dot_general3A_641 = arith.constant dense<0.000000e+00> : vector<1024x128xf32>
    %dot_general3A_642 = tpu.matmul %max3A_640, %get3A_27, %dot_general3A_641 {dimension_numbers = #tpu.dot_dimension_numbers<[1], [0], [0], [1], [0, 0, 1, 1], [], []>, transpose_lhs_hint = false} : vector<1024x64xf32>, vector<64x128xf32>, vector<1024x128xf32> -> vector<1024x128xf32>
    %add3A_643 = vector.broadcast %get3A_30 : vector<1x128xf32> to vector<1024x128xf32>
    %add3A_644 = arith.addf %dot_general3A_642, %add3A_643 : vector<1024x128xf32>
    %slice3A_645 = vector.extract_strided_slice %get3A_18 {offsets = [0, 14], sizes = [1024, 1], strides = [1, 1]} : vector<1024x32xf32> to vector<1024x1xf32>
    %le3A_646 = arith.constant 0.00999999977 : f32
    %le3A_647 = vector.broadcast %le3A_646 : f32 to vector<1024x1xf32>
    %le3A_648 = arith.cmpf ole, %slice3A_645, %le3A_647 : vector<1024x1xf32>
    %jit3A_649 = arith.constant 0xFF800000 : f32
    %broadcast_in_dim3A_650 = vector.shape_cast %le3A_648 : vector<1024x1xi1> to vector<1024x1xi1>
    %broadcast_in_dim3A_651 = vector.broadcast %broadcast_in_dim3A_650 : vector<1024x1xi1> to vector<1024x128xi1>
    %broadcast_in_dim3A_652 = vector.broadcast %jit3A_649 : f32 to vector<1024x128xf32>
    %select_n3A_653 = arith.select %broadcast_in_dim3A_651, %add3A_644, %broadcast_in_dim3A_652 : vector<1024x128xi1>, vector<1024x128xf32>
    %max3A_654 = arith.maximumf %max3A_612, %select_n3A_653 : vector<1024x128xf32>
    %slice3A_655 = vector.extract_strided_slice %get3A_13 {offsets = [0, 15], sizes = [1024, 1], strides = [1, 1]} : vector<1024x32xi32> to vector<1024x1xi32>
    %eq3A_656 = vector.broadcast %slice3A_655 : vector<1024x1xi32> to vector<1024x1024xi32>
    %eq3A_657 = arith.cmpi eq, %iota3A, %eq3A_656 : vector<1024x1024xi32>
    %convert_element_type3A_658 = arith.extui %eq3A_657 : vector<1024x1024xi1> to vector<1024x1024xi32>
    %convert_element_type3A_659 = arith.sitofp %convert_element_type3A_658 : vector<1024x1024xi32> to vector<1024x1024xf32>
    %convert_element_type3A_660 = arith.truncf %convert_element_type3A_659 : vector<1024x1024xf32> to vector<1024x1024xbf16>
    %dot_general3A_661 = arith.constant dense<0.000000e+00> : vector<1024x64xf32>
    %dot_general3A_662 = tpu.matmul %convert_element_type3A_660, %convert_element_type3A, %dot_general3A_661 {dimension_numbers = #tpu.dot_dimension_numbers<[1], [0], [0], [1], [0, 0, 1, 1], [], []>, transpose_lhs_hint = false} : vector<1024x1024xbf16>, vector<1024x64xbf16>, vector<1024x64xf32> -> vector<1024x64xf32>
    %dot_general3A_663 = arith.constant dense<0.000000e+00> : vector<1024x64xf32>
    %dot_general3A_664 = tpu.matmul %convert_element_type3A_660, %convert_element_type3A_32, %dot_general3A_663 {dimension_numbers = #tpu.dot_dimension_numbers<[1], [0], [0], [1], [0, 0, 1, 1], [], []>, transpose_lhs_hint = false} : vector<1024x1024xbf16>, vector<1024x64xbf16>, vector<1024x64xf32> -> vector<1024x64xf32>
    %add3A_665 = arith.addf %dot_general3A_662, %dot_general3A_664 : vector<1024x64xf32>
    %sub3A_666 = arith.subf %add3A_665, %get3A_8 : vector<1024x64xf32>
    %mul3A_667 = arith.constant 0.999994993 : f32
    %mul3A_668 = vector.broadcast %mul3A_667 : f32 to vector<1024x64xf32>
    %mul3A_669 = arith.mulf %sub3A_666, %mul3A_668 : vector<1024x64xf32>
    %max3A_670 = arith.constant 0.000000e+00 : f32
    %max3A_671 = vector.broadcast %max3A_670 : f32 to vector<1024x64xf32>
    %max3A_672 = arith.maximumf %mul3A_669, %max3A_671 : vector<1024x64xf32>
    %dot_general3A_673 = arith.constant dense<0.000000e+00> : vector<1024x64xf32>
    %dot_general3A_674 = tpu.matmul %max3A_672, %get3A_21, %dot_general3A_673 {dimension_numbers = #tpu.dot_dimension_numbers<[1], [0], [0], [1], [0, 0, 1, 1], [], []>, transpose_lhs_hint = false} : vector<1024x64xf32>, vector<64x64xf32>, vector<1024x64xf32> -> vector<1024x64xf32>
    %add3A_675 = vector.broadcast %get3A_24 : vector<1x64xf32> to vector<1024x64xf32>
    %add3A_676 = arith.addf %dot_general3A_674, %add3A_675 : vector<1024x64xf32>
    %mul3A_677 = arith.constant 0.999994993 : f32
    %mul3A_678 = vector.broadcast %mul3A_677 : f32 to vector<1024x64xf32>
    %mul3A_679 = arith.mulf %add3A_676, %mul3A_678 : vector<1024x64xf32>
    %max3A_680 = arith.constant 0.000000e+00 : f32
    %max3A_681 = vector.broadcast %max3A_680 : f32 to vector<1024x64xf32>
    %max3A_682 = arith.maximumf %mul3A_679, %max3A_681 : vector<1024x64xf32>
    %dot_general3A_683 = arith.constant dense<0.000000e+00> : vector<1024x128xf32>
    %dot_general3A_684 = tpu.matmul %max3A_682, %get3A_27, %dot_general3A_683 {dimension_numbers = #tpu.dot_dimension_numbers<[1], [0], [0], [1], [0, 0, 1, 1], [], []>, transpose_lhs_hint = false} : vector<1024x64xf32>, vector<64x128xf32>, vector<1024x128xf32> -> vector<1024x128xf32>
    %add3A_685 = vector.broadcast %get3A_30 : vector<1x128xf32> to vector<1024x128xf32>
    %add3A_686 = arith.addf %dot_general3A_684, %add3A_685 : vector<1024x128xf32>
    %slice3A_687 = vector.extract_strided_slice %get3A_18 {offsets = [0, 15], sizes = [1024, 1], strides = [1, 1]} : vector<1024x32xf32> to vector<1024x1xf32>
    %le3A_688 = arith.constant 0.00999999977 : f32
    %le3A_689 = vector.broadcast %le3A_688 : f32 to vector<1024x1xf32>
    %le3A_690 = arith.cmpf ole, %slice3A_687, %le3A_689 : vector<1024x1xf32>
    %jit3A_691 = arith.constant 0xFF800000 : f32
    %broadcast_in_dim3A_692 = vector.shape_cast %le3A_690 : vector<1024x1xi1> to vector<1024x1xi1>
    %broadcast_in_dim3A_693 = vector.broadcast %broadcast_in_dim3A_692 : vector<1024x1xi1> to vector<1024x128xi1>
    %broadcast_in_dim3A_694 = vector.broadcast %jit3A_691 : f32 to vector<1024x128xf32>
    %select_n3A_695 = arith.select %broadcast_in_dim3A_693, %add3A_686, %broadcast_in_dim3A_694 : vector<1024x128xi1>, vector<1024x128xf32>
    %max3A_696 = arith.maximumf %max3A_654, %select_n3A_695 : vector<1024x128xf32>
    %slice3A_697 = vector.extract_strided_slice %get3A_13 {offsets = [0, 16], sizes = [1024, 1], strides = [1, 1]} : vector<1024x32xi32> to vector<1024x1xi32>
    %eq3A_698 = vector.broadcast %slice3A_697 : vector<1024x1xi32> to vector<1024x1024xi32>
    %eq3A_699 = arith.cmpi eq, %iota3A, %eq3A_698 : vector<1024x1024xi32>
    %convert_element_type3A_700 = arith.extui %eq3A_699 : vector<1024x1024xi1> to vector<1024x1024xi32>
    %convert_element_type3A_701 = arith.sitofp %convert_element_type3A_700 : vector<1024x1024xi32> to vector<1024x1024xf32>
    %convert_element_type3A_702 = arith.truncf %convert_element_type3A_701 : vector<1024x1024xf32> to vector<1024x1024xbf16>
    %dot_general3A_703 = arith.constant dense<0.000000e+00> : vector<1024x64xf32>
    %dot_general3A_704 = tpu.matmul %convert_element_type3A_702, %convert_element_type3A, %dot_general3A_703 {dimension_numbers = #tpu.dot_dimension_numbers<[1], [0], [0], [1], [0, 0, 1, 1], [], []>, transpose_lhs_hint = false} : vector<1024x1024xbf16>, vector<1024x64xbf16>, vector<1024x64xf32> -> vector<1024x64xf32>
    %dot_general3A_705 = arith.constant dense<0.000000e+00> : vector<1024x64xf32>
    %dot_general3A_706 = tpu.matmul %convert_element_type3A_702, %convert_element_type3A_32, %dot_general3A_705 {dimension_numbers = #tpu.dot_dimension_numbers<[1], [0], [0], [1], [0, 0, 1, 1], [], []>, transpose_lhs_hint = false} : vector<1024x1024xbf16>, vector<1024x64xbf16>, vector<1024x64xf32> -> vector<1024x64xf32>
    %add3A_707 = arith.addf %dot_general3A_704, %dot_general3A_706 : vector<1024x64xf32>
    %sub3A_708 = arith.subf %add3A_707, %get3A_8 : vector<1024x64xf32>
    %mul3A_709 = arith.constant 0.999994993 : f32
    %mul3A_710 = vector.broadcast %mul3A_709 : f32 to vector<1024x64xf32>
    %mul3A_711 = arith.mulf %sub3A_708, %mul3A_710 : vector<1024x64xf32>
    %max3A_712 = arith.constant 0.000000e+00 : f32
    %max3A_713 = vector.broadcast %max3A_712 : f32 to vector<1024x64xf32>
    %max3A_714 = arith.maximumf %mul3A_711, %max3A_713 : vector<1024x64xf32>
    %dot_general3A_715 = arith.constant dense<0.000000e+00> : vector<1024x64xf32>
    %dot_general3A_716 = tpu.matmul %max3A_714, %get3A_21, %dot_general3A_715 {dimension_numbers = #tpu.dot_dimension_numbers<[1], [0], [0], [1], [0, 0, 1, 1], [], []>, transpose_lhs_hint = false} : vector<1024x64xf32>, vector<64x64xf32>, vector<1024x64xf32> -> vector<1024x64xf32>
    %add3A_717 = vector.broadcast %get3A_24 : vector<1x64xf32> to vector<1024x64xf32>
    %add3A_718 = arith.addf %dot_general3A_716, %add3A_717 : vector<1024x64xf32>
    %mul3A_719 = arith.constant 0.999994993 : f32
    %mul3A_720 = vector.broadcast %mul3A_719 : f32 to vector<1024x64xf32>
    %mul3A_721 = arith.mulf %add3A_718, %mul3A_720 : vector<1024x64xf32>
    %max3A_722 = arith.constant 0.000000e+00 : f32
    %max3A_723 = vector.broadcast %max3A_722 : f32 to vector<1024x64xf32>
    %max3A_724 = arith.maximumf %mul3A_721, %max3A_723 : vector<1024x64xf32>
    %dot_general3A_725 = arith.constant dense<0.000000e+00> : vector<1024x128xf32>
    %dot_general3A_726 = tpu.matmul %max3A_724, %get3A_27, %dot_general3A_725 {dimension_numbers = #tpu.dot_dimension_numbers<[1], [0], [0], [1], [0, 0, 1, 1], [], []>, transpose_lhs_hint = false} : vector<1024x64xf32>, vector<64x128xf32>, vector<1024x128xf32> -> vector<1024x128xf32>
    %add3A_727 = vector.broadcast %get3A_30 : vector<1x128xf32> to vector<1024x128xf32>
    %add3A_728 = arith.addf %dot_general3A_726, %add3A_727 : vector<1024x128xf32>
    %slice3A_729 = vector.extract_strided_slice %get3A_18 {offsets = [0, 16], sizes = [1024, 1], strides = [1, 1]} : vector<1024x32xf32> to vector<1024x1xf32>
    %le3A_730 = arith.constant 0.00999999977 : f32
    %le3A_731 = vector.broadcast %le3A_730 : f32 to vector<1024x1xf32>
    %le3A_732 = arith.cmpf ole, %slice3A_729, %le3A_731 : vector<1024x1xf32>
    %jit3A_733 = arith.constant 0xFF800000 : f32
    %broadcast_in_dim3A_734 = vector.shape_cast %le3A_732 : vector<1024x1xi1> to vector<1024x1xi1>
    %broadcast_in_dim3A_735 = vector.broadcast %broadcast_in_dim3A_734 : vector<1024x1xi1> to vector<1024x128xi1>
    %broadcast_in_dim3A_736 = vector.broadcast %jit3A_733 : f32 to vector<1024x128xf32>
    %select_n3A_737 = arith.select %broadcast_in_dim3A_735, %add3A_728, %broadcast_in_dim3A_736 : vector<1024x128xi1>, vector<1024x128xf32>
    %max3A_738 = arith.maximumf %max3A_696, %select_n3A_737 : vector<1024x128xf32>
    %slice3A_739 = vector.extract_strided_slice %get3A_13 {offsets = [0, 17], sizes = [1024, 1], strides = [1, 1]} : vector<1024x32xi32> to vector<1024x1xi32>
    %eq3A_740 = vector.broadcast %slice3A_739 : vector<1024x1xi32> to vector<1024x1024xi32>
    %eq3A_741 = arith.cmpi eq, %iota3A, %eq3A_740 : vector<1024x1024xi32>
    %convert_element_type3A_742 = arith.extui %eq3A_741 : vector<1024x1024xi1> to vector<1024x1024xi32>
    %convert_element_type3A_743 = arith.sitofp %convert_element_type3A_742 : vector<1024x1024xi32> to vector<1024x1024xf32>
    %convert_element_type3A_744 = arith.truncf %convert_element_type3A_743 : vector<1024x1024xf32> to vector<1024x1024xbf16>
    %dot_general3A_745 = arith.constant dense<0.000000e+00> : vector<1024x64xf32>
    %dot_general3A_746 = tpu.matmul %convert_element_type3A_744, %convert_element_type3A, %dot_general3A_745 {dimension_numbers = #tpu.dot_dimension_numbers<[1], [0], [0], [1], [0, 0, 1, 1], [], []>, transpose_lhs_hint = false} : vector<1024x1024xbf16>, vector<1024x64xbf16>, vector<1024x64xf32> -> vector<1024x64xf32>
    %dot_general3A_747 = arith.constant dense<0.000000e+00> : vector<1024x64xf32>
    %dot_general3A_748 = tpu.matmul %convert_element_type3A_744, %convert_element_type3A_32, %dot_general3A_747 {dimension_numbers = #tpu.dot_dimension_numbers<[1], [0], [0], [1], [0, 0, 1, 1], [], []>, transpose_lhs_hint = false} : vector<1024x1024xbf16>, vector<1024x64xbf16>, vector<1024x64xf32> -> vector<1024x64xf32>
    %add3A_749 = arith.addf %dot_general3A_746, %dot_general3A_748 : vector<1024x64xf32>
    %sub3A_750 = arith.subf %add3A_749, %get3A_8 : vector<1024x64xf32>
    %mul3A_751 = arith.constant 0.999994993 : f32
    %mul3A_752 = vector.broadcast %mul3A_751 : f32 to vector<1024x64xf32>
    %mul3A_753 = arith.mulf %sub3A_750, %mul3A_752 : vector<1024x64xf32>
    %max3A_754 = arith.constant 0.000000e+00 : f32
    %max3A_755 = vector.broadcast %max3A_754 : f32 to vector<1024x64xf32>
    %max3A_756 = arith.maximumf %mul3A_753, %max3A_755 : vector<1024x64xf32>
    %dot_general3A_757 = arith.constant dense<0.000000e+00> : vector<1024x64xf32>
    %dot_general3A_758 = tpu.matmul %max3A_756, %get3A_21, %dot_general3A_757 {dimension_numbers = #tpu.dot_dimension_numbers<[1], [0], [0], [1], [0, 0, 1, 1], [], []>, transpose_lhs_hint = false} : vector<1024x64xf32>, vector<64x64xf32>, vector<1024x64xf32> -> vector<1024x64xf32>
    %add3A_759 = vector.broadcast %get3A_24 : vector<1x64xf32> to vector<1024x64xf32>
    %add3A_760 = arith.addf %dot_general3A_758, %add3A_759 : vector<1024x64xf32>
    %mul3A_761 = arith.constant 0.999994993 : f32
    %mul3A_762 = vector.broadcast %mul3A_761 : f32 to vector<1024x64xf32>
    %mul3A_763 = arith.mulf %add3A_760, %mul3A_762 : vector<1024x64xf32>
    %max3A_764 = arith.constant 0.000000e+00 : f32
    %max3A_765 = vector.broadcast %max3A_764 : f32 to vector<1024x64xf32>
    %max3A_766 = arith.maximumf %mul3A_763, %max3A_765 : vector<1024x64xf32>
    %dot_general3A_767 = arith.constant dense<0.000000e+00> : vector<1024x128xf32>
    %dot_general3A_768 = tpu.matmul %max3A_766, %get3A_27, %dot_general3A_767 {dimension_numbers = #tpu.dot_dimension_numbers<[1], [0], [0], [1], [0, 0, 1, 1], [], []>, transpose_lhs_hint = false} : vector<1024x64xf32>, vector<64x128xf32>, vector<1024x128xf32> -> vector<1024x128xf32>
    %add3A_769 = vector.broadcast %get3A_30 : vector<1x128xf32> to vector<1024x128xf32>
    %add3A_770 = arith.addf %dot_general3A_768, %add3A_769 : vector<1024x128xf32>
    %slice3A_771 = vector.extract_strided_slice %get3A_18 {offsets = [0, 17], sizes = [1024, 1], strides = [1, 1]} : vector<1024x32xf32> to vector<1024x1xf32>
    %le3A_772 = arith.constant 0.00999999977 : f32
    %le3A_773 = vector.broadcast %le3A_772 : f32 to vector<1024x1xf32>
    %le3A_774 = arith.cmpf ole, %slice3A_771, %le3A_773 : vector<1024x1xf32>
    %jit3A_775 = arith.constant 0xFF800000 : f32
    %broadcast_in_dim3A_776 = vector.shape_cast %le3A_774 : vector<1024x1xi1> to vector<1024x1xi1>
    %broadcast_in_dim3A_777 = vector.broadcast %broadcast_in_dim3A_776 : vector<1024x1xi1> to vector<1024x128xi1>
    %broadcast_in_dim3A_778 = vector.broadcast %jit3A_775 : f32 to vector<1024x128xf32>
    %select_n3A_779 = arith.select %broadcast_in_dim3A_777, %add3A_770, %broadcast_in_dim3A_778 : vector<1024x128xi1>, vector<1024x128xf32>
    %max3A_780 = arith.maximumf %max3A_738, %select_n3A_779 : vector<1024x128xf32>
    %slice3A_781 = vector.extract_strided_slice %get3A_13 {offsets = [0, 18], sizes = [1024, 1], strides = [1, 1]} : vector<1024x32xi32> to vector<1024x1xi32>
    %eq3A_782 = vector.broadcast %slice3A_781 : vector<1024x1xi32> to vector<1024x1024xi32>
    %eq3A_783 = arith.cmpi eq, %iota3A, %eq3A_782 : vector<1024x1024xi32>
    %convert_element_type3A_784 = arith.extui %eq3A_783 : vector<1024x1024xi1> to vector<1024x1024xi32>
    %convert_element_type3A_785 = arith.sitofp %convert_element_type3A_784 : vector<1024x1024xi32> to vector<1024x1024xf32>
    %convert_element_type3A_786 = arith.truncf %convert_element_type3A_785 : vector<1024x1024xf32> to vector<1024x1024xbf16>
    %dot_general3A_787 = arith.constant dense<0.000000e+00> : vector<1024x64xf32>
    %dot_general3A_788 = tpu.matmul %convert_element_type3A_786, %convert_element_type3A, %dot_general3A_787 {dimension_numbers = #tpu.dot_dimension_numbers<[1], [0], [0], [1], [0, 0, 1, 1], [], []>, transpose_lhs_hint = false} : vector<1024x1024xbf16>, vector<1024x64xbf16>, vector<1024x64xf32> -> vector<1024x64xf32>
    %dot_general3A_789 = arith.constant dense<0.000000e+00> : vector<1024x64xf32>
    %dot_general3A_790 = tpu.matmul %convert_element_type3A_786, %convert_element_type3A_32, %dot_general3A_789 {dimension_numbers = #tpu.dot_dimension_numbers<[1], [0], [0], [1], [0, 0, 1, 1], [], []>, transpose_lhs_hint = false} : vector<1024x1024xbf16>, vector<1024x64xbf16>, vector<1024x64xf32> -> vector<1024x64xf32>
    %add3A_791 = arith.addf %dot_general3A_788, %dot_general3A_790 : vector<1024x64xf32>
    %sub3A_792 = arith.subf %add3A_791, %get3A_8 : vector<1024x64xf32>
    %mul3A_793 = arith.constant 0.999994993 : f32
    %mul3A_794 = vector.broadcast %mul3A_793 : f32 to vector<1024x64xf32>
    %mul3A_795 = arith.mulf %sub3A_792, %mul3A_794 : vector<1024x64xf32>
    %max3A_796 = arith.constant 0.000000e+00 : f32
    %max3A_797 = vector.broadcast %max3A_796 : f32 to vector<1024x64xf32>
    %max3A_798 = arith.maximumf %mul3A_795, %max3A_797 : vector<1024x64xf32>
    %dot_general3A_799 = arith.constant dense<0.000000e+00> : vector<1024x64xf32>
    %dot_general3A_800 = tpu.matmul %max3A_798, %get3A_21, %dot_general3A_799 {dimension_numbers = #tpu.dot_dimension_numbers<[1], [0], [0], [1], [0, 0, 1, 1], [], []>, transpose_lhs_hint = false} : vector<1024x64xf32>, vector<64x64xf32>, vector<1024x64xf32> -> vector<1024x64xf32>
    %add3A_801 = vector.broadcast %get3A_24 : vector<1x64xf32> to vector<1024x64xf32>
    %add3A_802 = arith.addf %dot_general3A_800, %add3A_801 : vector<1024x64xf32>
    %mul3A_803 = arith.constant 0.999994993 : f32
    %mul3A_804 = vector.broadcast %mul3A_803 : f32 to vector<1024x64xf32>
    %mul3A_805 = arith.mulf %add3A_802, %mul3A_804 : vector<1024x64xf32>
    %max3A_806 = arith.constant 0.000000e+00 : f32
    %max3A_807 = vector.broadcast %max3A_806 : f32 to vector<1024x64xf32>
    %max3A_808 = arith.maximumf %mul3A_805, %max3A_807 : vector<1024x64xf32>
    %dot_general3A_809 = arith.constant dense<0.000000e+00> : vector<1024x128xf32>
    %dot_general3A_810 = tpu.matmul %max3A_808, %get3A_27, %dot_general3A_809 {dimension_numbers = #tpu.dot_dimension_numbers<[1], [0], [0], [1], [0, 0, 1, 1], [], []>, transpose_lhs_hint = false} : vector<1024x64xf32>, vector<64x128xf32>, vector<1024x128xf32> -> vector<1024x128xf32>
    %add3A_811 = vector.broadcast %get3A_30 : vector<1x128xf32> to vector<1024x128xf32>
    %add3A_812 = arith.addf %dot_general3A_810, %add3A_811 : vector<1024x128xf32>
    %slice3A_813 = vector.extract_strided_slice %get3A_18 {offsets = [0, 18], sizes = [1024, 1], strides = [1, 1]} : vector<1024x32xf32> to vector<1024x1xf32>
    %le3A_814 = arith.constant 0.00999999977 : f32
    %le3A_815 = vector.broadcast %le3A_814 : f32 to vector<1024x1xf32>
    %le3A_816 = arith.cmpf ole, %slice3A_813, %le3A_815 : vector<1024x1xf32>
    %jit3A_817 = arith.constant 0xFF800000 : f32
    %broadcast_in_dim3A_818 = vector.shape_cast %le3A_816 : vector<1024x1xi1> to vector<1024x1xi1>
    %broadcast_in_dim3A_819 = vector.broadcast %broadcast_in_dim3A_818 : vector<1024x1xi1> to vector<1024x128xi1>
    %broadcast_in_dim3A_820 = vector.broadcast %jit3A_817 : f32 to vector<1024x128xf32>
    %select_n3A_821 = arith.select %broadcast_in_dim3A_819, %add3A_812, %broadcast_in_dim3A_820 : vector<1024x128xi1>, vector<1024x128xf32>
    %max3A_822 = arith.maximumf %max3A_780, %select_n3A_821 : vector<1024x128xf32>
    %slice3A_823 = vector.extract_strided_slice %get3A_13 {offsets = [0, 19], sizes = [1024, 1], strides = [1, 1]} : vector<1024x32xi32> to vector<1024x1xi32>
    %eq3A_824 = vector.broadcast %slice3A_823 : vector<1024x1xi32> to vector<1024x1024xi32>
    %eq3A_825 = arith.cmpi eq, %iota3A, %eq3A_824 : vector<1024x1024xi32>
    %convert_element_type3A_826 = arith.extui %eq3A_825 : vector<1024x1024xi1> to vector<1024x1024xi32>
    %convert_element_type3A_827 = arith.sitofp %convert_element_type3A_826 : vector<1024x1024xi32> to vector<1024x1024xf32>
    %convert_element_type3A_828 = arith.truncf %convert_element_type3A_827 : vector<1024x1024xf32> to vector<1024x1024xbf16>
    %dot_general3A_829 = arith.constant dense<0.000000e+00> : vector<1024x64xf32>
    %dot_general3A_830 = tpu.matmul %convert_element_type3A_828, %convert_element_type3A, %dot_general3A_829 {dimension_numbers = #tpu.dot_dimension_numbers<[1], [0], [0], [1], [0, 0, 1, 1], [], []>, transpose_lhs_hint = false} : vector<1024x1024xbf16>, vector<1024x64xbf16>, vector<1024x64xf32> -> vector<1024x64xf32>
    %dot_general3A_831 = arith.constant dense<0.000000e+00> : vector<1024x64xf32>
    %dot_general3A_832 = tpu.matmul %convert_element_type3A_828, %convert_element_type3A_32, %dot_general3A_831 {dimension_numbers = #tpu.dot_dimension_numbers<[1], [0], [0], [1], [0, 0, 1, 1], [], []>, transpose_lhs_hint = false} : vector<1024x1024xbf16>, vector<1024x64xbf16>, vector<1024x64xf32> -> vector<1024x64xf32>
    %add3A_833 = arith.addf %dot_general3A_830, %dot_general3A_832 : vector<1024x64xf32>
    %sub3A_834 = arith.subf %add3A_833, %get3A_8 : vector<1024x64xf32>
    %mul3A_835 = arith.constant 0.999994993 : f32
    %mul3A_836 = vector.broadcast %mul3A_835 : f32 to vector<1024x64xf32>
    %mul3A_837 = arith.mulf %sub3A_834, %mul3A_836 : vector<1024x64xf32>
    %max3A_838 = arith.constant 0.000000e+00 : f32
    %max3A_839 = vector.broadcast %max3A_838 : f32 to vector<1024x64xf32>
    %max3A_840 = arith.maximumf %mul3A_837, %max3A_839 : vector<1024x64xf32>
    %dot_general3A_841 = arith.constant dense<0.000000e+00> : vector<1024x64xf32>
    %dot_general3A_842 = tpu.matmul %max3A_840, %get3A_21, %dot_general3A_841 {dimension_numbers = #tpu.dot_dimension_numbers<[1], [0], [0], [1], [0, 0, 1, 1], [], []>, transpose_lhs_hint = false} : vector<1024x64xf32>, vector<64x64xf32>, vector<1024x64xf32> -> vector<1024x64xf32>
    %add3A_843 = vector.broadcast %get3A_24 : vector<1x64xf32> to vector<1024x64xf32>
    %add3A_844 = arith.addf %dot_general3A_842, %add3A_843 : vector<1024x64xf32>
    %mul3A_845 = arith.constant 0.999994993 : f32
    %mul3A_846 = vector.broadcast %mul3A_845 : f32 to vector<1024x64xf32>
    %mul3A_847 = arith.mulf %add3A_844, %mul3A_846 : vector<1024x64xf32>
    %max3A_848 = arith.constant 0.000000e+00 : f32
    %max3A_849 = vector.broadcast %max3A_848 : f32 to vector<1024x64xf32>
    %max3A_850 = arith.maximumf %mul3A_847, %max3A_849 : vector<1024x64xf32>
    %dot_general3A_851 = arith.constant dense<0.000000e+00> : vector<1024x128xf32>
    %dot_general3A_852 = tpu.matmul %max3A_850, %get3A_27, %dot_general3A_851 {dimension_numbers = #tpu.dot_dimension_numbers<[1], [0], [0], [1], [0, 0, 1, 1], [], []>, transpose_lhs_hint = false} : vector<1024x64xf32>, vector<64x128xf32>, vector<1024x128xf32> -> vector<1024x128xf32>
    %add3A_853 = vector.broadcast %get3A_30 : vector<1x128xf32> to vector<1024x128xf32>
    %add3A_854 = arith.addf %dot_general3A_852, %add3A_853 : vector<1024x128xf32>
    %slice3A_855 = vector.extract_strided_slice %get3A_18 {offsets = [0, 19], sizes = [1024, 1], strides = [1, 1]} : vector<1024x32xf32> to vector<1024x1xf32>
    %le3A_856 = arith.constant 0.00999999977 : f32
    %le3A_857 = vector.broadcast %le3A_856 : f32 to vector<1024x1xf32>
    %le3A_858 = arith.cmpf ole, %slice3A_855, %le3A_857 : vector<1024x1xf32>
    %jit3A_859 = arith.constant 0xFF800000 : f32
    %broadcast_in_dim3A_860 = vector.shape_cast %le3A_858 : vector<1024x1xi1> to vector<1024x1xi1>
    %broadcast_in_dim3A_861 = vector.broadcast %broadcast_in_dim3A_860 : vector<1024x1xi1> to vector<1024x128xi1>
    %broadcast_in_dim3A_862 = vector.broadcast %jit3A_859 : f32 to vector<1024x128xf32>
    %select_n3A_863 = arith.select %broadcast_in_dim3A_861, %add3A_854, %broadcast_in_dim3A_862 : vector<1024x128xi1>, vector<1024x128xf32>
    %max3A_864 = arith.maximumf %max3A_822, %select_n3A_863 : vector<1024x128xf32>
    %slice3A_865 = vector.extract_strided_slice %get3A_13 {offsets = [0, 20], sizes = [1024, 1], strides = [1, 1]} : vector<1024x32xi32> to vector<1024x1xi32>
    %eq3A_866 = vector.broadcast %slice3A_865 : vector<1024x1xi32> to vector<1024x1024xi32>
    %eq3A_867 = arith.cmpi eq, %iota3A, %eq3A_866 : vector<1024x1024xi32>
    %convert_element_type3A_868 = arith.extui %eq3A_867 : vector<1024x1024xi1> to vector<1024x1024xi32>
    %convert_element_type3A_869 = arith.sitofp %convert_element_type3A_868 : vector<1024x1024xi32> to vector<1024x1024xf32>
    %convert_element_type3A_870 = arith.truncf %convert_element_type3A_869 : vector<1024x1024xf32> to vector<1024x1024xbf16>
    %dot_general3A_871 = arith.constant dense<0.000000e+00> : vector<1024x64xf32>
    %dot_general3A_872 = tpu.matmul %convert_element_type3A_870, %convert_element_type3A, %dot_general3A_871 {dimension_numbers = #tpu.dot_dimension_numbers<[1], [0], [0], [1], [0, 0, 1, 1], [], []>, transpose_lhs_hint = false} : vector<1024x1024xbf16>, vector<1024x64xbf16>, vector<1024x64xf32> -> vector<1024x64xf32>
    %dot_general3A_873 = arith.constant dense<0.000000e+00> : vector<1024x64xf32>
    %dot_general3A_874 = tpu.matmul %convert_element_type3A_870, %convert_element_type3A_32, %dot_general3A_873 {dimension_numbers = #tpu.dot_dimension_numbers<[1], [0], [0], [1], [0, 0, 1, 1], [], []>, transpose_lhs_hint = false} : vector<1024x1024xbf16>, vector<1024x64xbf16>, vector<1024x64xf32> -> vector<1024x64xf32>
    %add3A_875 = arith.addf %dot_general3A_872, %dot_general3A_874 : vector<1024x64xf32>
    %sub3A_876 = arith.subf %add3A_875, %get3A_8 : vector<1024x64xf32>
    %mul3A_877 = arith.constant 0.999994993 : f32
    %mul3A_878 = vector.broadcast %mul3A_877 : f32 to vector<1024x64xf32>
    %mul3A_879 = arith.mulf %sub3A_876, %mul3A_878 : vector<1024x64xf32>
    %max3A_880 = arith.constant 0.000000e+00 : f32
    %max3A_881 = vector.broadcast %max3A_880 : f32 to vector<1024x64xf32>
    %max3A_882 = arith.maximumf %mul3A_879, %max3A_881 : vector<1024x64xf32>
    %dot_general3A_883 = arith.constant dense<0.000000e+00> : vector<1024x64xf32>
    %dot_general3A_884 = tpu.matmul %max3A_882, %get3A_21, %dot_general3A_883 {dimension_numbers = #tpu.dot_dimension_numbers<[1], [0], [0], [1], [0, 0, 1, 1], [], []>, transpose_lhs_hint = false} : vector<1024x64xf32>, vector<64x64xf32>, vector<1024x64xf32> -> vector<1024x64xf32>
    %add3A_885 = vector.broadcast %get3A_24 : vector<1x64xf32> to vector<1024x64xf32>
    %add3A_886 = arith.addf %dot_general3A_884, %add3A_885 : vector<1024x64xf32>
    %mul3A_887 = arith.constant 0.999994993 : f32
    %mul3A_888 = vector.broadcast %mul3A_887 : f32 to vector<1024x64xf32>
    %mul3A_889 = arith.mulf %add3A_886, %mul3A_888 : vector<1024x64xf32>
    %max3A_890 = arith.constant 0.000000e+00 : f32
    %max3A_891 = vector.broadcast %max3A_890 : f32 to vector<1024x64xf32>
    %max3A_892 = arith.maximumf %mul3A_889, %max3A_891 : vector<1024x64xf32>
    %dot_general3A_893 = arith.constant dense<0.000000e+00> : vector<1024x128xf32>
    %dot_general3A_894 = tpu.matmul %max3A_892, %get3A_27, %dot_general3A_893 {dimension_numbers = #tpu.dot_dimension_numbers<[1], [0], [0], [1], [0, 0, 1, 1], [], []>, transpose_lhs_hint = false} : vector<1024x64xf32>, vector<64x128xf32>, vector<1024x128xf32> -> vector<1024x128xf32>
    %add3A_895 = vector.broadcast %get3A_30 : vector<1x128xf32> to vector<1024x128xf32>
    %add3A_896 = arith.addf %dot_general3A_894, %add3A_895 : vector<1024x128xf32>
    %slice3A_897 = vector.extract_strided_slice %get3A_18 {offsets = [0, 20], sizes = [1024, 1], strides = [1, 1]} : vector<1024x32xf32> to vector<1024x1xf32>
    %le3A_898 = arith.constant 0.00999999977 : f32
    %le3A_899 = vector.broadcast %le3A_898 : f32 to vector<1024x1xf32>
    %le3A_900 = arith.cmpf ole, %slice3A_897, %le3A_899 : vector<1024x1xf32>
    %jit3A_901 = arith.constant 0xFF800000 : f32
    %broadcast_in_dim3A_902 = vector.shape_cast %le3A_900 : vector<1024x1xi1> to vector<1024x1xi1>
    %broadcast_in_dim3A_903 = vector.broadcast %broadcast_in_dim3A_902 : vector<1024x1xi1> to vector<1024x128xi1>
    %broadcast_in_dim3A_904 = vector.broadcast %jit3A_901 : f32 to vector<1024x128xf32>
    %select_n3A_905 = arith.select %broadcast_in_dim3A_903, %add3A_896, %broadcast_in_dim3A_904 : vector<1024x128xi1>, vector<1024x128xf32>
    %max3A_906 = arith.maximumf %max3A_864, %select_n3A_905 : vector<1024x128xf32>
    %slice3A_907 = vector.extract_strided_slice %get3A_13 {offsets = [0, 21], sizes = [1024, 1], strides = [1, 1]} : vector<1024x32xi32> to vector<1024x1xi32>
    %eq3A_908 = vector.broadcast %slice3A_907 : vector<1024x1xi32> to vector<1024x1024xi32>
    %eq3A_909 = arith.cmpi eq, %iota3A, %eq3A_908 : vector<1024x1024xi32>
    %convert_element_type3A_910 = arith.extui %eq3A_909 : vector<1024x1024xi1> to vector<1024x1024xi32>
    %convert_element_type3A_911 = arith.sitofp %convert_element_type3A_910 : vector<1024x1024xi32> to vector<1024x1024xf32>
    %convert_element_type3A_912 = arith.truncf %convert_element_type3A_911 : vector<1024x1024xf32> to vector<1024x1024xbf16>
    %dot_general3A_913 = arith.constant dense<0.000000e+00> : vector<1024x64xf32>
    %dot_general3A_914 = tpu.matmul %convert_element_type3A_912, %convert_element_type3A, %dot_general3A_913 {dimension_numbers = #tpu.dot_dimension_numbers<[1], [0], [0], [1], [0, 0, 1, 1], [], []>, transpose_lhs_hint = false} : vector<1024x1024xbf16>, vector<1024x64xbf16>, vector<1024x64xf32> -> vector<1024x64xf32>
    %dot_general3A_915 = arith.constant dense<0.000000e+00> : vector<1024x64xf32>
    %dot_general3A_916 = tpu.matmul %convert_element_type3A_912, %convert_element_type3A_32, %dot_general3A_915 {dimension_numbers = #tpu.dot_dimension_numbers<[1], [0], [0], [1], [0, 0, 1, 1], [], []>, transpose_lhs_hint = false} : vector<1024x1024xbf16>, vector<1024x64xbf16>, vector<1024x64xf32> -> vector<1024x64xf32>
    %add3A_917 = arith.addf %dot_general3A_914, %dot_general3A_916 : vector<1024x64xf32>
    %sub3A_918 = arith.subf %add3A_917, %get3A_8 : vector<1024x64xf32>
    %mul3A_919 = arith.constant 0.999994993 : f32
    %mul3A_920 = vector.broadcast %mul3A_919 : f32 to vector<1024x64xf32>
    %mul3A_921 = arith.mulf %sub3A_918, %mul3A_920 : vector<1024x64xf32>
    %max3A_922 = arith.constant 0.000000e+00 : f32
    %max3A_923 = vector.broadcast %max3A_922 : f32 to vector<1024x64xf32>
    %max3A_924 = arith.maximumf %mul3A_921, %max3A_923 : vector<1024x64xf32>
    %dot_general3A_925 = arith.constant dense<0.000000e+00> : vector<1024x64xf32>
    %dot_general3A_926 = tpu.matmul %max3A_924, %get3A_21, %dot_general3A_925 {dimension_numbers = #tpu.dot_dimension_numbers<[1], [0], [0], [1], [0, 0, 1, 1], [], []>, transpose_lhs_hint = false} : vector<1024x64xf32>, vector<64x64xf32>, vector<1024x64xf32> -> vector<1024x64xf32>
    %add3A_927 = vector.broadcast %get3A_24 : vector<1x64xf32> to vector<1024x64xf32>
    %add3A_928 = arith.addf %dot_general3A_926, %add3A_927 : vector<1024x64xf32>
    %mul3A_929 = arith.constant 0.999994993 : f32
    %mul3A_930 = vector.broadcast %mul3A_929 : f32 to vector<1024x64xf32>
    %mul3A_931 = arith.mulf %add3A_928, %mul3A_930 : vector<1024x64xf32>
    %max3A_932 = arith.constant 0.000000e+00 : f32
    %max3A_933 = vector.broadcast %max3A_932 : f32 to vector<1024x64xf32>
    %max3A_934 = arith.maximumf %mul3A_931, %max3A_933 : vector<1024x64xf32>
    %dot_general3A_935 = arith.constant dense<0.000000e+00> : vector<1024x128xf32>
    %dot_general3A_936 = tpu.matmul %max3A_934, %get3A_27, %dot_general3A_935 {dimension_numbers = #tpu.dot_dimension_numbers<[1], [0], [0], [1], [0, 0, 1, 1], [], []>, transpose_lhs_hint = false} : vector<1024x64xf32>, vector<64x128xf32>, vector<1024x128xf32> -> vector<1024x128xf32>
    %add3A_937 = vector.broadcast %get3A_30 : vector<1x128xf32> to vector<1024x128xf32>
    %add3A_938 = arith.addf %dot_general3A_936, %add3A_937 : vector<1024x128xf32>
    %slice3A_939 = vector.extract_strided_slice %get3A_18 {offsets = [0, 21], sizes = [1024, 1], strides = [1, 1]} : vector<1024x32xf32> to vector<1024x1xf32>
    %le3A_940 = arith.constant 0.00999999977 : f32
    %le3A_941 = vector.broadcast %le3A_940 : f32 to vector<1024x1xf32>
    %le3A_942 = arith.cmpf ole, %slice3A_939, %le3A_941 : vector<1024x1xf32>
    %jit3A_943 = arith.constant 0xFF800000 : f32
    %broadcast_in_dim3A_944 = vector.shape_cast %le3A_942 : vector<1024x1xi1> to vector<1024x1xi1>
    %broadcast_in_dim3A_945 = vector.broadcast %broadcast_in_dim3A_944 : vector<1024x1xi1> to vector<1024x128xi1>
    %broadcast_in_dim3A_946 = vector.broadcast %jit3A_943 : f32 to vector<1024x128xf32>
    %select_n3A_947 = arith.select %broadcast_in_dim3A_945, %add3A_938, %broadcast_in_dim3A_946 : vector<1024x128xi1>, vector<1024x128xf32>
    %max3A_948 = arith.maximumf %max3A_906, %select_n3A_947 : vector<1024x128xf32>
    %slice3A_949 = vector.extract_strided_slice %get3A_13 {offsets = [0, 22], sizes = [1024, 1], strides = [1, 1]} : vector<1024x32xi32> to vector<1024x1xi32>
    %eq3A_950 = vector.broadcast %slice3A_949 : vector<1024x1xi32> to vector<1024x1024xi32>
    %eq3A_951 = arith.cmpi eq, %iota3A, %eq3A_950 : vector<1024x1024xi32>
    %convert_element_type3A_952 = arith.extui %eq3A_951 : vector<1024x1024xi1> to vector<1024x1024xi32>
    %convert_element_type3A_953 = arith.sitofp %convert_element_type3A_952 : vector<1024x1024xi32> to vector<1024x1024xf32>
    %convert_element_type3A_954 = arith.truncf %convert_element_type3A_953 : vector<1024x1024xf32> to vector<1024x1024xbf16>
    %dot_general3A_955 = arith.constant dense<0.000000e+00> : vector<1024x64xf32>
    %dot_general3A_956 = tpu.matmul %convert_element_type3A_954, %convert_element_type3A, %dot_general3A_955 {dimension_numbers = #tpu.dot_dimension_numbers<[1], [0], [0], [1], [0, 0, 1, 1], [], []>, transpose_lhs_hint = false} : vector<1024x1024xbf16>, vector<1024x64xbf16>, vector<1024x64xf32> -> vector<1024x64xf32>
    %dot_general3A_957 = arith.constant dense<0.000000e+00> : vector<1024x64xf32>
    %dot_general3A_958 = tpu.matmul %convert_element_type3A_954, %convert_element_type3A_32, %dot_general3A_957 {dimension_numbers = #tpu.dot_dimension_numbers<[1], [0], [0], [1], [0, 0, 1, 1], [], []>, transpose_lhs_hint = false} : vector<1024x1024xbf16>, vector<1024x64xbf16>, vector<1024x64xf32> -> vector<1024x64xf32>
    %add3A_959 = arith.addf %dot_general3A_956, %dot_general3A_958 : vector<1024x64xf32>
    %sub3A_960 = arith.subf %add3A_959, %get3A_8 : vector<1024x64xf32>
    %mul3A_961 = arith.constant 0.999994993 : f32
    %mul3A_962 = vector.broadcast %mul3A_961 : f32 to vector<1024x64xf32>
    %mul3A_963 = arith.mulf %sub3A_960, %mul3A_962 : vector<1024x64xf32>
    %max3A_964 = arith.constant 0.000000e+00 : f32
    %max3A_965 = vector.broadcast %max3A_964 : f32 to vector<1024x64xf32>
    %max3A_966 = arith.maximumf %mul3A_963, %max3A_965 : vector<1024x64xf32>
    %dot_general3A_967 = arith.constant dense<0.000000e+00> : vector<1024x64xf32>
    %dot_general3A_968 = tpu.matmul %max3A_966, %get3A_21, %dot_general3A_967 {dimension_numbers = #tpu.dot_dimension_numbers<[1], [0], [0], [1], [0, 0, 1, 1], [], []>, transpose_lhs_hint = false} : vector<1024x64xf32>, vector<64x64xf32>, vector<1024x64xf32> -> vector<1024x64xf32>
    %add3A_969 = vector.broadcast %get3A_24 : vector<1x64xf32> to vector<1024x64xf32>
    %add3A_970 = arith.addf %dot_general3A_968, %add3A_969 : vector<1024x64xf32>
    %mul3A_971 = arith.constant 0.999994993 : f32
    %mul3A_972 = vector.broadcast %mul3A_971 : f32 to vector<1024x64xf32>
    %mul3A_973 = arith.mulf %add3A_970, %mul3A_972 : vector<1024x64xf32>
    %max3A_974 = arith.constant 0.000000e+00 : f32
    %max3A_975 = vector.broadcast %max3A_974 : f32 to vector<1024x64xf32>
    %max3A_976 = arith.maximumf %mul3A_973, %max3A_975 : vector<1024x64xf32>
    %dot_general3A_977 = arith.constant dense<0.000000e+00> : vector<1024x128xf32>
    %dot_general3A_978 = tpu.matmul %max3A_976, %get3A_27, %dot_general3A_977 {dimension_numbers = #tpu.dot_dimension_numbers<[1], [0], [0], [1], [0, 0, 1, 1], [], []>, transpose_lhs_hint = false} : vector<1024x64xf32>, vector<64x128xf32>, vector<1024x128xf32> -> vector<1024x128xf32>
    %add3A_979 = vector.broadcast %get3A_30 : vector<1x128xf32> to vector<1024x128xf32>
    %add3A_980 = arith.addf %dot_general3A_978, %add3A_979 : vector<1024x128xf32>
    %slice3A_981 = vector.extract_strided_slice %get3A_18 {offsets = [0, 22], sizes = [1024, 1], strides = [1, 1]} : vector<1024x32xf32> to vector<1024x1xf32>
    %le3A_982 = arith.constant 0.00999999977 : f32
    %le3A_983 = vector.broadcast %le3A_982 : f32 to vector<1024x1xf32>
    %le3A_984 = arith.cmpf ole, %slice3A_981, %le3A_983 : vector<1024x1xf32>
    %jit3A_985 = arith.constant 0xFF800000 : f32
    %broadcast_in_dim3A_986 = vector.shape_cast %le3A_984 : vector<1024x1xi1> to vector<1024x1xi1>
    %broadcast_in_dim3A_987 = vector.broadcast %broadcast_in_dim3A_986 : vector<1024x1xi1> to vector<1024x128xi1>
    %broadcast_in_dim3A_988 = vector.broadcast %jit3A_985 : f32 to vector<1024x128xf32>
    %select_n3A_989 = arith.select %broadcast_in_dim3A_987, %add3A_980, %broadcast_in_dim3A_988 : vector<1024x128xi1>, vector<1024x128xf32>
    %max3A_990 = arith.maximumf %max3A_948, %select_n3A_989 : vector<1024x128xf32>
    %slice3A_991 = vector.extract_strided_slice %get3A_13 {offsets = [0, 23], sizes = [1024, 1], strides = [1, 1]} : vector<1024x32xi32> to vector<1024x1xi32>
    %eq3A_992 = vector.broadcast %slice3A_991 : vector<1024x1xi32> to vector<1024x1024xi32>
    %eq3A_993 = arith.cmpi eq, %iota3A, %eq3A_992 : vector<1024x1024xi32>
    %convert_element_type3A_994 = arith.extui %eq3A_993 : vector<1024x1024xi1> to vector<1024x1024xi32>
    %convert_element_type3A_995 = arith.sitofp %convert_element_type3A_994 : vector<1024x1024xi32> to vector<1024x1024xf32>
    %convert_element_type3A_996 = arith.truncf %convert_element_type3A_995 : vector<1024x1024xf32> to vector<1024x1024xbf16>
    %dot_general3A_997 = arith.constant dense<0.000000e+00> : vector<1024x64xf32>
    %dot_general3A_998 = tpu.matmul %convert_element_type3A_996, %convert_element_type3A, %dot_general3A_997 {dimension_numbers = #tpu.dot_dimension_numbers<[1], [0], [0], [1], [0, 0, 1, 1], [], []>, transpose_lhs_hint = false} : vector<1024x1024xbf16>, vector<1024x64xbf16>, vector<1024x64xf32> -> vector<1024x64xf32>
    %dot_general3A_999 = arith.constant dense<0.000000e+00> : vector<1024x64xf32>
    %dot_general3A_1000 = tpu.matmul %convert_element_type3A_996, %convert_element_type3A_32, %dot_general3A_999 {dimension_numbers = #tpu.dot_dimension_numbers<[1], [0], [0], [1], [0, 0, 1, 1], [], []>, transpose_lhs_hint = false} : vector<1024x1024xbf16>, vector<1024x64xbf16>, vector<1024x64xf32> -> vector<1024x64xf32>
    %add3A_1001 = arith.addf %dot_general3A_998, %dot_general3A_1000 : vector<1024x64xf32>
    %sub3A_1002 = arith.subf %add3A_1001, %get3A_8 : vector<1024x64xf32>
    %mul3A_1003 = arith.constant 0.999994993 : f32
    %mul3A_1004 = vector.broadcast %mul3A_1003 : f32 to vector<1024x64xf32>
    %mul3A_1005 = arith.mulf %sub3A_1002, %mul3A_1004 : vector<1024x64xf32>
    %max3A_1006 = arith.constant 0.000000e+00 : f32
    %max3A_1007 = vector.broadcast %max3A_1006 : f32 to vector<1024x64xf32>
    %max3A_1008 = arith.maximumf %mul3A_1005, %max3A_1007 : vector<1024x64xf32>
    %dot_general3A_1009 = arith.constant dense<0.000000e+00> : vector<1024x64xf32>
    %dot_general3A_1010 = tpu.matmul %max3A_1008, %get3A_21, %dot_general3A_1009 {dimension_numbers = #tpu.dot_dimension_numbers<[1], [0], [0], [1], [0, 0, 1, 1], [], []>, transpose_lhs_hint = false} : vector<1024x64xf32>, vector<64x64xf32>, vector<1024x64xf32> -> vector<1024x64xf32>
    %add3A_1011 = vector.broadcast %get3A_24 : vector<1x64xf32> to vector<1024x64xf32>
    %add3A_1012 = arith.addf %dot_general3A_1010, %add3A_1011 : vector<1024x64xf32>
    %mul3A_1013 = arith.constant 0.999994993 : f32
    %mul3A_1014 = vector.broadcast %mul3A_1013 : f32 to vector<1024x64xf32>
    %mul3A_1015 = arith.mulf %add3A_1012, %mul3A_1014 : vector<1024x64xf32>
    %max3A_1016 = arith.constant 0.000000e+00 : f32
    %max3A_1017 = vector.broadcast %max3A_1016 : f32 to vector<1024x64xf32>
    %max3A_1018 = arith.maximumf %mul3A_1015, %max3A_1017 : vector<1024x64xf32>
    %dot_general3A_1019 = arith.constant dense<0.000000e+00> : vector<1024x128xf32>
    %dot_general3A_1020 = tpu.matmul %max3A_1018, %get3A_27, %dot_general3A_1019 {dimension_numbers = #tpu.dot_dimension_numbers<[1], [0], [0], [1], [0, 0, 1, 1], [], []>, transpose_lhs_hint = false} : vector<1024x64xf32>, vector<64x128xf32>, vector<1024x128xf32> -> vector<1024x128xf32>
    %add3A_1021 = vector.broadcast %get3A_30 : vector<1x128xf32> to vector<1024x128xf32>
    %add3A_1022 = arith.addf %dot_general3A_1020, %add3A_1021 : vector<1024x128xf32>
    %slice3A_1023 = vector.extract_strided_slice %get3A_18 {offsets = [0, 23], sizes = [1024, 1], strides = [1, 1]} : vector<1024x32xf32> to vector<1024x1xf32>
    %le3A_1024 = arith.constant 0.00999999977 : f32
    %le3A_1025 = vector.broadcast %le3A_1024 : f32 to vector<1024x1xf32>
    %le3A_1026 = arith.cmpf ole, %slice3A_1023, %le3A_1025 : vector<1024x1xf32>
    %jit3A_1027 = arith.constant 0xFF800000 : f32
    %broadcast_in_dim3A_1028 = vector.shape_cast %le3A_1026 : vector<1024x1xi1> to vector<1024x1xi1>
    %broadcast_in_dim3A_1029 = vector.broadcast %broadcast_in_dim3A_1028 : vector<1024x1xi1> to vector<1024x128xi1>
    %broadcast_in_dim3A_1030 = vector.broadcast %jit3A_1027 : f32 to vector<1024x128xf32>
    %select_n3A_1031 = arith.select %broadcast_in_dim3A_1029, %add3A_1022, %broadcast_in_dim3A_1030 : vector<1024x128xi1>, vector<1024x128xf32>
    %max3A_1032 = arith.maximumf %max3A_990, %select_n3A_1031 : vector<1024x128xf32>
    %slice3A_1033 = vector.extract_strided_slice %get3A_13 {offsets = [0, 24], sizes = [1024, 1], strides = [1, 1]} : vector<1024x32xi32> to vector<1024x1xi32>
    %eq3A_1034 = vector.broadcast %slice3A_1033 : vector<1024x1xi32> to vector<1024x1024xi32>
    %eq3A_1035 = arith.cmpi eq, %iota3A, %eq3A_1034 : vector<1024x1024xi32>
    %convert_element_type3A_1036 = arith.extui %eq3A_1035 : vector<1024x1024xi1> to vector<1024x1024xi32>
    %convert_element_type3A_1037 = arith.sitofp %convert_element_type3A_1036 : vector<1024x1024xi32> to vector<1024x1024xf32>
    %convert_element_type3A_1038 = arith.truncf %convert_element_type3A_1037 : vector<1024x1024xf32> to vector<1024x1024xbf16>
    %dot_general3A_1039 = arith.constant dense<0.000000e+00> : vector<1024x64xf32>
    %dot_general3A_1040 = tpu.matmul %convert_element_type3A_1038, %convert_element_type3A, %dot_general3A_1039 {dimension_numbers = #tpu.dot_dimension_numbers<[1], [0], [0], [1], [0, 0, 1, 1], [], []>, transpose_lhs_hint = false} : vector<1024x1024xbf16>, vector<1024x64xbf16>, vector<1024x64xf32> -> vector<1024x64xf32>
    %dot_general3A_1041 = arith.constant dense<0.000000e+00> : vector<1024x64xf32>
    %dot_general3A_1042 = tpu.matmul %convert_element_type3A_1038, %convert_element_type3A_32, %dot_general3A_1041 {dimension_numbers = #tpu.dot_dimension_numbers<[1], [0], [0], [1], [0, 0, 1, 1], [], []>, transpose_lhs_hint = false} : vector<1024x1024xbf16>, vector<1024x64xbf16>, vector<1024x64xf32> -> vector<1024x64xf32>
    %add3A_1043 = arith.addf %dot_general3A_1040, %dot_general3A_1042 : vector<1024x64xf32>
    %sub3A_1044 = arith.subf %add3A_1043, %get3A_8 : vector<1024x64xf32>
    %mul3A_1045 = arith.constant 0.999994993 : f32
    %mul3A_1046 = vector.broadcast %mul3A_1045 : f32 to vector<1024x64xf32>
    %mul3A_1047 = arith.mulf %sub3A_1044, %mul3A_1046 : vector<1024x64xf32>
    %max3A_1048 = arith.constant 0.000000e+00 : f32
    %max3A_1049 = vector.broadcast %max3A_1048 : f32 to vector<1024x64xf32>
    %max3A_1050 = arith.maximumf %mul3A_1047, %max3A_1049 : vector<1024x64xf32>
    %dot_general3A_1051 = arith.constant dense<0.000000e+00> : vector<1024x64xf32>
    %dot_general3A_1052 = tpu.matmul %max3A_1050, %get3A_21, %dot_general3A_1051 {dimension_numbers = #tpu.dot_dimension_numbers<[1], [0], [0], [1], [0, 0, 1, 1], [], []>, transpose_lhs_hint = false} : vector<1024x64xf32>, vector<64x64xf32>, vector<1024x64xf32> -> vector<1024x64xf32>
    %add3A_1053 = vector.broadcast %get3A_24 : vector<1x64xf32> to vector<1024x64xf32>
    %add3A_1054 = arith.addf %dot_general3A_1052, %add3A_1053 : vector<1024x64xf32>
    %mul3A_1055 = arith.constant 0.999994993 : f32
    %mul3A_1056 = vector.broadcast %mul3A_1055 : f32 to vector<1024x64xf32>
    %mul3A_1057 = arith.mulf %add3A_1054, %mul3A_1056 : vector<1024x64xf32>
    %max3A_1058 = arith.constant 0.000000e+00 : f32
    %max3A_1059 = vector.broadcast %max3A_1058 : f32 to vector<1024x64xf32>
    %max3A_1060 = arith.maximumf %mul3A_1057, %max3A_1059 : vector<1024x64xf32>
    %dot_general3A_1061 = arith.constant dense<0.000000e+00> : vector<1024x128xf32>
    %dot_general3A_1062 = tpu.matmul %max3A_1060, %get3A_27, %dot_general3A_1061 {dimension_numbers = #tpu.dot_dimension_numbers<[1], [0], [0], [1], [0, 0, 1, 1], [], []>, transpose_lhs_hint = false} : vector<1024x64xf32>, vector<64x128xf32>, vector<1024x128xf32> -> vector<1024x128xf32>
    %add3A_1063 = vector.broadcast %get3A_30 : vector<1x128xf32> to vector<1024x128xf32>
    %add3A_1064 = arith.addf %dot_general3A_1062, %add3A_1063 : vector<1024x128xf32>
    %slice3A_1065 = vector.extract_strided_slice %get3A_18 {offsets = [0, 24], sizes = [1024, 1], strides = [1, 1]} : vector<1024x32xf32> to vector<1024x1xf32>
    %le3A_1066 = arith.constant 0.00999999977 : f32
    %le3A_1067 = vector.broadcast %le3A_1066 : f32 to vector<1024x1xf32>
    %le3A_1068 = arith.cmpf ole, %slice3A_1065, %le3A_1067 : vector<1024x1xf32>
    %jit3A_1069 = arith.constant 0xFF800000 : f32
    %broadcast_in_dim3A_1070 = vector.shape_cast %le3A_1068 : vector<1024x1xi1> to vector<1024x1xi1>
    %broadcast_in_dim3A_1071 = vector.broadcast %broadcast_in_dim3A_1070 : vector<1024x1xi1> to vector<1024x128xi1>
    %broadcast_in_dim3A_1072 = vector.broadcast %jit3A_1069 : f32 to vector<1024x128xf32>
    %select_n3A_1073 = arith.select %broadcast_in_dim3A_1071, %add3A_1064, %broadcast_in_dim3A_1072 : vector<1024x128xi1>, vector<1024x128xf32>
    %max3A_1074 = arith.maximumf %max3A_1032, %select_n3A_1073 : vector<1024x128xf32>
    %slice3A_1075 = vector.extract_strided_slice %get3A_13 {offsets = [0, 25], sizes = [1024, 1], strides = [1, 1]} : vector<1024x32xi32> to vector<1024x1xi32>
    %eq3A_1076 = vector.broadcast %slice3A_1075 : vector<1024x1xi32> to vector<1024x1024xi32>
    %eq3A_1077 = arith.cmpi eq, %iota3A, %eq3A_1076 : vector<1024x1024xi32>
    %convert_element_type3A_1078 = arith.extui %eq3A_1077 : vector<1024x1024xi1> to vector<1024x1024xi32>
    %convert_element_type3A_1079 = arith.sitofp %convert_element_type3A_1078 : vector<1024x1024xi32> to vector<1024x1024xf32>
    %convert_element_type3A_1080 = arith.truncf %convert_element_type3A_1079 : vector<1024x1024xf32> to vector<1024x1024xbf16>
    %dot_general3A_1081 = arith.constant dense<0.000000e+00> : vector<1024x64xf32>
    %dot_general3A_1082 = tpu.matmul %convert_element_type3A_1080, %convert_element_type3A, %dot_general3A_1081 {dimension_numbers = #tpu.dot_dimension_numbers<[1], [0], [0], [1], [0, 0, 1, 1], [], []>, transpose_lhs_hint = false} : vector<1024x1024xbf16>, vector<1024x64xbf16>, vector<1024x64xf32> -> vector<1024x64xf32>
    %dot_general3A_1083 = arith.constant dense<0.000000e+00> : vector<1024x64xf32>
    %dot_general3A_1084 = tpu.matmul %convert_element_type3A_1080, %convert_element_type3A_32, %dot_general3A_1083 {dimension_numbers = #tpu.dot_dimension_numbers<[1], [0], [0], [1], [0, 0, 1, 1], [], []>, transpose_lhs_hint = false} : vector<1024x1024xbf16>, vector<1024x64xbf16>, vector<1024x64xf32> -> vector<1024x64xf32>
    %add3A_1085 = arith.addf %dot_general3A_1082, %dot_general3A_1084 : vector<1024x64xf32>
    %sub3A_1086 = arith.subf %add3A_1085, %get3A_8 : vector<1024x64xf32>
    %mul3A_1087 = arith.constant 0.999994993 : f32
    %mul3A_1088 = vector.broadcast %mul3A_1087 : f32 to vector<1024x64xf32>
    %mul3A_1089 = arith.mulf %sub3A_1086, %mul3A_1088 : vector<1024x64xf32>
    %max3A_1090 = arith.constant 0.000000e+00 : f32
    %max3A_1091 = vector.broadcast %max3A_1090 : f32 to vector<1024x64xf32>
    %max3A_1092 = arith.maximumf %mul3A_1089, %max3A_1091 : vector<1024x64xf32>
    %dot_general3A_1093 = arith.constant dense<0.000000e+00> : vector<1024x64xf32>
    %dot_general3A_1094 = tpu.matmul %max3A_1092, %get3A_21, %dot_general3A_1093 {dimension_numbers = #tpu.dot_dimension_numbers<[1], [0], [0], [1], [0, 0, 1, 1], [], []>, transpose_lhs_hint = false} : vector<1024x64xf32>, vector<64x64xf32>, vector<1024x64xf32> -> vector<1024x64xf32>
    %add3A_1095 = vector.broadcast %get3A_24 : vector<1x64xf32> to vector<1024x64xf32>
    %add3A_1096 = arith.addf %dot_general3A_1094, %add3A_1095 : vector<1024x64xf32>
    %mul3A_1097 = arith.constant 0.999994993 : f32
    %mul3A_1098 = vector.broadcast %mul3A_1097 : f32 to vector<1024x64xf32>
    %mul3A_1099 = arith.mulf %add3A_1096, %mul3A_1098 : vector<1024x64xf32>
    %max3A_1100 = arith.constant 0.000000e+00 : f32
    %max3A_1101 = vector.broadcast %max3A_1100 : f32 to vector<1024x64xf32>
    %max3A_1102 = arith.maximumf %mul3A_1099, %max3A_1101 : vector<1024x64xf32>
    %dot_general3A_1103 = arith.constant dense<0.000000e+00> : vector<1024x128xf32>
    %dot_general3A_1104 = tpu.matmul %max3A_1102, %get3A_27, %dot_general3A_1103 {dimension_numbers = #tpu.dot_dimension_numbers<[1], [0], [0], [1], [0, 0, 1, 1], [], []>, transpose_lhs_hint = false} : vector<1024x64xf32>, vector<64x128xf32>, vector<1024x128xf32> -> vector<1024x128xf32>
    %add3A_1105 = vector.broadcast %get3A_30 : vector<1x128xf32> to vector<1024x128xf32>
    %add3A_1106 = arith.addf %dot_general3A_1104, %add3A_1105 : vector<1024x128xf32>
    %slice3A_1107 = vector.extract_strided_slice %get3A_18 {offsets = [0, 25], sizes = [1024, 1], strides = [1, 1]} : vector<1024x32xf32> to vector<1024x1xf32>
    %le3A_1108 = arith.constant 0.00999999977 : f32
    %le3A_1109 = vector.broadcast %le3A_1108 : f32 to vector<1024x1xf32>
    %le3A_1110 = arith.cmpf ole, %slice3A_1107, %le3A_1109 : vector<1024x1xf32>
    %jit3A_1111 = arith.constant 0xFF800000 : f32
    %broadcast_in_dim3A_1112 = vector.shape_cast %le3A_1110 : vector<1024x1xi1> to vector<1024x1xi1>
    %broadcast_in_dim3A_1113 = vector.broadcast %broadcast_in_dim3A_1112 : vector<1024x1xi1> to vector<1024x128xi1>
    %broadcast_in_dim3A_1114 = vector.broadcast %jit3A_1111 : f32 to vector<1024x128xf32>
    %select_n3A_1115 = arith.select %broadcast_in_dim3A_1113, %add3A_1106, %broadcast_in_dim3A_1114 : vector<1024x128xi1>, vector<1024x128xf32>
    %max3A_1116 = arith.maximumf %max3A_1074, %select_n3A_1115 : vector<1024x128xf32>
    %slice3A_1117 = vector.extract_strided_slice %get3A_13 {offsets = [0, 26], sizes = [1024, 1], strides = [1, 1]} : vector<1024x32xi32> to vector<1024x1xi32>
    %eq3A_1118 = vector.broadcast %slice3A_1117 : vector<1024x1xi32> to vector<1024x1024xi32>
    %eq3A_1119 = arith.cmpi eq, %iota3A, %eq3A_1118 : vector<1024x1024xi32>
    %convert_element_type3A_1120 = arith.extui %eq3A_1119 : vector<1024x1024xi1> to vector<1024x1024xi32>
    %convert_element_type3A_1121 = arith.sitofp %convert_element_type3A_1120 : vector<1024x1024xi32> to vector<1024x1024xf32>
    %convert_element_type3A_1122 = arith.truncf %convert_element_type3A_1121 : vector<1024x1024xf32> to vector<1024x1024xbf16>
    %dot_general3A_1123 = arith.constant dense<0.000000e+00> : vector<1024x64xf32>
    %dot_general3A_1124 = tpu.matmul %convert_element_type3A_1122, %convert_element_type3A, %dot_general3A_1123 {dimension_numbers = #tpu.dot_dimension_numbers<[1], [0], [0], [1], [0, 0, 1, 1], [], []>, transpose_lhs_hint = false} : vector<1024x1024xbf16>, vector<1024x64xbf16>, vector<1024x64xf32> -> vector<1024x64xf32>
    %dot_general3A_1125 = arith.constant dense<0.000000e+00> : vector<1024x64xf32>
    %dot_general3A_1126 = tpu.matmul %convert_element_type3A_1122, %convert_element_type3A_32, %dot_general3A_1125 {dimension_numbers = #tpu.dot_dimension_numbers<[1], [0], [0], [1], [0, 0, 1, 1], [], []>, transpose_lhs_hint = false} : vector<1024x1024xbf16>, vector<1024x64xbf16>, vector<1024x64xf32> -> vector<1024x64xf32>
    %add3A_1127 = arith.addf %dot_general3A_1124, %dot_general3A_1126 : vector<1024x64xf32>
    %sub3A_1128 = arith.subf %add3A_1127, %get3A_8 : vector<1024x64xf32>
    %mul3A_1129 = arith.constant 0.999994993 : f32
    %mul3A_1130 = vector.broadcast %mul3A_1129 : f32 to vector<1024x64xf32>
    %mul3A_1131 = arith.mulf %sub3A_1128, %mul3A_1130 : vector<1024x64xf32>
    %max3A_1132 = arith.constant 0.000000e+00 : f32
    %max3A_1133 = vector.broadcast %max3A_1132 : f32 to vector<1024x64xf32>
    %max3A_1134 = arith.maximumf %mul3A_1131, %max3A_1133 : vector<1024x64xf32>
    %dot_general3A_1135 = arith.constant dense<0.000000e+00> : vector<1024x64xf32>
    %dot_general3A_1136 = tpu.matmul %max3A_1134, %get3A_21, %dot_general3A_1135 {dimension_numbers = #tpu.dot_dimension_numbers<[1], [0], [0], [1], [0, 0, 1, 1], [], []>, transpose_lhs_hint = false} : vector<1024x64xf32>, vector<64x64xf32>, vector<1024x64xf32> -> vector<1024x64xf32>
    %add3A_1137 = vector.broadcast %get3A_24 : vector<1x64xf32> to vector<1024x64xf32>
    %add3A_1138 = arith.addf %dot_general3A_1136, %add3A_1137 : vector<1024x64xf32>
    %mul3A_1139 = arith.constant 0.999994993 : f32
    %mul3A_1140 = vector.broadcast %mul3A_1139 : f32 to vector<1024x64xf32>
    %mul3A_1141 = arith.mulf %add3A_1138, %mul3A_1140 : vector<1024x64xf32>
    %max3A_1142 = arith.constant 0.000000e+00 : f32
    %max3A_1143 = vector.broadcast %max3A_1142 : f32 to vector<1024x64xf32>
    %max3A_1144 = arith.maximumf %mul3A_1141, %max3A_1143 : vector<1024x64xf32>
    %dot_general3A_1145 = arith.constant dense<0.000000e+00> : vector<1024x128xf32>
    %dot_general3A_1146 = tpu.matmul %max3A_1144, %get3A_27, %dot_general3A_1145 {dimension_numbers = #tpu.dot_dimension_numbers<[1], [0], [0], [1], [0, 0, 1, 1], [], []>, transpose_lhs_hint = false} : vector<1024x64xf32>, vector<64x128xf32>, vector<1024x128xf32> -> vector<1024x128xf32>
    %add3A_1147 = vector.broadcast %get3A_30 : vector<1x128xf32> to vector<1024x128xf32>
    %add3A_1148 = arith.addf %dot_general3A_1146, %add3A_1147 : vector<1024x128xf32>
    %slice3A_1149 = vector.extract_strided_slice %get3A_18 {offsets = [0, 26], sizes = [1024, 1], strides = [1, 1]} : vector<1024x32xf32> to vector<1024x1xf32>
    %le3A_1150 = arith.constant 0.00999999977 : f32
    %le3A_1151 = vector.broadcast %le3A_1150 : f32 to vector<1024x1xf32>
    %le3A_1152 = arith.cmpf ole, %slice3A_1149, %le3A_1151 : vector<1024x1xf32>
    %jit3A_1153 = arith.constant 0xFF800000 : f32
    %broadcast_in_dim3A_1154 = vector.shape_cast %le3A_1152 : vector<1024x1xi1> to vector<1024x1xi1>
    %broadcast_in_dim3A_1155 = vector.broadcast %broadcast_in_dim3A_1154 : vector<1024x1xi1> to vector<1024x128xi1>
    %broadcast_in_dim3A_1156 = vector.broadcast %jit3A_1153 : f32 to vector<1024x128xf32>
    %select_n3A_1157 = arith.select %broadcast_in_dim3A_1155, %add3A_1148, %broadcast_in_dim3A_1156 : vector<1024x128xi1>, vector<1024x128xf32>
    %max3A_1158 = arith.maximumf %max3A_1116, %select_n3A_1157 : vector<1024x128xf32>
    %slice3A_1159 = vector.extract_strided_slice %get3A_13 {offsets = [0, 27], sizes = [1024, 1], strides = [1, 1]} : vector<1024x32xi32> to vector<1024x1xi32>
    %eq3A_1160 = vector.broadcast %slice3A_1159 : vector<1024x1xi32> to vector<1024x1024xi32>
    %eq3A_1161 = arith.cmpi eq, %iota3A, %eq3A_1160 : vector<1024x1024xi32>
    %convert_element_type3A_1162 = arith.extui %eq3A_1161 : vector<1024x1024xi1> to vector<1024x1024xi32>
    %convert_element_type3A_1163 = arith.sitofp %convert_element_type3A_1162 : vector<1024x1024xi32> to vector<1024x1024xf32>
    %convert_element_type3A_1164 = arith.truncf %convert_element_type3A_1163 : vector<1024x1024xf32> to vector<1024x1024xbf16>
    %dot_general3A_1165 = arith.constant dense<0.000000e+00> : vector<1024x64xf32>
    %dot_general3A_1166 = tpu.matmul %convert_element_type3A_1164, %convert_element_type3A, %dot_general3A_1165 {dimension_numbers = #tpu.dot_dimension_numbers<[1], [0], [0], [1], [0, 0, 1, 1], [], []>, transpose_lhs_hint = false} : vector<1024x1024xbf16>, vector<1024x64xbf16>, vector<1024x64xf32> -> vector<1024x64xf32>
    %dot_general3A_1167 = arith.constant dense<0.000000e+00> : vector<1024x64xf32>
    %dot_general3A_1168 = tpu.matmul %convert_element_type3A_1164, %convert_element_type3A_32, %dot_general3A_1167 {dimension_numbers = #tpu.dot_dimension_numbers<[1], [0], [0], [1], [0, 0, 1, 1], [], []>, transpose_lhs_hint = false} : vector<1024x1024xbf16>, vector<1024x64xbf16>, vector<1024x64xf32> -> vector<1024x64xf32>
    %add3A_1169 = arith.addf %dot_general3A_1166, %dot_general3A_1168 : vector<1024x64xf32>
    %sub3A_1170 = arith.subf %add3A_1169, %get3A_8 : vector<1024x64xf32>
    %mul3A_1171 = arith.constant 0.999994993 : f32
    %mul3A_1172 = vector.broadcast %mul3A_1171 : f32 to vector<1024x64xf32>
    %mul3A_1173 = arith.mulf %sub3A_1170, %mul3A_1172 : vector<1024x64xf32>
    %max3A_1174 = arith.constant 0.000000e+00 : f32
    %max3A_1175 = vector.broadcast %max3A_1174 : f32 to vector<1024x64xf32>
    %max3A_1176 = arith.maximumf %mul3A_1173, %max3A_1175 : vector<1024x64xf32>
    %dot_general3A_1177 = arith.constant dense<0.000000e+00> : vector<1024x64xf32>
    %dot_general3A_1178 = tpu.matmul %max3A_1176, %get3A_21, %dot_general3A_1177 {dimension_numbers = #tpu.dot_dimension_numbers<[1], [0], [0], [1], [0, 0, 1, 1], [], []>, transpose_lhs_hint = false} : vector<1024x64xf32>, vector<64x64xf32>, vector<1024x64xf32> -> vector<1024x64xf32>
    %add3A_1179 = vector.broadcast %get3A_24 : vector<1x64xf32> to vector<1024x64xf32>
    %add3A_1180 = arith.addf %dot_general3A_1178, %add3A_1179 : vector<1024x64xf32>
    %mul3A_1181 = arith.constant 0.999994993 : f32
    %mul3A_1182 = vector.broadcast %mul3A_1181 : f32 to vector<1024x64xf32>
    %mul3A_1183 = arith.mulf %add3A_1180, %mul3A_1182 : vector<1024x64xf32>
    %max3A_1184 = arith.constant 0.000000e+00 : f32
    %max3A_1185 = vector.broadcast %max3A_1184 : f32 to vector<1024x64xf32>
    %max3A_1186 = arith.maximumf %mul3A_1183, %max3A_1185 : vector<1024x64xf32>
    %dot_general3A_1187 = arith.constant dense<0.000000e+00> : vector<1024x128xf32>
    %dot_general3A_1188 = tpu.matmul %max3A_1186, %get3A_27, %dot_general3A_1187 {dimension_numbers = #tpu.dot_dimension_numbers<[1], [0], [0], [1], [0, 0, 1, 1], [], []>, transpose_lhs_hint = false} : vector<1024x64xf32>, vector<64x128xf32>, vector<1024x128xf32> -> vector<1024x128xf32>
    %add3A_1189 = vector.broadcast %get3A_30 : vector<1x128xf32> to vector<1024x128xf32>
    %add3A_1190 = arith.addf %dot_general3A_1188, %add3A_1189 : vector<1024x128xf32>
    %slice3A_1191 = vector.extract_strided_slice %get3A_18 {offsets = [0, 27], sizes = [1024, 1], strides = [1, 1]} : vector<1024x32xf32> to vector<1024x1xf32>
    %le3A_1192 = arith.constant 0.00999999977 : f32
    %le3A_1193 = vector.broadcast %le3A_1192 : f32 to vector<1024x1xf32>
    %le3A_1194 = arith.cmpf ole, %slice3A_1191, %le3A_1193 : vector<1024x1xf32>
    %jit3A_1195 = arith.constant 0xFF800000 : f32
    %broadcast_in_dim3A_1196 = vector.shape_cast %le3A_1194 : vector<1024x1xi1> to vector<1024x1xi1>
    %broadcast_in_dim3A_1197 = vector.broadcast %broadcast_in_dim3A_1196 : vector<1024x1xi1> to vector<1024x128xi1>
    %broadcast_in_dim3A_1198 = vector.broadcast %jit3A_1195 : f32 to vector<1024x128xf32>
    %select_n3A_1199 = arith.select %broadcast_in_dim3A_1197, %add3A_1190, %broadcast_in_dim3A_1198 : vector<1024x128xi1>, vector<1024x128xf32>
    %max3A_1200 = arith.maximumf %max3A_1158, %select_n3A_1199 : vector<1024x128xf32>
    %slice3A_1201 = vector.extract_strided_slice %get3A_13 {offsets = [0, 28], sizes = [1024, 1], strides = [1, 1]} : vector<1024x32xi32> to vector<1024x1xi32>
    %eq3A_1202 = vector.broadcast %slice3A_1201 : vector<1024x1xi32> to vector<1024x1024xi32>
    %eq3A_1203 = arith.cmpi eq, %iota3A, %eq3A_1202 : vector<1024x1024xi32>
    %convert_element_type3A_1204 = arith.extui %eq3A_1203 : vector<1024x1024xi1> to vector<1024x1024xi32>
    %convert_element_type3A_1205 = arith.sitofp %convert_element_type3A_1204 : vector<1024x1024xi32> to vector<1024x1024xf32>
    %convert_element_type3A_1206 = arith.truncf %convert_element_type3A_1205 : vector<1024x1024xf32> to vector<1024x1024xbf16>
    %dot_general3A_1207 = arith.constant dense<0.000000e+00> : vector<1024x64xf32>
    %dot_general3A_1208 = tpu.matmul %convert_element_type3A_1206, %convert_element_type3A, %dot_general3A_1207 {dimension_numbers = #tpu.dot_dimension_numbers<[1], [0], [0], [1], [0, 0, 1, 1], [], []>, transpose_lhs_hint = false} : vector<1024x1024xbf16>, vector<1024x64xbf16>, vector<1024x64xf32> -> vector<1024x64xf32>
    %dot_general3A_1209 = arith.constant dense<0.000000e+00> : vector<1024x64xf32>
    %dot_general3A_1210 = tpu.matmul %convert_element_type3A_1206, %convert_element_type3A_32, %dot_general3A_1209 {dimension_numbers = #tpu.dot_dimension_numbers<[1], [0], [0], [1], [0, 0, 1, 1], [], []>, transpose_lhs_hint = false} : vector<1024x1024xbf16>, vector<1024x64xbf16>, vector<1024x64xf32> -> vector<1024x64xf32>
    %add3A_1211 = arith.addf %dot_general3A_1208, %dot_general3A_1210 : vector<1024x64xf32>
    %sub3A_1212 = arith.subf %add3A_1211, %get3A_8 : vector<1024x64xf32>
    %mul3A_1213 = arith.constant 0.999994993 : f32
    %mul3A_1214 = vector.broadcast %mul3A_1213 : f32 to vector<1024x64xf32>
    %mul3A_1215 = arith.mulf %sub3A_1212, %mul3A_1214 : vector<1024x64xf32>
    %max3A_1216 = arith.constant 0.000000e+00 : f32
    %max3A_1217 = vector.broadcast %max3A_1216 : f32 to vector<1024x64xf32>
    %max3A_1218 = arith.maximumf %mul3A_1215, %max3A_1217 : vector<1024x64xf32>
    %dot_general3A_1219 = arith.constant dense<0.000000e+00> : vector<1024x64xf32>
    %dot_general3A_1220 = tpu.matmul %max3A_1218, %get3A_21, %dot_general3A_1219 {dimension_numbers = #tpu.dot_dimension_numbers<[1], [0], [0], [1], [0, 0, 1, 1], [], []>, transpose_lhs_hint = false} : vector<1024x64xf32>, vector<64x64xf32>, vector<1024x64xf32> -> vector<1024x64xf32>
    %add3A_1221 = vector.broadcast %get3A_24 : vector<1x64xf32> to vector<1024x64xf32>
    %add3A_1222 = arith.addf %dot_general3A_1220, %add3A_1221 : vector<1024x64xf32>
    %mul3A_1223 = arith.constant 0.999994993 : f32
    %mul3A_1224 = vector.broadcast %mul3A_1223 : f32 to vector<1024x64xf32>
    %mul3A_1225 = arith.mulf %add3A_1222, %mul3A_1224 : vector<1024x64xf32>
    %max3A_1226 = arith.constant 0.000000e+00 : f32
    %max3A_1227 = vector.broadcast %max3A_1226 : f32 to vector<1024x64xf32>
    %max3A_1228 = arith.maximumf %mul3A_1225, %max3A_1227 : vector<1024x64xf32>
    %dot_general3A_1229 = arith.constant dense<0.000000e+00> : vector<1024x128xf32>
    %dot_general3A_1230 = tpu.matmul %max3A_1228, %get3A_27, %dot_general3A_1229 {dimension_numbers = #tpu.dot_dimension_numbers<[1], [0], [0], [1], [0, 0, 1, 1], [], []>, transpose_lhs_hint = false} : vector<1024x64xf32>, vector<64x128xf32>, vector<1024x128xf32> -> vector<1024x128xf32>
    %add3A_1231 = vector.broadcast %get3A_30 : vector<1x128xf32> to vector<1024x128xf32>
    %add3A_1232 = arith.addf %dot_general3A_1230, %add3A_1231 : vector<1024x128xf32>
    %slice3A_1233 = vector.extract_strided_slice %get3A_18 {offsets = [0, 28], sizes = [1024, 1], strides = [1, 1]} : vector<1024x32xf32> to vector<1024x1xf32>
    %le3A_1234 = arith.constant 0.00999999977 : f32
    %le3A_1235 = vector.broadcast %le3A_1234 : f32 to vector<1024x1xf32>
    %le3A_1236 = arith.cmpf ole, %slice3A_1233, %le3A_1235 : vector<1024x1xf32>
    %jit3A_1237 = arith.constant 0xFF800000 : f32
    %broadcast_in_dim3A_1238 = vector.shape_cast %le3A_1236 : vector<1024x1xi1> to vector<1024x1xi1>
    %broadcast_in_dim3A_1239 = vector.broadcast %broadcast_in_dim3A_1238 : vector<1024x1xi1> to vector<1024x128xi1>
    %broadcast_in_dim3A_1240 = vector.broadcast %jit3A_1237 : f32 to vector<1024x128xf32>
    %select_n3A_1241 = arith.select %broadcast_in_dim3A_1239, %add3A_1232, %broadcast_in_dim3A_1240 : vector<1024x128xi1>, vector<1024x128xf32>
    %max3A_1242 = arith.maximumf %max3A_1200, %select_n3A_1241 : vector<1024x128xf32>
    %slice3A_1243 = vector.extract_strided_slice %get3A_13 {offsets = [0, 29], sizes = [1024, 1], strides = [1, 1]} : vector<1024x32xi32> to vector<1024x1xi32>
    %eq3A_1244 = vector.broadcast %slice3A_1243 : vector<1024x1xi32> to vector<1024x1024xi32>
    %eq3A_1245 = arith.cmpi eq, %iota3A, %eq3A_1244 : vector<1024x1024xi32>
    %convert_element_type3A_1246 = arith.extui %eq3A_1245 : vector<1024x1024xi1> to vector<1024x1024xi32>
    %convert_element_type3A_1247 = arith.sitofp %convert_element_type3A_1246 : vector<1024x1024xi32> to vector<1024x1024xf32>
    %convert_element_type3A_1248 = arith.truncf %convert_element_type3A_1247 : vector<1024x1024xf32> to vector<1024x1024xbf16>
    %dot_general3A_1249 = arith.constant dense<0.000000e+00> : vector<1024x64xf32>
    %dot_general3A_1250 = tpu.matmul %convert_element_type3A_1248, %convert_element_type3A, %dot_general3A_1249 {dimension_numbers = #tpu.dot_dimension_numbers<[1], [0], [0], [1], [0, 0, 1, 1], [], []>, transpose_lhs_hint = false} : vector<1024x1024xbf16>, vector<1024x64xbf16>, vector<1024x64xf32> -> vector<1024x64xf32>
    %dot_general3A_1251 = arith.constant dense<0.000000e+00> : vector<1024x64xf32>
    %dot_general3A_1252 = tpu.matmul %convert_element_type3A_1248, %convert_element_type3A_32, %dot_general3A_1251 {dimension_numbers = #tpu.dot_dimension_numbers<[1], [0], [0], [1], [0, 0, 1, 1], [], []>, transpose_lhs_hint = false} : vector<1024x1024xbf16>, vector<1024x64xbf16>, vector<1024x64xf32> -> vector<1024x64xf32>
    %add3A_1253 = arith.addf %dot_general3A_1250, %dot_general3A_1252 : vector<1024x64xf32>
    %sub3A_1254 = arith.subf %add3A_1253, %get3A_8 : vector<1024x64xf32>
    %mul3A_1255 = arith.constant 0.999994993 : f32
    %mul3A_1256 = vector.broadcast %mul3A_1255 : f32 to vector<1024x64xf32>
    %mul3A_1257 = arith.mulf %sub3A_1254, %mul3A_1256 : vector<1024x64xf32>
    %max3A_1258 = arith.constant 0.000000e+00 : f32
    %max3A_1259 = vector.broadcast %max3A_1258 : f32 to vector<1024x64xf32>
    %max3A_1260 = arith.maximumf %mul3A_1257, %max3A_1259 : vector<1024x64xf32>
    %dot_general3A_1261 = arith.constant dense<0.000000e+00> : vector<1024x64xf32>
    %dot_general3A_1262 = tpu.matmul %max3A_1260, %get3A_21, %dot_general3A_1261 {dimension_numbers = #tpu.dot_dimension_numbers<[1], [0], [0], [1], [0, 0, 1, 1], [], []>, transpose_lhs_hint = false} : vector<1024x64xf32>, vector<64x64xf32>, vector<1024x64xf32> -> vector<1024x64xf32>
    %add3A_1263 = vector.broadcast %get3A_24 : vector<1x64xf32> to vector<1024x64xf32>
    %add3A_1264 = arith.addf %dot_general3A_1262, %add3A_1263 : vector<1024x64xf32>
    %mul3A_1265 = arith.constant 0.999994993 : f32
    %mul3A_1266 = vector.broadcast %mul3A_1265 : f32 to vector<1024x64xf32>
    %mul3A_1267 = arith.mulf %add3A_1264, %mul3A_1266 : vector<1024x64xf32>
    %max3A_1268 = arith.constant 0.000000e+00 : f32
    %max3A_1269 = vector.broadcast %max3A_1268 : f32 to vector<1024x64xf32>
    %max3A_1270 = arith.maximumf %mul3A_1267, %max3A_1269 : vector<1024x64xf32>
    %dot_general3A_1271 = arith.constant dense<0.000000e+00> : vector<1024x128xf32>
    %dot_general3A_1272 = tpu.matmul %max3A_1270, %get3A_27, %dot_general3A_1271 {dimension_numbers = #tpu.dot_dimension_numbers<[1], [0], [0], [1], [0, 0, 1, 1], [], []>, transpose_lhs_hint = false} : vector<1024x64xf32>, vector<64x128xf32>, vector<1024x128xf32> -> vector<1024x128xf32>
    %add3A_1273 = vector.broadcast %get3A_30 : vector<1x128xf32> to vector<1024x128xf32>
    %add3A_1274 = arith.addf %dot_general3A_1272, %add3A_1273 : vector<1024x128xf32>
    %slice3A_1275 = vector.extract_strided_slice %get3A_18 {offsets = [0, 29], sizes = [1024, 1], strides = [1, 1]} : vector<1024x32xf32> to vector<1024x1xf32>
    %le3A_1276 = arith.constant 0.00999999977 : f32
    %le3A_1277 = vector.broadcast %le3A_1276 : f32 to vector<1024x1xf32>
    %le3A_1278 = arith.cmpf ole, %slice3A_1275, %le3A_1277 : vector<1024x1xf32>
    %jit3A_1279 = arith.constant 0xFF800000 : f32
    %broadcast_in_dim3A_1280 = vector.shape_cast %le3A_1278 : vector<1024x1xi1> to vector<1024x1xi1>
    %broadcast_in_dim3A_1281 = vector.broadcast %broadcast_in_dim3A_1280 : vector<1024x1xi1> to vector<1024x128xi1>
    %broadcast_in_dim3A_1282 = vector.broadcast %jit3A_1279 : f32 to vector<1024x128xf32>
    %select_n3A_1283 = arith.select %broadcast_in_dim3A_1281, %add3A_1274, %broadcast_in_dim3A_1282 : vector<1024x128xi1>, vector<1024x128xf32>
    %max3A_1284 = arith.maximumf %max3A_1242, %select_n3A_1283 : vector<1024x128xf32>
    %slice3A_1285 = vector.extract_strided_slice %get3A_13 {offsets = [0, 30], sizes = [1024, 1], strides = [1, 1]} : vector<1024x32xi32> to vector<1024x1xi32>
    %eq3A_1286 = vector.broadcast %slice3A_1285 : vector<1024x1xi32> to vector<1024x1024xi32>
    %eq3A_1287 = arith.cmpi eq, %iota3A, %eq3A_1286 : vector<1024x1024xi32>
    %convert_element_type3A_1288 = arith.extui %eq3A_1287 : vector<1024x1024xi1> to vector<1024x1024xi32>
    %convert_element_type3A_1289 = arith.sitofp %convert_element_type3A_1288 : vector<1024x1024xi32> to vector<1024x1024xf32>
    %convert_element_type3A_1290 = arith.truncf %convert_element_type3A_1289 : vector<1024x1024xf32> to vector<1024x1024xbf16>
    %dot_general3A_1291 = arith.constant dense<0.000000e+00> : vector<1024x64xf32>
    %dot_general3A_1292 = tpu.matmul %convert_element_type3A_1290, %convert_element_type3A, %dot_general3A_1291 {dimension_numbers = #tpu.dot_dimension_numbers<[1], [0], [0], [1], [0, 0, 1, 1], [], []>, transpose_lhs_hint = false} : vector<1024x1024xbf16>, vector<1024x64xbf16>, vector<1024x64xf32> -> vector<1024x64xf32>
    %dot_general3A_1293 = arith.constant dense<0.000000e+00> : vector<1024x64xf32>
    %dot_general3A_1294 = tpu.matmul %convert_element_type3A_1290, %convert_element_type3A_32, %dot_general3A_1293 {dimension_numbers = #tpu.dot_dimension_numbers<[1], [0], [0], [1], [0, 0, 1, 1], [], []>, transpose_lhs_hint = false} : vector<1024x1024xbf16>, vector<1024x64xbf16>, vector<1024x64xf32> -> vector<1024x64xf32>
    %add3A_1295 = arith.addf %dot_general3A_1292, %dot_general3A_1294 : vector<1024x64xf32>
    %sub3A_1296 = arith.subf %add3A_1295, %get3A_8 : vector<1024x64xf32>
    %mul3A_1297 = arith.constant 0.999994993 : f32
    %mul3A_1298 = vector.broadcast %mul3A_1297 : f32 to vector<1024x64xf32>
    %mul3A_1299 = arith.mulf %sub3A_1296, %mul3A_1298 : vector<1024x64xf32>
    %max3A_1300 = arith.constant 0.000000e+00 : f32
    %max3A_1301 = vector.broadcast %max3A_1300 : f32 to vector<1024x64xf32>
    %max3A_1302 = arith.maximumf %mul3A_1299, %max3A_1301 : vector<1024x64xf32>
    %dot_general3A_1303 = arith.constant dense<0.000000e+00> : vector<1024x64xf32>
    %dot_general3A_1304 = tpu.matmul %max3A_1302, %get3A_21, %dot_general3A_1303 {dimension_numbers = #tpu.dot_dimension_numbers<[1], [0], [0], [1], [0, 0, 1, 1], [], []>, transpose_lhs_hint = false} : vector<1024x64xf32>, vector<64x64xf32>, vector<1024x64xf32> -> vector<1024x64xf32>
    %add3A_1305 = vector.broadcast %get3A_24 : vector<1x64xf32> to vector<1024x64xf32>
    %add3A_1306 = arith.addf %dot_general3A_1304, %add3A_1305 : vector<1024x64xf32>
    %mul3A_1307 = arith.constant 0.999994993 : f32
    %mul3A_1308 = vector.broadcast %mul3A_1307 : f32 to vector<1024x64xf32>
    %mul3A_1309 = arith.mulf %add3A_1306, %mul3A_1308 : vector<1024x64xf32>
    %max3A_1310 = arith.constant 0.000000e+00 : f32
    %max3A_1311 = vector.broadcast %max3A_1310 : f32 to vector<1024x64xf32>
    %max3A_1312 = arith.maximumf %mul3A_1309, %max3A_1311 : vector<1024x64xf32>
    %dot_general3A_1313 = arith.constant dense<0.000000e+00> : vector<1024x128xf32>
    %dot_general3A_1314 = tpu.matmul %max3A_1312, %get3A_27, %dot_general3A_1313 {dimension_numbers = #tpu.dot_dimension_numbers<[1], [0], [0], [1], [0, 0, 1, 1], [], []>, transpose_lhs_hint = false} : vector<1024x64xf32>, vector<64x128xf32>, vector<1024x128xf32> -> vector<1024x128xf32>
    %add3A_1315 = vector.broadcast %get3A_30 : vector<1x128xf32> to vector<1024x128xf32>
    %add3A_1316 = arith.addf %dot_general3A_1314, %add3A_1315 : vector<1024x128xf32>
    %slice3A_1317 = vector.extract_strided_slice %get3A_18 {offsets = [0, 30], sizes = [1024, 1], strides = [1, 1]} : vector<1024x32xf32> to vector<1024x1xf32>
    %le3A_1318 = arith.constant 0.00999999977 : f32
    %le3A_1319 = vector.broadcast %le3A_1318 : f32 to vector<1024x1xf32>
    %le3A_1320 = arith.cmpf ole, %slice3A_1317, %le3A_1319 : vector<1024x1xf32>
    %jit3A_1321 = arith.constant 0xFF800000 : f32
    %broadcast_in_dim3A_1322 = vector.shape_cast %le3A_1320 : vector<1024x1xi1> to vector<1024x1xi1>
    %broadcast_in_dim3A_1323 = vector.broadcast %broadcast_in_dim3A_1322 : vector<1024x1xi1> to vector<1024x128xi1>
    %broadcast_in_dim3A_1324 = vector.broadcast %jit3A_1321 : f32 to vector<1024x128xf32>
    %select_n3A_1325 = arith.select %broadcast_in_dim3A_1323, %add3A_1316, %broadcast_in_dim3A_1324 : vector<1024x128xi1>, vector<1024x128xf32>
    %max3A_1326 = arith.maximumf %max3A_1284, %select_n3A_1325 : vector<1024x128xf32>
    %slice3A_1327 = vector.extract_strided_slice %get3A_13 {offsets = [0, 31], sizes = [1024, 1], strides = [1, 1]} : vector<1024x32xi32> to vector<1024x1xi32>
    %eq3A_1328 = vector.broadcast %slice3A_1327 : vector<1024x1xi32> to vector<1024x1024xi32>
    %eq3A_1329 = arith.cmpi eq, %iota3A, %eq3A_1328 : vector<1024x1024xi32>
    %convert_element_type3A_1330 = arith.extui %eq3A_1329 : vector<1024x1024xi1> to vector<1024x1024xi32>
    %convert_element_type3A_1331 = arith.sitofp %convert_element_type3A_1330 : vector<1024x1024xi32> to vector<1024x1024xf32>
    %convert_element_type3A_1332 = arith.truncf %convert_element_type3A_1331 : vector<1024x1024xf32> to vector<1024x1024xbf16>
    %dot_general3A_1333 = arith.constant dense<0.000000e+00> : vector<1024x64xf32>
    %dot_general3A_1334 = tpu.matmul %convert_element_type3A_1332, %convert_element_type3A, %dot_general3A_1333 {dimension_numbers = #tpu.dot_dimension_numbers<[1], [0], [0], [1], [0, 0, 1, 1], [], []>, transpose_lhs_hint = false} : vector<1024x1024xbf16>, vector<1024x64xbf16>, vector<1024x64xf32> -> vector<1024x64xf32>
    %dot_general3A_1335 = arith.constant dense<0.000000e+00> : vector<1024x64xf32>
    %dot_general3A_1336 = tpu.matmul %convert_element_type3A_1332, %convert_element_type3A_32, %dot_general3A_1335 {dimension_numbers = #tpu.dot_dimension_numbers<[1], [0], [0], [1], [0, 0, 1, 1], [], []>, transpose_lhs_hint = false} : vector<1024x1024xbf16>, vector<1024x64xbf16>, vector<1024x64xf32> -> vector<1024x64xf32>
    %add3A_1337 = arith.addf %dot_general3A_1334, %dot_general3A_1336 : vector<1024x64xf32>
    %sub3A_1338 = arith.subf %add3A_1337, %get3A_8 : vector<1024x64xf32>
    %mul3A_1339 = arith.constant 0.999994993 : f32
    %mul3A_1340 = vector.broadcast %mul3A_1339 : f32 to vector<1024x64xf32>
    %mul3A_1341 = arith.mulf %sub3A_1338, %mul3A_1340 : vector<1024x64xf32>
    %max3A_1342 = arith.constant 0.000000e+00 : f32
    %max3A_1343 = vector.broadcast %max3A_1342 : f32 to vector<1024x64xf32>
    %max3A_1344 = arith.maximumf %mul3A_1341, %max3A_1343 : vector<1024x64xf32>
    %dot_general3A_1345 = arith.constant dense<0.000000e+00> : vector<1024x64xf32>
    %dot_general3A_1346 = tpu.matmul %max3A_1344, %get3A_21, %dot_general3A_1345 {dimension_numbers = #tpu.dot_dimension_numbers<[1], [0], [0], [1], [0, 0, 1, 1], [], []>, transpose_lhs_hint = false} : vector<1024x64xf32>, vector<64x64xf32>, vector<1024x64xf32> -> vector<1024x64xf32>
    %add3A_1347 = vector.broadcast %get3A_24 : vector<1x64xf32> to vector<1024x64xf32>
    %add3A_1348 = arith.addf %dot_general3A_1346, %add3A_1347 : vector<1024x64xf32>
    %mul3A_1349 = arith.constant 0.999994993 : f32
    %mul3A_1350 = vector.broadcast %mul3A_1349 : f32 to vector<1024x64xf32>
    %mul3A_1351 = arith.mulf %add3A_1348, %mul3A_1350 : vector<1024x64xf32>
    %max3A_1352 = arith.constant 0.000000e+00 : f32
    %max3A_1353 = vector.broadcast %max3A_1352 : f32 to vector<1024x64xf32>
    %max3A_1354 = arith.maximumf %mul3A_1351, %max3A_1353 : vector<1024x64xf32>
    %dot_general3A_1355 = arith.constant dense<0.000000e+00> : vector<1024x128xf32>
    %dot_general3A_1356 = tpu.matmul %max3A_1354, %get3A_27, %dot_general3A_1355 {dimension_numbers = #tpu.dot_dimension_numbers<[1], [0], [0], [1], [0, 0, 1, 1], [], []>, transpose_lhs_hint = false} : vector<1024x64xf32>, vector<64x128xf32>, vector<1024x128xf32> -> vector<1024x128xf32>
    %add3A_1357 = vector.broadcast %get3A_30 : vector<1x128xf32> to vector<1024x128xf32>
    %add3A_1358 = arith.addf %dot_general3A_1356, %add3A_1357 : vector<1024x128xf32>
    %slice3A_1359 = vector.extract_strided_slice %get3A_18 {offsets = [0, 31], sizes = [1024, 1], strides = [1, 1]} : vector<1024x32xf32> to vector<1024x1xf32>
    %le3A_1360 = arith.constant 0.00999999977 : f32
    %le3A_1361 = vector.broadcast %le3A_1360 : f32 to vector<1024x1xf32>
    %le3A_1362 = arith.cmpf ole, %slice3A_1359, %le3A_1361 : vector<1024x1xf32>
    %jit3A_1363 = arith.constant 0xFF800000 : f32
    %broadcast_in_dim3A_1364 = vector.shape_cast %le3A_1362 : vector<1024x1xi1> to vector<1024x1xi1>
    %broadcast_in_dim3A_1365 = vector.broadcast %broadcast_in_dim3A_1364 : vector<1024x1xi1> to vector<1024x128xi1>
    %broadcast_in_dim3A_1366 = vector.broadcast %jit3A_1363 : f32 to vector<1024x128xf32>
    %select_n3A_1367 = arith.select %broadcast_in_dim3A_1365, %add3A_1358, %broadcast_in_dim3A_1366 : vector<1024x128xi1>, vector<1024x128xf32>
    %max3A_1368 = arith.maximumf %max3A_1326, %select_n3A_1367 : vector<1024x128xf32>
    %swap3A = arith.constant 0 : index
    %swap3A_1369 = arith.constant 0 : index
    %swap3A_1370 = arith.constant 0 : index
    %swap3A_1371 = vector.load %arg10[%swap3A, %swap3A_1369, %swap3A_1370] : memref<1x1024x128xf32, #tpu.memory_space<vmem>>, vector<1x1024x128xf32>
    %swap3A_1372 = vector.shape_cast %swap3A_1371 : vector<1x1024x128xf32> to vector<1024x128xf32>
    %swap3A_1373 = vector.shape_cast %max3A_1368 : vector<1024x128xf32> to vector<1x1024x128xf32>
    tpu.vector_store %arg10[%swap3A, %swap3A_1369, %swap3A_1370], %swap3A_1373 {strides = array<i32>} : memref<1x1024x128xf32, #tpu.memory_space<vmem>>, vector<1x1024x128xf32>,
    return
  }
  func.func @transform_0(%arg0: i32, %arg1: i32) -> (i32, i32, i32) {
    %c0_i32 = arith.constant 0 : i32
    %c0_i32_0 = arith.constant 0 : i32
    %c0_i32_1 = arith.constant 0 : i32
    return %arg0, %c0_i32, %c0_i32_0 : i32, i32, i32
  }
  func.func @transform_1(%arg0: i32, %arg1: i32) -> (i32, i32, i32) {
    %c0_i32 = arith.constant 0 : i32
    %c0_i32_0 = arith.constant 0 : i32
    return %arg0, %arg1, %c0_i32 : i32, i32, i32
  }
  func.func @transform_2(%arg0: i32, %arg1: i32) -> (i32, i32, i32) {
    %c0_i32 = arith.constant 0 : i32
    %c0_i32_0 = arith.constant 0 : i32
    return %arg0, %arg1, %c0_i32 : i32, i32, i32
  }
  func.func @transform_3(%arg0: i32, %arg1: i32) -> (i32, i32, i32) {
    %c0_i32 = arith.constant 0 : i32
    %c0_i32_0 = arith.constant 0 : i32
    return %arg0, %arg1, %c0_i32 : i32, i32, i32
  }
  func.func @transform_4(%arg0: i32, %arg1: i32) -> (i32, i32) {
    %c0_i32 = arith.constant 0 : i32
    %c0_i32_0 = arith.constant 0 : i32
    %c0_i32_1 = arith.constant 0 : i32
    return %c0_i32, %c0_i32_0 : i32, i32
  }
  func.func @transform_5(%arg0: i32, %arg1: i32) -> (i32, i32) {
    %c0_i32 = arith.constant 0 : i32
    %c0_i32_0 = arith.constant 0 : i32
    %c0_i32_1 = arith.constant 0 : i32
    return %c0_i32, %c0_i32_0 : i32, i32
  }
  func.func @transform_6(%arg0: i32, %arg1: i32) -> (i32, i32) {
    %c0_i32 = arith.constant 0 : i32
    %c0_i32_0 = arith.constant 0 : i32
    %c0_i32_1 = arith.constant 0 : i32
    return %c0_i32, %c0_i32_0 : i32, i32
  }
  func.func @transform_7(%arg0: i32, %arg1: i32) -> (i32, i32) {
    %c0_i32 = arith.constant 0 : i32
    %c0_i32_0 = arith.constant 0 : i32
    %c0_i32_1 = arith.constant 0 : i32
    return %c0_i32, %c0_i32_0 : i32, i32
  }
  func.func @transform_8(%arg0: i32, %arg1: i32) -> (i32, i32, i32) {
    %c0_i32 = arith.constant 0 : i32
    %c0_i32_0 = arith.constant 0 : i32
    return %arg0, %arg1, %c0_i32 : i32, i32, i32
  }
}

module attributes {stable_mosaic.version = 14 : i64} {
  func.func @_fused_mlp_body(%arg0: i32, %arg1: memref<4096x130xf32, #tpu.memory_space<vmem>>, %arg2: memref<130x256xf32, #tpu.memory_space<vmem>>, %arg3: memref<1x256xf32, #tpu.memory_space<vmem>>, %arg4: memref<4096x256xf32, #tpu.memory_space<vmem>>) attributes {dimension_semantics = [#tpu.dimension_semantics<arbitrary>], iteration_bounds = array<i64: 2>, scalar_prefetch = 0 : i64, scratch_operands = 0 : i64, tpu.core_type = #tpu.core_type<tc>, window_params = [{transform_indices = @transform_0, window_bounds = array<i64: 4096, 130>}, {pipeline_mode = #tpu.pipeline_mode<synchronous>, transform_indices = @transform_1, window_bounds = array<i64: 130, 256>}, {pipeline_mode = #tpu.pipeline_mode<synchronous>, transform_indices = @transform_2, window_bounds = array<i64: 1, 256>}, {transform_indices = @transform_3, window_bounds = array<i64: 4096, 256>}]} {
    %get3A = arith.constant 0 : index
    %get3A_0 = arith.constant 0 : index
    %get3A_1 = vector.load %arg1[%get3A, %get3A_0] : memref<4096x130xf32, #tpu.memory_space<vmem>>, vector<4096x130xf32>
    %get3A_2 = arith.constant 0 : index
    %get3A_3 = arith.constant 0 : index
    %get3A_4 = vector.load %arg2[%get3A_2, %get3A_3] : memref<130x256xf32, #tpu.memory_space<vmem>>, vector<130x256xf32>
    %get3A_5 = arith.constant 0 : index
    %get3A_6 = arith.constant 0 : index
    %get3A_7 = vector.load %arg3[%get3A_5, %get3A_6] : memref<1x256xf32, #tpu.memory_space<vmem>>, vector<1x256xf32>
    %dot_general3A = arith.constant dense<0.000000e+00> : vector<4096x256xf32>
    %dot_general3A_8 = tpu.matmul %get3A_1, %get3A_4, %dot_general3A {dimension_numbers = #tpu.dot_dimension_numbers<[1], [0], [0], [1], [0, 0, 1, 1], [], []>, transpose_lhs_hint = false} : vector<4096x130xf32>, vector<130x256xf32>, vector<4096x256xf32> -> vector<4096x256xf32>
    %add3A = vector.broadcast %get3A_7 : vector<1x256xf32> to vector<4096x256xf32>
    %add3A_9 = arith.addf %dot_general3A_8, %add3A : vector<4096x256xf32>
    %swap3A = arith.constant 0 : index
    %swap3A_10 = arith.constant 0 : index
    %swap3A_11 = vector.load %arg4[%swap3A, %swap3A_10] : memref<4096x256xf32, #tpu.memory_space<vmem>>, vector<4096x256xf32>
    tpu.vector_store %arg4[%swap3A, %swap3A_10], %add3A_9 {strides = array<i32>} : memref<4096x256xf32, #tpu.memory_space<vmem>>, vector<4096x256xf32>,
    return
  }
  func.func @transform_0(%arg0: i32) -> (i32, i32) {
    %c0_i32 = arith.constant 0 : i32
    %c0_i32_0 = arith.constant 0 : i32
    return %arg0, %c0_i32 : i32, i32
  }
  func.func @transform_1(%arg0: i32) -> (i32, i32) {
    %c0_i32 = arith.constant 0 : i32
    %c0_i32_0 = arith.constant 0 : i32
    %c0_i32_1 = arith.constant 0 : i32
    return %c0_i32, %c0_i32_0 : i32, i32
  }
  func.func @transform_2(%arg0: i32) -> (i32, i32) {
    %c0_i32 = arith.constant 0 : i32
    %c0_i32_0 = arith.constant 0 : i32
    %c0_i32_1 = arith.constant 0 : i32
    return %c0_i32, %c0_i32_0 : i32, i32
  }
  func.func @transform_3(%arg0: i32) -> (i32, i32) {
    %c0_i32 = arith.constant 0 : i32
    %c0_i32_0 = arith.constant 0 : i32
    return %arg0, %c0_i32 : i32, i32
  }
}

module attributes {stable_mosaic.version = 14 : i64} {
  func.func @_radius_conv_body(%arg0: i32, %arg1: i32, %arg2: memref<1x1024x128xf32, #tpu.memory_space<vmem>>, %arg3: memref<1x1024x128xf32, #tpu.memory_space<vmem>>, %arg4: memref<1x1024x32xi32, #tpu.memory_space<vmem>>, %arg5: memref<1x1024x32xf32, #tpu.memory_space<vmem>>, %arg6: memref<128x128xf32, #tpu.memory_space<vmem>>, %arg7: memref<1x128xf32, #tpu.memory_space<vmem>>, %arg8: memref<128x256xf32, #tpu.memory_space<vmem>>, %arg9: memref<1x256xf32, #tpu.memory_space<vmem>>, %arg10: memref<1x1024x256xf32, #tpu.memory_space<vmem>>) attributes {dimension_semantics = [#tpu.dimension_semantics<arbitrary>, #tpu.dimension_semantics<arbitrary>], iteration_bounds = array<i64: 8, 1>, scalar_prefetch = 0 : i64, scratch_operands = 0 : i64, tpu.core_type = #tpu.core_type<tc>, window_params = [{transform_indices = @transform_0, window_bounds = array<i64: 1, 1024, 128>}, {transform_indices = @transform_1, window_bounds = array<i64: 1, 1024, 128>}, {transform_indices = @transform_2, window_bounds = array<i64: 1, 1024, 32>}, {transform_indices = @transform_3, window_bounds = array<i64: 1, 1024, 32>}, {pipeline_mode = #tpu.pipeline_mode<synchronous>, transform_indices = @transform_4, window_bounds = array<i64: 128, 128>}, {pipeline_mode = #tpu.pipeline_mode<synchronous>, transform_indices = @transform_5, window_bounds = array<i64: 1, 128>}, {pipeline_mode = #tpu.pipeline_mode<synchronous>, transform_indices = @transform_6, window_bounds = array<i64: 128, 256>}, {pipeline_mode = #tpu.pipeline_mode<synchronous>, transform_indices = @transform_7, window_bounds = array<i64: 1, 256>}, {transform_indices = @transform_8, window_bounds = array<i64: 1, 1024, 256>}]} {
    %get3A = arith.constant 0 : index
    %get3A_0 = arith.constant 0 : index
    %get3A_1 = arith.constant 0 : index
    %get3A_2 = vector.load %arg2[%get3A, %get3A_0, %get3A_1] : memref<1x1024x128xf32, #tpu.memory_space<vmem>>, vector<1x1024x128xf32>
    %get3A_3 = vector.shape_cast %get3A_2 : vector<1x1024x128xf32> to vector<1024x128xf32>
    %get3A_4 = arith.constant 0 : index
    %get3A_5 = arith.constant 0 : index
    %get3A_6 = arith.constant 0 : index
    %get3A_7 = vector.load %arg3[%get3A_4, %get3A_5, %get3A_6] : memref<1x1024x128xf32, #tpu.memory_space<vmem>>, vector<1x1024x128xf32>
    %get3A_8 = vector.shape_cast %get3A_7 : vector<1x1024x128xf32> to vector<1024x128xf32>
    %get3A_9 = arith.constant 0 : index
    %get3A_10 = arith.constant 0 : index
    %get3A_11 = arith.constant 0 : index
    %get3A_12 = vector.load %arg4[%get3A_9, %get3A_10, %get3A_11] : memref<1x1024x32xi32, #tpu.memory_space<vmem>>, vector<1x1024x32xi32>
    %get3A_13 = vector.shape_cast %get3A_12 : vector<1x1024x32xi32> to vector<1024x32xi32>
    %get3A_14 = arith.constant 0 : index
    %get3A_15 = arith.constant 0 : index
    %get3A_16 = arith.constant 0 : index
    %get3A_17 = vector.load %arg5[%get3A_14, %get3A_15, %get3A_16] : memref<1x1024x32xf32, #tpu.memory_space<vmem>>, vector<1x1024x32xf32>
    %get3A_18 = vector.shape_cast %get3A_17 : vector<1x1024x32xf32> to vector<1024x32xf32>
    %get3A_19 = arith.constant 0 : index
    %get3A_20 = arith.constant 0 : index
    %get3A_21 = vector.load %arg6[%get3A_19, %get3A_20] : memref<128x128xf32, #tpu.memory_space<vmem>>, vector<128x128xf32>
    %get3A_22 = arith.constant 0 : index
    %get3A_23 = arith.constant 0 : index
    %get3A_24 = vector.load %arg7[%get3A_22, %get3A_23] : memref<1x128xf32, #tpu.memory_space<vmem>>, vector<1x128xf32>
    %get3A_25 = arith.constant 0 : index
    %get3A_26 = arith.constant 0 : index
    %get3A_27 = vector.load %arg8[%get3A_25, %get3A_26] : memref<128x256xf32, #tpu.memory_space<vmem>>, vector<128x256xf32>
    %get3A_28 = arith.constant 0 : index
    %get3A_29 = arith.constant 0 : index
    %get3A_30 = vector.load %arg9[%get3A_28, %get3A_29] : memref<1x256xf32, #tpu.memory_space<vmem>>, vector<1x256xf32>
    %iota3A = tpu.iota {dimensions = array<i32: 1>} : vector<1024x1024xi32>
    %convert_element_type3A = arith.truncf %get3A_3 : vector<1024x128xf32> to vector<1024x128xbf16>
    %convert_element_type3A_31 = arith.extf %convert_element_type3A : vector<1024x128xbf16> to vector<1024x128xf32>
    %sub3A = arith.subf %get3A_3, %convert_element_type3A_31 : vector<1024x128xf32>
    %convert_element_type3A_32 = arith.truncf %sub3A : vector<1024x128xf32> to vector<1024x128xbf16>
    %broadcast_in_dim3A = arith.constant 0xFF800000 : f32
    %broadcast_in_dim3A_33 = vector.broadcast %broadcast_in_dim3A : f32 to vector<1024x256xf32>
    %slice3A = vector.extract_strided_slice %get3A_13 {offsets = [0, 0], sizes = [1024, 1], strides = [1, 1]} : vector<1024x32xi32> to vector<1024x1xi32>
    %eq3A = vector.broadcast %slice3A : vector<1024x1xi32> to vector<1024x1024xi32>
    %eq3A_34 = arith.cmpi eq, %iota3A, %eq3A : vector<1024x1024xi32>
    %convert_element_type3A_35 = arith.extui %eq3A_34 : vector<1024x1024xi1> to vector<1024x1024xi32>
    %convert_element_type3A_36 = arith.sitofp %convert_element_type3A_35 : vector<1024x1024xi32> to vector<1024x1024xf32>
    %convert_element_type3A_37 = arith.truncf %convert_element_type3A_36 : vector<1024x1024xf32> to vector<1024x1024xbf16>
    %dot_general3A = arith.constant dense<0.000000e+00> : vector<1024x128xf32>
    %dot_general3A_38 = tpu.matmul %convert_element_type3A_37, %convert_element_type3A, %dot_general3A {dimension_numbers = #tpu.dot_dimension_numbers<[1], [0], [0], [1], [0, 0, 1, 1], [], []>, transpose_lhs_hint = false} : vector<1024x1024xbf16>, vector<1024x128xbf16>, vector<1024x128xf32> -> vector<1024x128xf32>
    %dot_general3A_39 = arith.constant dense<0.000000e+00> : vector<1024x128xf32>
    %dot_general3A_40 = tpu.matmul %convert_element_type3A_37, %convert_element_type3A_32, %dot_general3A_39 {dimension_numbers = #tpu.dot_dimension_numbers<[1], [0], [0], [1], [0, 0, 1, 1], [], []>, transpose_lhs_hint = false} : vector<1024x1024xbf16>, vector<1024x128xbf16>, vector<1024x128xf32> -> vector<1024x128xf32>
    %add3A = arith.addf %dot_general3A_38, %dot_general3A_40 : vector<1024x128xf32>
    %sub3A_41 = arith.subf %add3A, %get3A_8 : vector<1024x128xf32>
    %mul3A = arith.constant 0.999994993 : f32
    %mul3A_42 = vector.broadcast %mul3A : f32 to vector<1024x128xf32>
    %mul3A_43 = arith.mulf %sub3A_41, %mul3A_42 : vector<1024x128xf32>
    %max3A = arith.constant 0.000000e+00 : f32
    %max3A_44 = vector.broadcast %max3A : f32 to vector<1024x128xf32>
    %max3A_45 = arith.maximumf %mul3A_43, %max3A_44 : vector<1024x128xf32>
    %dot_general3A_46 = arith.constant dense<0.000000e+00> : vector<1024x128xf32>
    %dot_general3A_47 = tpu.matmul %max3A_45, %get3A_21, %dot_general3A_46 {dimension_numbers = #tpu.dot_dimension_numbers<[1], [0], [0], [1], [0, 0, 1, 1], [], []>, transpose_lhs_hint = false} : vector<1024x128xf32>, vector<128x128xf32>, vector<1024x128xf32> -> vector<1024x128xf32>
    %add3A_48 = vector.broadcast %get3A_24 : vector<1x128xf32> to vector<1024x128xf32>
    %add3A_49 = arith.addf %dot_general3A_47, %add3A_48 : vector<1024x128xf32>
    %mul3A_50 = arith.constant 0.999994993 : f32
    %mul3A_51 = vector.broadcast %mul3A_50 : f32 to vector<1024x128xf32>
    %mul3A_52 = arith.mulf %add3A_49, %mul3A_51 : vector<1024x128xf32>
    %max3A_53 = arith.constant 0.000000e+00 : f32
    %max3A_54 = vector.broadcast %max3A_53 : f32 to vector<1024x128xf32>
    %max3A_55 = arith.maximumf %mul3A_52, %max3A_54 : vector<1024x128xf32>
    %dot_general3A_56 = arith.constant dense<0.000000e+00> : vector<1024x256xf32>
    %dot_general3A_57 = tpu.matmul %max3A_55, %get3A_27, %dot_general3A_56 {dimension_numbers = #tpu.dot_dimension_numbers<[1], [0], [0], [1], [0, 0, 1, 1], [], []>, transpose_lhs_hint = false} : vector<1024x128xf32>, vector<128x256xf32>, vector<1024x256xf32> -> vector<1024x256xf32>
    %add3A_58 = vector.broadcast %get3A_30 : vector<1x256xf32> to vector<1024x256xf32>
    %add3A_59 = arith.addf %dot_general3A_57, %add3A_58 : vector<1024x256xf32>
    %slice3A_60 = vector.extract_strided_slice %get3A_18 {offsets = [0, 0], sizes = [1024, 1], strides = [1, 1]} : vector<1024x32xf32> to vector<1024x1xf32>
    %le3A = arith.constant 4.000000e-02 : f32
    %le3A_61 = vector.broadcast %le3A : f32 to vector<1024x1xf32>
    %le3A_62 = arith.cmpf ole, %slice3A_60, %le3A_61 : vector<1024x1xf32>
    %jit3A = arith.constant 0xFF800000 : f32
    %broadcast_in_dim3A_63 = vector.shape_cast %le3A_62 : vector<1024x1xi1> to vector<1024x1xi1>
    %broadcast_in_dim3A_64 = vector.broadcast %broadcast_in_dim3A_63 : vector<1024x1xi1> to vector<1024x256xi1>
    %broadcast_in_dim3A_65 = vector.broadcast %jit3A : f32 to vector<1024x256xf32>
    %select_n3A = arith.select %broadcast_in_dim3A_64, %add3A_59, %broadcast_in_dim3A_65 : vector<1024x256xi1>, vector<1024x256xf32>
    %max3A_66 = arith.maximumf %broadcast_in_dim3A_33, %select_n3A : vector<1024x256xf32>
    %slice3A_67 = vector.extract_strided_slice %get3A_13 {offsets = [0, 1], sizes = [1024, 1], strides = [1, 1]} : vector<1024x32xi32> to vector<1024x1xi32>
    %eq3A_68 = vector.broadcast %slice3A_67 : vector<1024x1xi32> to vector<1024x1024xi32>
    %eq3A_69 = arith.cmpi eq, %iota3A, %eq3A_68 : vector<1024x1024xi32>
    %convert_element_type3A_70 = arith.extui %eq3A_69 : vector<1024x1024xi1> to vector<1024x1024xi32>
    %convert_element_type3A_71 = arith.sitofp %convert_element_type3A_70 : vector<1024x1024xi32> to vector<1024x1024xf32>
    %convert_element_type3A_72 = arith.truncf %convert_element_type3A_71 : vector<1024x1024xf32> to vector<1024x1024xbf16>
    %dot_general3A_73 = arith.constant dense<0.000000e+00> : vector<1024x128xf32>
    %dot_general3A_74 = tpu.matmul %convert_element_type3A_72, %convert_element_type3A, %dot_general3A_73 {dimension_numbers = #tpu.dot_dimension_numbers<[1], [0], [0], [1], [0, 0, 1, 1], [], []>, transpose_lhs_hint = false} : vector<1024x1024xbf16>, vector<1024x128xbf16>, vector<1024x128xf32> -> vector<1024x128xf32>
    %dot_general3A_75 = arith.constant dense<0.000000e+00> : vector<1024x128xf32>
    %dot_general3A_76 = tpu.matmul %convert_element_type3A_72, %convert_element_type3A_32, %dot_general3A_75 {dimension_numbers = #tpu.dot_dimension_numbers<[1], [0], [0], [1], [0, 0, 1, 1], [], []>, transpose_lhs_hint = false} : vector<1024x1024xbf16>, vector<1024x128xbf16>, vector<1024x128xf32> -> vector<1024x128xf32>
    %add3A_77 = arith.addf %dot_general3A_74, %dot_general3A_76 : vector<1024x128xf32>
    %sub3A_78 = arith.subf %add3A_77, %get3A_8 : vector<1024x128xf32>
    %mul3A_79 = arith.constant 0.999994993 : f32
    %mul3A_80 = vector.broadcast %mul3A_79 : f32 to vector<1024x128xf32>
    %mul3A_81 = arith.mulf %sub3A_78, %mul3A_80 : vector<1024x128xf32>
    %max3A_82 = arith.constant 0.000000e+00 : f32
    %max3A_83 = vector.broadcast %max3A_82 : f32 to vector<1024x128xf32>
    %max3A_84 = arith.maximumf %mul3A_81, %max3A_83 : vector<1024x128xf32>
    %dot_general3A_85 = arith.constant dense<0.000000e+00> : vector<1024x128xf32>
    %dot_general3A_86 = tpu.matmul %max3A_84, %get3A_21, %dot_general3A_85 {dimension_numbers = #tpu.dot_dimension_numbers<[1], [0], [0], [1], [0, 0, 1, 1], [], []>, transpose_lhs_hint = false} : vector<1024x128xf32>, vector<128x128xf32>, vector<1024x128xf32> -> vector<1024x128xf32>
    %add3A_87 = vector.broadcast %get3A_24 : vector<1x128xf32> to vector<1024x128xf32>
    %add3A_88 = arith.addf %dot_general3A_86, %add3A_87 : vector<1024x128xf32>
    %mul3A_89 = arith.constant 0.999994993 : f32
    %mul3A_90 = vector.broadcast %mul3A_89 : f32 to vector<1024x128xf32>
    %mul3A_91 = arith.mulf %add3A_88, %mul3A_90 : vector<1024x128xf32>
    %max3A_92 = arith.constant 0.000000e+00 : f32
    %max3A_93 = vector.broadcast %max3A_92 : f32 to vector<1024x128xf32>
    %max3A_94 = arith.maximumf %mul3A_91, %max3A_93 : vector<1024x128xf32>
    %dot_general3A_95 = arith.constant dense<0.000000e+00> : vector<1024x256xf32>
    %dot_general3A_96 = tpu.matmul %max3A_94, %get3A_27, %dot_general3A_95 {dimension_numbers = #tpu.dot_dimension_numbers<[1], [0], [0], [1], [0, 0, 1, 1], [], []>, transpose_lhs_hint = false} : vector<1024x128xf32>, vector<128x256xf32>, vector<1024x256xf32> -> vector<1024x256xf32>
    %add3A_97 = vector.broadcast %get3A_30 : vector<1x256xf32> to vector<1024x256xf32>
    %add3A_98 = arith.addf %dot_general3A_96, %add3A_97 : vector<1024x256xf32>
    %slice3A_99 = vector.extract_strided_slice %get3A_18 {offsets = [0, 1], sizes = [1024, 1], strides = [1, 1]} : vector<1024x32xf32> to vector<1024x1xf32>
    %le3A_100 = arith.constant 4.000000e-02 : f32
    %le3A_101 = vector.broadcast %le3A_100 : f32 to vector<1024x1xf32>
    %le3A_102 = arith.cmpf ole, %slice3A_99, %le3A_101 : vector<1024x1xf32>
    %jit3A_103 = arith.constant 0xFF800000 : f32
    %broadcast_in_dim3A_104 = vector.shape_cast %le3A_102 : vector<1024x1xi1> to vector<1024x1xi1>
    %broadcast_in_dim3A_105 = vector.broadcast %broadcast_in_dim3A_104 : vector<1024x1xi1> to vector<1024x256xi1>
    %broadcast_in_dim3A_106 = vector.broadcast %jit3A_103 : f32 to vector<1024x256xf32>
    %select_n3A_107 = arith.select %broadcast_in_dim3A_105, %add3A_98, %broadcast_in_dim3A_106 : vector<1024x256xi1>, vector<1024x256xf32>
    %max3A_108 = arith.maximumf %max3A_66, %select_n3A_107 : vector<1024x256xf32>
    %slice3A_109 = vector.extract_strided_slice %get3A_13 {offsets = [0, 2], sizes = [1024, 1], strides = [1, 1]} : vector<1024x32xi32> to vector<1024x1xi32>
    %eq3A_110 = vector.broadcast %slice3A_109 : vector<1024x1xi32> to vector<1024x1024xi32>
    %eq3A_111 = arith.cmpi eq, %iota3A, %eq3A_110 : vector<1024x1024xi32>
    %convert_element_type3A_112 = arith.extui %eq3A_111 : vector<1024x1024xi1> to vector<1024x1024xi32>
    %convert_element_type3A_113 = arith.sitofp %convert_element_type3A_112 : vector<1024x1024xi32> to vector<1024x1024xf32>
    %convert_element_type3A_114 = arith.truncf %convert_element_type3A_113 : vector<1024x1024xf32> to vector<1024x1024xbf16>
    %dot_general3A_115 = arith.constant dense<0.000000e+00> : vector<1024x128xf32>
    %dot_general3A_116 = tpu.matmul %convert_element_type3A_114, %convert_element_type3A, %dot_general3A_115 {dimension_numbers = #tpu.dot_dimension_numbers<[1], [0], [0], [1], [0, 0, 1, 1], [], []>, transpose_lhs_hint = false} : vector<1024x1024xbf16>, vector<1024x128xbf16>, vector<1024x128xf32> -> vector<1024x128xf32>
    %dot_general3A_117 = arith.constant dense<0.000000e+00> : vector<1024x128xf32>
    %dot_general3A_118 = tpu.matmul %convert_element_type3A_114, %convert_element_type3A_32, %dot_general3A_117 {dimension_numbers = #tpu.dot_dimension_numbers<[1], [0], [0], [1], [0, 0, 1, 1], [], []>, transpose_lhs_hint = false} : vector<1024x1024xbf16>, vector<1024x128xbf16>, vector<1024x128xf32> -> vector<1024x128xf32>
    %add3A_119 = arith.addf %dot_general3A_116, %dot_general3A_118 : vector<1024x128xf32>
    %sub3A_120 = arith.subf %add3A_119, %get3A_8 : vector<1024x128xf32>
    %mul3A_121 = arith.constant 0.999994993 : f32
    %mul3A_122 = vector.broadcast %mul3A_121 : f32 to vector<1024x128xf32>
    %mul3A_123 = arith.mulf %sub3A_120, %mul3A_122 : vector<1024x128xf32>
    %max3A_124 = arith.constant 0.000000e+00 : f32
    %max3A_125 = vector.broadcast %max3A_124 : f32 to vector<1024x128xf32>
    %max3A_126 = arith.maximumf %mul3A_123, %max3A_125 : vector<1024x128xf32>
    %dot_general3A_127 = arith.constant dense<0.000000e+00> : vector<1024x128xf32>
    %dot_general3A_128 = tpu.matmul %max3A_126, %get3A_21, %dot_general3A_127 {dimension_numbers = #tpu.dot_dimension_numbers<[1], [0], [0], [1], [0, 0, 1, 1], [], []>, transpose_lhs_hint = false} : vector<1024x128xf32>, vector<128x128xf32>, vector<1024x128xf32> -> vector<1024x128xf32>
    %add3A_129 = vector.broadcast %get3A_24 : vector<1x128xf32> to vector<1024x128xf32>
    %add3A_130 = arith.addf %dot_general3A_128, %add3A_129 : vector<1024x128xf32>
    %mul3A_131 = arith.constant 0.999994993 : f32
    %mul3A_132 = vector.broadcast %mul3A_131 : f32 to vector<1024x128xf32>
    %mul3A_133 = arith.mulf %add3A_130, %mul3A_132 : vector<1024x128xf32>
    %max3A_134 = arith.constant 0.000000e+00 : f32
    %max3A_135 = vector.broadcast %max3A_134 : f32 to vector<1024x128xf32>
    %max3A_136 = arith.maximumf %mul3A_133, %max3A_135 : vector<1024x128xf32>
    %dot_general3A_137 = arith.constant dense<0.000000e+00> : vector<1024x256xf32>
    %dot_general3A_138 = tpu.matmul %max3A_136, %get3A_27, %dot_general3A_137 {dimension_numbers = #tpu.dot_dimension_numbers<[1], [0], [0], [1], [0, 0, 1, 1], [], []>, transpose_lhs_hint = false} : vector<1024x128xf32>, vector<128x256xf32>, vector<1024x256xf32> -> vector<1024x256xf32>
    %add3A_139 = vector.broadcast %get3A_30 : vector<1x256xf32> to vector<1024x256xf32>
    %add3A_140 = arith.addf %dot_general3A_138, %add3A_139 : vector<1024x256xf32>
    %slice3A_141 = vector.extract_strided_slice %get3A_18 {offsets = [0, 2], sizes = [1024, 1], strides = [1, 1]} : vector<1024x32xf32> to vector<1024x1xf32>
    %le3A_142 = arith.constant 4.000000e-02 : f32
    %le3A_143 = vector.broadcast %le3A_142 : f32 to vector<1024x1xf32>
    %le3A_144 = arith.cmpf ole, %slice3A_141, %le3A_143 : vector<1024x1xf32>
    %jit3A_145 = arith.constant 0xFF800000 : f32
    %broadcast_in_dim3A_146 = vector.shape_cast %le3A_144 : vector<1024x1xi1> to vector<1024x1xi1>
    %broadcast_in_dim3A_147 = vector.broadcast %broadcast_in_dim3A_146 : vector<1024x1xi1> to vector<1024x256xi1>
    %broadcast_in_dim3A_148 = vector.broadcast %jit3A_145 : f32 to vector<1024x256xf32>
    %select_n3A_149 = arith.select %broadcast_in_dim3A_147, %add3A_140, %broadcast_in_dim3A_148 : vector<1024x256xi1>, vector<1024x256xf32>
    %max3A_150 = arith.maximumf %max3A_108, %select_n3A_149 : vector<1024x256xf32>
    %slice3A_151 = vector.extract_strided_slice %get3A_13 {offsets = [0, 3], sizes = [1024, 1], strides = [1, 1]} : vector<1024x32xi32> to vector<1024x1xi32>
    %eq3A_152 = vector.broadcast %slice3A_151 : vector<1024x1xi32> to vector<1024x1024xi32>
    %eq3A_153 = arith.cmpi eq, %iota3A, %eq3A_152 : vector<1024x1024xi32>
    %convert_element_type3A_154 = arith.extui %eq3A_153 : vector<1024x1024xi1> to vector<1024x1024xi32>
    %convert_element_type3A_155 = arith.sitofp %convert_element_type3A_154 : vector<1024x1024xi32> to vector<1024x1024xf32>
    %convert_element_type3A_156 = arith.truncf %convert_element_type3A_155 : vector<1024x1024xf32> to vector<1024x1024xbf16>
    %dot_general3A_157 = arith.constant dense<0.000000e+00> : vector<1024x128xf32>
    %dot_general3A_158 = tpu.matmul %convert_element_type3A_156, %convert_element_type3A, %dot_general3A_157 {dimension_numbers = #tpu.dot_dimension_numbers<[1], [0], [0], [1], [0, 0, 1, 1], [], []>, transpose_lhs_hint = false} : vector<1024x1024xbf16>, vector<1024x128xbf16>, vector<1024x128xf32> -> vector<1024x128xf32>
    %dot_general3A_159 = arith.constant dense<0.000000e+00> : vector<1024x128xf32>
    %dot_general3A_160 = tpu.matmul %convert_element_type3A_156, %convert_element_type3A_32, %dot_general3A_159 {dimension_numbers = #tpu.dot_dimension_numbers<[1], [0], [0], [1], [0, 0, 1, 1], [], []>, transpose_lhs_hint = false} : vector<1024x1024xbf16>, vector<1024x128xbf16>, vector<1024x128xf32> -> vector<1024x128xf32>
    %add3A_161 = arith.addf %dot_general3A_158, %dot_general3A_160 : vector<1024x128xf32>
    %sub3A_162 = arith.subf %add3A_161, %get3A_8 : vector<1024x128xf32>
    %mul3A_163 = arith.constant 0.999994993 : f32
    %mul3A_164 = vector.broadcast %mul3A_163 : f32 to vector<1024x128xf32>
    %mul3A_165 = arith.mulf %sub3A_162, %mul3A_164 : vector<1024x128xf32>
    %max3A_166 = arith.constant 0.000000e+00 : f32
    %max3A_167 = vector.broadcast %max3A_166 : f32 to vector<1024x128xf32>
    %max3A_168 = arith.maximumf %mul3A_165, %max3A_167 : vector<1024x128xf32>
    %dot_general3A_169 = arith.constant dense<0.000000e+00> : vector<1024x128xf32>
    %dot_general3A_170 = tpu.matmul %max3A_168, %get3A_21, %dot_general3A_169 {dimension_numbers = #tpu.dot_dimension_numbers<[1], [0], [0], [1], [0, 0, 1, 1], [], []>, transpose_lhs_hint = false} : vector<1024x128xf32>, vector<128x128xf32>, vector<1024x128xf32> -> vector<1024x128xf32>
    %add3A_171 = vector.broadcast %get3A_24 : vector<1x128xf32> to vector<1024x128xf32>
    %add3A_172 = arith.addf %dot_general3A_170, %add3A_171 : vector<1024x128xf32>
    %mul3A_173 = arith.constant 0.999994993 : f32
    %mul3A_174 = vector.broadcast %mul3A_173 : f32 to vector<1024x128xf32>
    %mul3A_175 = arith.mulf %add3A_172, %mul3A_174 : vector<1024x128xf32>
    %max3A_176 = arith.constant 0.000000e+00 : f32
    %max3A_177 = vector.broadcast %max3A_176 : f32 to vector<1024x128xf32>
    %max3A_178 = arith.maximumf %mul3A_175, %max3A_177 : vector<1024x128xf32>
    %dot_general3A_179 = arith.constant dense<0.000000e+00> : vector<1024x256xf32>
    %dot_general3A_180 = tpu.matmul %max3A_178, %get3A_27, %dot_general3A_179 {dimension_numbers = #tpu.dot_dimension_numbers<[1], [0], [0], [1], [0, 0, 1, 1], [], []>, transpose_lhs_hint = false} : vector<1024x128xf32>, vector<128x256xf32>, vector<1024x256xf32> -> vector<1024x256xf32>
    %add3A_181 = vector.broadcast %get3A_30 : vector<1x256xf32> to vector<1024x256xf32>
    %add3A_182 = arith.addf %dot_general3A_180, %add3A_181 : vector<1024x256xf32>
    %slice3A_183 = vector.extract_strided_slice %get3A_18 {offsets = [0, 3], sizes = [1024, 1], strides = [1, 1]} : vector<1024x32xf32> to vector<1024x1xf32>
    %le3A_184 = arith.constant 4.000000e-02 : f32
    %le3A_185 = vector.broadcast %le3A_184 : f32 to vector<1024x1xf32>
    %le3A_186 = arith.cmpf ole, %slice3A_183, %le3A_185 : vector<1024x1xf32>
    %jit3A_187 = arith.constant 0xFF800000 : f32
    %broadcast_in_dim3A_188 = vector.shape_cast %le3A_186 : vector<1024x1xi1> to vector<1024x1xi1>
    %broadcast_in_dim3A_189 = vector.broadcast %broadcast_in_dim3A_188 : vector<1024x1xi1> to vector<1024x256xi1>
    %broadcast_in_dim3A_190 = vector.broadcast %jit3A_187 : f32 to vector<1024x256xf32>
    %select_n3A_191 = arith.select %broadcast_in_dim3A_189, %add3A_182, %broadcast_in_dim3A_190 : vector<1024x256xi1>, vector<1024x256xf32>
    %max3A_192 = arith.maximumf %max3A_150, %select_n3A_191 : vector<1024x256xf32>
    %slice3A_193 = vector.extract_strided_slice %get3A_13 {offsets = [0, 4], sizes = [1024, 1], strides = [1, 1]} : vector<1024x32xi32> to vector<1024x1xi32>
    %eq3A_194 = vector.broadcast %slice3A_193 : vector<1024x1xi32> to vector<1024x1024xi32>
    %eq3A_195 = arith.cmpi eq, %iota3A, %eq3A_194 : vector<1024x1024xi32>
    %convert_element_type3A_196 = arith.extui %eq3A_195 : vector<1024x1024xi1> to vector<1024x1024xi32>
    %convert_element_type3A_197 = arith.sitofp %convert_element_type3A_196 : vector<1024x1024xi32> to vector<1024x1024xf32>
    %convert_element_type3A_198 = arith.truncf %convert_element_type3A_197 : vector<1024x1024xf32> to vector<1024x1024xbf16>
    %dot_general3A_199 = arith.constant dense<0.000000e+00> : vector<1024x128xf32>
    %dot_general3A_200 = tpu.matmul %convert_element_type3A_198, %convert_element_type3A, %dot_general3A_199 {dimension_numbers = #tpu.dot_dimension_numbers<[1], [0], [0], [1], [0, 0, 1, 1], [], []>, transpose_lhs_hint = false} : vector<1024x1024xbf16>, vector<1024x128xbf16>, vector<1024x128xf32> -> vector<1024x128xf32>
    %dot_general3A_201 = arith.constant dense<0.000000e+00> : vector<1024x128xf32>
    %dot_general3A_202 = tpu.matmul %convert_element_type3A_198, %convert_element_type3A_32, %dot_general3A_201 {dimension_numbers = #tpu.dot_dimension_numbers<[1], [0], [0], [1], [0, 0, 1, 1], [], []>, transpose_lhs_hint = false} : vector<1024x1024xbf16>, vector<1024x128xbf16>, vector<1024x128xf32> -> vector<1024x128xf32>
    %add3A_203 = arith.addf %dot_general3A_200, %dot_general3A_202 : vector<1024x128xf32>
    %sub3A_204 = arith.subf %add3A_203, %get3A_8 : vector<1024x128xf32>
    %mul3A_205 = arith.constant 0.999994993 : f32
    %mul3A_206 = vector.broadcast %mul3A_205 : f32 to vector<1024x128xf32>
    %mul3A_207 = arith.mulf %sub3A_204, %mul3A_206 : vector<1024x128xf32>
    %max3A_208 = arith.constant 0.000000e+00 : f32
    %max3A_209 = vector.broadcast %max3A_208 : f32 to vector<1024x128xf32>
    %max3A_210 = arith.maximumf %mul3A_207, %max3A_209 : vector<1024x128xf32>
    %dot_general3A_211 = arith.constant dense<0.000000e+00> : vector<1024x128xf32>
    %dot_general3A_212 = tpu.matmul %max3A_210, %get3A_21, %dot_general3A_211 {dimension_numbers = #tpu.dot_dimension_numbers<[1], [0], [0], [1], [0, 0, 1, 1], [], []>, transpose_lhs_hint = false} : vector<1024x128xf32>, vector<128x128xf32>, vector<1024x128xf32> -> vector<1024x128xf32>
    %add3A_213 = vector.broadcast %get3A_24 : vector<1x128xf32> to vector<1024x128xf32>
    %add3A_214 = arith.addf %dot_general3A_212, %add3A_213 : vector<1024x128xf32>
    %mul3A_215 = arith.constant 0.999994993 : f32
    %mul3A_216 = vector.broadcast %mul3A_215 : f32 to vector<1024x128xf32>
    %mul3A_217 = arith.mulf %add3A_214, %mul3A_216 : vector<1024x128xf32>
    %max3A_218 = arith.constant 0.000000e+00 : f32
    %max3A_219 = vector.broadcast %max3A_218 : f32 to vector<1024x128xf32>
    %max3A_220 = arith.maximumf %mul3A_217, %max3A_219 : vector<1024x128xf32>
    %dot_general3A_221 = arith.constant dense<0.000000e+00> : vector<1024x256xf32>
    %dot_general3A_222 = tpu.matmul %max3A_220, %get3A_27, %dot_general3A_221 {dimension_numbers = #tpu.dot_dimension_numbers<[1], [0], [0], [1], [0, 0, 1, 1], [], []>, transpose_lhs_hint = false} : vector<1024x128xf32>, vector<128x256xf32>, vector<1024x256xf32> -> vector<1024x256xf32>
    %add3A_223 = vector.broadcast %get3A_30 : vector<1x256xf32> to vector<1024x256xf32>
    %add3A_224 = arith.addf %dot_general3A_222, %add3A_223 : vector<1024x256xf32>
    %slice3A_225 = vector.extract_strided_slice %get3A_18 {offsets = [0, 4], sizes = [1024, 1], strides = [1, 1]} : vector<1024x32xf32> to vector<1024x1xf32>
    %le3A_226 = arith.constant 4.000000e-02 : f32
    %le3A_227 = vector.broadcast %le3A_226 : f32 to vector<1024x1xf32>
    %le3A_228 = arith.cmpf ole, %slice3A_225, %le3A_227 : vector<1024x1xf32>
    %jit3A_229 = arith.constant 0xFF800000 : f32
    %broadcast_in_dim3A_230 = vector.shape_cast %le3A_228 : vector<1024x1xi1> to vector<1024x1xi1>
    %broadcast_in_dim3A_231 = vector.broadcast %broadcast_in_dim3A_230 : vector<1024x1xi1> to vector<1024x256xi1>
    %broadcast_in_dim3A_232 = vector.broadcast %jit3A_229 : f32 to vector<1024x256xf32>
    %select_n3A_233 = arith.select %broadcast_in_dim3A_231, %add3A_224, %broadcast_in_dim3A_232 : vector<1024x256xi1>, vector<1024x256xf32>
    %max3A_234 = arith.maximumf %max3A_192, %select_n3A_233 : vector<1024x256xf32>
    %slice3A_235 = vector.extract_strided_slice %get3A_13 {offsets = [0, 5], sizes = [1024, 1], strides = [1, 1]} : vector<1024x32xi32> to vector<1024x1xi32>
    %eq3A_236 = vector.broadcast %slice3A_235 : vector<1024x1xi32> to vector<1024x1024xi32>
    %eq3A_237 = arith.cmpi eq, %iota3A, %eq3A_236 : vector<1024x1024xi32>
    %convert_element_type3A_238 = arith.extui %eq3A_237 : vector<1024x1024xi1> to vector<1024x1024xi32>
    %convert_element_type3A_239 = arith.sitofp %convert_element_type3A_238 : vector<1024x1024xi32> to vector<1024x1024xf32>
    %convert_element_type3A_240 = arith.truncf %convert_element_type3A_239 : vector<1024x1024xf32> to vector<1024x1024xbf16>
    %dot_general3A_241 = arith.constant dense<0.000000e+00> : vector<1024x128xf32>
    %dot_general3A_242 = tpu.matmul %convert_element_type3A_240, %convert_element_type3A, %dot_general3A_241 {dimension_numbers = #tpu.dot_dimension_numbers<[1], [0], [0], [1], [0, 0, 1, 1], [], []>, transpose_lhs_hint = false} : vector<1024x1024xbf16>, vector<1024x128xbf16>, vector<1024x128xf32> -> vector<1024x128xf32>
    %dot_general3A_243 = arith.constant dense<0.000000e+00> : vector<1024x128xf32>
    %dot_general3A_244 = tpu.matmul %convert_element_type3A_240, %convert_element_type3A_32, %dot_general3A_243 {dimension_numbers = #tpu.dot_dimension_numbers<[1], [0], [0], [1], [0, 0, 1, 1], [], []>, transpose_lhs_hint = false} : vector<1024x1024xbf16>, vector<1024x128xbf16>, vector<1024x128xf32> -> vector<1024x128xf32>
    %add3A_245 = arith.addf %dot_general3A_242, %dot_general3A_244 : vector<1024x128xf32>
    %sub3A_246 = arith.subf %add3A_245, %get3A_8 : vector<1024x128xf32>
    %mul3A_247 = arith.constant 0.999994993 : f32
    %mul3A_248 = vector.broadcast %mul3A_247 : f32 to vector<1024x128xf32>
    %mul3A_249 = arith.mulf %sub3A_246, %mul3A_248 : vector<1024x128xf32>
    %max3A_250 = arith.constant 0.000000e+00 : f32
    %max3A_251 = vector.broadcast %max3A_250 : f32 to vector<1024x128xf32>
    %max3A_252 = arith.maximumf %mul3A_249, %max3A_251 : vector<1024x128xf32>
    %dot_general3A_253 = arith.constant dense<0.000000e+00> : vector<1024x128xf32>
    %dot_general3A_254 = tpu.matmul %max3A_252, %get3A_21, %dot_general3A_253 {dimension_numbers = #tpu.dot_dimension_numbers<[1], [0], [0], [1], [0, 0, 1, 1], [], []>, transpose_lhs_hint = false} : vector<1024x128xf32>, vector<128x128xf32>, vector<1024x128xf32> -> vector<1024x128xf32>
    %add3A_255 = vector.broadcast %get3A_24 : vector<1x128xf32> to vector<1024x128xf32>
    %add3A_256 = arith.addf %dot_general3A_254, %add3A_255 : vector<1024x128xf32>
    %mul3A_257 = arith.constant 0.999994993 : f32
    %mul3A_258 = vector.broadcast %mul3A_257 : f32 to vector<1024x128xf32>
    %mul3A_259 = arith.mulf %add3A_256, %mul3A_258 : vector<1024x128xf32>
    %max3A_260 = arith.constant 0.000000e+00 : f32
    %max3A_261 = vector.broadcast %max3A_260 : f32 to vector<1024x128xf32>
    %max3A_262 = arith.maximumf %mul3A_259, %max3A_261 : vector<1024x128xf32>
    %dot_general3A_263 = arith.constant dense<0.000000e+00> : vector<1024x256xf32>
    %dot_general3A_264 = tpu.matmul %max3A_262, %get3A_27, %dot_general3A_263 {dimension_numbers = #tpu.dot_dimension_numbers<[1], [0], [0], [1], [0, 0, 1, 1], [], []>, transpose_lhs_hint = false} : vector<1024x128xf32>, vector<128x256xf32>, vector<1024x256xf32> -> vector<1024x256xf32>
    %add3A_265 = vector.broadcast %get3A_30 : vector<1x256xf32> to vector<1024x256xf32>
    %add3A_266 = arith.addf %dot_general3A_264, %add3A_265 : vector<1024x256xf32>
    %slice3A_267 = vector.extract_strided_slice %get3A_18 {offsets = [0, 5], sizes = [1024, 1], strides = [1, 1]} : vector<1024x32xf32> to vector<1024x1xf32>
    %le3A_268 = arith.constant 4.000000e-02 : f32
    %le3A_269 = vector.broadcast %le3A_268 : f32 to vector<1024x1xf32>
    %le3A_270 = arith.cmpf ole, %slice3A_267, %le3A_269 : vector<1024x1xf32>
    %jit3A_271 = arith.constant 0xFF800000 : f32
    %broadcast_in_dim3A_272 = vector.shape_cast %le3A_270 : vector<1024x1xi1> to vector<1024x1xi1>
    %broadcast_in_dim3A_273 = vector.broadcast %broadcast_in_dim3A_272 : vector<1024x1xi1> to vector<1024x256xi1>
    %broadcast_in_dim3A_274 = vector.broadcast %jit3A_271 : f32 to vector<1024x256xf32>
    %select_n3A_275 = arith.select %broadcast_in_dim3A_273, %add3A_266, %broadcast_in_dim3A_274 : vector<1024x256xi1>, vector<1024x256xf32>
    %max3A_276 = arith.maximumf %max3A_234, %select_n3A_275 : vector<1024x256xf32>
    %slice3A_277 = vector.extract_strided_slice %get3A_13 {offsets = [0, 6], sizes = [1024, 1], strides = [1, 1]} : vector<1024x32xi32> to vector<1024x1xi32>
    %eq3A_278 = vector.broadcast %slice3A_277 : vector<1024x1xi32> to vector<1024x1024xi32>
    %eq3A_279 = arith.cmpi eq, %iota3A, %eq3A_278 : vector<1024x1024xi32>
    %convert_element_type3A_280 = arith.extui %eq3A_279 : vector<1024x1024xi1> to vector<1024x1024xi32>
    %convert_element_type3A_281 = arith.sitofp %convert_element_type3A_280 : vector<1024x1024xi32> to vector<1024x1024xf32>
    %convert_element_type3A_282 = arith.truncf %convert_element_type3A_281 : vector<1024x1024xf32> to vector<1024x1024xbf16>
    %dot_general3A_283 = arith.constant dense<0.000000e+00> : vector<1024x128xf32>
    %dot_general3A_284 = tpu.matmul %convert_element_type3A_282, %convert_element_type3A, %dot_general3A_283 {dimension_numbers = #tpu.dot_dimension_numbers<[1], [0], [0], [1], [0, 0, 1, 1], [], []>, transpose_lhs_hint = false} : vector<1024x1024xbf16>, vector<1024x128xbf16>, vector<1024x128xf32> -> vector<1024x128xf32>
    %dot_general3A_285 = arith.constant dense<0.000000e+00> : vector<1024x128xf32>
    %dot_general3A_286 = tpu.matmul %convert_element_type3A_282, %convert_element_type3A_32, %dot_general3A_285 {dimension_numbers = #tpu.dot_dimension_numbers<[1], [0], [0], [1], [0, 0, 1, 1], [], []>, transpose_lhs_hint = false} : vector<1024x1024xbf16>, vector<1024x128xbf16>, vector<1024x128xf32> -> vector<1024x128xf32>
    %add3A_287 = arith.addf %dot_general3A_284, %dot_general3A_286 : vector<1024x128xf32>
    %sub3A_288 = arith.subf %add3A_287, %get3A_8 : vector<1024x128xf32>
    %mul3A_289 = arith.constant 0.999994993 : f32
    %mul3A_290 = vector.broadcast %mul3A_289 : f32 to vector<1024x128xf32>
    %mul3A_291 = arith.mulf %sub3A_288, %mul3A_290 : vector<1024x128xf32>
    %max3A_292 = arith.constant 0.000000e+00 : f32
    %max3A_293 = vector.broadcast %max3A_292 : f32 to vector<1024x128xf32>
    %max3A_294 = arith.maximumf %mul3A_291, %max3A_293 : vector<1024x128xf32>
    %dot_general3A_295 = arith.constant dense<0.000000e+00> : vector<1024x128xf32>
    %dot_general3A_296 = tpu.matmul %max3A_294, %get3A_21, %dot_general3A_295 {dimension_numbers = #tpu.dot_dimension_numbers<[1], [0], [0], [1], [0, 0, 1, 1], [], []>, transpose_lhs_hint = false} : vector<1024x128xf32>, vector<128x128xf32>, vector<1024x128xf32> -> vector<1024x128xf32>
    %add3A_297 = vector.broadcast %get3A_24 : vector<1x128xf32> to vector<1024x128xf32>
    %add3A_298 = arith.addf %dot_general3A_296, %add3A_297 : vector<1024x128xf32>
    %mul3A_299 = arith.constant 0.999994993 : f32
    %mul3A_300 = vector.broadcast %mul3A_299 : f32 to vector<1024x128xf32>
    %mul3A_301 = arith.mulf %add3A_298, %mul3A_300 : vector<1024x128xf32>
    %max3A_302 = arith.constant 0.000000e+00 : f32
    %max3A_303 = vector.broadcast %max3A_302 : f32 to vector<1024x128xf32>
    %max3A_304 = arith.maximumf %mul3A_301, %max3A_303 : vector<1024x128xf32>
    %dot_general3A_305 = arith.constant dense<0.000000e+00> : vector<1024x256xf32>
    %dot_general3A_306 = tpu.matmul %max3A_304, %get3A_27, %dot_general3A_305 {dimension_numbers = #tpu.dot_dimension_numbers<[1], [0], [0], [1], [0, 0, 1, 1], [], []>, transpose_lhs_hint = false} : vector<1024x128xf32>, vector<128x256xf32>, vector<1024x256xf32> -> vector<1024x256xf32>
    %add3A_307 = vector.broadcast %get3A_30 : vector<1x256xf32> to vector<1024x256xf32>
    %add3A_308 = arith.addf %dot_general3A_306, %add3A_307 : vector<1024x256xf32>
    %slice3A_309 = vector.extract_strided_slice %get3A_18 {offsets = [0, 6], sizes = [1024, 1], strides = [1, 1]} : vector<1024x32xf32> to vector<1024x1xf32>
    %le3A_310 = arith.constant 4.000000e-02 : f32
    %le3A_311 = vector.broadcast %le3A_310 : f32 to vector<1024x1xf32>
    %le3A_312 = arith.cmpf ole, %slice3A_309, %le3A_311 : vector<1024x1xf32>
    %jit3A_313 = arith.constant 0xFF800000 : f32
    %broadcast_in_dim3A_314 = vector.shape_cast %le3A_312 : vector<1024x1xi1> to vector<1024x1xi1>
    %broadcast_in_dim3A_315 = vector.broadcast %broadcast_in_dim3A_314 : vector<1024x1xi1> to vector<1024x256xi1>
    %broadcast_in_dim3A_316 = vector.broadcast %jit3A_313 : f32 to vector<1024x256xf32>
    %select_n3A_317 = arith.select %broadcast_in_dim3A_315, %add3A_308, %broadcast_in_dim3A_316 : vector<1024x256xi1>, vector<1024x256xf32>
    %max3A_318 = arith.maximumf %max3A_276, %select_n3A_317 : vector<1024x256xf32>
    %slice3A_319 = vector.extract_strided_slice %get3A_13 {offsets = [0, 7], sizes = [1024, 1], strides = [1, 1]} : vector<1024x32xi32> to vector<1024x1xi32>
    %eq3A_320 = vector.broadcast %slice3A_319 : vector<1024x1xi32> to vector<1024x1024xi32>
    %eq3A_321 = arith.cmpi eq, %iota3A, %eq3A_320 : vector<1024x1024xi32>
    %convert_element_type3A_322 = arith.extui %eq3A_321 : vector<1024x1024xi1> to vector<1024x1024xi32>
    %convert_element_type3A_323 = arith.sitofp %convert_element_type3A_322 : vector<1024x1024xi32> to vector<1024x1024xf32>
    %convert_element_type3A_324 = arith.truncf %convert_element_type3A_323 : vector<1024x1024xf32> to vector<1024x1024xbf16>
    %dot_general3A_325 = arith.constant dense<0.000000e+00> : vector<1024x128xf32>
    %dot_general3A_326 = tpu.matmul %convert_element_type3A_324, %convert_element_type3A, %dot_general3A_325 {dimension_numbers = #tpu.dot_dimension_numbers<[1], [0], [0], [1], [0, 0, 1, 1], [], []>, transpose_lhs_hint = false} : vector<1024x1024xbf16>, vector<1024x128xbf16>, vector<1024x128xf32> -> vector<1024x128xf32>
    %dot_general3A_327 = arith.constant dense<0.000000e+00> : vector<1024x128xf32>
    %dot_general3A_328 = tpu.matmul %convert_element_type3A_324, %convert_element_type3A_32, %dot_general3A_327 {dimension_numbers = #tpu.dot_dimension_numbers<[1], [0], [0], [1], [0, 0, 1, 1], [], []>, transpose_lhs_hint = false} : vector<1024x1024xbf16>, vector<1024x128xbf16>, vector<1024x128xf32> -> vector<1024x128xf32>
    %add3A_329 = arith.addf %dot_general3A_326, %dot_general3A_328 : vector<1024x128xf32>
    %sub3A_330 = arith.subf %add3A_329, %get3A_8 : vector<1024x128xf32>
    %mul3A_331 = arith.constant 0.999994993 : f32
    %mul3A_332 = vector.broadcast %mul3A_331 : f32 to vector<1024x128xf32>
    %mul3A_333 = arith.mulf %sub3A_330, %mul3A_332 : vector<1024x128xf32>
    %max3A_334 = arith.constant 0.000000e+00 : f32
    %max3A_335 = vector.broadcast %max3A_334 : f32 to vector<1024x128xf32>
    %max3A_336 = arith.maximumf %mul3A_333, %max3A_335 : vector<1024x128xf32>
    %dot_general3A_337 = arith.constant dense<0.000000e+00> : vector<1024x128xf32>
    %dot_general3A_338 = tpu.matmul %max3A_336, %get3A_21, %dot_general3A_337 {dimension_numbers = #tpu.dot_dimension_numbers<[1], [0], [0], [1], [0, 0, 1, 1], [], []>, transpose_lhs_hint = false} : vector<1024x128xf32>, vector<128x128xf32>, vector<1024x128xf32> -> vector<1024x128xf32>
    %add3A_339 = vector.broadcast %get3A_24 : vector<1x128xf32> to vector<1024x128xf32>
    %add3A_340 = arith.addf %dot_general3A_338, %add3A_339 : vector<1024x128xf32>
    %mul3A_341 = arith.constant 0.999994993 : f32
    %mul3A_342 = vector.broadcast %mul3A_341 : f32 to vector<1024x128xf32>
    %mul3A_343 = arith.mulf %add3A_340, %mul3A_342 : vector<1024x128xf32>
    %max3A_344 = arith.constant 0.000000e+00 : f32
    %max3A_345 = vector.broadcast %max3A_344 : f32 to vector<1024x128xf32>
    %max3A_346 = arith.maximumf %mul3A_343, %max3A_345 : vector<1024x128xf32>
    %dot_general3A_347 = arith.constant dense<0.000000e+00> : vector<1024x256xf32>
    %dot_general3A_348 = tpu.matmul %max3A_346, %get3A_27, %dot_general3A_347 {dimension_numbers = #tpu.dot_dimension_numbers<[1], [0], [0], [1], [0, 0, 1, 1], [], []>, transpose_lhs_hint = false} : vector<1024x128xf32>, vector<128x256xf32>, vector<1024x256xf32> -> vector<1024x256xf32>
    %add3A_349 = vector.broadcast %get3A_30 : vector<1x256xf32> to vector<1024x256xf32>
    %add3A_350 = arith.addf %dot_general3A_348, %add3A_349 : vector<1024x256xf32>
    %slice3A_351 = vector.extract_strided_slice %get3A_18 {offsets = [0, 7], sizes = [1024, 1], strides = [1, 1]} : vector<1024x32xf32> to vector<1024x1xf32>
    %le3A_352 = arith.constant 4.000000e-02 : f32
    %le3A_353 = vector.broadcast %le3A_352 : f32 to vector<1024x1xf32>
    %le3A_354 = arith.cmpf ole, %slice3A_351, %le3A_353 : vector<1024x1xf32>
    %jit3A_355 = arith.constant 0xFF800000 : f32
    %broadcast_in_dim3A_356 = vector.shape_cast %le3A_354 : vector<1024x1xi1> to vector<1024x1xi1>
    %broadcast_in_dim3A_357 = vector.broadcast %broadcast_in_dim3A_356 : vector<1024x1xi1> to vector<1024x256xi1>
    %broadcast_in_dim3A_358 = vector.broadcast %jit3A_355 : f32 to vector<1024x256xf32>
    %select_n3A_359 = arith.select %broadcast_in_dim3A_357, %add3A_350, %broadcast_in_dim3A_358 : vector<1024x256xi1>, vector<1024x256xf32>
    %max3A_360 = arith.maximumf %max3A_318, %select_n3A_359 : vector<1024x256xf32>
    %slice3A_361 = vector.extract_strided_slice %get3A_13 {offsets = [0, 8], sizes = [1024, 1], strides = [1, 1]} : vector<1024x32xi32> to vector<1024x1xi32>
    %eq3A_362 = vector.broadcast %slice3A_361 : vector<1024x1xi32> to vector<1024x1024xi32>
    %eq3A_363 = arith.cmpi eq, %iota3A, %eq3A_362 : vector<1024x1024xi32>
    %convert_element_type3A_364 = arith.extui %eq3A_363 : vector<1024x1024xi1> to vector<1024x1024xi32>
    %convert_element_type3A_365 = arith.sitofp %convert_element_type3A_364 : vector<1024x1024xi32> to vector<1024x1024xf32>
    %convert_element_type3A_366 = arith.truncf %convert_element_type3A_365 : vector<1024x1024xf32> to vector<1024x1024xbf16>
    %dot_general3A_367 = arith.constant dense<0.000000e+00> : vector<1024x128xf32>
    %dot_general3A_368 = tpu.matmul %convert_element_type3A_366, %convert_element_type3A, %dot_general3A_367 {dimension_numbers = #tpu.dot_dimension_numbers<[1], [0], [0], [1], [0, 0, 1, 1], [], []>, transpose_lhs_hint = false} : vector<1024x1024xbf16>, vector<1024x128xbf16>, vector<1024x128xf32> -> vector<1024x128xf32>
    %dot_general3A_369 = arith.constant dense<0.000000e+00> : vector<1024x128xf32>
    %dot_general3A_370 = tpu.matmul %convert_element_type3A_366, %convert_element_type3A_32, %dot_general3A_369 {dimension_numbers = #tpu.dot_dimension_numbers<[1], [0], [0], [1], [0, 0, 1, 1], [], []>, transpose_lhs_hint = false} : vector<1024x1024xbf16>, vector<1024x128xbf16>, vector<1024x128xf32> -> vector<1024x128xf32>
    %add3A_371 = arith.addf %dot_general3A_368, %dot_general3A_370 : vector<1024x128xf32>
    %sub3A_372 = arith.subf %add3A_371, %get3A_8 : vector<1024x128xf32>
    %mul3A_373 = arith.constant 0.999994993 : f32
    %mul3A_374 = vector.broadcast %mul3A_373 : f32 to vector<1024x128xf32>
    %mul3A_375 = arith.mulf %sub3A_372, %mul3A_374 : vector<1024x128xf32>
    %max3A_376 = arith.constant 0.000000e+00 : f32
    %max3A_377 = vector.broadcast %max3A_376 : f32 to vector<1024x128xf32>
    %max3A_378 = arith.maximumf %mul3A_375, %max3A_377 : vector<1024x128xf32>
    %dot_general3A_379 = arith.constant dense<0.000000e+00> : vector<1024x128xf32>
    %dot_general3A_380 = tpu.matmul %max3A_378, %get3A_21, %dot_general3A_379 {dimension_numbers = #tpu.dot_dimension_numbers<[1], [0], [0], [1], [0, 0, 1, 1], [], []>, transpose_lhs_hint = false} : vector<1024x128xf32>, vector<128x128xf32>, vector<1024x128xf32> -> vector<1024x128xf32>
    %add3A_381 = vector.broadcast %get3A_24 : vector<1x128xf32> to vector<1024x128xf32>
    %add3A_382 = arith.addf %dot_general3A_380, %add3A_381 : vector<1024x128xf32>
    %mul3A_383 = arith.constant 0.999994993 : f32
    %mul3A_384 = vector.broadcast %mul3A_383 : f32 to vector<1024x128xf32>
    %mul3A_385 = arith.mulf %add3A_382, %mul3A_384 : vector<1024x128xf32>
    %max3A_386 = arith.constant 0.000000e+00 : f32
    %max3A_387 = vector.broadcast %max3A_386 : f32 to vector<1024x128xf32>
    %max3A_388 = arith.maximumf %mul3A_385, %max3A_387 : vector<1024x128xf32>
    %dot_general3A_389 = arith.constant dense<0.000000e+00> : vector<1024x256xf32>
    %dot_general3A_390 = tpu.matmul %max3A_388, %get3A_27, %dot_general3A_389 {dimension_numbers = #tpu.dot_dimension_numbers<[1], [0], [0], [1], [0, 0, 1, 1], [], []>, transpose_lhs_hint = false} : vector<1024x128xf32>, vector<128x256xf32>, vector<1024x256xf32> -> vector<1024x256xf32>
    %add3A_391 = vector.broadcast %get3A_30 : vector<1x256xf32> to vector<1024x256xf32>
    %add3A_392 = arith.addf %dot_general3A_390, %add3A_391 : vector<1024x256xf32>
    %slice3A_393 = vector.extract_strided_slice %get3A_18 {offsets = [0, 8], sizes = [1024, 1], strides = [1, 1]} : vector<1024x32xf32> to vector<1024x1xf32>
    %le3A_394 = arith.constant 4.000000e-02 : f32
    %le3A_395 = vector.broadcast %le3A_394 : f32 to vector<1024x1xf32>
    %le3A_396 = arith.cmpf ole, %slice3A_393, %le3A_395 : vector<1024x1xf32>
    %jit3A_397 = arith.constant 0xFF800000 : f32
    %broadcast_in_dim3A_398 = vector.shape_cast %le3A_396 : vector<1024x1xi1> to vector<1024x1xi1>
    %broadcast_in_dim3A_399 = vector.broadcast %broadcast_in_dim3A_398 : vector<1024x1xi1> to vector<1024x256xi1>
    %broadcast_in_dim3A_400 = vector.broadcast %jit3A_397 : f32 to vector<1024x256xf32>
    %select_n3A_401 = arith.select %broadcast_in_dim3A_399, %add3A_392, %broadcast_in_dim3A_400 : vector<1024x256xi1>, vector<1024x256xf32>
    %max3A_402 = arith.maximumf %max3A_360, %select_n3A_401 : vector<1024x256xf32>
    %slice3A_403 = vector.extract_strided_slice %get3A_13 {offsets = [0, 9], sizes = [1024, 1], strides = [1, 1]} : vector<1024x32xi32> to vector<1024x1xi32>
    %eq3A_404 = vector.broadcast %slice3A_403 : vector<1024x1xi32> to vector<1024x1024xi32>
    %eq3A_405 = arith.cmpi eq, %iota3A, %eq3A_404 : vector<1024x1024xi32>
    %convert_element_type3A_406 = arith.extui %eq3A_405 : vector<1024x1024xi1> to vector<1024x1024xi32>
    %convert_element_type3A_407 = arith.sitofp %convert_element_type3A_406 : vector<1024x1024xi32> to vector<1024x1024xf32>
    %convert_element_type3A_408 = arith.truncf %convert_element_type3A_407 : vector<1024x1024xf32> to vector<1024x1024xbf16>
    %dot_general3A_409 = arith.constant dense<0.000000e+00> : vector<1024x128xf32>
    %dot_general3A_410 = tpu.matmul %convert_element_type3A_408, %convert_element_type3A, %dot_general3A_409 {dimension_numbers = #tpu.dot_dimension_numbers<[1], [0], [0], [1], [0, 0, 1, 1], [], []>, transpose_lhs_hint = false} : vector<1024x1024xbf16>, vector<1024x128xbf16>, vector<1024x128xf32> -> vector<1024x128xf32>
    %dot_general3A_411 = arith.constant dense<0.000000e+00> : vector<1024x128xf32>
    %dot_general3A_412 = tpu.matmul %convert_element_type3A_408, %convert_element_type3A_32, %dot_general3A_411 {dimension_numbers = #tpu.dot_dimension_numbers<[1], [0], [0], [1], [0, 0, 1, 1], [], []>, transpose_lhs_hint = false} : vector<1024x1024xbf16>, vector<1024x128xbf16>, vector<1024x128xf32> -> vector<1024x128xf32>
    %add3A_413 = arith.addf %dot_general3A_410, %dot_general3A_412 : vector<1024x128xf32>
    %sub3A_414 = arith.subf %add3A_413, %get3A_8 : vector<1024x128xf32>
    %mul3A_415 = arith.constant 0.999994993 : f32
    %mul3A_416 = vector.broadcast %mul3A_415 : f32 to vector<1024x128xf32>
    %mul3A_417 = arith.mulf %sub3A_414, %mul3A_416 : vector<1024x128xf32>
    %max3A_418 = arith.constant 0.000000e+00 : f32
    %max3A_419 = vector.broadcast %max3A_418 : f32 to vector<1024x128xf32>
    %max3A_420 = arith.maximumf %mul3A_417, %max3A_419 : vector<1024x128xf32>
    %dot_general3A_421 = arith.constant dense<0.000000e+00> : vector<1024x128xf32>
    %dot_general3A_422 = tpu.matmul %max3A_420, %get3A_21, %dot_general3A_421 {dimension_numbers = #tpu.dot_dimension_numbers<[1], [0], [0], [1], [0, 0, 1, 1], [], []>, transpose_lhs_hint = false} : vector<1024x128xf32>, vector<128x128xf32>, vector<1024x128xf32> -> vector<1024x128xf32>
    %add3A_423 = vector.broadcast %get3A_24 : vector<1x128xf32> to vector<1024x128xf32>
    %add3A_424 = arith.addf %dot_general3A_422, %add3A_423 : vector<1024x128xf32>
    %mul3A_425 = arith.constant 0.999994993 : f32
    %mul3A_426 = vector.broadcast %mul3A_425 : f32 to vector<1024x128xf32>
    %mul3A_427 = arith.mulf %add3A_424, %mul3A_426 : vector<1024x128xf32>
    %max3A_428 = arith.constant 0.000000e+00 : f32
    %max3A_429 = vector.broadcast %max3A_428 : f32 to vector<1024x128xf32>
    %max3A_430 = arith.maximumf %mul3A_427, %max3A_429 : vector<1024x128xf32>
    %dot_general3A_431 = arith.constant dense<0.000000e+00> : vector<1024x256xf32>
    %dot_general3A_432 = tpu.matmul %max3A_430, %get3A_27, %dot_general3A_431 {dimension_numbers = #tpu.dot_dimension_numbers<[1], [0], [0], [1], [0, 0, 1, 1], [], []>, transpose_lhs_hint = false} : vector<1024x128xf32>, vector<128x256xf32>, vector<1024x256xf32> -> vector<1024x256xf32>
    %add3A_433 = vector.broadcast %get3A_30 : vector<1x256xf32> to vector<1024x256xf32>
    %add3A_434 = arith.addf %dot_general3A_432, %add3A_433 : vector<1024x256xf32>
    %slice3A_435 = vector.extract_strided_slice %get3A_18 {offsets = [0, 9], sizes = [1024, 1], strides = [1, 1]} : vector<1024x32xf32> to vector<1024x1xf32>
    %le3A_436 = arith.constant 4.000000e-02 : f32
    %le3A_437 = vector.broadcast %le3A_436 : f32 to vector<1024x1xf32>
    %le3A_438 = arith.cmpf ole, %slice3A_435, %le3A_437 : vector<1024x1xf32>
    %jit3A_439 = arith.constant 0xFF800000 : f32
    %broadcast_in_dim3A_440 = vector.shape_cast %le3A_438 : vector<1024x1xi1> to vector<1024x1xi1>
    %broadcast_in_dim3A_441 = vector.broadcast %broadcast_in_dim3A_440 : vector<1024x1xi1> to vector<1024x256xi1>
    %broadcast_in_dim3A_442 = vector.broadcast %jit3A_439 : f32 to vector<1024x256xf32>
    %select_n3A_443 = arith.select %broadcast_in_dim3A_441, %add3A_434, %broadcast_in_dim3A_442 : vector<1024x256xi1>, vector<1024x256xf32>
    %max3A_444 = arith.maximumf %max3A_402, %select_n3A_443 : vector<1024x256xf32>
    %slice3A_445 = vector.extract_strided_slice %get3A_13 {offsets = [0, 10], sizes = [1024, 1], strides = [1, 1]} : vector<1024x32xi32> to vector<1024x1xi32>
    %eq3A_446 = vector.broadcast %slice3A_445 : vector<1024x1xi32> to vector<1024x1024xi32>
    %eq3A_447 = arith.cmpi eq, %iota3A, %eq3A_446 : vector<1024x1024xi32>
    %convert_element_type3A_448 = arith.extui %eq3A_447 : vector<1024x1024xi1> to vector<1024x1024xi32>
    %convert_element_type3A_449 = arith.sitofp %convert_element_type3A_448 : vector<1024x1024xi32> to vector<1024x1024xf32>
    %convert_element_type3A_450 = arith.truncf %convert_element_type3A_449 : vector<1024x1024xf32> to vector<1024x1024xbf16>
    %dot_general3A_451 = arith.constant dense<0.000000e+00> : vector<1024x128xf32>
    %dot_general3A_452 = tpu.matmul %convert_element_type3A_450, %convert_element_type3A, %dot_general3A_451 {dimension_numbers = #tpu.dot_dimension_numbers<[1], [0], [0], [1], [0, 0, 1, 1], [], []>, transpose_lhs_hint = false} : vector<1024x1024xbf16>, vector<1024x128xbf16>, vector<1024x128xf32> -> vector<1024x128xf32>
    %dot_general3A_453 = arith.constant dense<0.000000e+00> : vector<1024x128xf32>
    %dot_general3A_454 = tpu.matmul %convert_element_type3A_450, %convert_element_type3A_32, %dot_general3A_453 {dimension_numbers = #tpu.dot_dimension_numbers<[1], [0], [0], [1], [0, 0, 1, 1], [], []>, transpose_lhs_hint = false} : vector<1024x1024xbf16>, vector<1024x128xbf16>, vector<1024x128xf32> -> vector<1024x128xf32>
    %add3A_455 = arith.addf %dot_general3A_452, %dot_general3A_454 : vector<1024x128xf32>
    %sub3A_456 = arith.subf %add3A_455, %get3A_8 : vector<1024x128xf32>
    %mul3A_457 = arith.constant 0.999994993 : f32
    %mul3A_458 = vector.broadcast %mul3A_457 : f32 to vector<1024x128xf32>
    %mul3A_459 = arith.mulf %sub3A_456, %mul3A_458 : vector<1024x128xf32>
    %max3A_460 = arith.constant 0.000000e+00 : f32
    %max3A_461 = vector.broadcast %max3A_460 : f32 to vector<1024x128xf32>
    %max3A_462 = arith.maximumf %mul3A_459, %max3A_461 : vector<1024x128xf32>
    %dot_general3A_463 = arith.constant dense<0.000000e+00> : vector<1024x128xf32>
    %dot_general3A_464 = tpu.matmul %max3A_462, %get3A_21, %dot_general3A_463 {dimension_numbers = #tpu.dot_dimension_numbers<[1], [0], [0], [1], [0, 0, 1, 1], [], []>, transpose_lhs_hint = false} : vector<1024x128xf32>, vector<128x128xf32>, vector<1024x128xf32> -> vector<1024x128xf32>
    %add3A_465 = vector.broadcast %get3A_24 : vector<1x128xf32> to vector<1024x128xf32>
    %add3A_466 = arith.addf %dot_general3A_464, %add3A_465 : vector<1024x128xf32>
    %mul3A_467 = arith.constant 0.999994993 : f32
    %mul3A_468 = vector.broadcast %mul3A_467 : f32 to vector<1024x128xf32>
    %mul3A_469 = arith.mulf %add3A_466, %mul3A_468 : vector<1024x128xf32>
    %max3A_470 = arith.constant 0.000000e+00 : f32
    %max3A_471 = vector.broadcast %max3A_470 : f32 to vector<1024x128xf32>
    %max3A_472 = arith.maximumf %mul3A_469, %max3A_471 : vector<1024x128xf32>
    %dot_general3A_473 = arith.constant dense<0.000000e+00> : vector<1024x256xf32>
    %dot_general3A_474 = tpu.matmul %max3A_472, %get3A_27, %dot_general3A_473 {dimension_numbers = #tpu.dot_dimension_numbers<[1], [0], [0], [1], [0, 0, 1, 1], [], []>, transpose_lhs_hint = false} : vector<1024x128xf32>, vector<128x256xf32>, vector<1024x256xf32> -> vector<1024x256xf32>
    %add3A_475 = vector.broadcast %get3A_30 : vector<1x256xf32> to vector<1024x256xf32>
    %add3A_476 = arith.addf %dot_general3A_474, %add3A_475 : vector<1024x256xf32>
    %slice3A_477 = vector.extract_strided_slice %get3A_18 {offsets = [0, 10], sizes = [1024, 1], strides = [1, 1]} : vector<1024x32xf32> to vector<1024x1xf32>
    %le3A_478 = arith.constant 4.000000e-02 : f32
    %le3A_479 = vector.broadcast %le3A_478 : f32 to vector<1024x1xf32>
    %le3A_480 = arith.cmpf ole, %slice3A_477, %le3A_479 : vector<1024x1xf32>
    %jit3A_481 = arith.constant 0xFF800000 : f32
    %broadcast_in_dim3A_482 = vector.shape_cast %le3A_480 : vector<1024x1xi1> to vector<1024x1xi1>
    %broadcast_in_dim3A_483 = vector.broadcast %broadcast_in_dim3A_482 : vector<1024x1xi1> to vector<1024x256xi1>
    %broadcast_in_dim3A_484 = vector.broadcast %jit3A_481 : f32 to vector<1024x256xf32>
    %select_n3A_485 = arith.select %broadcast_in_dim3A_483, %add3A_476, %broadcast_in_dim3A_484 : vector<1024x256xi1>, vector<1024x256xf32>
    %max3A_486 = arith.maximumf %max3A_444, %select_n3A_485 : vector<1024x256xf32>
    %slice3A_487 = vector.extract_strided_slice %get3A_13 {offsets = [0, 11], sizes = [1024, 1], strides = [1, 1]} : vector<1024x32xi32> to vector<1024x1xi32>
    %eq3A_488 = vector.broadcast %slice3A_487 : vector<1024x1xi32> to vector<1024x1024xi32>
    %eq3A_489 = arith.cmpi eq, %iota3A, %eq3A_488 : vector<1024x1024xi32>
    %convert_element_type3A_490 = arith.extui %eq3A_489 : vector<1024x1024xi1> to vector<1024x1024xi32>
    %convert_element_type3A_491 = arith.sitofp %convert_element_type3A_490 : vector<1024x1024xi32> to vector<1024x1024xf32>
    %convert_element_type3A_492 = arith.truncf %convert_element_type3A_491 : vector<1024x1024xf32> to vector<1024x1024xbf16>
    %dot_general3A_493 = arith.constant dense<0.000000e+00> : vector<1024x128xf32>
    %dot_general3A_494 = tpu.matmul %convert_element_type3A_492, %convert_element_type3A, %dot_general3A_493 {dimension_numbers = #tpu.dot_dimension_numbers<[1], [0], [0], [1], [0, 0, 1, 1], [], []>, transpose_lhs_hint = false} : vector<1024x1024xbf16>, vector<1024x128xbf16>, vector<1024x128xf32> -> vector<1024x128xf32>
    %dot_general3A_495 = arith.constant dense<0.000000e+00> : vector<1024x128xf32>
    %dot_general3A_496 = tpu.matmul %convert_element_type3A_492, %convert_element_type3A_32, %dot_general3A_495 {dimension_numbers = #tpu.dot_dimension_numbers<[1], [0], [0], [1], [0, 0, 1, 1], [], []>, transpose_lhs_hint = false} : vector<1024x1024xbf16>, vector<1024x128xbf16>, vector<1024x128xf32> -> vector<1024x128xf32>
    %add3A_497 = arith.addf %dot_general3A_494, %dot_general3A_496 : vector<1024x128xf32>
    %sub3A_498 = arith.subf %add3A_497, %get3A_8 : vector<1024x128xf32>
    %mul3A_499 = arith.constant 0.999994993 : f32
    %mul3A_500 = vector.broadcast %mul3A_499 : f32 to vector<1024x128xf32>
    %mul3A_501 = arith.mulf %sub3A_498, %mul3A_500 : vector<1024x128xf32>
    %max3A_502 = arith.constant 0.000000e+00 : f32
    %max3A_503 = vector.broadcast %max3A_502 : f32 to vector<1024x128xf32>
    %max3A_504 = arith.maximumf %mul3A_501, %max3A_503 : vector<1024x128xf32>
    %dot_general3A_505 = arith.constant dense<0.000000e+00> : vector<1024x128xf32>
    %dot_general3A_506 = tpu.matmul %max3A_504, %get3A_21, %dot_general3A_505 {dimension_numbers = #tpu.dot_dimension_numbers<[1], [0], [0], [1], [0, 0, 1, 1], [], []>, transpose_lhs_hint = false} : vector<1024x128xf32>, vector<128x128xf32>, vector<1024x128xf32> -> vector<1024x128xf32>
    %add3A_507 = vector.broadcast %get3A_24 : vector<1x128xf32> to vector<1024x128xf32>
    %add3A_508 = arith.addf %dot_general3A_506, %add3A_507 : vector<1024x128xf32>
    %mul3A_509 = arith.constant 0.999994993 : f32
    %mul3A_510 = vector.broadcast %mul3A_509 : f32 to vector<1024x128xf32>
    %mul3A_511 = arith.mulf %add3A_508, %mul3A_510 : vector<1024x128xf32>
    %max3A_512 = arith.constant 0.000000e+00 : f32
    %max3A_513 = vector.broadcast %max3A_512 : f32 to vector<1024x128xf32>
    %max3A_514 = arith.maximumf %mul3A_511, %max3A_513 : vector<1024x128xf32>
    %dot_general3A_515 = arith.constant dense<0.000000e+00> : vector<1024x256xf32>
    %dot_general3A_516 = tpu.matmul %max3A_514, %get3A_27, %dot_general3A_515 {dimension_numbers = #tpu.dot_dimension_numbers<[1], [0], [0], [1], [0, 0, 1, 1], [], []>, transpose_lhs_hint = false} : vector<1024x128xf32>, vector<128x256xf32>, vector<1024x256xf32> -> vector<1024x256xf32>
    %add3A_517 = vector.broadcast %get3A_30 : vector<1x256xf32> to vector<1024x256xf32>
    %add3A_518 = arith.addf %dot_general3A_516, %add3A_517 : vector<1024x256xf32>
    %slice3A_519 = vector.extract_strided_slice %get3A_18 {offsets = [0, 11], sizes = [1024, 1], strides = [1, 1]} : vector<1024x32xf32> to vector<1024x1xf32>
    %le3A_520 = arith.constant 4.000000e-02 : f32
    %le3A_521 = vector.broadcast %le3A_520 : f32 to vector<1024x1xf32>
    %le3A_522 = arith.cmpf ole, %slice3A_519, %le3A_521 : vector<1024x1xf32>
    %jit3A_523 = arith.constant 0xFF800000 : f32
    %broadcast_in_dim3A_524 = vector.shape_cast %le3A_522 : vector<1024x1xi1> to vector<1024x1xi1>
    %broadcast_in_dim3A_525 = vector.broadcast %broadcast_in_dim3A_524 : vector<1024x1xi1> to vector<1024x256xi1>
    %broadcast_in_dim3A_526 = vector.broadcast %jit3A_523 : f32 to vector<1024x256xf32>
    %select_n3A_527 = arith.select %broadcast_in_dim3A_525, %add3A_518, %broadcast_in_dim3A_526 : vector<1024x256xi1>, vector<1024x256xf32>
    %max3A_528 = arith.maximumf %max3A_486, %select_n3A_527 : vector<1024x256xf32>
    %slice3A_529 = vector.extract_strided_slice %get3A_13 {offsets = [0, 12], sizes = [1024, 1], strides = [1, 1]} : vector<1024x32xi32> to vector<1024x1xi32>
    %eq3A_530 = vector.broadcast %slice3A_529 : vector<1024x1xi32> to vector<1024x1024xi32>
    %eq3A_531 = arith.cmpi eq, %iota3A, %eq3A_530 : vector<1024x1024xi32>
    %convert_element_type3A_532 = arith.extui %eq3A_531 : vector<1024x1024xi1> to vector<1024x1024xi32>
    %convert_element_type3A_533 = arith.sitofp %convert_element_type3A_532 : vector<1024x1024xi32> to vector<1024x1024xf32>
    %convert_element_type3A_534 = arith.truncf %convert_element_type3A_533 : vector<1024x1024xf32> to vector<1024x1024xbf16>
    %dot_general3A_535 = arith.constant dense<0.000000e+00> : vector<1024x128xf32>
    %dot_general3A_536 = tpu.matmul %convert_element_type3A_534, %convert_element_type3A, %dot_general3A_535 {dimension_numbers = #tpu.dot_dimension_numbers<[1], [0], [0], [1], [0, 0, 1, 1], [], []>, transpose_lhs_hint = false} : vector<1024x1024xbf16>, vector<1024x128xbf16>, vector<1024x128xf32> -> vector<1024x128xf32>
    %dot_general3A_537 = arith.constant dense<0.000000e+00> : vector<1024x128xf32>
    %dot_general3A_538 = tpu.matmul %convert_element_type3A_534, %convert_element_type3A_32, %dot_general3A_537 {dimension_numbers = #tpu.dot_dimension_numbers<[1], [0], [0], [1], [0, 0, 1, 1], [], []>, transpose_lhs_hint = false} : vector<1024x1024xbf16>, vector<1024x128xbf16>, vector<1024x128xf32> -> vector<1024x128xf32>
    %add3A_539 = arith.addf %dot_general3A_536, %dot_general3A_538 : vector<1024x128xf32>
    %sub3A_540 = arith.subf %add3A_539, %get3A_8 : vector<1024x128xf32>
    %mul3A_541 = arith.constant 0.999994993 : f32
    %mul3A_542 = vector.broadcast %mul3A_541 : f32 to vector<1024x128xf32>
    %mul3A_543 = arith.mulf %sub3A_540, %mul3A_542 : vector<1024x128xf32>
    %max3A_544 = arith.constant 0.000000e+00 : f32
    %max3A_545 = vector.broadcast %max3A_544 : f32 to vector<1024x128xf32>
    %max3A_546 = arith.maximumf %mul3A_543, %max3A_545 : vector<1024x128xf32>
    %dot_general3A_547 = arith.constant dense<0.000000e+00> : vector<1024x128xf32>
    %dot_general3A_548 = tpu.matmul %max3A_546, %get3A_21, %dot_general3A_547 {dimension_numbers = #tpu.dot_dimension_numbers<[1], [0], [0], [1], [0, 0, 1, 1], [], []>, transpose_lhs_hint = false} : vector<1024x128xf32>, vector<128x128xf32>, vector<1024x128xf32> -> vector<1024x128xf32>
    %add3A_549 = vector.broadcast %get3A_24 : vector<1x128xf32> to vector<1024x128xf32>
    %add3A_550 = arith.addf %dot_general3A_548, %add3A_549 : vector<1024x128xf32>
    %mul3A_551 = arith.constant 0.999994993 : f32
    %mul3A_552 = vector.broadcast %mul3A_551 : f32 to vector<1024x128xf32>
    %mul3A_553 = arith.mulf %add3A_550, %mul3A_552 : vector<1024x128xf32>
    %max3A_554 = arith.constant 0.000000e+00 : f32
    %max3A_555 = vector.broadcast %max3A_554 : f32 to vector<1024x128xf32>
    %max3A_556 = arith.maximumf %mul3A_553, %max3A_555 : vector<1024x128xf32>
    %dot_general3A_557 = arith.constant dense<0.000000e+00> : vector<1024x256xf32>
    %dot_general3A_558 = tpu.matmul %max3A_556, %get3A_27, %dot_general3A_557 {dimension_numbers = #tpu.dot_dimension_numbers<[1], [0], [0], [1], [0, 0, 1, 1], [], []>, transpose_lhs_hint = false} : vector<1024x128xf32>, vector<128x256xf32>, vector<1024x256xf32> -> vector<1024x256xf32>
    %add3A_559 = vector.broadcast %get3A_30 : vector<1x256xf32> to vector<1024x256xf32>
    %add3A_560 = arith.addf %dot_general3A_558, %add3A_559 : vector<1024x256xf32>
    %slice3A_561 = vector.extract_strided_slice %get3A_18 {offsets = [0, 12], sizes = [1024, 1], strides = [1, 1]} : vector<1024x32xf32> to vector<1024x1xf32>
    %le3A_562 = arith.constant 4.000000e-02 : f32
    %le3A_563 = vector.broadcast %le3A_562 : f32 to vector<1024x1xf32>
    %le3A_564 = arith.cmpf ole, %slice3A_561, %le3A_563 : vector<1024x1xf32>
    %jit3A_565 = arith.constant 0xFF800000 : f32
    %broadcast_in_dim3A_566 = vector.shape_cast %le3A_564 : vector<1024x1xi1> to vector<1024x1xi1>
    %broadcast_in_dim3A_567 = vector.broadcast %broadcast_in_dim3A_566 : vector<1024x1xi1> to vector<1024x256xi1>
    %broadcast_in_dim3A_568 = vector.broadcast %jit3A_565 : f32 to vector<1024x256xf32>
    %select_n3A_569 = arith.select %broadcast_in_dim3A_567, %add3A_560, %broadcast_in_dim3A_568 : vector<1024x256xi1>, vector<1024x256xf32>
    %max3A_570 = arith.maximumf %max3A_528, %select_n3A_569 : vector<1024x256xf32>
    %slice3A_571 = vector.extract_strided_slice %get3A_13 {offsets = [0, 13], sizes = [1024, 1], strides = [1, 1]} : vector<1024x32xi32> to vector<1024x1xi32>
    %eq3A_572 = vector.broadcast %slice3A_571 : vector<1024x1xi32> to vector<1024x1024xi32>
    %eq3A_573 = arith.cmpi eq, %iota3A, %eq3A_572 : vector<1024x1024xi32>
    %convert_element_type3A_574 = arith.extui %eq3A_573 : vector<1024x1024xi1> to vector<1024x1024xi32>
    %convert_element_type3A_575 = arith.sitofp %convert_element_type3A_574 : vector<1024x1024xi32> to vector<1024x1024xf32>
    %convert_element_type3A_576 = arith.truncf %convert_element_type3A_575 : vector<1024x1024xf32> to vector<1024x1024xbf16>
    %dot_general3A_577 = arith.constant dense<0.000000e+00> : vector<1024x128xf32>
    %dot_general3A_578 = tpu.matmul %convert_element_type3A_576, %convert_element_type3A, %dot_general3A_577 {dimension_numbers = #tpu.dot_dimension_numbers<[1], [0], [0], [1], [0, 0, 1, 1], [], []>, transpose_lhs_hint = false} : vector<1024x1024xbf16>, vector<1024x128xbf16>, vector<1024x128xf32> -> vector<1024x128xf32>
    %dot_general3A_579 = arith.constant dense<0.000000e+00> : vector<1024x128xf32>
    %dot_general3A_580 = tpu.matmul %convert_element_type3A_576, %convert_element_type3A_32, %dot_general3A_579 {dimension_numbers = #tpu.dot_dimension_numbers<[1], [0], [0], [1], [0, 0, 1, 1], [], []>, transpose_lhs_hint = false} : vector<1024x1024xbf16>, vector<1024x128xbf16>, vector<1024x128xf32> -> vector<1024x128xf32>
    %add3A_581 = arith.addf %dot_general3A_578, %dot_general3A_580 : vector<1024x128xf32>
    %sub3A_582 = arith.subf %add3A_581, %get3A_8 : vector<1024x128xf32>
    %mul3A_583 = arith.constant 0.999994993 : f32
    %mul3A_584 = vector.broadcast %mul3A_583 : f32 to vector<1024x128xf32>
    %mul3A_585 = arith.mulf %sub3A_582, %mul3A_584 : vector<1024x128xf32>
    %max3A_586 = arith.constant 0.000000e+00 : f32
    %max3A_587 = vector.broadcast %max3A_586 : f32 to vector<1024x128xf32>
    %max3A_588 = arith.maximumf %mul3A_585, %max3A_587 : vector<1024x128xf32>
    %dot_general3A_589 = arith.constant dense<0.000000e+00> : vector<1024x128xf32>
    %dot_general3A_590 = tpu.matmul %max3A_588, %get3A_21, %dot_general3A_589 {dimension_numbers = #tpu.dot_dimension_numbers<[1], [0], [0], [1], [0, 0, 1, 1], [], []>, transpose_lhs_hint = false} : vector<1024x128xf32>, vector<128x128xf32>, vector<1024x128xf32> -> vector<1024x128xf32>
    %add3A_591 = vector.broadcast %get3A_24 : vector<1x128xf32> to vector<1024x128xf32>
    %add3A_592 = arith.addf %dot_general3A_590, %add3A_591 : vector<1024x128xf32>
    %mul3A_593 = arith.constant 0.999994993 : f32
    %mul3A_594 = vector.broadcast %mul3A_593 : f32 to vector<1024x128xf32>
    %mul3A_595 = arith.mulf %add3A_592, %mul3A_594 : vector<1024x128xf32>
    %max3A_596 = arith.constant 0.000000e+00 : f32
    %max3A_597 = vector.broadcast %max3A_596 : f32 to vector<1024x128xf32>
    %max3A_598 = arith.maximumf %mul3A_595, %max3A_597 : vector<1024x128xf32>
    %dot_general3A_599 = arith.constant dense<0.000000e+00> : vector<1024x256xf32>
    %dot_general3A_600 = tpu.matmul %max3A_598, %get3A_27, %dot_general3A_599 {dimension_numbers = #tpu.dot_dimension_numbers<[1], [0], [0], [1], [0, 0, 1, 1], [], []>, transpose_lhs_hint = false} : vector<1024x128xf32>, vector<128x256xf32>, vector<1024x256xf32> -> vector<1024x256xf32>
    %add3A_601 = vector.broadcast %get3A_30 : vector<1x256xf32> to vector<1024x256xf32>
    %add3A_602 = arith.addf %dot_general3A_600, %add3A_601 : vector<1024x256xf32>
    %slice3A_603 = vector.extract_strided_slice %get3A_18 {offsets = [0, 13], sizes = [1024, 1], strides = [1, 1]} : vector<1024x32xf32> to vector<1024x1xf32>
    %le3A_604 = arith.constant 4.000000e-02 : f32
    %le3A_605 = vector.broadcast %le3A_604 : f32 to vector<1024x1xf32>
    %le3A_606 = arith.cmpf ole, %slice3A_603, %le3A_605 : vector<1024x1xf32>
    %jit3A_607 = arith.constant 0xFF800000 : f32
    %broadcast_in_dim3A_608 = vector.shape_cast %le3A_606 : vector<1024x1xi1> to vector<1024x1xi1>
    %broadcast_in_dim3A_609 = vector.broadcast %broadcast_in_dim3A_608 : vector<1024x1xi1> to vector<1024x256xi1>
    %broadcast_in_dim3A_610 = vector.broadcast %jit3A_607 : f32 to vector<1024x256xf32>
    %select_n3A_611 = arith.select %broadcast_in_dim3A_609, %add3A_602, %broadcast_in_dim3A_610 : vector<1024x256xi1>, vector<1024x256xf32>
    %max3A_612 = arith.maximumf %max3A_570, %select_n3A_611 : vector<1024x256xf32>
    %slice3A_613 = vector.extract_strided_slice %get3A_13 {offsets = [0, 14], sizes = [1024, 1], strides = [1, 1]} : vector<1024x32xi32> to vector<1024x1xi32>
    %eq3A_614 = vector.broadcast %slice3A_613 : vector<1024x1xi32> to vector<1024x1024xi32>
    %eq3A_615 = arith.cmpi eq, %iota3A, %eq3A_614 : vector<1024x1024xi32>
    %convert_element_type3A_616 = arith.extui %eq3A_615 : vector<1024x1024xi1> to vector<1024x1024xi32>
    %convert_element_type3A_617 = arith.sitofp %convert_element_type3A_616 : vector<1024x1024xi32> to vector<1024x1024xf32>
    %convert_element_type3A_618 = arith.truncf %convert_element_type3A_617 : vector<1024x1024xf32> to vector<1024x1024xbf16>
    %dot_general3A_619 = arith.constant dense<0.000000e+00> : vector<1024x128xf32>
    %dot_general3A_620 = tpu.matmul %convert_element_type3A_618, %convert_element_type3A, %dot_general3A_619 {dimension_numbers = #tpu.dot_dimension_numbers<[1], [0], [0], [1], [0, 0, 1, 1], [], []>, transpose_lhs_hint = false} : vector<1024x1024xbf16>, vector<1024x128xbf16>, vector<1024x128xf32> -> vector<1024x128xf32>
    %dot_general3A_621 = arith.constant dense<0.000000e+00> : vector<1024x128xf32>
    %dot_general3A_622 = tpu.matmul %convert_element_type3A_618, %convert_element_type3A_32, %dot_general3A_621 {dimension_numbers = #tpu.dot_dimension_numbers<[1], [0], [0], [1], [0, 0, 1, 1], [], []>, transpose_lhs_hint = false} : vector<1024x1024xbf16>, vector<1024x128xbf16>, vector<1024x128xf32> -> vector<1024x128xf32>
    %add3A_623 = arith.addf %dot_general3A_620, %dot_general3A_622 : vector<1024x128xf32>
    %sub3A_624 = arith.subf %add3A_623, %get3A_8 : vector<1024x128xf32>
    %mul3A_625 = arith.constant 0.999994993 : f32
    %mul3A_626 = vector.broadcast %mul3A_625 : f32 to vector<1024x128xf32>
    %mul3A_627 = arith.mulf %sub3A_624, %mul3A_626 : vector<1024x128xf32>
    %max3A_628 = arith.constant 0.000000e+00 : f32
    %max3A_629 = vector.broadcast %max3A_628 : f32 to vector<1024x128xf32>
    %max3A_630 = arith.maximumf %mul3A_627, %max3A_629 : vector<1024x128xf32>
    %dot_general3A_631 = arith.constant dense<0.000000e+00> : vector<1024x128xf32>
    %dot_general3A_632 = tpu.matmul %max3A_630, %get3A_21, %dot_general3A_631 {dimension_numbers = #tpu.dot_dimension_numbers<[1], [0], [0], [1], [0, 0, 1, 1], [], []>, transpose_lhs_hint = false} : vector<1024x128xf32>, vector<128x128xf32>, vector<1024x128xf32> -> vector<1024x128xf32>
    %add3A_633 = vector.broadcast %get3A_24 : vector<1x128xf32> to vector<1024x128xf32>
    %add3A_634 = arith.addf %dot_general3A_632, %add3A_633 : vector<1024x128xf32>
    %mul3A_635 = arith.constant 0.999994993 : f32
    %mul3A_636 = vector.broadcast %mul3A_635 : f32 to vector<1024x128xf32>
    %mul3A_637 = arith.mulf %add3A_634, %mul3A_636 : vector<1024x128xf32>
    %max3A_638 = arith.constant 0.000000e+00 : f32
    %max3A_639 = vector.broadcast %max3A_638 : f32 to vector<1024x128xf32>
    %max3A_640 = arith.maximumf %mul3A_637, %max3A_639 : vector<1024x128xf32>
    %dot_general3A_641 = arith.constant dense<0.000000e+00> : vector<1024x256xf32>
    %dot_general3A_642 = tpu.matmul %max3A_640, %get3A_27, %dot_general3A_641 {dimension_numbers = #tpu.dot_dimension_numbers<[1], [0], [0], [1], [0, 0, 1, 1], [], []>, transpose_lhs_hint = false} : vector<1024x128xf32>, vector<128x256xf32>, vector<1024x256xf32> -> vector<1024x256xf32>
    %add3A_643 = vector.broadcast %get3A_30 : vector<1x256xf32> to vector<1024x256xf32>
    %add3A_644 = arith.addf %dot_general3A_642, %add3A_643 : vector<1024x256xf32>
    %slice3A_645 = vector.extract_strided_slice %get3A_18 {offsets = [0, 14], sizes = [1024, 1], strides = [1, 1]} : vector<1024x32xf32> to vector<1024x1xf32>
    %le3A_646 = arith.constant 4.000000e-02 : f32
    %le3A_647 = vector.broadcast %le3A_646 : f32 to vector<1024x1xf32>
    %le3A_648 = arith.cmpf ole, %slice3A_645, %le3A_647 : vector<1024x1xf32>
    %jit3A_649 = arith.constant 0xFF800000 : f32
    %broadcast_in_dim3A_650 = vector.shape_cast %le3A_648 : vector<1024x1xi1> to vector<1024x1xi1>
    %broadcast_in_dim3A_651 = vector.broadcast %broadcast_in_dim3A_650 : vector<1024x1xi1> to vector<1024x256xi1>
    %broadcast_in_dim3A_652 = vector.broadcast %jit3A_649 : f32 to vector<1024x256xf32>
    %select_n3A_653 = arith.select %broadcast_in_dim3A_651, %add3A_644, %broadcast_in_dim3A_652 : vector<1024x256xi1>, vector<1024x256xf32>
    %max3A_654 = arith.maximumf %max3A_612, %select_n3A_653 : vector<1024x256xf32>
    %slice3A_655 = vector.extract_strided_slice %get3A_13 {offsets = [0, 15], sizes = [1024, 1], strides = [1, 1]} : vector<1024x32xi32> to vector<1024x1xi32>
    %eq3A_656 = vector.broadcast %slice3A_655 : vector<1024x1xi32> to vector<1024x1024xi32>
    %eq3A_657 = arith.cmpi eq, %iota3A, %eq3A_656 : vector<1024x1024xi32>
    %convert_element_type3A_658 = arith.extui %eq3A_657 : vector<1024x1024xi1> to vector<1024x1024xi32>
    %convert_element_type3A_659 = arith.sitofp %convert_element_type3A_658 : vector<1024x1024xi32> to vector<1024x1024xf32>
    %convert_element_type3A_660 = arith.truncf %convert_element_type3A_659 : vector<1024x1024xf32> to vector<1024x1024xbf16>
    %dot_general3A_661 = arith.constant dense<0.000000e+00> : vector<1024x128xf32>
    %dot_general3A_662 = tpu.matmul %convert_element_type3A_660, %convert_element_type3A, %dot_general3A_661 {dimension_numbers = #tpu.dot_dimension_numbers<[1], [0], [0], [1], [0, 0, 1, 1], [], []>, transpose_lhs_hint = false} : vector<1024x1024xbf16>, vector<1024x128xbf16>, vector<1024x128xf32> -> vector<1024x128xf32>
    %dot_general3A_663 = arith.constant dense<0.000000e+00> : vector<1024x128xf32>
    %dot_general3A_664 = tpu.matmul %convert_element_type3A_660, %convert_element_type3A_32, %dot_general3A_663 {dimension_numbers = #tpu.dot_dimension_numbers<[1], [0], [0], [1], [0, 0, 1, 1], [], []>, transpose_lhs_hint = false} : vector<1024x1024xbf16>, vector<1024x128xbf16>, vector<1024x128xf32> -> vector<1024x128xf32>
    %add3A_665 = arith.addf %dot_general3A_662, %dot_general3A_664 : vector<1024x128xf32>
    %sub3A_666 = arith.subf %add3A_665, %get3A_8 : vector<1024x128xf32>
    %mul3A_667 = arith.constant 0.999994993 : f32
    %mul3A_668 = vector.broadcast %mul3A_667 : f32 to vector<1024x128xf32>
    %mul3A_669 = arith.mulf %sub3A_666, %mul3A_668 : vector<1024x128xf32>
    %max3A_670 = arith.constant 0.000000e+00 : f32
    %max3A_671 = vector.broadcast %max3A_670 : f32 to vector<1024x128xf32>
    %max3A_672 = arith.maximumf %mul3A_669, %max3A_671 : vector<1024x128xf32>
    %dot_general3A_673 = arith.constant dense<0.000000e+00> : vector<1024x128xf32>
    %dot_general3A_674 = tpu.matmul %max3A_672, %get3A_21, %dot_general3A_673 {dimension_numbers = #tpu.dot_dimension_numbers<[1], [0], [0], [1], [0, 0, 1, 1], [], []>, transpose_lhs_hint = false} : vector<1024x128xf32>, vector<128x128xf32>, vector<1024x128xf32> -> vector<1024x128xf32>
    %add3A_675 = vector.broadcast %get3A_24 : vector<1x128xf32> to vector<1024x128xf32>
    %add3A_676 = arith.addf %dot_general3A_674, %add3A_675 : vector<1024x128xf32>
    %mul3A_677 = arith.constant 0.999994993 : f32
    %mul3A_678 = vector.broadcast %mul3A_677 : f32 to vector<1024x128xf32>
    %mul3A_679 = arith.mulf %add3A_676, %mul3A_678 : vector<1024x128xf32>
    %max3A_680 = arith.constant 0.000000e+00 : f32
    %max3A_681 = vector.broadcast %max3A_680 : f32 to vector<1024x128xf32>
    %max3A_682 = arith.maximumf %mul3A_679, %max3A_681 : vector<1024x128xf32>
    %dot_general3A_683 = arith.constant dense<0.000000e+00> : vector<1024x256xf32>
    %dot_general3A_684 = tpu.matmul %max3A_682, %get3A_27, %dot_general3A_683 {dimension_numbers = #tpu.dot_dimension_numbers<[1], [0], [0], [1], [0, 0, 1, 1], [], []>, transpose_lhs_hint = false} : vector<1024x128xf32>, vector<128x256xf32>, vector<1024x256xf32> -> vector<1024x256xf32>
    %add3A_685 = vector.broadcast %get3A_30 : vector<1x256xf32> to vector<1024x256xf32>
    %add3A_686 = arith.addf %dot_general3A_684, %add3A_685 : vector<1024x256xf32>
    %slice3A_687 = vector.extract_strided_slice %get3A_18 {offsets = [0, 15], sizes = [1024, 1], strides = [1, 1]} : vector<1024x32xf32> to vector<1024x1xf32>
    %le3A_688 = arith.constant 4.000000e-02 : f32
    %le3A_689 = vector.broadcast %le3A_688 : f32 to vector<1024x1xf32>
    %le3A_690 = arith.cmpf ole, %slice3A_687, %le3A_689 : vector<1024x1xf32>
    %jit3A_691 = arith.constant 0xFF800000 : f32
    %broadcast_in_dim3A_692 = vector.shape_cast %le3A_690 : vector<1024x1xi1> to vector<1024x1xi1>
    %broadcast_in_dim3A_693 = vector.broadcast %broadcast_in_dim3A_692 : vector<1024x1xi1> to vector<1024x256xi1>
    %broadcast_in_dim3A_694 = vector.broadcast %jit3A_691 : f32 to vector<1024x256xf32>
    %select_n3A_695 = arith.select %broadcast_in_dim3A_693, %add3A_686, %broadcast_in_dim3A_694 : vector<1024x256xi1>, vector<1024x256xf32>
    %max3A_696 = arith.maximumf %max3A_654, %select_n3A_695 : vector<1024x256xf32>
    %slice3A_697 = vector.extract_strided_slice %get3A_13 {offsets = [0, 16], sizes = [1024, 1], strides = [1, 1]} : vector<1024x32xi32> to vector<1024x1xi32>
    %eq3A_698 = vector.broadcast %slice3A_697 : vector<1024x1xi32> to vector<1024x1024xi32>
    %eq3A_699 = arith.cmpi eq, %iota3A, %eq3A_698 : vector<1024x1024xi32>
    %convert_element_type3A_700 = arith.extui %eq3A_699 : vector<1024x1024xi1> to vector<1024x1024xi32>
    %convert_element_type3A_701 = arith.sitofp %convert_element_type3A_700 : vector<1024x1024xi32> to vector<1024x1024xf32>
    %convert_element_type3A_702 = arith.truncf %convert_element_type3A_701 : vector<1024x1024xf32> to vector<1024x1024xbf16>
    %dot_general3A_703 = arith.constant dense<0.000000e+00> : vector<1024x128xf32>
    %dot_general3A_704 = tpu.matmul %convert_element_type3A_702, %convert_element_type3A, %dot_general3A_703 {dimension_numbers = #tpu.dot_dimension_numbers<[1], [0], [0], [1], [0, 0, 1, 1], [], []>, transpose_lhs_hint = false} : vector<1024x1024xbf16>, vector<1024x128xbf16>, vector<1024x128xf32> -> vector<1024x128xf32>
    %dot_general3A_705 = arith.constant dense<0.000000e+00> : vector<1024x128xf32>
    %dot_general3A_706 = tpu.matmul %convert_element_type3A_702, %convert_element_type3A_32, %dot_general3A_705 {dimension_numbers = #tpu.dot_dimension_numbers<[1], [0], [0], [1], [0, 0, 1, 1], [], []>, transpose_lhs_hint = false} : vector<1024x1024xbf16>, vector<1024x128xbf16>, vector<1024x128xf32> -> vector<1024x128xf32>
    %add3A_707 = arith.addf %dot_general3A_704, %dot_general3A_706 : vector<1024x128xf32>
    %sub3A_708 = arith.subf %add3A_707, %get3A_8 : vector<1024x128xf32>
    %mul3A_709 = arith.constant 0.999994993 : f32
    %mul3A_710 = vector.broadcast %mul3A_709 : f32 to vector<1024x128xf32>
    %mul3A_711 = arith.mulf %sub3A_708, %mul3A_710 : vector<1024x128xf32>
    %max3A_712 = arith.constant 0.000000e+00 : f32
    %max3A_713 = vector.broadcast %max3A_712 : f32 to vector<1024x128xf32>
    %max3A_714 = arith.maximumf %mul3A_711, %max3A_713 : vector<1024x128xf32>
    %dot_general3A_715 = arith.constant dense<0.000000e+00> : vector<1024x128xf32>
    %dot_general3A_716 = tpu.matmul %max3A_714, %get3A_21, %dot_general3A_715 {dimension_numbers = #tpu.dot_dimension_numbers<[1], [0], [0], [1], [0, 0, 1, 1], [], []>, transpose_lhs_hint = false} : vector<1024x128xf32>, vector<128x128xf32>, vector<1024x128xf32> -> vector<1024x128xf32>
    %add3A_717 = vector.broadcast %get3A_24 : vector<1x128xf32> to vector<1024x128xf32>
    %add3A_718 = arith.addf %dot_general3A_716, %add3A_717 : vector<1024x128xf32>
    %mul3A_719 = arith.constant 0.999994993 : f32
    %mul3A_720 = vector.broadcast %mul3A_719 : f32 to vector<1024x128xf32>
    %mul3A_721 = arith.mulf %add3A_718, %mul3A_720 : vector<1024x128xf32>
    %max3A_722 = arith.constant 0.000000e+00 : f32
    %max3A_723 = vector.broadcast %max3A_722 : f32 to vector<1024x128xf32>
    %max3A_724 = arith.maximumf %mul3A_721, %max3A_723 : vector<1024x128xf32>
    %dot_general3A_725 = arith.constant dense<0.000000e+00> : vector<1024x256xf32>
    %dot_general3A_726 = tpu.matmul %max3A_724, %get3A_27, %dot_general3A_725 {dimension_numbers = #tpu.dot_dimension_numbers<[1], [0], [0], [1], [0, 0, 1, 1], [], []>, transpose_lhs_hint = false} : vector<1024x128xf32>, vector<128x256xf32>, vector<1024x256xf32> -> vector<1024x256xf32>
    %add3A_727 = vector.broadcast %get3A_30 : vector<1x256xf32> to vector<1024x256xf32>
    %add3A_728 = arith.addf %dot_general3A_726, %add3A_727 : vector<1024x256xf32>
    %slice3A_729 = vector.extract_strided_slice %get3A_18 {offsets = [0, 16], sizes = [1024, 1], strides = [1, 1]} : vector<1024x32xf32> to vector<1024x1xf32>
    %le3A_730 = arith.constant 4.000000e-02 : f32
    %le3A_731 = vector.broadcast %le3A_730 : f32 to vector<1024x1xf32>
    %le3A_732 = arith.cmpf ole, %slice3A_729, %le3A_731 : vector<1024x1xf32>
    %jit3A_733 = arith.constant 0xFF800000 : f32
    %broadcast_in_dim3A_734 = vector.shape_cast %le3A_732 : vector<1024x1xi1> to vector<1024x1xi1>
    %broadcast_in_dim3A_735 = vector.broadcast %broadcast_in_dim3A_734 : vector<1024x1xi1> to vector<1024x256xi1>
    %broadcast_in_dim3A_736 = vector.broadcast %jit3A_733 : f32 to vector<1024x256xf32>
    %select_n3A_737 = arith.select %broadcast_in_dim3A_735, %add3A_728, %broadcast_in_dim3A_736 : vector<1024x256xi1>, vector<1024x256xf32>
    %max3A_738 = arith.maximumf %max3A_696, %select_n3A_737 : vector<1024x256xf32>
    %slice3A_739 = vector.extract_strided_slice %get3A_13 {offsets = [0, 17], sizes = [1024, 1], strides = [1, 1]} : vector<1024x32xi32> to vector<1024x1xi32>
    %eq3A_740 = vector.broadcast %slice3A_739 : vector<1024x1xi32> to vector<1024x1024xi32>
    %eq3A_741 = arith.cmpi eq, %iota3A, %eq3A_740 : vector<1024x1024xi32>
    %convert_element_type3A_742 = arith.extui %eq3A_741 : vector<1024x1024xi1> to vector<1024x1024xi32>
    %convert_element_type3A_743 = arith.sitofp %convert_element_type3A_742 : vector<1024x1024xi32> to vector<1024x1024xf32>
    %convert_element_type3A_744 = arith.truncf %convert_element_type3A_743 : vector<1024x1024xf32> to vector<1024x1024xbf16>
    %dot_general3A_745 = arith.constant dense<0.000000e+00> : vector<1024x128xf32>
    %dot_general3A_746 = tpu.matmul %convert_element_type3A_744, %convert_element_type3A, %dot_general3A_745 {dimension_numbers = #tpu.dot_dimension_numbers<[1], [0], [0], [1], [0, 0, 1, 1], [], []>, transpose_lhs_hint = false} : vector<1024x1024xbf16>, vector<1024x128xbf16>, vector<1024x128xf32> -> vector<1024x128xf32>
    %dot_general3A_747 = arith.constant dense<0.000000e+00> : vector<1024x128xf32>
    %dot_general3A_748 = tpu.matmul %convert_element_type3A_744, %convert_element_type3A_32, %dot_general3A_747 {dimension_numbers = #tpu.dot_dimension_numbers<[1], [0], [0], [1], [0, 0, 1, 1], [], []>, transpose_lhs_hint = false} : vector<1024x1024xbf16>, vector<1024x128xbf16>, vector<1024x128xf32> -> vector<1024x128xf32>
    %add3A_749 = arith.addf %dot_general3A_746, %dot_general3A_748 : vector<1024x128xf32>
    %sub3A_750 = arith.subf %add3A_749, %get3A_8 : vector<1024x128xf32>
    %mul3A_751 = arith.constant 0.999994993 : f32
    %mul3A_752 = vector.broadcast %mul3A_751 : f32 to vector<1024x128xf32>
    %mul3A_753 = arith.mulf %sub3A_750, %mul3A_752 : vector<1024x128xf32>
    %max3A_754 = arith.constant 0.000000e+00 : f32
    %max3A_755 = vector.broadcast %max3A_754 : f32 to vector<1024x128xf32>
    %max3A_756 = arith.maximumf %mul3A_753, %max3A_755 : vector<1024x128xf32>
    %dot_general3A_757 = arith.constant dense<0.000000e+00> : vector<1024x128xf32>
    %dot_general3A_758 = tpu.matmul %max3A_756, %get3A_21, %dot_general3A_757 {dimension_numbers = #tpu.dot_dimension_numbers<[1], [0], [0], [1], [0, 0, 1, 1], [], []>, transpose_lhs_hint = false} : vector<1024x128xf32>, vector<128x128xf32>, vector<1024x128xf32> -> vector<1024x128xf32>
    %add3A_759 = vector.broadcast %get3A_24 : vector<1x128xf32> to vector<1024x128xf32>
    %add3A_760 = arith.addf %dot_general3A_758, %add3A_759 : vector<1024x128xf32>
    %mul3A_761 = arith.constant 0.999994993 : f32
    %mul3A_762 = vector.broadcast %mul3A_761 : f32 to vector<1024x128xf32>
    %mul3A_763 = arith.mulf %add3A_760, %mul3A_762 : vector<1024x128xf32>
    %max3A_764 = arith.constant 0.000000e+00 : f32
    %max3A_765 = vector.broadcast %max3A_764 : f32 to vector<1024x128xf32>
    %max3A_766 = arith.maximumf %mul3A_763, %max3A_765 : vector<1024x128xf32>
    %dot_general3A_767 = arith.constant dense<0.000000e+00> : vector<1024x256xf32>
    %dot_general3A_768 = tpu.matmul %max3A_766, %get3A_27, %dot_general3A_767 {dimension_numbers = #tpu.dot_dimension_numbers<[1], [0], [0], [1], [0, 0, 1, 1], [], []>, transpose_lhs_hint = false} : vector<1024x128xf32>, vector<128x256xf32>, vector<1024x256xf32> -> vector<1024x256xf32>
    %add3A_769 = vector.broadcast %get3A_30 : vector<1x256xf32> to vector<1024x256xf32>
    %add3A_770 = arith.addf %dot_general3A_768, %add3A_769 : vector<1024x256xf32>
    %slice3A_771 = vector.extract_strided_slice %get3A_18 {offsets = [0, 17], sizes = [1024, 1], strides = [1, 1]} : vector<1024x32xf32> to vector<1024x1xf32>
    %le3A_772 = arith.constant 4.000000e-02 : f32
    %le3A_773 = vector.broadcast %le3A_772 : f32 to vector<1024x1xf32>
    %le3A_774 = arith.cmpf ole, %slice3A_771, %le3A_773 : vector<1024x1xf32>
    %jit3A_775 = arith.constant 0xFF800000 : f32
    %broadcast_in_dim3A_776 = vector.shape_cast %le3A_774 : vector<1024x1xi1> to vector<1024x1xi1>
    %broadcast_in_dim3A_777 = vector.broadcast %broadcast_in_dim3A_776 : vector<1024x1xi1> to vector<1024x256xi1>
    %broadcast_in_dim3A_778 = vector.broadcast %jit3A_775 : f32 to vector<1024x256xf32>
    %select_n3A_779 = arith.select %broadcast_in_dim3A_777, %add3A_770, %broadcast_in_dim3A_778 : vector<1024x256xi1>, vector<1024x256xf32>
    %max3A_780 = arith.maximumf %max3A_738, %select_n3A_779 : vector<1024x256xf32>
    %slice3A_781 = vector.extract_strided_slice %get3A_13 {offsets = [0, 18], sizes = [1024, 1], strides = [1, 1]} : vector<1024x32xi32> to vector<1024x1xi32>
    %eq3A_782 = vector.broadcast %slice3A_781 : vector<1024x1xi32> to vector<1024x1024xi32>
    %eq3A_783 = arith.cmpi eq, %iota3A, %eq3A_782 : vector<1024x1024xi32>
    %convert_element_type3A_784 = arith.extui %eq3A_783 : vector<1024x1024xi1> to vector<1024x1024xi32>
    %convert_element_type3A_785 = arith.sitofp %convert_element_type3A_784 : vector<1024x1024xi32> to vector<1024x1024xf32>
    %convert_element_type3A_786 = arith.truncf %convert_element_type3A_785 : vector<1024x1024xf32> to vector<1024x1024xbf16>
    %dot_general3A_787 = arith.constant dense<0.000000e+00> : vector<1024x128xf32>
    %dot_general3A_788 = tpu.matmul %convert_element_type3A_786, %convert_element_type3A, %dot_general3A_787 {dimension_numbers = #tpu.dot_dimension_numbers<[1], [0], [0], [1], [0, 0, 1, 1], [], []>, transpose_lhs_hint = false} : vector<1024x1024xbf16>, vector<1024x128xbf16>, vector<1024x128xf32> -> vector<1024x128xf32>
    %dot_general3A_789 = arith.constant dense<0.000000e+00> : vector<1024x128xf32>
    %dot_general3A_790 = tpu.matmul %convert_element_type3A_786, %convert_element_type3A_32, %dot_general3A_789 {dimension_numbers = #tpu.dot_dimension_numbers<[1], [0], [0], [1], [0, 0, 1, 1], [], []>, transpose_lhs_hint = false} : vector<1024x1024xbf16>, vector<1024x128xbf16>, vector<1024x128xf32> -> vector<1024x128xf32>
    %add3A_791 = arith.addf %dot_general3A_788, %dot_general3A_790 : vector<1024x128xf32>
    %sub3A_792 = arith.subf %add3A_791, %get3A_8 : vector<1024x128xf32>
    %mul3A_793 = arith.constant 0.999994993 : f32
    %mul3A_794 = vector.broadcast %mul3A_793 : f32 to vector<1024x128xf32>
    %mul3A_795 = arith.mulf %sub3A_792, %mul3A_794 : vector<1024x128xf32>
    %max3A_796 = arith.constant 0.000000e+00 : f32
    %max3A_797 = vector.broadcast %max3A_796 : f32 to vector<1024x128xf32>
    %max3A_798 = arith.maximumf %mul3A_795, %max3A_797 : vector<1024x128xf32>
    %dot_general3A_799 = arith.constant dense<0.000000e+00> : vector<1024x128xf32>
    %dot_general3A_800 = tpu.matmul %max3A_798, %get3A_21, %dot_general3A_799 {dimension_numbers = #tpu.dot_dimension_numbers<[1], [0], [0], [1], [0, 0, 1, 1], [], []>, transpose_lhs_hint = false} : vector<1024x128xf32>, vector<128x128xf32>, vector<1024x128xf32> -> vector<1024x128xf32>
    %add3A_801 = vector.broadcast %get3A_24 : vector<1x128xf32> to vector<1024x128xf32>
    %add3A_802 = arith.addf %dot_general3A_800, %add3A_801 : vector<1024x128xf32>
    %mul3A_803 = arith.constant 0.999994993 : f32
    %mul3A_804 = vector.broadcast %mul3A_803 : f32 to vector<1024x128xf32>
    %mul3A_805 = arith.mulf %add3A_802, %mul3A_804 : vector<1024x128xf32>
    %max3A_806 = arith.constant 0.000000e+00 : f32
    %max3A_807 = vector.broadcast %max3A_806 : f32 to vector<1024x128xf32>
    %max3A_808 = arith.maximumf %mul3A_805, %max3A_807 : vector<1024x128xf32>
    %dot_general3A_809 = arith.constant dense<0.000000e+00> : vector<1024x256xf32>
    %dot_general3A_810 = tpu.matmul %max3A_808, %get3A_27, %dot_general3A_809 {dimension_numbers = #tpu.dot_dimension_numbers<[1], [0], [0], [1], [0, 0, 1, 1], [], []>, transpose_lhs_hint = false} : vector<1024x128xf32>, vector<128x256xf32>, vector<1024x256xf32> -> vector<1024x256xf32>
    %add3A_811 = vector.broadcast %get3A_30 : vector<1x256xf32> to vector<1024x256xf32>
    %add3A_812 = arith.addf %dot_general3A_810, %add3A_811 : vector<1024x256xf32>
    %slice3A_813 = vector.extract_strided_slice %get3A_18 {offsets = [0, 18], sizes = [1024, 1], strides = [1, 1]} : vector<1024x32xf32> to vector<1024x1xf32>
    %le3A_814 = arith.constant 4.000000e-02 : f32
    %le3A_815 = vector.broadcast %le3A_814 : f32 to vector<1024x1xf32>
    %le3A_816 = arith.cmpf ole, %slice3A_813, %le3A_815 : vector<1024x1xf32>
    %jit3A_817 = arith.constant 0xFF800000 : f32
    %broadcast_in_dim3A_818 = vector.shape_cast %le3A_816 : vector<1024x1xi1> to vector<1024x1xi1>
    %broadcast_in_dim3A_819 = vector.broadcast %broadcast_in_dim3A_818 : vector<1024x1xi1> to vector<1024x256xi1>
    %broadcast_in_dim3A_820 = vector.broadcast %jit3A_817 : f32 to vector<1024x256xf32>
    %select_n3A_821 = arith.select %broadcast_in_dim3A_819, %add3A_812, %broadcast_in_dim3A_820 : vector<1024x256xi1>, vector<1024x256xf32>
    %max3A_822 = arith.maximumf %max3A_780, %select_n3A_821 : vector<1024x256xf32>
    %slice3A_823 = vector.extract_strided_slice %get3A_13 {offsets = [0, 19], sizes = [1024, 1], strides = [1, 1]} : vector<1024x32xi32> to vector<1024x1xi32>
    %eq3A_824 = vector.broadcast %slice3A_823 : vector<1024x1xi32> to vector<1024x1024xi32>
    %eq3A_825 = arith.cmpi eq, %iota3A, %eq3A_824 : vector<1024x1024xi32>
    %convert_element_type3A_826 = arith.extui %eq3A_825 : vector<1024x1024xi1> to vector<1024x1024xi32>
    %convert_element_type3A_827 = arith.sitofp %convert_element_type3A_826 : vector<1024x1024xi32> to vector<1024x1024xf32>
    %convert_element_type3A_828 = arith.truncf %convert_element_type3A_827 : vector<1024x1024xf32> to vector<1024x1024xbf16>
    %dot_general3A_829 = arith.constant dense<0.000000e+00> : vector<1024x128xf32>
    %dot_general3A_830 = tpu.matmul %convert_element_type3A_828, %convert_element_type3A, %dot_general3A_829 {dimension_numbers = #tpu.dot_dimension_numbers<[1], [0], [0], [1], [0, 0, 1, 1], [], []>, transpose_lhs_hint = false} : vector<1024x1024xbf16>, vector<1024x128xbf16>, vector<1024x128xf32> -> vector<1024x128xf32>
    %dot_general3A_831 = arith.constant dense<0.000000e+00> : vector<1024x128xf32>
    %dot_general3A_832 = tpu.matmul %convert_element_type3A_828, %convert_element_type3A_32, %dot_general3A_831 {dimension_numbers = #tpu.dot_dimension_numbers<[1], [0], [0], [1], [0, 0, 1, 1], [], []>, transpose_lhs_hint = false} : vector<1024x1024xbf16>, vector<1024x128xbf16>, vector<1024x128xf32> -> vector<1024x128xf32>
    %add3A_833 = arith.addf %dot_general3A_830, %dot_general3A_832 : vector<1024x128xf32>
    %sub3A_834 = arith.subf %add3A_833, %get3A_8 : vector<1024x128xf32>
    %mul3A_835 = arith.constant 0.999994993 : f32
    %mul3A_836 = vector.broadcast %mul3A_835 : f32 to vector<1024x128xf32>
    %mul3A_837 = arith.mulf %sub3A_834, %mul3A_836 : vector<1024x128xf32>
    %max3A_838 = arith.constant 0.000000e+00 : f32
    %max3A_839 = vector.broadcast %max3A_838 : f32 to vector<1024x128xf32>
    %max3A_840 = arith.maximumf %mul3A_837, %max3A_839 : vector<1024x128xf32>
    %dot_general3A_841 = arith.constant dense<0.000000e+00> : vector<1024x128xf32>
    %dot_general3A_842 = tpu.matmul %max3A_840, %get3A_21, %dot_general3A_841 {dimension_numbers = #tpu.dot_dimension_numbers<[1], [0], [0], [1], [0, 0, 1, 1], [], []>, transpose_lhs_hint = false} : vector<1024x128xf32>, vector<128x128xf32>, vector<1024x128xf32> -> vector<1024x128xf32>
    %add3A_843 = vector.broadcast %get3A_24 : vector<1x128xf32> to vector<1024x128xf32>
    %add3A_844 = arith.addf %dot_general3A_842, %add3A_843 : vector<1024x128xf32>
    %mul3A_845 = arith.constant 0.999994993 : f32
    %mul3A_846 = vector.broadcast %mul3A_845 : f32 to vector<1024x128xf32>
    %mul3A_847 = arith.mulf %add3A_844, %mul3A_846 : vector<1024x128xf32>
    %max3A_848 = arith.constant 0.000000e+00 : f32
    %max3A_849 = vector.broadcast %max3A_848 : f32 to vector<1024x128xf32>
    %max3A_850 = arith.maximumf %mul3A_847, %max3A_849 : vector<1024x128xf32>
    %dot_general3A_851 = arith.constant dense<0.000000e+00> : vector<1024x256xf32>
    %dot_general3A_852 = tpu.matmul %max3A_850, %get3A_27, %dot_general3A_851 {dimension_numbers = #tpu.dot_dimension_numbers<[1], [0], [0], [1], [0, 0, 1, 1], [], []>, transpose_lhs_hint = false} : vector<1024x128xf32>, vector<128x256xf32>, vector<1024x256xf32> -> vector<1024x256xf32>
    %add3A_853 = vector.broadcast %get3A_30 : vector<1x256xf32> to vector<1024x256xf32>
    %add3A_854 = arith.addf %dot_general3A_852, %add3A_853 : vector<1024x256xf32>
    %slice3A_855 = vector.extract_strided_slice %get3A_18 {offsets = [0, 19], sizes = [1024, 1], strides = [1, 1]} : vector<1024x32xf32> to vector<1024x1xf32>
    %le3A_856 = arith.constant 4.000000e-02 : f32
    %le3A_857 = vector.broadcast %le3A_856 : f32 to vector<1024x1xf32>
    %le3A_858 = arith.cmpf ole, %slice3A_855, %le3A_857 : vector<1024x1xf32>
    %jit3A_859 = arith.constant 0xFF800000 : f32
    %broadcast_in_dim3A_860 = vector.shape_cast %le3A_858 : vector<1024x1xi1> to vector<1024x1xi1>
    %broadcast_in_dim3A_861 = vector.broadcast %broadcast_in_dim3A_860 : vector<1024x1xi1> to vector<1024x256xi1>
    %broadcast_in_dim3A_862 = vector.broadcast %jit3A_859 : f32 to vector<1024x256xf32>
    %select_n3A_863 = arith.select %broadcast_in_dim3A_861, %add3A_854, %broadcast_in_dim3A_862 : vector<1024x256xi1>, vector<1024x256xf32>
    %max3A_864 = arith.maximumf %max3A_822, %select_n3A_863 : vector<1024x256xf32>
    %slice3A_865 = vector.extract_strided_slice %get3A_13 {offsets = [0, 20], sizes = [1024, 1], strides = [1, 1]} : vector<1024x32xi32> to vector<1024x1xi32>
    %eq3A_866 = vector.broadcast %slice3A_865 : vector<1024x1xi32> to vector<1024x1024xi32>
    %eq3A_867 = arith.cmpi eq, %iota3A, %eq3A_866 : vector<1024x1024xi32>
    %convert_element_type3A_868 = arith.extui %eq3A_867 : vector<1024x1024xi1> to vector<1024x1024xi32>
    %convert_element_type3A_869 = arith.sitofp %convert_element_type3A_868 : vector<1024x1024xi32> to vector<1024x1024xf32>
    %convert_element_type3A_870 = arith.truncf %convert_element_type3A_869 : vector<1024x1024xf32> to vector<1024x1024xbf16>
    %dot_general3A_871 = arith.constant dense<0.000000e+00> : vector<1024x128xf32>
    %dot_general3A_872 = tpu.matmul %convert_element_type3A_870, %convert_element_type3A, %dot_general3A_871 {dimension_numbers = #tpu.dot_dimension_numbers<[1], [0], [0], [1], [0, 0, 1, 1], [], []>, transpose_lhs_hint = false} : vector<1024x1024xbf16>, vector<1024x128xbf16>, vector<1024x128xf32> -> vector<1024x128xf32>
    %dot_general3A_873 = arith.constant dense<0.000000e+00> : vector<1024x128xf32>
    %dot_general3A_874 = tpu.matmul %convert_element_type3A_870, %convert_element_type3A_32, %dot_general3A_873 {dimension_numbers = #tpu.dot_dimension_numbers<[1], [0], [0], [1], [0, 0, 1, 1], [], []>, transpose_lhs_hint = false} : vector<1024x1024xbf16>, vector<1024x128xbf16>, vector<1024x128xf32> -> vector<1024x128xf32>
    %add3A_875 = arith.addf %dot_general3A_872, %dot_general3A_874 : vector<1024x128xf32>
    %sub3A_876 = arith.subf %add3A_875, %get3A_8 : vector<1024x128xf32>
    %mul3A_877 = arith.constant 0.999994993 : f32
    %mul3A_878 = vector.broadcast %mul3A_877 : f32 to vector<1024x128xf32>
    %mul3A_879 = arith.mulf %sub3A_876, %mul3A_878 : vector<1024x128xf32>
    %max3A_880 = arith.constant 0.000000e+00 : f32
    %max3A_881 = vector.broadcast %max3A_880 : f32 to vector<1024x128xf32>
    %max3A_882 = arith.maximumf %mul3A_879, %max3A_881 : vector<1024x128xf32>
    %dot_general3A_883 = arith.constant dense<0.000000e+00> : vector<1024x128xf32>
    %dot_general3A_884 = tpu.matmul %max3A_882, %get3A_21, %dot_general3A_883 {dimension_numbers = #tpu.dot_dimension_numbers<[1], [0], [0], [1], [0, 0, 1, 1], [], []>, transpose_lhs_hint = false} : vector<1024x128xf32>, vector<128x128xf32>, vector<1024x128xf32> -> vector<1024x128xf32>
    %add3A_885 = vector.broadcast %get3A_24 : vector<1x128xf32> to vector<1024x128xf32>
    %add3A_886 = arith.addf %dot_general3A_884, %add3A_885 : vector<1024x128xf32>
    %mul3A_887 = arith.constant 0.999994993 : f32
    %mul3A_888 = vector.broadcast %mul3A_887 : f32 to vector<1024x128xf32>
    %mul3A_889 = arith.mulf %add3A_886, %mul3A_888 : vector<1024x128xf32>
    %max3A_890 = arith.constant 0.000000e+00 : f32
    %max3A_891 = vector.broadcast %max3A_890 : f32 to vector<1024x128xf32>
    %max3A_892 = arith.maximumf %mul3A_889, %max3A_891 : vector<1024x128xf32>
    %dot_general3A_893 = arith.constant dense<0.000000e+00> : vector<1024x256xf32>
    %dot_general3A_894 = tpu.matmul %max3A_892, %get3A_27, %dot_general3A_893 {dimension_numbers = #tpu.dot_dimension_numbers<[1], [0], [0], [1], [0, 0, 1, 1], [], []>, transpose_lhs_hint = false} : vector<1024x128xf32>, vector<128x256xf32>, vector<1024x256xf32> -> vector<1024x256xf32>
    %add3A_895 = vector.broadcast %get3A_30 : vector<1x256xf32> to vector<1024x256xf32>
    %add3A_896 = arith.addf %dot_general3A_894, %add3A_895 : vector<1024x256xf32>
    %slice3A_897 = vector.extract_strided_slice %get3A_18 {offsets = [0, 20], sizes = [1024, 1], strides = [1, 1]} : vector<1024x32xf32> to vector<1024x1xf32>
    %le3A_898 = arith.constant 4.000000e-02 : f32
    %le3A_899 = vector.broadcast %le3A_898 : f32 to vector<1024x1xf32>
    %le3A_900 = arith.cmpf ole, %slice3A_897, %le3A_899 : vector<1024x1xf32>
    %jit3A_901 = arith.constant 0xFF800000 : f32
    %broadcast_in_dim3A_902 = vector.shape_cast %le3A_900 : vector<1024x1xi1> to vector<1024x1xi1>
    %broadcast_in_dim3A_903 = vector.broadcast %broadcast_in_dim3A_902 : vector<1024x1xi1> to vector<1024x256xi1>
    %broadcast_in_dim3A_904 = vector.broadcast %jit3A_901 : f32 to vector<1024x256xf32>
    %select_n3A_905 = arith.select %broadcast_in_dim3A_903, %add3A_896, %broadcast_in_dim3A_904 : vector<1024x256xi1>, vector<1024x256xf32>
    %max3A_906 = arith.maximumf %max3A_864, %select_n3A_905 : vector<1024x256xf32>
    %slice3A_907 = vector.extract_strided_slice %get3A_13 {offsets = [0, 21], sizes = [1024, 1], strides = [1, 1]} : vector<1024x32xi32> to vector<1024x1xi32>
    %eq3A_908 = vector.broadcast %slice3A_907 : vector<1024x1xi32> to vector<1024x1024xi32>
    %eq3A_909 = arith.cmpi eq, %iota3A, %eq3A_908 : vector<1024x1024xi32>
    %convert_element_type3A_910 = arith.extui %eq3A_909 : vector<1024x1024xi1> to vector<1024x1024xi32>
    %convert_element_type3A_911 = arith.sitofp %convert_element_type3A_910 : vector<1024x1024xi32> to vector<1024x1024xf32>
    %convert_element_type3A_912 = arith.truncf %convert_element_type3A_911 : vector<1024x1024xf32> to vector<1024x1024xbf16>
    %dot_general3A_913 = arith.constant dense<0.000000e+00> : vector<1024x128xf32>
    %dot_general3A_914 = tpu.matmul %convert_element_type3A_912, %convert_element_type3A, %dot_general3A_913 {dimension_numbers = #tpu.dot_dimension_numbers<[1], [0], [0], [1], [0, 0, 1, 1], [], []>, transpose_lhs_hint = false} : vector<1024x1024xbf16>, vector<1024x128xbf16>, vector<1024x128xf32> -> vector<1024x128xf32>
    %dot_general3A_915 = arith.constant dense<0.000000e+00> : vector<1024x128xf32>
    %dot_general3A_916 = tpu.matmul %convert_element_type3A_912, %convert_element_type3A_32, %dot_general3A_915 {dimension_numbers = #tpu.dot_dimension_numbers<[1], [0], [0], [1], [0, 0, 1, 1], [], []>, transpose_lhs_hint = false} : vector<1024x1024xbf16>, vector<1024x128xbf16>, vector<1024x128xf32> -> vector<1024x128xf32>
    %add3A_917 = arith.addf %dot_general3A_914, %dot_general3A_916 : vector<1024x128xf32>
    %sub3A_918 = arith.subf %add3A_917, %get3A_8 : vector<1024x128xf32>
    %mul3A_919 = arith.constant 0.999994993 : f32
    %mul3A_920 = vector.broadcast %mul3A_919 : f32 to vector<1024x128xf32>
    %mul3A_921 = arith.mulf %sub3A_918, %mul3A_920 : vector<1024x128xf32>
    %max3A_922 = arith.constant 0.000000e+00 : f32
    %max3A_923 = vector.broadcast %max3A_922 : f32 to vector<1024x128xf32>
    %max3A_924 = arith.maximumf %mul3A_921, %max3A_923 : vector<1024x128xf32>
    %dot_general3A_925 = arith.constant dense<0.000000e+00> : vector<1024x128xf32>
    %dot_general3A_926 = tpu.matmul %max3A_924, %get3A_21, %dot_general3A_925 {dimension_numbers = #tpu.dot_dimension_numbers<[1], [0], [0], [1], [0, 0, 1, 1], [], []>, transpose_lhs_hint = false} : vector<1024x128xf32>, vector<128x128xf32>, vector<1024x128xf32> -> vector<1024x128xf32>
    %add3A_927 = vector.broadcast %get3A_24 : vector<1x128xf32> to vector<1024x128xf32>
    %add3A_928 = arith.addf %dot_general3A_926, %add3A_927 : vector<1024x128xf32>
    %mul3A_929 = arith.constant 0.999994993 : f32
    %mul3A_930 = vector.broadcast %mul3A_929 : f32 to vector<1024x128xf32>
    %mul3A_931 = arith.mulf %add3A_928, %mul3A_930 : vector<1024x128xf32>
    %max3A_932 = arith.constant 0.000000e+00 : f32
    %max3A_933 = vector.broadcast %max3A_932 : f32 to vector<1024x128xf32>
    %max3A_934 = arith.maximumf %mul3A_931, %max3A_933 : vector<1024x128xf32>
    %dot_general3A_935 = arith.constant dense<0.000000e+00> : vector<1024x256xf32>
    %dot_general3A_936 = tpu.matmul %max3A_934, %get3A_27, %dot_general3A_935 {dimension_numbers = #tpu.dot_dimension_numbers<[1], [0], [0], [1], [0, 0, 1, 1], [], []>, transpose_lhs_hint = false} : vector<1024x128xf32>, vector<128x256xf32>, vector<1024x256xf32> -> vector<1024x256xf32>
    %add3A_937 = vector.broadcast %get3A_30 : vector<1x256xf32> to vector<1024x256xf32>
    %add3A_938 = arith.addf %dot_general3A_936, %add3A_937 : vector<1024x256xf32>
    %slice3A_939 = vector.extract_strided_slice %get3A_18 {offsets = [0, 21], sizes = [1024, 1], strides = [1, 1]} : vector<1024x32xf32> to vector<1024x1xf32>
    %le3A_940 = arith.constant 4.000000e-02 : f32
    %le3A_941 = vector.broadcast %le3A_940 : f32 to vector<1024x1xf32>
    %le3A_942 = arith.cmpf ole, %slice3A_939, %le3A_941 : vector<1024x1xf32>
    %jit3A_943 = arith.constant 0xFF800000 : f32
    %broadcast_in_dim3A_944 = vector.shape_cast %le3A_942 : vector<1024x1xi1> to vector<1024x1xi1>
    %broadcast_in_dim3A_945 = vector.broadcast %broadcast_in_dim3A_944 : vector<1024x1xi1> to vector<1024x256xi1>
    %broadcast_in_dim3A_946 = vector.broadcast %jit3A_943 : f32 to vector<1024x256xf32>
    %select_n3A_947 = arith.select %broadcast_in_dim3A_945, %add3A_938, %broadcast_in_dim3A_946 : vector<1024x256xi1>, vector<1024x256xf32>
    %max3A_948 = arith.maximumf %max3A_906, %select_n3A_947 : vector<1024x256xf32>
    %slice3A_949 = vector.extract_strided_slice %get3A_13 {offsets = [0, 22], sizes = [1024, 1], strides = [1, 1]} : vector<1024x32xi32> to vector<1024x1xi32>
    %eq3A_950 = vector.broadcast %slice3A_949 : vector<1024x1xi32> to vector<1024x1024xi32>
    %eq3A_951 = arith.cmpi eq, %iota3A, %eq3A_950 : vector<1024x1024xi32>
    %convert_element_type3A_952 = arith.extui %eq3A_951 : vector<1024x1024xi1> to vector<1024x1024xi32>
    %convert_element_type3A_953 = arith.sitofp %convert_element_type3A_952 : vector<1024x1024xi32> to vector<1024x1024xf32>
    %convert_element_type3A_954 = arith.truncf %convert_element_type3A_953 : vector<1024x1024xf32> to vector<1024x1024xbf16>
    %dot_general3A_955 = arith.constant dense<0.000000e+00> : vector<1024x128xf32>
    %dot_general3A_956 = tpu.matmul %convert_element_type3A_954, %convert_element_type3A, %dot_general3A_955 {dimension_numbers = #tpu.dot_dimension_numbers<[1], [0], [0], [1], [0, 0, 1, 1], [], []>, transpose_lhs_hint = false} : vector<1024x1024xbf16>, vector<1024x128xbf16>, vector<1024x128xf32> -> vector<1024x128xf32>
    %dot_general3A_957 = arith.constant dense<0.000000e+00> : vector<1024x128xf32>
    %dot_general3A_958 = tpu.matmul %convert_element_type3A_954, %convert_element_type3A_32, %dot_general3A_957 {dimension_numbers = #tpu.dot_dimension_numbers<[1], [0], [0], [1], [0, 0, 1, 1], [], []>, transpose_lhs_hint = false} : vector<1024x1024xbf16>, vector<1024x128xbf16>, vector<1024x128xf32> -> vector<1024x128xf32>
    %add3A_959 = arith.addf %dot_general3A_956, %dot_general3A_958 : vector<1024x128xf32>
    %sub3A_960 = arith.subf %add3A_959, %get3A_8 : vector<1024x128xf32>
    %mul3A_961 = arith.constant 0.999994993 : f32
    %mul3A_962 = vector.broadcast %mul3A_961 : f32 to vector<1024x128xf32>
    %mul3A_963 = arith.mulf %sub3A_960, %mul3A_962 : vector<1024x128xf32>
    %max3A_964 = arith.constant 0.000000e+00 : f32
    %max3A_965 = vector.broadcast %max3A_964 : f32 to vector<1024x128xf32>
    %max3A_966 = arith.maximumf %mul3A_963, %max3A_965 : vector<1024x128xf32>
    %dot_general3A_967 = arith.constant dense<0.000000e+00> : vector<1024x128xf32>
    %dot_general3A_968 = tpu.matmul %max3A_966, %get3A_21, %dot_general3A_967 {dimension_numbers = #tpu.dot_dimension_numbers<[1], [0], [0], [1], [0, 0, 1, 1], [], []>, transpose_lhs_hint = false} : vector<1024x128xf32>, vector<128x128xf32>, vector<1024x128xf32> -> vector<1024x128xf32>
    %add3A_969 = vector.broadcast %get3A_24 : vector<1x128xf32> to vector<1024x128xf32>
    %add3A_970 = arith.addf %dot_general3A_968, %add3A_969 : vector<1024x128xf32>
    %mul3A_971 = arith.constant 0.999994993 : f32
    %mul3A_972 = vector.broadcast %mul3A_971 : f32 to vector<1024x128xf32>
    %mul3A_973 = arith.mulf %add3A_970, %mul3A_972 : vector<1024x128xf32>
    %max3A_974 = arith.constant 0.000000e+00 : f32
    %max3A_975 = vector.broadcast %max3A_974 : f32 to vector<1024x128xf32>
    %max3A_976 = arith.maximumf %mul3A_973, %max3A_975 : vector<1024x128xf32>
    %dot_general3A_977 = arith.constant dense<0.000000e+00> : vector<1024x256xf32>
    %dot_general3A_978 = tpu.matmul %max3A_976, %get3A_27, %dot_general3A_977 {dimension_numbers = #tpu.dot_dimension_numbers<[1], [0], [0], [1], [0, 0, 1, 1], [], []>, transpose_lhs_hint = false} : vector<1024x128xf32>, vector<128x256xf32>, vector<1024x256xf32> -> vector<1024x256xf32>
    %add3A_979 = vector.broadcast %get3A_30 : vector<1x256xf32> to vector<1024x256xf32>
    %add3A_980 = arith.addf %dot_general3A_978, %add3A_979 : vector<1024x256xf32>
    %slice3A_981 = vector.extract_strided_slice %get3A_18 {offsets = [0, 22], sizes = [1024, 1], strides = [1, 1]} : vector<1024x32xf32> to vector<1024x1xf32>
    %le3A_982 = arith.constant 4.000000e-02 : f32
    %le3A_983 = vector.broadcast %le3A_982 : f32 to vector<1024x1xf32>
    %le3A_984 = arith.cmpf ole, %slice3A_981, %le3A_983 : vector<1024x1xf32>
    %jit3A_985 = arith.constant 0xFF800000 : f32
    %broadcast_in_dim3A_986 = vector.shape_cast %le3A_984 : vector<1024x1xi1> to vector<1024x1xi1>
    %broadcast_in_dim3A_987 = vector.broadcast %broadcast_in_dim3A_986 : vector<1024x1xi1> to vector<1024x256xi1>
    %broadcast_in_dim3A_988 = vector.broadcast %jit3A_985 : f32 to vector<1024x256xf32>
    %select_n3A_989 = arith.select %broadcast_in_dim3A_987, %add3A_980, %broadcast_in_dim3A_988 : vector<1024x256xi1>, vector<1024x256xf32>
    %max3A_990 = arith.maximumf %max3A_948, %select_n3A_989 : vector<1024x256xf32>
    %slice3A_991 = vector.extract_strided_slice %get3A_13 {offsets = [0, 23], sizes = [1024, 1], strides = [1, 1]} : vector<1024x32xi32> to vector<1024x1xi32>
    %eq3A_992 = vector.broadcast %slice3A_991 : vector<1024x1xi32> to vector<1024x1024xi32>
    %eq3A_993 = arith.cmpi eq, %iota3A, %eq3A_992 : vector<1024x1024xi32>
    %convert_element_type3A_994 = arith.extui %eq3A_993 : vector<1024x1024xi1> to vector<1024x1024xi32>
    %convert_element_type3A_995 = arith.sitofp %convert_element_type3A_994 : vector<1024x1024xi32> to vector<1024x1024xf32>
    %convert_element_type3A_996 = arith.truncf %convert_element_type3A_995 : vector<1024x1024xf32> to vector<1024x1024xbf16>
    %dot_general3A_997 = arith.constant dense<0.000000e+00> : vector<1024x128xf32>
    %dot_general3A_998 = tpu.matmul %convert_element_type3A_996, %convert_element_type3A, %dot_general3A_997 {dimension_numbers = #tpu.dot_dimension_numbers<[1], [0], [0], [1], [0, 0, 1, 1], [], []>, transpose_lhs_hint = false} : vector<1024x1024xbf16>, vector<1024x128xbf16>, vector<1024x128xf32> -> vector<1024x128xf32>
    %dot_general3A_999 = arith.constant dense<0.000000e+00> : vector<1024x128xf32>
    %dot_general3A_1000 = tpu.matmul %convert_element_type3A_996, %convert_element_type3A_32, %dot_general3A_999 {dimension_numbers = #tpu.dot_dimension_numbers<[1], [0], [0], [1], [0, 0, 1, 1], [], []>, transpose_lhs_hint = false} : vector<1024x1024xbf16>, vector<1024x128xbf16>, vector<1024x128xf32> -> vector<1024x128xf32>
    %add3A_1001 = arith.addf %dot_general3A_998, %dot_general3A_1000 : vector<1024x128xf32>
    %sub3A_1002 = arith.subf %add3A_1001, %get3A_8 : vector<1024x128xf32>
    %mul3A_1003 = arith.constant 0.999994993 : f32
    %mul3A_1004 = vector.broadcast %mul3A_1003 : f32 to vector<1024x128xf32>
    %mul3A_1005 = arith.mulf %sub3A_1002, %mul3A_1004 : vector<1024x128xf32>
    %max3A_1006 = arith.constant 0.000000e+00 : f32
    %max3A_1007 = vector.broadcast %max3A_1006 : f32 to vector<1024x128xf32>
    %max3A_1008 = arith.maximumf %mul3A_1005, %max3A_1007 : vector<1024x128xf32>
    %dot_general3A_1009 = arith.constant dense<0.000000e+00> : vector<1024x128xf32>
    %dot_general3A_1010 = tpu.matmul %max3A_1008, %get3A_21, %dot_general3A_1009 {dimension_numbers = #tpu.dot_dimension_numbers<[1], [0], [0], [1], [0, 0, 1, 1], [], []>, transpose_lhs_hint = false} : vector<1024x128xf32>, vector<128x128xf32>, vector<1024x128xf32> -> vector<1024x128xf32>
    %add3A_1011 = vector.broadcast %get3A_24 : vector<1x128xf32> to vector<1024x128xf32>
    %add3A_1012 = arith.addf %dot_general3A_1010, %add3A_1011 : vector<1024x128xf32>
    %mul3A_1013 = arith.constant 0.999994993 : f32
    %mul3A_1014 = vector.broadcast %mul3A_1013 : f32 to vector<1024x128xf32>
    %mul3A_1015 = arith.mulf %add3A_1012, %mul3A_1014 : vector<1024x128xf32>
    %max3A_1016 = arith.constant 0.000000e+00 : f32
    %max3A_1017 = vector.broadcast %max3A_1016 : f32 to vector<1024x128xf32>
    %max3A_1018 = arith.maximumf %mul3A_1015, %max3A_1017 : vector<1024x128xf32>
    %dot_general3A_1019 = arith.constant dense<0.000000e+00> : vector<1024x256xf32>
    %dot_general3A_1020 = tpu.matmul %max3A_1018, %get3A_27, %dot_general3A_1019 {dimension_numbers = #tpu.dot_dimension_numbers<[1], [0], [0], [1], [0, 0, 1, 1], [], []>, transpose_lhs_hint = false} : vector<1024x128xf32>, vector<128x256xf32>, vector<1024x256xf32> -> vector<1024x256xf32>
    %add3A_1021 = vector.broadcast %get3A_30 : vector<1x256xf32> to vector<1024x256xf32>
    %add3A_1022 = arith.addf %dot_general3A_1020, %add3A_1021 : vector<1024x256xf32>
    %slice3A_1023 = vector.extract_strided_slice %get3A_18 {offsets = [0, 23], sizes = [1024, 1], strides = [1, 1]} : vector<1024x32xf32> to vector<1024x1xf32>
    %le3A_1024 = arith.constant 4.000000e-02 : f32
    %le3A_1025 = vector.broadcast %le3A_1024 : f32 to vector<1024x1xf32>
    %le3A_1026 = arith.cmpf ole, %slice3A_1023, %le3A_1025 : vector<1024x1xf32>
    %jit3A_1027 = arith.constant 0xFF800000 : f32
    %broadcast_in_dim3A_1028 = vector.shape_cast %le3A_1026 : vector<1024x1xi1> to vector<1024x1xi1>
    %broadcast_in_dim3A_1029 = vector.broadcast %broadcast_in_dim3A_1028 : vector<1024x1xi1> to vector<1024x256xi1>
    %broadcast_in_dim3A_1030 = vector.broadcast %jit3A_1027 : f32 to vector<1024x256xf32>
    %select_n3A_1031 = arith.select %broadcast_in_dim3A_1029, %add3A_1022, %broadcast_in_dim3A_1030 : vector<1024x256xi1>, vector<1024x256xf32>
    %max3A_1032 = arith.maximumf %max3A_990, %select_n3A_1031 : vector<1024x256xf32>
    %slice3A_1033 = vector.extract_strided_slice %get3A_13 {offsets = [0, 24], sizes = [1024, 1], strides = [1, 1]} : vector<1024x32xi32> to vector<1024x1xi32>
    %eq3A_1034 = vector.broadcast %slice3A_1033 : vector<1024x1xi32> to vector<1024x1024xi32>
    %eq3A_1035 = arith.cmpi eq, %iota3A, %eq3A_1034 : vector<1024x1024xi32>
    %convert_element_type3A_1036 = arith.extui %eq3A_1035 : vector<1024x1024xi1> to vector<1024x1024xi32>
    %convert_element_type3A_1037 = arith.sitofp %convert_element_type3A_1036 : vector<1024x1024xi32> to vector<1024x1024xf32>
    %convert_element_type3A_1038 = arith.truncf %convert_element_type3A_1037 : vector<1024x1024xf32> to vector<1024x1024xbf16>
    %dot_general3A_1039 = arith.constant dense<0.000000e+00> : vector<1024x128xf32>
    %dot_general3A_1040 = tpu.matmul %convert_element_type3A_1038, %convert_element_type3A, %dot_general3A_1039 {dimension_numbers = #tpu.dot_dimension_numbers<[1], [0], [0], [1], [0, 0, 1, 1], [], []>, transpose_lhs_hint = false} : vector<1024x1024xbf16>, vector<1024x128xbf16>, vector<1024x128xf32> -> vector<1024x128xf32>
    %dot_general3A_1041 = arith.constant dense<0.000000e+00> : vector<1024x128xf32>
    %dot_general3A_1042 = tpu.matmul %convert_element_type3A_1038, %convert_element_type3A_32, %dot_general3A_1041 {dimension_numbers = #tpu.dot_dimension_numbers<[1], [0], [0], [1], [0, 0, 1, 1], [], []>, transpose_lhs_hint = false} : vector<1024x1024xbf16>, vector<1024x128xbf16>, vector<1024x128xf32> -> vector<1024x128xf32>
    %add3A_1043 = arith.addf %dot_general3A_1040, %dot_general3A_1042 : vector<1024x128xf32>
    %sub3A_1044 = arith.subf %add3A_1043, %get3A_8 : vector<1024x128xf32>
    %mul3A_1045 = arith.constant 0.999994993 : f32
    %mul3A_1046 = vector.broadcast %mul3A_1045 : f32 to vector<1024x128xf32>
    %mul3A_1047 = arith.mulf %sub3A_1044, %mul3A_1046 : vector<1024x128xf32>
    %max3A_1048 = arith.constant 0.000000e+00 : f32
    %max3A_1049 = vector.broadcast %max3A_1048 : f32 to vector<1024x128xf32>
    %max3A_1050 = arith.maximumf %mul3A_1047, %max3A_1049 : vector<1024x128xf32>
    %dot_general3A_1051 = arith.constant dense<0.000000e+00> : vector<1024x128xf32>
    %dot_general3A_1052 = tpu.matmul %max3A_1050, %get3A_21, %dot_general3A_1051 {dimension_numbers = #tpu.dot_dimension_numbers<[1], [0], [0], [1], [0, 0, 1, 1], [], []>, transpose_lhs_hint = false} : vector<1024x128xf32>, vector<128x128xf32>, vector<1024x128xf32> -> vector<1024x128xf32>
    %add3A_1053 = vector.broadcast %get3A_24 : vector<1x128xf32> to vector<1024x128xf32>
    %add3A_1054 = arith.addf %dot_general3A_1052, %add3A_1053 : vector<1024x128xf32>
    %mul3A_1055 = arith.constant 0.999994993 : f32
    %mul3A_1056 = vector.broadcast %mul3A_1055 : f32 to vector<1024x128xf32>
    %mul3A_1057 = arith.mulf %add3A_1054, %mul3A_1056 : vector<1024x128xf32>
    %max3A_1058 = arith.constant 0.000000e+00 : f32
    %max3A_1059 = vector.broadcast %max3A_1058 : f32 to vector<1024x128xf32>
    %max3A_1060 = arith.maximumf %mul3A_1057, %max3A_1059 : vector<1024x128xf32>
    %dot_general3A_1061 = arith.constant dense<0.000000e+00> : vector<1024x256xf32>
    %dot_general3A_1062 = tpu.matmul %max3A_1060, %get3A_27, %dot_general3A_1061 {dimension_numbers = #tpu.dot_dimension_numbers<[1], [0], [0], [1], [0, 0, 1, 1], [], []>, transpose_lhs_hint = false} : vector<1024x128xf32>, vector<128x256xf32>, vector<1024x256xf32> -> vector<1024x256xf32>
    %add3A_1063 = vector.broadcast %get3A_30 : vector<1x256xf32> to vector<1024x256xf32>
    %add3A_1064 = arith.addf %dot_general3A_1062, %add3A_1063 : vector<1024x256xf32>
    %slice3A_1065 = vector.extract_strided_slice %get3A_18 {offsets = [0, 24], sizes = [1024, 1], strides = [1, 1]} : vector<1024x32xf32> to vector<1024x1xf32>
    %le3A_1066 = arith.constant 4.000000e-02 : f32
    %le3A_1067 = vector.broadcast %le3A_1066 : f32 to vector<1024x1xf32>
    %le3A_1068 = arith.cmpf ole, %slice3A_1065, %le3A_1067 : vector<1024x1xf32>
    %jit3A_1069 = arith.constant 0xFF800000 : f32
    %broadcast_in_dim3A_1070 = vector.shape_cast %le3A_1068 : vector<1024x1xi1> to vector<1024x1xi1>
    %broadcast_in_dim3A_1071 = vector.broadcast %broadcast_in_dim3A_1070 : vector<1024x1xi1> to vector<1024x256xi1>
    %broadcast_in_dim3A_1072 = vector.broadcast %jit3A_1069 : f32 to vector<1024x256xf32>
    %select_n3A_1073 = arith.select %broadcast_in_dim3A_1071, %add3A_1064, %broadcast_in_dim3A_1072 : vector<1024x256xi1>, vector<1024x256xf32>
    %max3A_1074 = arith.maximumf %max3A_1032, %select_n3A_1073 : vector<1024x256xf32>
    %slice3A_1075 = vector.extract_strided_slice %get3A_13 {offsets = [0, 25], sizes = [1024, 1], strides = [1, 1]} : vector<1024x32xi32> to vector<1024x1xi32>
    %eq3A_1076 = vector.broadcast %slice3A_1075 : vector<1024x1xi32> to vector<1024x1024xi32>
    %eq3A_1077 = arith.cmpi eq, %iota3A, %eq3A_1076 : vector<1024x1024xi32>
    %convert_element_type3A_1078 = arith.extui %eq3A_1077 : vector<1024x1024xi1> to vector<1024x1024xi32>
    %convert_element_type3A_1079 = arith.sitofp %convert_element_type3A_1078 : vector<1024x1024xi32> to vector<1024x1024xf32>
    %convert_element_type3A_1080 = arith.truncf %convert_element_type3A_1079 : vector<1024x1024xf32> to vector<1024x1024xbf16>
    %dot_general3A_1081 = arith.constant dense<0.000000e+00> : vector<1024x128xf32>
    %dot_general3A_1082 = tpu.matmul %convert_element_type3A_1080, %convert_element_type3A, %dot_general3A_1081 {dimension_numbers = #tpu.dot_dimension_numbers<[1], [0], [0], [1], [0, 0, 1, 1], [], []>, transpose_lhs_hint = false} : vector<1024x1024xbf16>, vector<1024x128xbf16>, vector<1024x128xf32> -> vector<1024x128xf32>
    %dot_general3A_1083 = arith.constant dense<0.000000e+00> : vector<1024x128xf32>
    %dot_general3A_1084 = tpu.matmul %convert_element_type3A_1080, %convert_element_type3A_32, %dot_general3A_1083 {dimension_numbers = #tpu.dot_dimension_numbers<[1], [0], [0], [1], [0, 0, 1, 1], [], []>, transpose_lhs_hint = false} : vector<1024x1024xbf16>, vector<1024x128xbf16>, vector<1024x128xf32> -> vector<1024x128xf32>
    %add3A_1085 = arith.addf %dot_general3A_1082, %dot_general3A_1084 : vector<1024x128xf32>
    %sub3A_1086 = arith.subf %add3A_1085, %get3A_8 : vector<1024x128xf32>
    %mul3A_1087 = arith.constant 0.999994993 : f32
    %mul3A_1088 = vector.broadcast %mul3A_1087 : f32 to vector<1024x128xf32>
    %mul3A_1089 = arith.mulf %sub3A_1086, %mul3A_1088 : vector<1024x128xf32>
    %max3A_1090 = arith.constant 0.000000e+00 : f32
    %max3A_1091 = vector.broadcast %max3A_1090 : f32 to vector<1024x128xf32>
    %max3A_1092 = arith.maximumf %mul3A_1089, %max3A_1091 : vector<1024x128xf32>
    %dot_general3A_1093 = arith.constant dense<0.000000e+00> : vector<1024x128xf32>
    %dot_general3A_1094 = tpu.matmul %max3A_1092, %get3A_21, %dot_general3A_1093 {dimension_numbers = #tpu.dot_dimension_numbers<[1], [0], [0], [1], [0, 0, 1, 1], [], []>, transpose_lhs_hint = false} : vector<1024x128xf32>, vector<128x128xf32>, vector<1024x128xf32> -> vector<1024x128xf32>
    %add3A_1095 = vector.broadcast %get3A_24 : vector<1x128xf32> to vector<1024x128xf32>
    %add3A_1096 = arith.addf %dot_general3A_1094, %add3A_1095 : vector<1024x128xf32>
    %mul3A_1097 = arith.constant 0.999994993 : f32
    %mul3A_1098 = vector.broadcast %mul3A_1097 : f32 to vector<1024x128xf32>
    %mul3A_1099 = arith.mulf %add3A_1096, %mul3A_1098 : vector<1024x128xf32>
    %max3A_1100 = arith.constant 0.000000e+00 : f32
    %max3A_1101 = vector.broadcast %max3A_1100 : f32 to vector<1024x128xf32>
    %max3A_1102 = arith.maximumf %mul3A_1099, %max3A_1101 : vector<1024x128xf32>
    %dot_general3A_1103 = arith.constant dense<0.000000e+00> : vector<1024x256xf32>
    %dot_general3A_1104 = tpu.matmul %max3A_1102, %get3A_27, %dot_general3A_1103 {dimension_numbers = #tpu.dot_dimension_numbers<[1], [0], [0], [1], [0, 0, 1, 1], [], []>, transpose_lhs_hint = false} : vector<1024x128xf32>, vector<128x256xf32>, vector<1024x256xf32> -> vector<1024x256xf32>
    %add3A_1105 = vector.broadcast %get3A_30 : vector<1x256xf32> to vector<1024x256xf32>
    %add3A_1106 = arith.addf %dot_general3A_1104, %add3A_1105 : vector<1024x256xf32>
    %slice3A_1107 = vector.extract_strided_slice %get3A_18 {offsets = [0, 25], sizes = [1024, 1], strides = [1, 1]} : vector<1024x32xf32> to vector<1024x1xf32>
    %le3A_1108 = arith.constant 4.000000e-02 : f32
    %le3A_1109 = vector.broadcast %le3A_1108 : f32 to vector<1024x1xf32>
    %le3A_1110 = arith.cmpf ole, %slice3A_1107, %le3A_1109 : vector<1024x1xf32>
    %jit3A_1111 = arith.constant 0xFF800000 : f32
    %broadcast_in_dim3A_1112 = vector.shape_cast %le3A_1110 : vector<1024x1xi1> to vector<1024x1xi1>
    %broadcast_in_dim3A_1113 = vector.broadcast %broadcast_in_dim3A_1112 : vector<1024x1xi1> to vector<1024x256xi1>
    %broadcast_in_dim3A_1114 = vector.broadcast %jit3A_1111 : f32 to vector<1024x256xf32>
    %select_n3A_1115 = arith.select %broadcast_in_dim3A_1113, %add3A_1106, %broadcast_in_dim3A_1114 : vector<1024x256xi1>, vector<1024x256xf32>
    %max3A_1116 = arith.maximumf %max3A_1074, %select_n3A_1115 : vector<1024x256xf32>
    %slice3A_1117 = vector.extract_strided_slice %get3A_13 {offsets = [0, 26], sizes = [1024, 1], strides = [1, 1]} : vector<1024x32xi32> to vector<1024x1xi32>
    %eq3A_1118 = vector.broadcast %slice3A_1117 : vector<1024x1xi32> to vector<1024x1024xi32>
    %eq3A_1119 = arith.cmpi eq, %iota3A, %eq3A_1118 : vector<1024x1024xi32>
    %convert_element_type3A_1120 = arith.extui %eq3A_1119 : vector<1024x1024xi1> to vector<1024x1024xi32>
    %convert_element_type3A_1121 = arith.sitofp %convert_element_type3A_1120 : vector<1024x1024xi32> to vector<1024x1024xf32>
    %convert_element_type3A_1122 = arith.truncf %convert_element_type3A_1121 : vector<1024x1024xf32> to vector<1024x1024xbf16>
    %dot_general3A_1123 = arith.constant dense<0.000000e+00> : vector<1024x128xf32>
    %dot_general3A_1124 = tpu.matmul %convert_element_type3A_1122, %convert_element_type3A, %dot_general3A_1123 {dimension_numbers = #tpu.dot_dimension_numbers<[1], [0], [0], [1], [0, 0, 1, 1], [], []>, transpose_lhs_hint = false} : vector<1024x1024xbf16>, vector<1024x128xbf16>, vector<1024x128xf32> -> vector<1024x128xf32>
    %dot_general3A_1125 = arith.constant dense<0.000000e+00> : vector<1024x128xf32>
    %dot_general3A_1126 = tpu.matmul %convert_element_type3A_1122, %convert_element_type3A_32, %dot_general3A_1125 {dimension_numbers = #tpu.dot_dimension_numbers<[1], [0], [0], [1], [0, 0, 1, 1], [], []>, transpose_lhs_hint = false} : vector<1024x1024xbf16>, vector<1024x128xbf16>, vector<1024x128xf32> -> vector<1024x128xf32>
    %add3A_1127 = arith.addf %dot_general3A_1124, %dot_general3A_1126 : vector<1024x128xf32>
    %sub3A_1128 = arith.subf %add3A_1127, %get3A_8 : vector<1024x128xf32>
    %mul3A_1129 = arith.constant 0.999994993 : f32
    %mul3A_1130 = vector.broadcast %mul3A_1129 : f32 to vector<1024x128xf32>
    %mul3A_1131 = arith.mulf %sub3A_1128, %mul3A_1130 : vector<1024x128xf32>
    %max3A_1132 = arith.constant 0.000000e+00 : f32
    %max3A_1133 = vector.broadcast %max3A_1132 : f32 to vector<1024x128xf32>
    %max3A_1134 = arith.maximumf %mul3A_1131, %max3A_1133 : vector<1024x128xf32>
    %dot_general3A_1135 = arith.constant dense<0.000000e+00> : vector<1024x128xf32>
    %dot_general3A_1136 = tpu.matmul %max3A_1134, %get3A_21, %dot_general3A_1135 {dimension_numbers = #tpu.dot_dimension_numbers<[1], [0], [0], [1], [0, 0, 1, 1], [], []>, transpose_lhs_hint = false} : vector<1024x128xf32>, vector<128x128xf32>, vector<1024x128xf32> -> vector<1024x128xf32>
    %add3A_1137 = vector.broadcast %get3A_24 : vector<1x128xf32> to vector<1024x128xf32>
    %add3A_1138 = arith.addf %dot_general3A_1136, %add3A_1137 : vector<1024x128xf32>
    %mul3A_1139 = arith.constant 0.999994993 : f32
    %mul3A_1140 = vector.broadcast %mul3A_1139 : f32 to vector<1024x128xf32>
    %mul3A_1141 = arith.mulf %add3A_1138, %mul3A_1140 : vector<1024x128xf32>
    %max3A_1142 = arith.constant 0.000000e+00 : f32
    %max3A_1143 = vector.broadcast %max3A_1142 : f32 to vector<1024x128xf32>
    %max3A_1144 = arith.maximumf %mul3A_1141, %max3A_1143 : vector<1024x128xf32>
    %dot_general3A_1145 = arith.constant dense<0.000000e+00> : vector<1024x256xf32>
    %dot_general3A_1146 = tpu.matmul %max3A_1144, %get3A_27, %dot_general3A_1145 {dimension_numbers = #tpu.dot_dimension_numbers<[1], [0], [0], [1], [0, 0, 1, 1], [], []>, transpose_lhs_hint = false} : vector<1024x128xf32>, vector<128x256xf32>, vector<1024x256xf32> -> vector<1024x256xf32>
    %add3A_1147 = vector.broadcast %get3A_30 : vector<1x256xf32> to vector<1024x256xf32>
    %add3A_1148 = arith.addf %dot_general3A_1146, %add3A_1147 : vector<1024x256xf32>
    %slice3A_1149 = vector.extract_strided_slice %get3A_18 {offsets = [0, 26], sizes = [1024, 1], strides = [1, 1]} : vector<1024x32xf32> to vector<1024x1xf32>
    %le3A_1150 = arith.constant 4.000000e-02 : f32
    %le3A_1151 = vector.broadcast %le3A_1150 : f32 to vector<1024x1xf32>
    %le3A_1152 = arith.cmpf ole, %slice3A_1149, %le3A_1151 : vector<1024x1xf32>
    %jit3A_1153 = arith.constant 0xFF800000 : f32
    %broadcast_in_dim3A_1154 = vector.shape_cast %le3A_1152 : vector<1024x1xi1> to vector<1024x1xi1>
    %broadcast_in_dim3A_1155 = vector.broadcast %broadcast_in_dim3A_1154 : vector<1024x1xi1> to vector<1024x256xi1>
    %broadcast_in_dim3A_1156 = vector.broadcast %jit3A_1153 : f32 to vector<1024x256xf32>
    %select_n3A_1157 = arith.select %broadcast_in_dim3A_1155, %add3A_1148, %broadcast_in_dim3A_1156 : vector<1024x256xi1>, vector<1024x256xf32>
    %max3A_1158 = arith.maximumf %max3A_1116, %select_n3A_1157 : vector<1024x256xf32>
    %slice3A_1159 = vector.extract_strided_slice %get3A_13 {offsets = [0, 27], sizes = [1024, 1], strides = [1, 1]} : vector<1024x32xi32> to vector<1024x1xi32>
    %eq3A_1160 = vector.broadcast %slice3A_1159 : vector<1024x1xi32> to vector<1024x1024xi32>
    %eq3A_1161 = arith.cmpi eq, %iota3A, %eq3A_1160 : vector<1024x1024xi32>
    %convert_element_type3A_1162 = arith.extui %eq3A_1161 : vector<1024x1024xi1> to vector<1024x1024xi32>
    %convert_element_type3A_1163 = arith.sitofp %convert_element_type3A_1162 : vector<1024x1024xi32> to vector<1024x1024xf32>
    %convert_element_type3A_1164 = arith.truncf %convert_element_type3A_1163 : vector<1024x1024xf32> to vector<1024x1024xbf16>
    %dot_general3A_1165 = arith.constant dense<0.000000e+00> : vector<1024x128xf32>
    %dot_general3A_1166 = tpu.matmul %convert_element_type3A_1164, %convert_element_type3A, %dot_general3A_1165 {dimension_numbers = #tpu.dot_dimension_numbers<[1], [0], [0], [1], [0, 0, 1, 1], [], []>, transpose_lhs_hint = false} : vector<1024x1024xbf16>, vector<1024x128xbf16>, vector<1024x128xf32> -> vector<1024x128xf32>
    %dot_general3A_1167 = arith.constant dense<0.000000e+00> : vector<1024x128xf32>
    %dot_general3A_1168 = tpu.matmul %convert_element_type3A_1164, %convert_element_type3A_32, %dot_general3A_1167 {dimension_numbers = #tpu.dot_dimension_numbers<[1], [0], [0], [1], [0, 0, 1, 1], [], []>, transpose_lhs_hint = false} : vector<1024x1024xbf16>, vector<1024x128xbf16>, vector<1024x128xf32> -> vector<1024x128xf32>
    %add3A_1169 = arith.addf %dot_general3A_1166, %dot_general3A_1168 : vector<1024x128xf32>
    %sub3A_1170 = arith.subf %add3A_1169, %get3A_8 : vector<1024x128xf32>
    %mul3A_1171 = arith.constant 0.999994993 : f32
    %mul3A_1172 = vector.broadcast %mul3A_1171 : f32 to vector<1024x128xf32>
    %mul3A_1173 = arith.mulf %sub3A_1170, %mul3A_1172 : vector<1024x128xf32>
    %max3A_1174 = arith.constant 0.000000e+00 : f32
    %max3A_1175 = vector.broadcast %max3A_1174 : f32 to vector<1024x128xf32>
    %max3A_1176 = arith.maximumf %mul3A_1173, %max3A_1175 : vector<1024x128xf32>
    %dot_general3A_1177 = arith.constant dense<0.000000e+00> : vector<1024x128xf32>
    %dot_general3A_1178 = tpu.matmul %max3A_1176, %get3A_21, %dot_general3A_1177 {dimension_numbers = #tpu.dot_dimension_numbers<[1], [0], [0], [1], [0, 0, 1, 1], [], []>, transpose_lhs_hint = false} : vector<1024x128xf32>, vector<128x128xf32>, vector<1024x128xf32> -> vector<1024x128xf32>
    %add3A_1179 = vector.broadcast %get3A_24 : vector<1x128xf32> to vector<1024x128xf32>
    %add3A_1180 = arith.addf %dot_general3A_1178, %add3A_1179 : vector<1024x128xf32>
    %mul3A_1181 = arith.constant 0.999994993 : f32
    %mul3A_1182 = vector.broadcast %mul3A_1181 : f32 to vector<1024x128xf32>
    %mul3A_1183 = arith.mulf %add3A_1180, %mul3A_1182 : vector<1024x128xf32>
    %max3A_1184 = arith.constant 0.000000e+00 : f32
    %max3A_1185 = vector.broadcast %max3A_1184 : f32 to vector<1024x128xf32>
    %max3A_1186 = arith.maximumf %mul3A_1183, %max3A_1185 : vector<1024x128xf32>
    %dot_general3A_1187 = arith.constant dense<0.000000e+00> : vector<1024x256xf32>
    %dot_general3A_1188 = tpu.matmul %max3A_1186, %get3A_27, %dot_general3A_1187 {dimension_numbers = #tpu.dot_dimension_numbers<[1], [0], [0], [1], [0, 0, 1, 1], [], []>, transpose_lhs_hint = false} : vector<1024x128xf32>, vector<128x256xf32>, vector<1024x256xf32> -> vector<1024x256xf32>
    %add3A_1189 = vector.broadcast %get3A_30 : vector<1x256xf32> to vector<1024x256xf32>
    %add3A_1190 = arith.addf %dot_general3A_1188, %add3A_1189 : vector<1024x256xf32>
    %slice3A_1191 = vector.extract_strided_slice %get3A_18 {offsets = [0, 27], sizes = [1024, 1], strides = [1, 1]} : vector<1024x32xf32> to vector<1024x1xf32>
    %le3A_1192 = arith.constant 4.000000e-02 : f32
    %le3A_1193 = vector.broadcast %le3A_1192 : f32 to vector<1024x1xf32>
    %le3A_1194 = arith.cmpf ole, %slice3A_1191, %le3A_1193 : vector<1024x1xf32>
    %jit3A_1195 = arith.constant 0xFF800000 : f32
    %broadcast_in_dim3A_1196 = vector.shape_cast %le3A_1194 : vector<1024x1xi1> to vector<1024x1xi1>
    %broadcast_in_dim3A_1197 = vector.broadcast %broadcast_in_dim3A_1196 : vector<1024x1xi1> to vector<1024x256xi1>
    %broadcast_in_dim3A_1198 = vector.broadcast %jit3A_1195 : f32 to vector<1024x256xf32>
    %select_n3A_1199 = arith.select %broadcast_in_dim3A_1197, %add3A_1190, %broadcast_in_dim3A_1198 : vector<1024x256xi1>, vector<1024x256xf32>
    %max3A_1200 = arith.maximumf %max3A_1158, %select_n3A_1199 : vector<1024x256xf32>
    %slice3A_1201 = vector.extract_strided_slice %get3A_13 {offsets = [0, 28], sizes = [1024, 1], strides = [1, 1]} : vector<1024x32xi32> to vector<1024x1xi32>
    %eq3A_1202 = vector.broadcast %slice3A_1201 : vector<1024x1xi32> to vector<1024x1024xi32>
    %eq3A_1203 = arith.cmpi eq, %iota3A, %eq3A_1202 : vector<1024x1024xi32>
    %convert_element_type3A_1204 = arith.extui %eq3A_1203 : vector<1024x1024xi1> to vector<1024x1024xi32>
    %convert_element_type3A_1205 = arith.sitofp %convert_element_type3A_1204 : vector<1024x1024xi32> to vector<1024x1024xf32>
    %convert_element_type3A_1206 = arith.truncf %convert_element_type3A_1205 : vector<1024x1024xf32> to vector<1024x1024xbf16>
    %dot_general3A_1207 = arith.constant dense<0.000000e+00> : vector<1024x128xf32>
    %dot_general3A_1208 = tpu.matmul %convert_element_type3A_1206, %convert_element_type3A, %dot_general3A_1207 {dimension_numbers = #tpu.dot_dimension_numbers<[1], [0], [0], [1], [0, 0, 1, 1], [], []>, transpose_lhs_hint = false} : vector<1024x1024xbf16>, vector<1024x128xbf16>, vector<1024x128xf32> -> vector<1024x128xf32>
    %dot_general3A_1209 = arith.constant dense<0.000000e+00> : vector<1024x128xf32>
    %dot_general3A_1210 = tpu.matmul %convert_element_type3A_1206, %convert_element_type3A_32, %dot_general3A_1209 {dimension_numbers = #tpu.dot_dimension_numbers<[1], [0], [0], [1], [0, 0, 1, 1], [], []>, transpose_lhs_hint = false} : vector<1024x1024xbf16>, vector<1024x128xbf16>, vector<1024x128xf32> -> vector<1024x128xf32>
    %add3A_1211 = arith.addf %dot_general3A_1208, %dot_general3A_1210 : vector<1024x128xf32>
    %sub3A_1212 = arith.subf %add3A_1211, %get3A_8 : vector<1024x128xf32>
    %mul3A_1213 = arith.constant 0.999994993 : f32
    %mul3A_1214 = vector.broadcast %mul3A_1213 : f32 to vector<1024x128xf32>
    %mul3A_1215 = arith.mulf %sub3A_1212, %mul3A_1214 : vector<1024x128xf32>
    %max3A_1216 = arith.constant 0.000000e+00 : f32
    %max3A_1217 = vector.broadcast %max3A_1216 : f32 to vector<1024x128xf32>
    %max3A_1218 = arith.maximumf %mul3A_1215, %max3A_1217 : vector<1024x128xf32>
    %dot_general3A_1219 = arith.constant dense<0.000000e+00> : vector<1024x128xf32>
    %dot_general3A_1220 = tpu.matmul %max3A_1218, %get3A_21, %dot_general3A_1219 {dimension_numbers = #tpu.dot_dimension_numbers<[1], [0], [0], [1], [0, 0, 1, 1], [], []>, transpose_lhs_hint = false} : vector<1024x128xf32>, vector<128x128xf32>, vector<1024x128xf32> -> vector<1024x128xf32>
    %add3A_1221 = vector.broadcast %get3A_24 : vector<1x128xf32> to vector<1024x128xf32>
    %add3A_1222 = arith.addf %dot_general3A_1220, %add3A_1221 : vector<1024x128xf32>
    %mul3A_1223 = arith.constant 0.999994993 : f32
    %mul3A_1224 = vector.broadcast %mul3A_1223 : f32 to vector<1024x128xf32>
    %mul3A_1225 = arith.mulf %add3A_1222, %mul3A_1224 : vector<1024x128xf32>
    %max3A_1226 = arith.constant 0.000000e+00 : f32
    %max3A_1227 = vector.broadcast %max3A_1226 : f32 to vector<1024x128xf32>
    %max3A_1228 = arith.maximumf %mul3A_1225, %max3A_1227 : vector<1024x128xf32>
    %dot_general3A_1229 = arith.constant dense<0.000000e+00> : vector<1024x256xf32>
    %dot_general3A_1230 = tpu.matmul %max3A_1228, %get3A_27, %dot_general3A_1229 {dimension_numbers = #tpu.dot_dimension_numbers<[1], [0], [0], [1], [0, 0, 1, 1], [], []>, transpose_lhs_hint = false} : vector<1024x128xf32>, vector<128x256xf32>, vector<1024x256xf32> -> vector<1024x256xf32>
    %add3A_1231 = vector.broadcast %get3A_30 : vector<1x256xf32> to vector<1024x256xf32>
    %add3A_1232 = arith.addf %dot_general3A_1230, %add3A_1231 : vector<1024x256xf32>
    %slice3A_1233 = vector.extract_strided_slice %get3A_18 {offsets = [0, 28], sizes = [1024, 1], strides = [1, 1]} : vector<1024x32xf32> to vector<1024x1xf32>
    %le3A_1234 = arith.constant 4.000000e-02 : f32
    %le3A_1235 = vector.broadcast %le3A_1234 : f32 to vector<1024x1xf32>
    %le3A_1236 = arith.cmpf ole, %slice3A_1233, %le3A_1235 : vector<1024x1xf32>
    %jit3A_1237 = arith.constant 0xFF800000 : f32
    %broadcast_in_dim3A_1238 = vector.shape_cast %le3A_1236 : vector<1024x1xi1> to vector<1024x1xi1>
    %broadcast_in_dim3A_1239 = vector.broadcast %broadcast_in_dim3A_1238 : vector<1024x1xi1> to vector<1024x256xi1>
    %broadcast_in_dim3A_1240 = vector.broadcast %jit3A_1237 : f32 to vector<1024x256xf32>
    %select_n3A_1241 = arith.select %broadcast_in_dim3A_1239, %add3A_1232, %broadcast_in_dim3A_1240 : vector<1024x256xi1>, vector<1024x256xf32>
    %max3A_1242 = arith.maximumf %max3A_1200, %select_n3A_1241 : vector<1024x256xf32>
    %slice3A_1243 = vector.extract_strided_slice %get3A_13 {offsets = [0, 29], sizes = [1024, 1], strides = [1, 1]} : vector<1024x32xi32> to vector<1024x1xi32>
    %eq3A_1244 = vector.broadcast %slice3A_1243 : vector<1024x1xi32> to vector<1024x1024xi32>
    %eq3A_1245 = arith.cmpi eq, %iota3A, %eq3A_1244 : vector<1024x1024xi32>
    %convert_element_type3A_1246 = arith.extui %eq3A_1245 : vector<1024x1024xi1> to vector<1024x1024xi32>
    %convert_element_type3A_1247 = arith.sitofp %convert_element_type3A_1246 : vector<1024x1024xi32> to vector<1024x1024xf32>
    %convert_element_type3A_1248 = arith.truncf %convert_element_type3A_1247 : vector<1024x1024xf32> to vector<1024x1024xbf16>
    %dot_general3A_1249 = arith.constant dense<0.000000e+00> : vector<1024x128xf32>
    %dot_general3A_1250 = tpu.matmul %convert_element_type3A_1248, %convert_element_type3A, %dot_general3A_1249 {dimension_numbers = #tpu.dot_dimension_numbers<[1], [0], [0], [1], [0, 0, 1, 1], [], []>, transpose_lhs_hint = false} : vector<1024x1024xbf16>, vector<1024x128xbf16>, vector<1024x128xf32> -> vector<1024x128xf32>
    %dot_general3A_1251 = arith.constant dense<0.000000e+00> : vector<1024x128xf32>
    %dot_general3A_1252 = tpu.matmul %convert_element_type3A_1248, %convert_element_type3A_32, %dot_general3A_1251 {dimension_numbers = #tpu.dot_dimension_numbers<[1], [0], [0], [1], [0, 0, 1, 1], [], []>, transpose_lhs_hint = false} : vector<1024x1024xbf16>, vector<1024x128xbf16>, vector<1024x128xf32> -> vector<1024x128xf32>
    %add3A_1253 = arith.addf %dot_general3A_1250, %dot_general3A_1252 : vector<1024x128xf32>
    %sub3A_1254 = arith.subf %add3A_1253, %get3A_8 : vector<1024x128xf32>
    %mul3A_1255 = arith.constant 0.999994993 : f32
    %mul3A_1256 = vector.broadcast %mul3A_1255 : f32 to vector<1024x128xf32>
    %mul3A_1257 = arith.mulf %sub3A_1254, %mul3A_1256 : vector<1024x128xf32>
    %max3A_1258 = arith.constant 0.000000e+00 : f32
    %max3A_1259 = vector.broadcast %max3A_1258 : f32 to vector<1024x128xf32>
    %max3A_1260 = arith.maximumf %mul3A_1257, %max3A_1259 : vector<1024x128xf32>
    %dot_general3A_1261 = arith.constant dense<0.000000e+00> : vector<1024x128xf32>
    %dot_general3A_1262 = tpu.matmul %max3A_1260, %get3A_21, %dot_general3A_1261 {dimension_numbers = #tpu.dot_dimension_numbers<[1], [0], [0], [1], [0, 0, 1, 1], [], []>, transpose_lhs_hint = false} : vector<1024x128xf32>, vector<128x128xf32>, vector<1024x128xf32> -> vector<1024x128xf32>
    %add3A_1263 = vector.broadcast %get3A_24 : vector<1x128xf32> to vector<1024x128xf32>
    %add3A_1264 = arith.addf %dot_general3A_1262, %add3A_1263 : vector<1024x128xf32>
    %mul3A_1265 = arith.constant 0.999994993 : f32
    %mul3A_1266 = vector.broadcast %mul3A_1265 : f32 to vector<1024x128xf32>
    %mul3A_1267 = arith.mulf %add3A_1264, %mul3A_1266 : vector<1024x128xf32>
    %max3A_1268 = arith.constant 0.000000e+00 : f32
    %max3A_1269 = vector.broadcast %max3A_1268 : f32 to vector<1024x128xf32>
    %max3A_1270 = arith.maximumf %mul3A_1267, %max3A_1269 : vector<1024x128xf32>
    %dot_general3A_1271 = arith.constant dense<0.000000e+00> : vector<1024x256xf32>
    %dot_general3A_1272 = tpu.matmul %max3A_1270, %get3A_27, %dot_general3A_1271 {dimension_numbers = #tpu.dot_dimension_numbers<[1], [0], [0], [1], [0, 0, 1, 1], [], []>, transpose_lhs_hint = false} : vector<1024x128xf32>, vector<128x256xf32>, vector<1024x256xf32> -> vector<1024x256xf32>
    %add3A_1273 = vector.broadcast %get3A_30 : vector<1x256xf32> to vector<1024x256xf32>
    %add3A_1274 = arith.addf %dot_general3A_1272, %add3A_1273 : vector<1024x256xf32>
    %slice3A_1275 = vector.extract_strided_slice %get3A_18 {offsets = [0, 29], sizes = [1024, 1], strides = [1, 1]} : vector<1024x32xf32> to vector<1024x1xf32>
    %le3A_1276 = arith.constant 4.000000e-02 : f32
    %le3A_1277 = vector.broadcast %le3A_1276 : f32 to vector<1024x1xf32>
    %le3A_1278 = arith.cmpf ole, %slice3A_1275, %le3A_1277 : vector<1024x1xf32>
    %jit3A_1279 = arith.constant 0xFF800000 : f32
    %broadcast_in_dim3A_1280 = vector.shape_cast %le3A_1278 : vector<1024x1xi1> to vector<1024x1xi1>
    %broadcast_in_dim3A_1281 = vector.broadcast %broadcast_in_dim3A_1280 : vector<1024x1xi1> to vector<1024x256xi1>
    %broadcast_in_dim3A_1282 = vector.broadcast %jit3A_1279 : f32 to vector<1024x256xf32>
    %select_n3A_1283 = arith.select %broadcast_in_dim3A_1281, %add3A_1274, %broadcast_in_dim3A_1282 : vector<1024x256xi1>, vector<1024x256xf32>
    %max3A_1284 = arith.maximumf %max3A_1242, %select_n3A_1283 : vector<1024x256xf32>
    %slice3A_1285 = vector.extract_strided_slice %get3A_13 {offsets = [0, 30], sizes = [1024, 1], strides = [1, 1]} : vector<1024x32xi32> to vector<1024x1xi32>
    %eq3A_1286 = vector.broadcast %slice3A_1285 : vector<1024x1xi32> to vector<1024x1024xi32>
    %eq3A_1287 = arith.cmpi eq, %iota3A, %eq3A_1286 : vector<1024x1024xi32>
    %convert_element_type3A_1288 = arith.extui %eq3A_1287 : vector<1024x1024xi1> to vector<1024x1024xi32>
    %convert_element_type3A_1289 = arith.sitofp %convert_element_type3A_1288 : vector<1024x1024xi32> to vector<1024x1024xf32>
    %convert_element_type3A_1290 = arith.truncf %convert_element_type3A_1289 : vector<1024x1024xf32> to vector<1024x1024xbf16>
    %dot_general3A_1291 = arith.constant dense<0.000000e+00> : vector<1024x128xf32>
    %dot_general3A_1292 = tpu.matmul %convert_element_type3A_1290, %convert_element_type3A, %dot_general3A_1291 {dimension_numbers = #tpu.dot_dimension_numbers<[1], [0], [0], [1], [0, 0, 1, 1], [], []>, transpose_lhs_hint = false} : vector<1024x1024xbf16>, vector<1024x128xbf16>, vector<1024x128xf32> -> vector<1024x128xf32>
    %dot_general3A_1293 = arith.constant dense<0.000000e+00> : vector<1024x128xf32>
    %dot_general3A_1294 = tpu.matmul %convert_element_type3A_1290, %convert_element_type3A_32, %dot_general3A_1293 {dimension_numbers = #tpu.dot_dimension_numbers<[1], [0], [0], [1], [0, 0, 1, 1], [], []>, transpose_lhs_hint = false} : vector<1024x1024xbf16>, vector<1024x128xbf16>, vector<1024x128xf32> -> vector<1024x128xf32>
    %add3A_1295 = arith.addf %dot_general3A_1292, %dot_general3A_1294 : vector<1024x128xf32>
    %sub3A_1296 = arith.subf %add3A_1295, %get3A_8 : vector<1024x128xf32>
    %mul3A_1297 = arith.constant 0.999994993 : f32
    %mul3A_1298 = vector.broadcast %mul3A_1297 : f32 to vector<1024x128xf32>
    %mul3A_1299 = arith.mulf %sub3A_1296, %mul3A_1298 : vector<1024x128xf32>
    %max3A_1300 = arith.constant 0.000000e+00 : f32
    %max3A_1301 = vector.broadcast %max3A_1300 : f32 to vector<1024x128xf32>
    %max3A_1302 = arith.maximumf %mul3A_1299, %max3A_1301 : vector<1024x128xf32>
    %dot_general3A_1303 = arith.constant dense<0.000000e+00> : vector<1024x128xf32>
    %dot_general3A_1304 = tpu.matmul %max3A_1302, %get3A_21, %dot_general3A_1303 {dimension_numbers = #tpu.dot_dimension_numbers<[1], [0], [0], [1], [0, 0, 1, 1], [], []>, transpose_lhs_hint = false} : vector<1024x128xf32>, vector<128x128xf32>, vector<1024x128xf32> -> vector<1024x128xf32>
    %add3A_1305 = vector.broadcast %get3A_24 : vector<1x128xf32> to vector<1024x128xf32>
    %add3A_1306 = arith.addf %dot_general3A_1304, %add3A_1305 : vector<1024x128xf32>
    %mul3A_1307 = arith.constant 0.999994993 : f32
    %mul3A_1308 = vector.broadcast %mul3A_1307 : f32 to vector<1024x128xf32>
    %mul3A_1309 = arith.mulf %add3A_1306, %mul3A_1308 : vector<1024x128xf32>
    %max3A_1310 = arith.constant 0.000000e+00 : f32
    %max3A_1311 = vector.broadcast %max3A_1310 : f32 to vector<1024x128xf32>
    %max3A_1312 = arith.maximumf %mul3A_1309, %max3A_1311 : vector<1024x128xf32>
    %dot_general3A_1313 = arith.constant dense<0.000000e+00> : vector<1024x256xf32>
    %dot_general3A_1314 = tpu.matmul %max3A_1312, %get3A_27, %dot_general3A_1313 {dimension_numbers = #tpu.dot_dimension_numbers<[1], [0], [0], [1], [0, 0, 1, 1], [], []>, transpose_lhs_hint = false} : vector<1024x128xf32>, vector<128x256xf32>, vector<1024x256xf32> -> vector<1024x256xf32>
    %add3A_1315 = vector.broadcast %get3A_30 : vector<1x256xf32> to vector<1024x256xf32>
    %add3A_1316 = arith.addf %dot_general3A_1314, %add3A_1315 : vector<1024x256xf32>
    %slice3A_1317 = vector.extract_strided_slice %get3A_18 {offsets = [0, 30], sizes = [1024, 1], strides = [1, 1]} : vector<1024x32xf32> to vector<1024x1xf32>
    %le3A_1318 = arith.constant 4.000000e-02 : f32
    %le3A_1319 = vector.broadcast %le3A_1318 : f32 to vector<1024x1xf32>
    %le3A_1320 = arith.cmpf ole, %slice3A_1317, %le3A_1319 : vector<1024x1xf32>
    %jit3A_1321 = arith.constant 0xFF800000 : f32
    %broadcast_in_dim3A_1322 = vector.shape_cast %le3A_1320 : vector<1024x1xi1> to vector<1024x1xi1>
    %broadcast_in_dim3A_1323 = vector.broadcast %broadcast_in_dim3A_1322 : vector<1024x1xi1> to vector<1024x256xi1>
    %broadcast_in_dim3A_1324 = vector.broadcast %jit3A_1321 : f32 to vector<1024x256xf32>
    %select_n3A_1325 = arith.select %broadcast_in_dim3A_1323, %add3A_1316, %broadcast_in_dim3A_1324 : vector<1024x256xi1>, vector<1024x256xf32>
    %max3A_1326 = arith.maximumf %max3A_1284, %select_n3A_1325 : vector<1024x256xf32>
    %slice3A_1327 = vector.extract_strided_slice %get3A_13 {offsets = [0, 31], sizes = [1024, 1], strides = [1, 1]} : vector<1024x32xi32> to vector<1024x1xi32>
    %eq3A_1328 = vector.broadcast %slice3A_1327 : vector<1024x1xi32> to vector<1024x1024xi32>
    %eq3A_1329 = arith.cmpi eq, %iota3A, %eq3A_1328 : vector<1024x1024xi32>
    %convert_element_type3A_1330 = arith.extui %eq3A_1329 : vector<1024x1024xi1> to vector<1024x1024xi32>
    %convert_element_type3A_1331 = arith.sitofp %convert_element_type3A_1330 : vector<1024x1024xi32> to vector<1024x1024xf32>
    %convert_element_type3A_1332 = arith.truncf %convert_element_type3A_1331 : vector<1024x1024xf32> to vector<1024x1024xbf16>
    %dot_general3A_1333 = arith.constant dense<0.000000e+00> : vector<1024x128xf32>
    %dot_general3A_1334 = tpu.matmul %convert_element_type3A_1332, %convert_element_type3A, %dot_general3A_1333 {dimension_numbers = #tpu.dot_dimension_numbers<[1], [0], [0], [1], [0, 0, 1, 1], [], []>, transpose_lhs_hint = false} : vector<1024x1024xbf16>, vector<1024x128xbf16>, vector<1024x128xf32> -> vector<1024x128xf32>
    %dot_general3A_1335 = arith.constant dense<0.000000e+00> : vector<1024x128xf32>
    %dot_general3A_1336 = tpu.matmul %convert_element_type3A_1332, %convert_element_type3A_32, %dot_general3A_1335 {dimension_numbers = #tpu.dot_dimension_numbers<[1], [0], [0], [1], [0, 0, 1, 1], [], []>, transpose_lhs_hint = false} : vector<1024x1024xbf16>, vector<1024x128xbf16>, vector<1024x128xf32> -> vector<1024x128xf32>
    %add3A_1337 = arith.addf %dot_general3A_1334, %dot_general3A_1336 : vector<1024x128xf32>
    %sub3A_1338 = arith.subf %add3A_1337, %get3A_8 : vector<1024x128xf32>
    %mul3A_1339 = arith.constant 0.999994993 : f32
    %mul3A_1340 = vector.broadcast %mul3A_1339 : f32 to vector<1024x128xf32>
    %mul3A_1341 = arith.mulf %sub3A_1338, %mul3A_1340 : vector<1024x128xf32>
    %max3A_1342 = arith.constant 0.000000e+00 : f32
    %max3A_1343 = vector.broadcast %max3A_1342 : f32 to vector<1024x128xf32>
    %max3A_1344 = arith.maximumf %mul3A_1341, %max3A_1343 : vector<1024x128xf32>
    %dot_general3A_1345 = arith.constant dense<0.000000e+00> : vector<1024x128xf32>
    %dot_general3A_1346 = tpu.matmul %max3A_1344, %get3A_21, %dot_general3A_1345 {dimension_numbers = #tpu.dot_dimension_numbers<[1], [0], [0], [1], [0, 0, 1, 1], [], []>, transpose_lhs_hint = false} : vector<1024x128xf32>, vector<128x128xf32>, vector<1024x128xf32> -> vector<1024x128xf32>
    %add3A_1347 = vector.broadcast %get3A_24 : vector<1x128xf32> to vector<1024x128xf32>
    %add3A_1348 = arith.addf %dot_general3A_1346, %add3A_1347 : vector<1024x128xf32>
    %mul3A_1349 = arith.constant 0.999994993 : f32
    %mul3A_1350 = vector.broadcast %mul3A_1349 : f32 to vector<1024x128xf32>
    %mul3A_1351 = arith.mulf %add3A_1348, %mul3A_1350 : vector<1024x128xf32>
    %max3A_1352 = arith.constant 0.000000e+00 : f32
    %max3A_1353 = vector.broadcast %max3A_1352 : f32 to vector<1024x128xf32>
    %max3A_1354 = arith.maximumf %mul3A_1351, %max3A_1353 : vector<1024x128xf32>
    %dot_general3A_1355 = arith.constant dense<0.000000e+00> : vector<1024x256xf32>
    %dot_general3A_1356 = tpu.matmul %max3A_1354, %get3A_27, %dot_general3A_1355 {dimension_numbers = #tpu.dot_dimension_numbers<[1], [0], [0], [1], [0, 0, 1, 1], [], []>, transpose_lhs_hint = false} : vector<1024x128xf32>, vector<128x256xf32>, vector<1024x256xf32> -> vector<1024x256xf32>
    %add3A_1357 = vector.broadcast %get3A_30 : vector<1x256xf32> to vector<1024x256xf32>
    %add3A_1358 = arith.addf %dot_general3A_1356, %add3A_1357 : vector<1024x256xf32>
    %slice3A_1359 = vector.extract_strided_slice %get3A_18 {offsets = [0, 31], sizes = [1024, 1], strides = [1, 1]} : vector<1024x32xf32> to vector<1024x1xf32>
    %le3A_1360 = arith.constant 4.000000e-02 : f32
    %le3A_1361 = vector.broadcast %le3A_1360 : f32 to vector<1024x1xf32>
    %le3A_1362 = arith.cmpf ole, %slice3A_1359, %le3A_1361 : vector<1024x1xf32>
    %jit3A_1363 = arith.constant 0xFF800000 : f32
    %broadcast_in_dim3A_1364 = vector.shape_cast %le3A_1362 : vector<1024x1xi1> to vector<1024x1xi1>
    %broadcast_in_dim3A_1365 = vector.broadcast %broadcast_in_dim3A_1364 : vector<1024x1xi1> to vector<1024x256xi1>
    %broadcast_in_dim3A_1366 = vector.broadcast %jit3A_1363 : f32 to vector<1024x256xf32>
    %select_n3A_1367 = arith.select %broadcast_in_dim3A_1365, %add3A_1358, %broadcast_in_dim3A_1366 : vector<1024x256xi1>, vector<1024x256xf32>
    %max3A_1368 = arith.maximumf %max3A_1326, %select_n3A_1367 : vector<1024x256xf32>
    %swap3A = arith.constant 0 : index
    %swap3A_1369 = arith.constant 0 : index
    %swap3A_1370 = arith.constant 0 : index
    %swap3A_1371 = vector.load %arg10[%swap3A, %swap3A_1369, %swap3A_1370] : memref<1x1024x256xf32, #tpu.memory_space<vmem>>, vector<1x1024x256xf32>
    %swap3A_1372 = vector.shape_cast %swap3A_1371 : vector<1x1024x256xf32> to vector<1024x256xf32>
    %swap3A_1373 = vector.shape_cast %max3A_1368 : vector<1024x256xf32> to vector<1x1024x256xf32>
    tpu.vector_store %arg10[%swap3A, %swap3A_1369, %swap3A_1370], %swap3A_1373 {strides = array<i32>} : memref<1x1024x256xf32, #tpu.memory_space<vmem>>, vector<1x1024x256xf32>,
    return
  }
  func.func @transform_0(%arg0: i32, %arg1: i32) -> (i32, i32, i32) {
    %c0_i32 = arith.constant 0 : i32
    %c0_i32_0 = arith.constant 0 : i32
    %c0_i32_1 = arith.constant 0 : i32
    return %arg0, %c0_i32, %c0_i32_0 : i32, i32, i32
  }
  func.func @transform_1(%arg0: i32, %arg1: i32) -> (i32, i32, i32) {
    %c0_i32 = arith.constant 0 : i32
    %c0_i32_0 = arith.constant 0 : i32
    return %arg0, %arg1, %c0_i32 : i32, i32, i32
  }
  func.func @transform_2(%arg0: i32, %arg1: i32) -> (i32, i32, i32) {
    %c0_i32 = arith.constant 0 : i32
    %c0_i32_0 = arith.constant 0 : i32
    return %arg0, %arg1, %c0_i32 : i32, i32, i32
  }
  func.func @transform_3(%arg0: i32, %arg1: i32) -> (i32, i32, i32) {
    %c0_i32 = arith.constant 0 : i32
    %c0_i32_0 = arith.constant 0 : i32
    return %arg0, %arg1, %c0_i32 : i32, i32, i32
  }
  func.func @transform_4(%arg0: i32, %arg1: i32) -> (i32, i32) {
    %c0_i32 = arith.constant 0 : i32
    %c0_i32_0 = arith.constant 0 : i32
    %c0_i32_1 = arith.constant 0 : i32
    return %c0_i32, %c0_i32_0 : i32, i32
  }
  func.func @transform_5(%arg0: i32, %arg1: i32) -> (i32, i32) {
    %c0_i32 = arith.constant 0 : i32
    %c0_i32_0 = arith.constant 0 : i32
    %c0_i32_1 = arith.constant 0 : i32
    return %c0_i32, %c0_i32_0 : i32, i32
  }
  func.func @transform_6(%arg0: i32, %arg1: i32) -> (i32, i32) {
    %c0_i32 = arith.constant 0 : i32
    %c0_i32_0 = arith.constant 0 : i32
    %c0_i32_1 = arith.constant 0 : i32
    return %c0_i32, %c0_i32_0 : i32, i32
  }
  func.func @transform_7(%arg0: i32, %arg1: i32) -> (i32, i32) {
    %c0_i32 = arith.constant 0 : i32
    %c0_i32_0 = arith.constant 0 : i32
    %c0_i32_1 = arith.constant 0 : i32
    return %c0_i32, %c0_i32_0 : i32, i32
  }
  func.func @transform_8(%arg0: i32, %arg1: i32) -> (i32, i32, i32) {
    %c0_i32 = arith.constant 0 : i32
    %c0_i32_0 = arith.constant 0 : i32
    return %arg0, %arg1, %c0_i32 : i32, i32, i32
  }
}

module attributes {stable_mosaic.version = 14 : i64} {
  func.func @_fused_mlp_body(%arg0: i32, %arg1: memref<1024x258xf32, #tpu.memory_space<vmem>>, %arg2: memref<258x256xf32, #tpu.memory_space<vmem>>, %arg3: memref<1x256xf32, #tpu.memory_space<vmem>>, %arg4: memref<256x512xf32, #tpu.memory_space<vmem>>, %arg5: memref<1x512xf32, #tpu.memory_space<vmem>>, %arg6: memref<512x1024xf32, #tpu.memory_space<vmem>>, %arg7: memref<1x1024xf32, #tpu.memory_space<vmem>>, %arg8: memref<1024x1024xf32, #tpu.memory_space<vmem>>) attributes {dimension_semantics = [#tpu.dimension_semantics<arbitrary>], iteration_bounds = array<i64: 8>, scalar_prefetch = 0 : i64, scratch_operands = 0 : i64, tpu.core_type = #tpu.core_type<tc>, window_params = [{transform_indices = @transform_0, window_bounds = array<i64: 1024, 258>}, {pipeline_mode = #tpu.pipeline_mode<synchronous>, transform_indices = @transform_1, window_bounds = array<i64: 258, 256>}, {pipeline_mode = #tpu.pipeline_mode<synchronous>, transform_indices = @transform_2, window_bounds = array<i64: 1, 256>}, {pipeline_mode = #tpu.pipeline_mode<synchronous>, transform_indices = @transform_3, window_bounds = array<i64: 256, 512>}, {pipeline_mode = #tpu.pipeline_mode<synchronous>, transform_indices = @transform_4, window_bounds = array<i64: 1, 512>}, {pipeline_mode = #tpu.pipeline_mode<synchronous>, transform_indices = @transform_5, window_bounds = array<i64: 512, 1024>}, {pipeline_mode = #tpu.pipeline_mode<synchronous>, transform_indices = @transform_6, window_bounds = array<i64: 1, 1024>}, {transform_indices = @transform_7, window_bounds = array<i64: 1024, 1024>}]} {
    %get3A = arith.constant 0 : index
    %get3A_0 = arith.constant 0 : index
    %get3A_1 = vector.load %arg1[%get3A, %get3A_0] : memref<1024x258xf32, #tpu.memory_space<vmem>>, vector<1024x258xf32>
    %get3A_2 = arith.constant 0 : index
    %get3A_3 = arith.constant 0 : index
    %get3A_4 = vector.load %arg2[%get3A_2, %get3A_3] : memref<258x256xf32, #tpu.memory_space<vmem>>, vector<258x256xf32>
    %get3A_5 = arith.constant 0 : index
    %get3A_6 = arith.constant 0 : index
    %get3A_7 = vector.load %arg3[%get3A_5, %get3A_6] : memref<1x256xf32, #tpu.memory_space<vmem>>, vector<1x256xf32>
    %dot_general3A = arith.constant dense<0.000000e+00> : vector<1024x256xf32>
    %dot_general3A_8 = tpu.matmul %get3A_1, %get3A_4, %dot_general3A {dimension_numbers = #tpu.dot_dimension_numbers<[1], [0], [0], [1], [0, 0, 1, 1], [], []>, transpose_lhs_hint = false} : vector<1024x258xf32>, vector<258x256xf32>, vector<1024x256xf32> -> vector<1024x256xf32>
    %add3A = vector.broadcast %get3A_7 : vector<1x256xf32> to vector<1024x256xf32>
    %add3A_9 = arith.addf %dot_general3A_8, %add3A : vector<1024x256xf32>
    %mul3A = arith.constant 0.999994993 : f32
    %mul3A_10 = vector.broadcast %mul3A : f32 to vector<1024x256xf32>
    %mul3A_11 = arith.mulf %add3A_9, %mul3A_10 : vector<1024x256xf32>
    %max3A = arith.constant 0.000000e+00 : f32
    %max3A_12 = vector.broadcast %max3A : f32 to vector<1024x256xf32>
    %max3A_13 = arith.maximumf %mul3A_11, %max3A_12 : vector<1024x256xf32>
    %get3A_14 = arith.constant 0 : index
    %get3A_15 = arith.constant 0 : index
    %get3A_16 = vector.load %arg4[%get3A_14, %get3A_15] : memref<256x512xf32, #tpu.memory_space<vmem>>, vector<256x512xf32>
    %get3A_17 = arith.constant 0 : index
    %get3A_18 = arith.constant 0 : index
    %get3A_19 = vector.load %arg5[%get3A_17, %get3A_18] : memref<1x512xf32, #tpu.memory_space<vmem>>, vector<1x512xf32>
    %dot_general3A_20 = arith.constant dense<0.000000e+00> : vector<1024x512xf32>
    %dot_general3A_21 = tpu.matmul %max3A_13, %get3A_16, %dot_general3A_20 {dimension_numbers = #tpu.dot_dimension_numbers<[1], [0], [0], [1], [0, 0, 1, 1], [], []>, transpose_lhs_hint = false} : vector<1024x256xf32>, vector<256x512xf32>, vector<1024x512xf32> -> vector<1024x512xf32>
    %add3A_22 = vector.broadcast %get3A_19 : vector<1x512xf32> to vector<1024x512xf32>
    %add3A_23 = arith.addf %dot_general3A_21, %add3A_22 : vector<1024x512xf32>
    %mul3A_24 = arith.constant 0.999994993 : f32
    %mul3A_25 = vector.broadcast %mul3A_24 : f32 to vector<1024x512xf32>
    %mul3A_26 = arith.mulf %add3A_23, %mul3A_25 : vector<1024x512xf32>
    %max3A_27 = arith.constant 0.000000e+00 : f32
    %max3A_28 = vector.broadcast %max3A_27 : f32 to vector<1024x512xf32>
    %max3A_29 = arith.maximumf %mul3A_26, %max3A_28 : vector<1024x512xf32>
    %get3A_30 = arith.constant 0 : index
    %get3A_31 = arith.constant 0 : index
    %get3A_32 = vector.load %arg6[%get3A_30, %get3A_31] : memref<512x1024xf32, #tpu.memory_space<vmem>>, vector<512x1024xf32>
    %get3A_33 = arith.constant 0 : index
    %get3A_34 = arith.constant 0 : index
    %get3A_35 = vector.load %arg7[%get3A_33, %get3A_34] : memref<1x1024xf32, #tpu.memory_space<vmem>>, vector<1x1024xf32>
    %dot_general3A_36 = arith.constant dense<0.000000e+00> : vector<1024x1024xf32>
    %dot_general3A_37 = tpu.matmul %max3A_29, %get3A_32, %dot_general3A_36 {dimension_numbers = #tpu.dot_dimension_numbers<[1], [0], [0], [1], [0, 0, 1, 1], [], []>, transpose_lhs_hint = false} : vector<1024x512xf32>, vector<512x1024xf32>, vector<1024x1024xf32> -> vector<1024x1024xf32>
    %add3A_38 = vector.broadcast %get3A_35 : vector<1x1024xf32> to vector<1024x1024xf32>
    %add3A_39 = arith.addf %dot_general3A_37, %add3A_38 : vector<1024x1024xf32>
    %swap3A = arith.constant 0 : index
    %swap3A_40 = arith.constant 0 : index
    %swap3A_41 = vector.load %arg8[%swap3A, %swap3A_40] : memref<1024x1024xf32, #tpu.memory_space<vmem>>, vector<1024x1024xf32>
    tpu.vector_store %arg8[%swap3A, %swap3A_40], %add3A_39 {strides = array<i32>} : memref<1024x1024xf32, #tpu.memory_space<vmem>>, vector<1024x1024xf32>,
    return
  }
  func.func @transform_0(%arg0: i32) -> (i32, i32) {
    %c0_i32 = arith.constant 0 : i32
    %c0_i32_0 = arith.constant 0 : i32
    return %arg0, %c0_i32 : i32, i32
  }
  func.func @transform_1(%arg0: i32) -> (i32, i32) {
    %c0_i32 = arith.constant 0 : i32
    %c0_i32_0 = arith.constant 0 : i32
    %c0_i32_1 = arith.constant 0 : i32
    return %c0_i32, %c0_i32_0 : i32, i32
  }
  func.func @transform_2(%arg0: i32) -> (i32, i32) {
    %c0_i32 = arith.constant 0 : i32
    %c0_i32_0 = arith.constant 0 : i32
    %c0_i32_1 = arith.constant 0 : i32
    return %c0_i32, %c0_i32_0 : i32, i32
  }
  func.func @transform_3(%arg0: i32) -> (i32, i32) {
    %c0_i32 = arith.constant 0 : i32
    %c0_i32_0 = arith.constant 0 : i32
    %c0_i32_1 = arith.constant 0 : i32
    return %c0_i32, %c0_i32_0 : i32, i32
  }
  func.func @transform_4(%arg0: i32) -> (i32, i32) {
    %c0_i32 = arith.constant 0 : i32
    %c0_i32_0 = arith.constant 0 : i32
    %c0_i32_1 = arith.constant 0 : i32
    return %c0_i32, %c0_i32_0 : i32, i32
  }
  func.func @transform_5(%arg0: i32) -> (i32, i32) {
    %c0_i32 = arith.constant 0 : i32
    %c0_i32_0 = arith.constant 0 : i32
    %c0_i32_1 = arith.constant 0 : i32
    return %c0_i32, %c0_i32_0 : i32, i32
  }
  func.func @transform_6(%arg0: i32) -> (i32, i32) {
    %c0_i32 = arith.constant 0 : i32
    %c0_i32_0 = arith.constant 0 : i32
    %c0_i32_1 = arith.constant 0 : i32
    return %c0_i32, %c0_i32_0 : i32, i32
  }
  func.func @transform_7(%arg0: i32) -> (i32, i32) {
    %c0_i32 = arith.constant 0 : i32
    %c0_i32_0 = arith.constant 0 : i32
    return %arg0, %c0_i32 : i32, i32
  }
}

module attributes {stable_mosaic.version = 14 : i64} {
  func.func @_fused_mlp_body(%arg0: i32, %arg1: memref<1024x1280xf32, #tpu.memory_space<vmem>>, %arg2: memref<1280x256xf32, #tpu.memory_space<vmem>>, %arg3: memref<1x256xf32, #tpu.memory_space<vmem>>, %arg4: memref<256x256xf32, #tpu.memory_space<vmem>>, %arg5: memref<1x256xf32, #tpu.memory_space<vmem>>, %arg6: memref<1024x256xf32, #tpu.memory_space<vmem>>) attributes {dimension_semantics = [#tpu.dimension_semantics<arbitrary>], iteration_bounds = array<i64: 8>, scalar_prefetch = 0 : i64, scratch_operands = 0 : i64, tpu.core_type = #tpu.core_type<tc>, window_params = [{transform_indices = @transform_0, window_bounds = array<i64: 1024, 1280>}, {pipeline_mode = #tpu.pipeline_mode<synchronous>, transform_indices = @transform_1, window_bounds = array<i64: 1280, 256>}, {pipeline_mode = #tpu.pipeline_mode<synchronous>, transform_indices = @transform_2, window_bounds = array<i64: 1, 256>}, {pipeline_mode = #tpu.pipeline_mode<synchronous>, transform_indices = @transform_3, window_bounds = array<i64: 256, 256>}, {pipeline_mode = #tpu.pipeline_mode<synchronous>, transform_indices = @transform_4, window_bounds = array<i64: 1, 256>}, {transform_indices = @transform_5, window_bounds = array<i64: 1024, 256>}]} {
    %get3A = arith.constant 0 : index
    %get3A_0 = arith.constant 0 : index
    %get3A_1 = vector.load %arg1[%get3A, %get3A_0] : memref<1024x1280xf32, #tpu.memory_space<vmem>>, vector<1024x1280xf32>
    %get3A_2 = arith.constant 0 : index
    %get3A_3 = arith.constant 0 : index
    %get3A_4 = vector.load %arg2[%get3A_2, %get3A_3] : memref<1280x256xf32, #tpu.memory_space<vmem>>, vector<1280x256xf32>
    %get3A_5 = arith.constant 0 : index
    %get3A_6 = arith.constant 0 : index
    %get3A_7 = vector.load %arg3[%get3A_5, %get3A_6] : memref<1x256xf32, #tpu.memory_space<vmem>>, vector<1x256xf32>
    %dot_general3A = arith.constant dense<0.000000e+00> : vector<1024x256xf32>
    %dot_general3A_8 = tpu.matmul %get3A_1, %get3A_4, %dot_general3A {dimension_numbers = #tpu.dot_dimension_numbers<[1], [0], [0], [1], [0, 0, 1, 1], [], []>, transpose_lhs_hint = false} : vector<1024x1280xf32>, vector<1280x256xf32>, vector<1024x256xf32> -> vector<1024x256xf32>
    %add3A = vector.broadcast %get3A_7 : vector<1x256xf32> to vector<1024x256xf32>
    %add3A_9 = arith.addf %dot_general3A_8, %add3A : vector<1024x256xf32>
    %mul3A = arith.constant 0.999994993 : f32
    %mul3A_10 = vector.broadcast %mul3A : f32 to vector<1024x256xf32>
    %mul3A_11 = arith.mulf %add3A_9, %mul3A_10 : vector<1024x256xf32>
    %max3A = arith.constant 0.000000e+00 : f32
    %max3A_12 = vector.broadcast %max3A : f32 to vector<1024x256xf32>
    %max3A_13 = arith.maximumf %mul3A_11, %max3A_12 : vector<1024x256xf32>
    %get3A_14 = arith.constant 0 : index
    %get3A_15 = arith.constant 0 : index
    %get3A_16 = vector.load %arg4[%get3A_14, %get3A_15] : memref<256x256xf32, #tpu.memory_space<vmem>>, vector<256x256xf32>
    %get3A_17 = arith.constant 0 : index
    %get3A_18 = arith.constant 0 : index
    %get3A_19 = vector.load %arg5[%get3A_17, %get3A_18] : memref<1x256xf32, #tpu.memory_space<vmem>>, vector<1x256xf32>
    %dot_general3A_20 = arith.constant dense<0.000000e+00> : vector<1024x256xf32>
    %dot_general3A_21 = tpu.matmul %max3A_13, %get3A_16, %dot_general3A_20 {dimension_numbers = #tpu.dot_dimension_numbers<[1], [0], [0], [1], [0, 0, 1, 1], [], []>, transpose_lhs_hint = false} : vector<1024x256xf32>, vector<256x256xf32>, vector<1024x256xf32> -> vector<1024x256xf32>
    %add3A_22 = vector.broadcast %get3A_19 : vector<1x256xf32> to vector<1024x256xf32>
    %add3A_23 = arith.addf %dot_general3A_21, %add3A_22 : vector<1024x256xf32>
    %swap3A = arith.constant 0 : index
    %swap3A_24 = arith.constant 0 : index
    %swap3A_25 = vector.load %arg6[%swap3A, %swap3A_24] : memref<1024x256xf32, #tpu.memory_space<vmem>>, vector<1024x256xf32>
    tpu.vector_store %arg6[%swap3A, %swap3A_24], %add3A_23 {strides = array<i32>} : memref<1024x256xf32, #tpu.memory_space<vmem>>, vector<1024x256xf32>,
    return
  }
  func.func @transform_0(%arg0: i32) -> (i32, i32) {
    %c0_i32 = arith.constant 0 : i32
    %c0_i32_0 = arith.constant 0 : i32
    return %arg0, %c0_i32 : i32, i32
  }
  func.func @transform_1(%arg0: i32) -> (i32, i32) {
    %c0_i32 = arith.constant 0 : i32
    %c0_i32_0 = arith.constant 0 : i32
    %c0_i32_1 = arith.constant 0 : i32
    return %c0_i32, %c0_i32_0 : i32, i32
  }
  func.func @transform_2(%arg0: i32) -> (i32, i32) {
    %c0_i32 = arith.constant 0 : i32
    %c0_i32_0 = arith.constant 0 : i32
    %c0_i32_1 = arith.constant 0 : i32
    return %c0_i32, %c0_i32_0 : i32, i32
  }
  func.func @transform_3(%arg0: i32) -> (i32, i32) {
    %c0_i32 = arith.constant 0 : i32
    %c0_i32_0 = arith.constant 0 : i32
    %c0_i32_1 = arith.constant 0 : i32
    return %c0_i32, %c0_i32_0 : i32, i32
  }
  func.func @transform_4(%arg0: i32) -> (i32, i32) {
    %c0_i32 = arith.constant 0 : i32
    %c0_i32_0 = arith.constant 0 : i32
    %c0_i32_1 = arith.constant 0 : i32
    return %c0_i32, %c0_i32_0 : i32, i32
  }
  func.func @transform_5(%arg0: i32) -> (i32, i32) {
    %c0_i32 = arith.constant 0 : i32
    %c0_i32_0 = arith.constant 0 : i32
    return %arg0, %c0_i32 : i32, i32
  }
}

module attributes {stable_mosaic.version = 14 : i64} {
  func.func @_interp_body(%arg0: i32, %arg1: memref<1024x256xf32, #tpu.memory_space<vmem>>, %arg2: memref<1024x256xf32, #tpu.memory_space<vmem>>, %arg3: memref<1024x256xf32, #tpu.memory_space<vmem>>, %arg4: memref<1024x3xf32, #tpu.memory_space<vmem>>, %arg5: memref<1024x256xf32, #tpu.memory_space<vmem>>) attributes {dimension_semantics = [#tpu.dimension_semantics<arbitrary>], iteration_bounds = array<i64: 8>, scalar_prefetch = 0 : i64, scratch_operands = 0 : i64, tpu.core_type = #tpu.core_type<tc>, window_params = [{transform_indices = @transform_0, window_bounds = array<i64: 1024, 256>}, {transform_indices = @transform_1, window_bounds = array<i64: 1024, 256>}, {transform_indices = @transform_2, window_bounds = array<i64: 1024, 256>}, {transform_indices = @transform_3, window_bounds = array<i64: 1024, 3>}, {transform_indices = @transform_4, window_bounds = array<i64: 1024, 256>}]} {
    %get3A = arith.constant 0 : index
    %get3A_0 = arith.constant 0 : index
    %get3A_1 = vector.load %arg4[%get3A, %get3A_0] : memref<1024x3xf32, #tpu.memory_space<vmem>>, vector<1024x3xf32>
    %max3A = arith.constant 1.000000e-16 : f32
    %max3A_2 = vector.broadcast %max3A : f32 to vector<1024x3xf32>
    %max3A_3 = arith.maximumf %get3A_1, %max3A_2 : vector<1024x3xf32>
    %div3A = arith.constant 1.000000e+00 : f32
    %div3A_4 = vector.broadcast %div3A : f32 to vector<1024x3xf32>
    %div3A_5 = arith.divf %div3A_4, %max3A_3 : vector<1024x3xf32>
    %reduce_sum3A = arith.constant dense<0.000000e+00> : vector<1024xf32>
    %reduce_sum3A_6 = vector.multi_reduction <add>, %div3A_5, %reduce_sum3A [1] : vector<1024x3xf32> to vector<1024xf32>
    %broadcast_in_dim3A = vector.shape_cast %reduce_sum3A_6 : vector<1024xf32> to vector<1024x1xf32>
    %get3A_7 = arith.constant 0 : index
    %get3A_8 = arith.constant 0 : index
    %get3A_9 = vector.load %arg1[%get3A_7, %get3A_8] : memref<1024x256xf32, #tpu.memory_space<vmem>>, vector<1024x256xf32>
    %slice3A = vector.extract_strided_slice %div3A_5 {offsets = [0, 0], sizes = [1024, 1], strides = [1, 1]} : vector<1024x3xf32> to vector<1024x1xf32>
    %mul3A = vector.broadcast %slice3A : vector<1024x1xf32> to vector<1024x256xf32>
    %mul3A_10 = arith.mulf %get3A_9, %mul3A : vector<1024x256xf32>
    %get3A_11 = arith.constant 0 : index
    %get3A_12 = arith.constant 0 : index
    %get3A_13 = vector.load %arg2[%get3A_11, %get3A_12] : memref<1024x256xf32, #tpu.memory_space<vmem>>, vector<1024x256xf32>
    %slice3A_14 = vector.extract_strided_slice %div3A_5 {offsets = [0, 1], sizes = [1024, 1], strides = [1, 1]} : vector<1024x3xf32> to vector<1024x1xf32>
    %mul3A_15 = vector.broadcast %slice3A_14 : vector<1024x1xf32> to vector<1024x256xf32>
    %mul3A_16 = arith.mulf %get3A_13, %mul3A_15 : vector<1024x256xf32>
    %add3A = arith.addf %mul3A_10, %mul3A_16 : vector<1024x256xf32>
    %get3A_17 = arith.constant 0 : index
    %get3A_18 = arith.constant 0 : index
    %get3A_19 = vector.load %arg3[%get3A_17, %get3A_18] : memref<1024x256xf32, #tpu.memory_space<vmem>>, vector<1024x256xf32>
    %slice3A_20 = vector.extract_strided_slice %div3A_5 {offsets = [0, 2], sizes = [1024, 1], strides = [1, 1]} : vector<1024x3xf32> to vector<1024x1xf32>
    %mul3A_21 = vector.broadcast %slice3A_20 : vector<1024x1xf32> to vector<1024x256xf32>
    %mul3A_22 = arith.mulf %get3A_19, %mul3A_21 : vector<1024x256xf32>
    %add3A_23 = arith.addf %add3A, %mul3A_22 : vector<1024x256xf32>
    %div3A_24 = vector.broadcast %broadcast_in_dim3A : vector<1024x1xf32> to vector<1024x256xf32>
    %div3A_25 = arith.divf %add3A_23, %div3A_24 : vector<1024x256xf32>
    %swap3A = arith.constant 0 : index
    %swap3A_26 = arith.constant 0 : index
    %swap3A_27 = vector.load %arg5[%swap3A, %swap3A_26] : memref<1024x256xf32, #tpu.memory_space<vmem>>, vector<1024x256xf32>
    tpu.vector_store %arg5[%swap3A, %swap3A_26], %div3A_25 {strides = array<i32>} : memref<1024x256xf32, #tpu.memory_space<vmem>>, vector<1024x256xf32>,
    return
  }
  func.func @transform_0(%arg0: i32) -> (i32, i32) {
    %c0_i32 = arith.constant 0 : i32
    %c0_i32_0 = arith.constant 0 : i32
    return %arg0, %c0_i32 : i32, i32
  }
  func.func @transform_1(%arg0: i32) -> (i32, i32) {
    %add3A = arith.constant 8 : i32
    %add3A_0 = arith.addi %arg0, %add3A : i32
    %c0_i32 = arith.constant 0 : i32
    %c0_i32_1 = arith.constant 0 : i32
    return %add3A_0, %c0_i32 : i32, i32
  }
  func.func @transform_2(%arg0: i32) -> (i32, i32) {
    %add3A = arith.constant 16 : i32
    %add3A_0 = arith.addi %arg0, %add3A : i32
    %c0_i32 = arith.constant 0 : i32
    %c0_i32_1 = arith.constant 0 : i32
    return %add3A_0, %c0_i32 : i32, i32
  }
  func.func @transform_3(%arg0: i32) -> (i32, i32) {
    %c0_i32 = arith.constant 0 : i32
    %c0_i32_0 = arith.constant 0 : i32
    return %arg0, %c0_i32 : i32, i32
  }
  func.func @transform_4(%arg0: i32) -> (i32, i32) {
    %c0_i32 = arith.constant 0 : i32
    %c0_i32_0 = arith.constant 0 : i32
    return %arg0, %c0_i32 : i32, i32
  }
}

module attributes {stable_mosaic.version = 14 : i64} {
  func.func @_fused_mlp_body(%arg0: i32, %arg1: memref<1024x384xf32, #tpu.memory_space<vmem>>, %arg2: memref<384x256xf32, #tpu.memory_space<vmem>>, %arg3: memref<1x256xf32, #tpu.memory_space<vmem>>, %arg4: memref<256x128xf32, #tpu.memory_space<vmem>>, %arg5: memref<1x128xf32, #tpu.memory_space<vmem>>, %arg6: memref<1024x128xf32, #tpu.memory_space<vmem>>) attributes {dimension_semantics = [#tpu.dimension_semantics<arbitrary>], iteration_bounds = array<i64: 8>, scalar_prefetch = 0 : i64, scratch_operands = 0 : i64, tpu.core_type = #tpu.core_type<tc>, window_params = [{transform_indices = @transform_0, window_bounds = array<i64: 1024, 384>}, {pipeline_mode = #tpu.pipeline_mode<synchronous>, transform_indices = @transform_1, window_bounds = array<i64: 384, 256>}, {pipeline_mode = #tpu.pipeline_mode<synchronous>, transform_indices = @transform_2, window_bounds = array<i64: 1, 256>}, {pipeline_mode = #tpu.pipeline_mode<synchronous>, transform_indices = @transform_3, window_bounds = array<i64: 256, 128>}, {pipeline_mode = #tpu.pipeline_mode<synchronous>, transform_indices = @transform_4, window_bounds = array<i64: 1, 128>}, {transform_indices = @transform_5, window_bounds = array<i64: 1024, 128>}]} {
    %get3A = arith.constant 0 : index
    %get3A_0 = arith.constant 0 : index
    %get3A_1 = vector.load %arg1[%get3A, %get3A_0] : memref<1024x384xf32, #tpu.memory_space<vmem>>, vector<1024x384xf32>
    %get3A_2 = arith.constant 0 : index
    %get3A_3 = arith.constant 0 : index
    %get3A_4 = vector.load %arg2[%get3A_2, %get3A_3] : memref<384x256xf32, #tpu.memory_space<vmem>>, vector<384x256xf32>
    %get3A_5 = arith.constant 0 : index
    %get3A_6 = arith.constant 0 : index
    %get3A_7 = vector.load %arg3[%get3A_5, %get3A_6] : memref<1x256xf32, #tpu.memory_space<vmem>>, vector<1x256xf32>
    %dot_general3A = arith.constant dense<0.000000e+00> : vector<1024x256xf32>
    %dot_general3A_8 = tpu.matmul %get3A_1, %get3A_4, %dot_general3A {dimension_numbers = #tpu.dot_dimension_numbers<[1], [0], [0], [1], [0, 0, 1, 1], [], []>, transpose_lhs_hint = false} : vector<1024x384xf32>, vector<384x256xf32>, vector<1024x256xf32> -> vector<1024x256xf32>
    %add3A = vector.broadcast %get3A_7 : vector<1x256xf32> to vector<1024x256xf32>
    %add3A_9 = arith.addf %dot_general3A_8, %add3A : vector<1024x256xf32>
    %mul3A = arith.constant 0.999994993 : f32
    %mul3A_10 = vector.broadcast %mul3A : f32 to vector<1024x256xf32>
    %mul3A_11 = arith.mulf %add3A_9, %mul3A_10 : vector<1024x256xf32>
    %max3A = arith.constant 0.000000e+00 : f32
    %max3A_12 = vector.broadcast %max3A : f32 to vector<1024x256xf32>
    %max3A_13 = arith.maximumf %mul3A_11, %max3A_12 : vector<1024x256xf32>
    %get3A_14 = arith.constant 0 : index
    %get3A_15 = arith.constant 0 : index
    %get3A_16 = vector.load %arg4[%get3A_14, %get3A_15] : memref<256x128xf32, #tpu.memory_space<vmem>>, vector<256x128xf32>
    %get3A_17 = arith.constant 0 : index
    %get3A_18 = arith.constant 0 : index
    %get3A_19 = vector.load %arg5[%get3A_17, %get3A_18] : memref<1x128xf32, #tpu.memory_space<vmem>>, vector<1x128xf32>
    %dot_general3A_20 = arith.constant dense<0.000000e+00> : vector<1024x128xf32>
    %dot_general3A_21 = tpu.matmul %max3A_13, %get3A_16, %dot_general3A_20 {dimension_numbers = #tpu.dot_dimension_numbers<[1], [0], [0], [1], [0, 0, 1, 1], [], []>, transpose_lhs_hint = false} : vector<1024x256xf32>, vector<256x128xf32>, vector<1024x128xf32> -> vector<1024x128xf32>
    %add3A_22 = vector.broadcast %get3A_19 : vector<1x128xf32> to vector<1024x128xf32>
    %add3A_23 = arith.addf %dot_general3A_21, %add3A_22 : vector<1024x128xf32>
    %swap3A = arith.constant 0 : index
    %swap3A_24 = arith.constant 0 : index
    %swap3A_25 = vector.load %arg6[%swap3A, %swap3A_24] : memref<1024x128xf32, #tpu.memory_space<vmem>>, vector<1024x128xf32>
    tpu.vector_store %arg6[%swap3A, %swap3A_24], %add3A_23 {strides = array<i32>} : memref<1024x128xf32, #tpu.memory_space<vmem>>, vector<1024x128xf32>,
    return
  }
  func.func @transform_0(%arg0: i32) -> (i32, i32) {
    %c0_i32 = arith.constant 0 : i32
    %c0_i32_0 = arith.constant 0 : i32
    return %arg0, %c0_i32 : i32, i32
  }
  func.func @transform_1(%arg0: i32) -> (i32, i32) {
    %c0_i32 = arith.constant 0 : i32
    %c0_i32_0 = arith.constant 0 : i32
    %c0_i32_1 = arith.constant 0 : i32
    return %c0_i32, %c0_i32_0 : i32, i32
  }
  func.func @transform_2(%arg0: i32) -> (i32, i32) {
    %c0_i32 = arith.constant 0 : i32
    %c0_i32_0 = arith.constant 0 : i32
    %c0_i32_1 = arith.constant 0 : i32
    return %c0_i32, %c0_i32_0 : i32, i32
  }
  func.func @transform_3(%arg0: i32) -> (i32, i32) {
    %c0_i32 = arith.constant 0 : i32
    %c0_i32_0 = arith.constant 0 : i32
    %c0_i32_1 = arith.constant 0 : i32
    return %c0_i32, %c0_i32_0 : i32, i32
  }
  func.func @transform_4(%arg0: i32) -> (i32, i32) {
    %c0_i32 = arith.constant 0 : i32
    %c0_i32_0 = arith.constant 0 : i32
    %c0_i32_1 = arith.constant 0 : i32
    return %c0_i32, %c0_i32_0 : i32, i32
  }
  func.func @transform_5(%arg0: i32) -> (i32, i32) {
    %c0_i32 = arith.constant 0 : i32
    %c0_i32_0 = arith.constant 0 : i32
    return %arg0, %c0_i32 : i32, i32
  }
}

module attributes {stable_mosaic.version = 14 : i64} {
  func.func @_interp_body(%arg0: i32, %arg1: memref<1024x128xf32, #tpu.memory_space<vmem>>, %arg2: memref<1024x128xf32, #tpu.memory_space<vmem>>, %arg3: memref<1024x128xf32, #tpu.memory_space<vmem>>, %arg4: memref<1024x3xf32, #tpu.memory_space<vmem>>, %arg5: memref<1024x128xf32, #tpu.memory_space<vmem>>) attributes {dimension_semantics = [#tpu.dimension_semantics<arbitrary>], iteration_bounds = array<i64: 8>, scalar_prefetch = 0 : i64, scratch_operands = 0 : i64, tpu.core_type = #tpu.core_type<tc>, window_params = [{transform_indices = @transform_0, window_bounds = array<i64: 1024, 128>}, {transform_indices = @transform_1, window_bounds = array<i64: 1024, 128>}, {transform_indices = @transform_2, window_bounds = array<i64: 1024, 128>}, {transform_indices = @transform_3, window_bounds = array<i64: 1024, 3>}, {transform_indices = @transform_4, window_bounds = array<i64: 1024, 128>}]} {
    %get3A = arith.constant 0 : index
    %get3A_0 = arith.constant 0 : index
    %get3A_1 = vector.load %arg4[%get3A, %get3A_0] : memref<1024x3xf32, #tpu.memory_space<vmem>>, vector<1024x3xf32>
    %max3A = arith.constant 1.000000e-16 : f32
    %max3A_2 = vector.broadcast %max3A : f32 to vector<1024x3xf32>
    %max3A_3 = arith.maximumf %get3A_1, %max3A_2 : vector<1024x3xf32>
    %div3A = arith.constant 1.000000e+00 : f32
    %div3A_4 = vector.broadcast %div3A : f32 to vector<1024x3xf32>
    %div3A_5 = arith.divf %div3A_4, %max3A_3 : vector<1024x3xf32>
    %reduce_sum3A = arith.constant dense<0.000000e+00> : vector<1024xf32>
    %reduce_sum3A_6 = vector.multi_reduction <add>, %div3A_5, %reduce_sum3A [1] : vector<1024x3xf32> to vector<1024xf32>
    %broadcast_in_dim3A = vector.shape_cast %reduce_sum3A_6 : vector<1024xf32> to vector<1024x1xf32>
    %get3A_7 = arith.constant 0 : index
    %get3A_8 = arith.constant 0 : index
    %get3A_9 = vector.load %arg1[%get3A_7, %get3A_8] : memref<1024x128xf32, #tpu.memory_space<vmem>>, vector<1024x128xf32>
    %slice3A = vector.extract_strided_slice %div3A_5 {offsets = [0, 0], sizes = [1024, 1], strides = [1, 1]} : vector<1024x3xf32> to vector<1024x1xf32>
    %mul3A = vector.broadcast %slice3A : vector<1024x1xf32> to vector<1024x128xf32>
    %mul3A_10 = arith.mulf %get3A_9, %mul3A : vector<1024x128xf32>
    %get3A_11 = arith.constant 0 : index
    %get3A_12 = arith.constant 0 : index
    %get3A_13 = vector.load %arg2[%get3A_11, %get3A_12] : memref<1024x128xf32, #tpu.memory_space<vmem>>, vector<1024x128xf32>
    %slice3A_14 = vector.extract_strided_slice %div3A_5 {offsets = [0, 1], sizes = [1024, 1], strides = [1, 1]} : vector<1024x3xf32> to vector<1024x1xf32>
    %mul3A_15 = vector.broadcast %slice3A_14 : vector<1024x1xf32> to vector<1024x128xf32>
    %mul3A_16 = arith.mulf %get3A_13, %mul3A_15 : vector<1024x128xf32>
    %add3A = arith.addf %mul3A_10, %mul3A_16 : vector<1024x128xf32>
    %get3A_17 = arith.constant 0 : index
    %get3A_18 = arith.constant 0 : index
    %get3A_19 = vector.load %arg3[%get3A_17, %get3A_18] : memref<1024x128xf32, #tpu.memory_space<vmem>>, vector<1024x128xf32>
    %slice3A_20 = vector.extract_strided_slice %div3A_5 {offsets = [0, 2], sizes = [1024, 1], strides = [1, 1]} : vector<1024x3xf32> to vector<1024x1xf32>
    %mul3A_21 = vector.broadcast %slice3A_20 : vector<1024x1xf32> to vector<1024x128xf32>
    %mul3A_22 = arith.mulf %get3A_19, %mul3A_21 : vector<1024x128xf32>
    %add3A_23 = arith.addf %add3A, %mul3A_22 : vector<1024x128xf32>
    %div3A_24 = vector.broadcast %broadcast_in_dim3A : vector<1024x1xf32> to vector<1024x128xf32>
    %div3A_25 = arith.divf %add3A_23, %div3A_24 : vector<1024x128xf32>
    %swap3A = arith.constant 0 : index
    %swap3A_26 = arith.constant 0 : index
    %swap3A_27 = vector.load %arg5[%swap3A, %swap3A_26] : memref<1024x128xf32, #tpu.memory_space<vmem>>, vector<1024x128xf32>
    tpu.vector_store %arg5[%swap3A, %swap3A_26], %div3A_25 {strides = array<i32>} : memref<1024x128xf32, #tpu.memory_space<vmem>>, vector<1024x128xf32>,
    return
  }
  func.func @transform_0(%arg0: i32) -> (i32, i32) {
    %c0_i32 = arith.constant 0 : i32
    %c0_i32_0 = arith.constant 0 : i32
    return %arg0, %c0_i32 : i32, i32
  }
  func.func @transform_1(%arg0: i32) -> (i32, i32) {
    %add3A = arith.constant 8 : i32
    %add3A_0 = arith.addi %arg0, %add3A : i32
    %c0_i32 = arith.constant 0 : i32
    %c0_i32_1 = arith.constant 0 : i32
    return %add3A_0, %c0_i32 : i32, i32
  }
  func.func @transform_2(%arg0: i32) -> (i32, i32) {
    %add3A = arith.constant 16 : i32
    %add3A_0 = arith.addi %arg0, %add3A : i32
    %c0_i32 = arith.constant 0 : i32
    %c0_i32_1 = arith.constant 0 : i32
    return %add3A_0, %c0_i32 : i32, i32
  }
  func.func @transform_3(%arg0: i32) -> (i32, i32) {
    %c0_i32 = arith.constant 0 : i32
    %c0_i32_0 = arith.constant 0 : i32
    return %arg0, %c0_i32 : i32, i32
  }
  func.func @transform_4(%arg0: i32) -> (i32, i32) {
    %c0_i32 = arith.constant 0 : i32
    %c0_i32_0 = arith.constant 0 : i32
    return %arg0, %c0_i32 : i32, i32
  }
}

module attributes {stable_mosaic.version = 14 : i64} {
  func.func @_fused_mlp_body(%arg0: i32, %arg1: memref<1024x131xf32, #tpu.memory_space<vmem>>, %arg2: memref<131x128xf32, #tpu.memory_space<vmem>>, %arg3: memref<1x128xf32, #tpu.memory_space<vmem>>, %arg4: memref<128x128xf32, #tpu.memory_space<vmem>>, %arg5: memref<1x128xf32, #tpu.memory_space<vmem>>, %arg6: memref<128x128xf32, #tpu.memory_space<vmem>>, %arg7: memref<1x128xf32, #tpu.memory_space<vmem>>, %arg8: memref<1024x128xf32, #tpu.memory_space<vmem>>) attributes {dimension_semantics = [#tpu.dimension_semantics<arbitrary>], iteration_bounds = array<i64: 8>, scalar_prefetch = 0 : i64, scratch_operands = 0 : i64, tpu.core_type = #tpu.core_type<tc>, window_params = [{transform_indices = @transform_0, window_bounds = array<i64: 1024, 131>}, {pipeline_mode = #tpu.pipeline_mode<synchronous>, transform_indices = @transform_1, window_bounds = array<i64: 131, 128>}, {pipeline_mode = #tpu.pipeline_mode<synchronous>, transform_indices = @transform_2, window_bounds = array<i64: 1, 128>}, {pipeline_mode = #tpu.pipeline_mode<synchronous>, transform_indices = @transform_3, window_bounds = array<i64: 128, 128>}, {pipeline_mode = #tpu.pipeline_mode<synchronous>, transform_indices = @transform_4, window_bounds = array<i64: 1, 128>}, {pipeline_mode = #tpu.pipeline_mode<synchronous>, transform_indices = @transform_5, window_bounds = array<i64: 128, 128>}, {pipeline_mode = #tpu.pipeline_mode<synchronous>, transform_indices = @transform_6, window_bounds = array<i64: 1, 128>}, {transform_indices = @transform_7, window_bounds = array<i64: 1024, 128>}]} {
    %get3A = arith.constant 0 : index
    %get3A_0 = arith.constant 0 : index
    %get3A_1 = vector.load %arg1[%get3A, %get3A_0] : memref<1024x131xf32, #tpu.memory_space<vmem>>, vector<1024x131xf32>
    %get3A_2 = arith.constant 0 : index
    %get3A_3 = arith.constant 0 : index
    %get3A_4 = vector.load %arg2[%get3A_2, %get3A_3] : memref<131x128xf32, #tpu.memory_space<vmem>>, vector<131x128xf32>
    %get3A_5 = arith.constant 0 : index
    %get3A_6 = arith.constant 0 : index
    %get3A_7 = vector.load %arg3[%get3A_5, %get3A_6] : memref<1x128xf32, #tpu.memory_space<vmem>>, vector<1x128xf32>
    %dot_general3A = arith.constant dense<0.000000e+00> : vector<1024x128xf32>
    %dot_general3A_8 = tpu.matmul %get3A_1, %get3A_4, %dot_general3A {dimension_numbers = #tpu.dot_dimension_numbers<[1], [0], [0], [1], [0, 0, 1, 1], [], []>, transpose_lhs_hint = false} : vector<1024x131xf32>, vector<131x128xf32>, vector<1024x128xf32> -> vector<1024x128xf32>
    %add3A = vector.broadcast %get3A_7 : vector<1x128xf32> to vector<1024x128xf32>
    %add3A_9 = arith.addf %dot_general3A_8, %add3A : vector<1024x128xf32>
    %mul3A = arith.constant 0.999994993 : f32
    %mul3A_10 = vector.broadcast %mul3A : f32 to vector<1024x128xf32>
    %mul3A_11 = arith.mulf %add3A_9, %mul3A_10 : vector<1024x128xf32>
    %max3A = arith.constant 0.000000e+00 : f32
    %max3A_12 = vector.broadcast %max3A : f32 to vector<1024x128xf32>
    %max3A_13 = arith.maximumf %mul3A_11, %max3A_12 : vector<1024x128xf32>
    %get3A_14 = arith.constant 0 : index
    %get3A_15 = arith.constant 0 : index
    %get3A_16 = vector.load %arg4[%get3A_14, %get3A_15] : memref<128x128xf32, #tpu.memory_space<vmem>>, vector<128x128xf32>
    %get3A_17 = arith.constant 0 : index
    %get3A_18 = arith.constant 0 : index
    %get3A_19 = vector.load %arg5[%get3A_17, %get3A_18] : memref<1x128xf32, #tpu.memory_space<vmem>>, vector<1x128xf32>
    %dot_general3A_20 = arith.constant dense<0.000000e+00> : vector<1024x128xf32>
    %dot_general3A_21 = tpu.matmul %max3A_13, %get3A_16, %dot_general3A_20 {dimension_numbers = #tpu.dot_dimension_numbers<[1], [0], [0], [1], [0, 0, 1, 1], [], []>, transpose_lhs_hint = false} : vector<1024x128xf32>, vector<128x128xf32>, vector<1024x128xf32> -> vector<1024x128xf32>
    %add3A_22 = vector.broadcast %get3A_19 : vector<1x128xf32> to vector<1024x128xf32>
    %add3A_23 = arith.addf %dot_general3A_21, %add3A_22 : vector<1024x128xf32>
    %mul3A_24 = arith.constant 0.999994993 : f32
    %mul3A_25 = vector.broadcast %mul3A_24 : f32 to vector<1024x128xf32>
    %mul3A_26 = arith.mulf %add3A_23, %mul3A_25 : vector<1024x128xf32>
    %max3A_27 = arith.constant 0.000000e+00 : f32
    %max3A_28 = vector.broadcast %max3A_27 : f32 to vector<1024x128xf32>
    %max3A_29 = arith.maximumf %mul3A_26, %max3A_28 : vector<1024x128xf32>
    %get3A_30 = arith.constant 0 : index
    %get3A_31 = arith.constant 0 : index
    %get3A_32 = vector.load %arg6[%get3A_30, %get3A_31] : memref<128x128xf32, #tpu.memory_space<vmem>>, vector<128x128xf32>
    %get3A_33 = arith.constant 0 : index
    %get3A_34 = arith.constant 0 : index
    %get3A_35 = vector.load %arg7[%get3A_33, %get3A_34] : memref<1x128xf32, #tpu.memory_space<vmem>>, vector<1x128xf32>
    %dot_general3A_36 = arith.constant dense<0.000000e+00> : vector<1024x128xf32>
    %dot_general3A_37 = tpu.matmul %max3A_29, %get3A_32, %dot_general3A_36 {dimension_numbers = #tpu.dot_dimension_numbers<[1], [0], [0], [1], [0, 0, 1, 1], [], []>, transpose_lhs_hint = false} : vector<1024x128xf32>, vector<128x128xf32>, vector<1024x128xf32> -> vector<1024x128xf32>
    %add3A_38 = vector.broadcast %get3A_35 : vector<1x128xf32> to vector<1024x128xf32>
    %add3A_39 = arith.addf %dot_general3A_37, %add3A_38 : vector<1024x128xf32>
    %swap3A = arith.constant 0 : index
    %swap3A_40 = arith.constant 0 : index
    %swap3A_41 = vector.load %arg8[%swap3A, %swap3A_40] : memref<1024x128xf32, #tpu.memory_space<vmem>>, vector<1024x128xf32>
    tpu.vector_store %arg8[%swap3A, %swap3A_40], %add3A_39 {strides = array<i32>} : memref<1024x128xf32, #tpu.memory_space<vmem>>, vector<1024x128xf32>,
    return
  }
  func.func @transform_0(%arg0: i32) -> (i32, i32) {
    %c0_i32 = arith.constant 0 : i32
    %c0_i32_0 = arith.constant 0 : i32
    return %arg0, %c0_i32 : i32, i32
  }
  func.func @transform_1(%arg0: i32) -> (i32, i32) {
    %c0_i32 = arith.constant 0 : i32
    %c0_i32_0 = arith.constant 0 : i32
    %c0_i32_1 = arith.constant 0 : i32
    return %c0_i32, %c0_i32_0 : i32, i32
  }
  func.func @transform_2(%arg0: i32) -> (i32, i32) {
    %c0_i32 = arith.constant 0 : i32
    %c0_i32_0 = arith.constant 0 : i32
    %c0_i32_1 = arith.constant 0 : i32
    return %c0_i32, %c0_i32_0 : i32, i32
  }
  func.func @transform_3(%arg0: i32) -> (i32, i32) {
    %c0_i32 = arith.constant 0 : i32
    %c0_i32_0 = arith.constant 0 : i32
    %c0_i32_1 = arith.constant 0 : i32
    return %c0_i32, %c0_i32_0 : i32, i32
  }
  func.func @transform_4(%arg0: i32) -> (i32, i32) {
    %c0_i32 = arith.constant 0 : i32
    %c0_i32_0 = arith.constant 0 : i32
    %c0_i32_1 = arith.constant 0 : i32
    return %c0_i32, %c0_i32_0 : i32, i32
  }
  func.func @transform_5(%arg0: i32) -> (i32, i32) {
    %c0_i32 = arith.constant 0 : i32
    %c0_i32_0 = arith.constant 0 : i32
    %c0_i32_1 = arith.constant 0 : i32
    return %c0_i32, %c0_i32_0 : i32, i32
  }
  func.func @transform_6(%arg0: i32) -> (i32, i32) {
    %c0_i32 = arith.constant 0 : i32
    %c0_i32_0 = arith.constant 0 : i32
    %c0_i32_1 = arith.constant 0 : i32
    return %c0_i32, %c0_i32_0 : i32, i32
  }
  func.func @transform_7(%arg0: i32) -> (i32, i32) {
    %c0_i32 = arith.constant 0 : i32
    %c0_i32_0 = arith.constant 0 : i32
    return %arg0, %c0_i32 : i32, i32
  }
}

module attributes {stable_mosaic.version = 14 : i64} {
  func.func @_fused_mlp_body(%arg0: i32, %arg1: memref<1024x128xf32, #tpu.memory_space<vmem>>, %arg2: memref<128x128xf32, #tpu.memory_space<vmem>>, %arg3: memref<1x128xf32, #tpu.memory_space<vmem>>, %arg4: memref<128x128xf32, #tpu.memory_space<vmem>>, %arg5: memref<1x128xf32, #tpu.memory_space<vmem>>, %arg6: memref<128x13xf32, #tpu.memory_space<vmem>>, %arg7: memref<1x13xf32, #tpu.memory_space<vmem>>, %arg8: memref<1024x13xf32, #tpu.memory_space<vmem>>) attributes {dimension_semantics = [#tpu.dimension_semantics<arbitrary>], iteration_bounds = array<i64: 8>, scalar_prefetch = 0 : i64, scratch_operands = 0 : i64, tpu.core_type = #tpu.core_type<tc>, window_params = [{transform_indices = @transform_0, window_bounds = array<i64: 1024, 128>}, {pipeline_mode = #tpu.pipeline_mode<synchronous>, transform_indices = @transform_1, window_bounds = array<i64: 128, 128>}, {pipeline_mode = #tpu.pipeline_mode<synchronous>, transform_indices = @transform_2, window_bounds = array<i64: 1, 128>}, {pipeline_mode = #tpu.pipeline_mode<synchronous>, transform_indices = @transform_3, window_bounds = array<i64: 128, 128>}, {pipeline_mode = #tpu.pipeline_mode<synchronous>, transform_indices = @transform_4, window_bounds = array<i64: 1, 128>}, {pipeline_mode = #tpu.pipeline_mode<synchronous>, transform_indices = @transform_5, window_bounds = array<i64: 128, 13>}, {pipeline_mode = #tpu.pipeline_mode<synchronous>, transform_indices = @transform_6, window_bounds = array<i64: 1, 13>}, {transform_indices = @transform_7, window_bounds = array<i64: 1024, 13>}]} {
    %get3A = arith.constant 0 : index
    %get3A_0 = arith.constant 0 : index
    %get3A_1 = vector.load %arg1[%get3A, %get3A_0] : memref<1024x128xf32, #tpu.memory_space<vmem>>, vector<1024x128xf32>
    %get3A_2 = arith.constant 0 : index
    %get3A_3 = arith.constant 0 : index
    %get3A_4 = vector.load %arg2[%get3A_2, %get3A_3] : memref<128x128xf32, #tpu.memory_space<vmem>>, vector<128x128xf32>
    %get3A_5 = arith.constant 0 : index
    %get3A_6 = arith.constant 0 : index
    %get3A_7 = vector.load %arg3[%get3A_5, %get3A_6] : memref<1x128xf32, #tpu.memory_space<vmem>>, vector<1x128xf32>
    %dot_general3A = arith.constant dense<0.000000e+00> : vector<1024x128xf32>
    %dot_general3A_8 = tpu.matmul %get3A_1, %get3A_4, %dot_general3A {dimension_numbers = #tpu.dot_dimension_numbers<[1], [0], [0], [1], [0, 0, 1, 1], [], []>, transpose_lhs_hint = false} : vector<1024x128xf32>, vector<128x128xf32>, vector<1024x128xf32> -> vector<1024x128xf32>
    %add3A = vector.broadcast %get3A_7 : vector<1x128xf32> to vector<1024x128xf32>
    %add3A_9 = arith.addf %dot_general3A_8, %add3A : vector<1024x128xf32>
    %mul3A = arith.constant 0.999994993 : f32
    %mul3A_10 = vector.broadcast %mul3A : f32 to vector<1024x128xf32>
    %mul3A_11 = arith.mulf %add3A_9, %mul3A_10 : vector<1024x128xf32>
    %max3A = arith.constant 0.000000e+00 : f32
    %max3A_12 = vector.broadcast %max3A : f32 to vector<1024x128xf32>
    %max3A_13 = arith.maximumf %mul3A_11, %max3A_12 : vector<1024x128xf32>
    %get3A_14 = arith.constant 0 : index
    %get3A_15 = arith.constant 0 : index
    %get3A_16 = vector.load %arg4[%get3A_14, %get3A_15] : memref<128x128xf32, #tpu.memory_space<vmem>>, vector<128x128xf32>
    %get3A_17 = arith.constant 0 : index
    %get3A_18 = arith.constant 0 : index
    %get3A_19 = vector.load %arg5[%get3A_17, %get3A_18] : memref<1x128xf32, #tpu.memory_space<vmem>>, vector<1x128xf32>
    %dot_general3A_20 = arith.constant dense<0.000000e+00> : vector<1024x128xf32>
    %dot_general3A_21 = tpu.matmul %max3A_13, %get3A_16, %dot_general3A_20 {dimension_numbers = #tpu.dot_dimension_numbers<[1], [0], [0], [1], [0, 0, 1, 1], [], []>, transpose_lhs_hint = false} : vector<1024x128xf32>, vector<128x128xf32>, vector<1024x128xf32> -> vector<1024x128xf32>
    %add3A_22 = vector.broadcast %get3A_19 : vector<1x128xf32> to vector<1024x128xf32>
    %add3A_23 = arith.addf %dot_general3A_21, %add3A_22 : vector<1024x128xf32>
    %mul3A_24 = arith.constant 0.999994993 : f32
    %mul3A_25 = vector.broadcast %mul3A_24 : f32 to vector<1024x128xf32>
    %mul3A_26 = arith.mulf %add3A_23, %mul3A_25 : vector<1024x128xf32>
    %max3A_27 = arith.constant 0.000000e+00 : f32
    %max3A_28 = vector.broadcast %max3A_27 : f32 to vector<1024x128xf32>
    %max3A_29 = arith.maximumf %mul3A_26, %max3A_28 : vector<1024x128xf32>
    %get3A_30 = arith.constant 0 : index
    %get3A_31 = arith.constant 0 : index
    %get3A_32 = vector.load %arg6[%get3A_30, %get3A_31] : memref<128x13xf32, #tpu.memory_space<vmem>>, vector<128x13xf32>
    %get3A_33 = arith.constant 0 : index
    %get3A_34 = arith.constant 0 : index
    %get3A_35 = vector.load %arg7[%get3A_33, %get3A_34] : memref<1x13xf32, #tpu.memory_space<vmem>>, vector<1x13xf32>
    %dot_general3A_36 = arith.constant dense<0.000000e+00> : vector<1024x13xf32>
    %dot_general3A_37 = tpu.matmul %max3A_29, %get3A_32, %dot_general3A_36 {dimension_numbers = #tpu.dot_dimension_numbers<[1], [0], [0], [1], [0, 0, 1, 1], [], []>, transpose_lhs_hint = false} : vector<1024x128xf32>, vector<128x13xf32>, vector<1024x13xf32> -> vector<1024x13xf32>
    %add3A_38 = vector.broadcast %get3A_35 : vector<1x13xf32> to vector<1024x13xf32>
    %add3A_39 = arith.addf %dot_general3A_37, %add3A_38 : vector<1024x13xf32>
    %reduce_max3A = arith.constant dense<0xFF800000> : vector<1024xf32>
    %reduce_max3A_40 = vector.multi_reduction <maximumf>, %add3A_39, %reduce_max3A [1] : vector<1024x13xf32> to vector<1024xf32>
    %broadcast_in_dim3A = vector.shape_cast %reduce_max3A_40 : vector<1024xf32> to vector<1024x1xf32>
    %sub3A = vector.broadcast %broadcast_in_dim3A : vector<1024x1xf32> to vector<1024x13xf32>
    %sub3A_41 = arith.subf %add3A_39, %sub3A : vector<1024x13xf32>
    %exp3A = math.exp %sub3A_41 : vector<1024x13xf32>
    %reduce_sum3A = arith.constant dense<0.000000e+00> : vector<1024xf32>
    %reduce_sum3A_42 = vector.multi_reduction <add>, %exp3A, %reduce_sum3A [1] : vector<1024x13xf32> to vector<1024xf32>
    %broadcast_in_dim3A_43 = vector.shape_cast %reduce_sum3A_42 : vector<1024xf32> to vector<1024x1xf32>
    %log3A = math.log %broadcast_in_dim3A_43 : vector<1024x1xf32>
    %sub3A_44 = vector.broadcast %log3A : vector<1024x1xf32> to vector<1024x13xf32>
    %sub3A_45 = arith.subf %sub3A_41, %sub3A_44 : vector<1024x13xf32>
    %swap3A = arith.constant 0 : index
    %swap3A_46 = arith.constant 0 : index
    %swap3A_47 = vector.load %arg8[%swap3A, %swap3A_46] : memref<1024x13xf32, #tpu.memory_space<vmem>>, vector<1024x13xf32>
    tpu.vector_store %arg8[%swap3A, %swap3A_46], %sub3A_45 {strides = array<i32>} : memref<1024x13xf32, #tpu.memory_space<vmem>>, vector<1024x13xf32>,
    return
  }
  func.func @transform_0(%arg0: i32) -> (i32, i32) {
    %c0_i32 = arith.constant 0 : i32
    %c0_i32_0 = arith.constant 0 : i32
    return %arg0, %c0_i32 : i32, i32
  }
  func.func @transform_1(%arg0: i32) -> (i32, i32) {
    %c0_i32 = arith.constant 0 : i32
    %c0_i32_0 = arith.constant 0 : i32
    %c0_i32_1 = arith.constant 0 : i32
    return %c0_i32, %c0_i32_0 : i32, i32
  }
  func.func @transform_2(%arg0: i32) -> (i32, i32) {
    %c0_i32 = arith.constant 0 : i32
    %c0_i32_0 = arith.constant 0 : i32
    %c0_i32_1 = arith.constant 0 : i32
    return %c0_i32, %c0_i32_0 : i32, i32
  }
  func.func @transform_3(%arg0: i32) -> (i32, i32) {
    %c0_i32 = arith.constant 0 : i32
    %c0_i32_0 = arith.constant 0 : i32
    %c0_i32_1 = arith.constant 0 : i32
    return %c0_i32, %c0_i32_0 : i32, i32
  }
  func.func @transform_4(%arg0: i32) -> (i32, i32) {
    %c0_i32 = arith.constant 0 : i32
    %c0_i32_0 = arith.constant 0 : i32
    %c0_i32_1 = arith.constant 0 : i32
    return %c0_i32, %c0_i32_0 : i32, i32
  }
  func.func @transform_5(%arg0: i32) -> (i32, i32) {
    %c0_i32 = arith.constant 0 : i32
    %c0_i32_0 = arith.constant 0 : i32
    %c0_i32_1 = arith.constant 0 : i32
    return %c0_i32, %c0_i32_0 : i32, i32
  }
  func.func @transform_6(%arg0: i32) -> (i32, i32) {
    %c0_i32 = arith.constant 0 : i32
    %c0_i32_0 = arith.constant 0 : i32
    %c0_i32_1 = arith.constant 0 : i32
    return %c0_i32, %c0_i32_0 : i32, i32
  }
  func.func @transform_7(%arg0: i32) -> (i32, i32) {
    %c0_i32 = arith.constant 0 : i32
    %c0_i32_0 = arith.constant 0 : i32
    return %arg0, %c0_i32 : i32, i32
  }
}

</mosaic_0001>

<sc_bundles>
// kernel: kernel.16.cloned.1.call-start
scs
__scs_entry_jumppad:
0x0: {  	(pc) =	sbr.rel $0x88, $3  }
0x1: {  	(tag) =	ssettag $0x0;
	lr =	simm.s32 $0x1  }
0x2: {  	[smem:$0x3F79] =	sst lr;
	_ =	strace $0xD0000000  }
0x3: {  	_ = 	snop  }
0x4: {  	_ = 	snop  }
0x5: {  	_ = 	snop  }
0x6: {  	_ = 	snop  }
0x7: {  	_ = 	snop  }
__scs_overlays_trampoline_lowered:
0x8: {  	[smem:$0x3F88] =	sst s0  }
0x9: {  	[smem:$0x3F89] =	sst s1  }
0xa: {  	[smem:$0x3F8A] =	sst s2  }
0xb: {  	[smem:$0x3F8B] =	sst s3  }
0xc: {  	[smem:$0x3F8C] =	sst s4  }
0xd: {  	[smem:$0x3F8D] =	sst s5  }
0xe: {  	[smem:$0x3F8E] =	sst s6  }
0xf: {  	[smem:$0x3F8F] =	sst s7  }
0x10: {  	[smem:$0x3F90] =	sst s8  }
0x11: {  	[smem:$0x3F91] =	sst s9;
	s0 =	simm.s32 @!p0 $0x0  }
0x12: {  	s1 =	sld [smem:$0x3F77];
	s0 =	simm.s32 @p0 $0x1  }
0x13: {  	[smem:$0x3F92] =	sst s0;
	s0 =	simm.s32 @!p1 $0x0  }
0x14: {  	s2 =	sld [smem:$0x3F76];
	s0 =	simm.s32 @p1 $0x1  }
0x15: {  	[smem:$0x3F93] =	sst s0;
	s0 =	simm.s32 @!p2 $0x0  }
0x16: {  	s3 =	sld [smem:$0x3FDB];
	s0 =	simm.s32 @p2 $0x1  }
0x17: {  	s4 =	simm.s32 $0x1BF5;
	[smem:$0x3F95] =	sst s0  }
0x18: {  	s0 =	sld [smem:$0x3F78];
	_ =	swait.ge [sflag:s4], $0x0  }
0x19: {  	s7 =	sld [smem:$0x3F79]  }
0x1a: {  	s8 =	sadd.s32 $0xFFFFE003, lr  }
0x1b: {  	s9 =	sadd.s32 $0xFFFFFEF7, lr;
	s5 =	simm.s32 $0xFFFFFFFF;
	p2 =	slt.u32 s8, $0xFFFFF086  }
0x1c: {  	p1 =	slt.u32 s9, $0xF7A;
	s5 =	simm.s32 @!p2 $0x0  }
0x1d: {  	s5 =	simm.s32 @p1 $0x1;
	p0 =	seq.s32 s7, s2  }
0x1e: {  	s7 =	smul.u32 @!p0 $0xF7A, s2;
	p2 =	seq.s32 @!p0 s5, $0x0  }
0x1f: {  	s9 =	smul.u32 $0xF7A, s1;
	s8 =	simm.s32 @!p0 $0x1BF5;
	p2 =	por !p2, p0  }
0x20: {  	[sflag:s8] =	ssyncset.s32 @!p0 $0xFFFFF086;
	s6 =	sadd.s32 @!p0 s3, s7;
	s7 =	simm.s32 @!p0 $0x108  }
0x21: {  	s3 =	sadd.s32 s3, s9;
	s6 =	sadd.s32 @!p0 $0x88, s6;
	s7 =	simm.s32 @p2 $0x1082  }
0x22: {  	[simem:s7], [sflag:s8] =	dma.local @!p0 [hbm:s6], $0xF7A  }
0x23: {  	s9 =	sor.u32 $0xD0000000, s2;
	s6 =	simm.s32 $0x108;
	_ =	swait.ge @!p0 [sflag:s8], $0x0  }
0x24: {  	s3 =	sadd.s32 $0x88, s3;
	s6 =	simm.s32 @!p1 $0x1082;
	[sflag:s4] =	ssyncset.s32 $0xFFFFF086  }
0x25: {  	[simem:s6], [sflag:s4] =	dma.local [hbm:s3], $0xF7A  }
0x26: {  	[smem:$0x3F79] =	sst s1;
	(tag) =	ssettag s2;
	_ =	strace s9  }
0x27: {  	s1 =	sld [smem:$0x3F89]  }
0x28: {  	s2 =	sld [smem:$0x3F8A]  }
0x29: {  	s4 =	sld [smem:$0x3F8C]  }
0x2a: {  	p0 =	seq.s32 s5, $0x0;
	s5 =	sld [smem:$0x3F8D]  }
0x2b: {  	s6 =	sld [smem:$0x3F8E]  }
0x2c: {  	s7 =	sld [smem:$0x3F8F]  }
0x2d: {  	s3 =	simm.s32 $0x108;
	s8 =	sld [smem:$0x3F90]  }
0x2e: {  	s3 =	simm.s32 @!p0 $0x1082;
	s9 =	sld [smem:$0x3F91]  }
0x2f: {  	lr =	sadd.s32 s0, s3;
	s0 =	sld [smem:$0x3F88]  }
0x30: {  	s3 =	sld [smem:$0x3F8B]  }
0x31: {  	[smem:$0x3F94] =	sst s10  }
0x32: {  	s10 =	sld [smem:$0x3F92];
	_ =	sdelay $0x3  }
0x33: {  	p0 =	seq.s32 s10, $0x1;
	s10 =	sld [smem:$0x3F94];
	_ =	sdelay $0x3  }
0x34: {  	[smem:$0x3F94] =	sst s10  }
0x35: {  	s10 =	sld [smem:$0x3F93];
	_ =	sdelay $0x3  }
0x36: {  	p1 =	seq.s32 s10, $0x1;
	s10 =	sld [smem:$0x3F94];
	_ =	sdelay $0x3  }
0x37: {  	[smem:$0x3F94] =	sst s10  }
0x38: {  	s10 =	sld [smem:$0x3F95]  }
0x39: {  	_ = 	snop;
	(pc) =	sbr.ind lr, $3  }
0x3a: {  	_ = 	snop  }
0x3b: {  	_ = 	snop  }
0x3c: {  	p2 =	seq.s32 s10, $0x1;
	s10 =	sld [smem:$0x3F94]  }
0x3d: {  	_ =	shalt  }
0x3e: {  	_ =	shalt  }
0x3f: {  	_ =	shalt  }
0x40: {  	_ =	shalt  }
0x41: {  	_ =	shalt  }
0x42: {  	_ =	shalt  }
0x43: {  	_ =	shalt  }
0x44: {  	_ =	shalt  }
0x45: {  	_ =	shalt  }
0x46: {  	_ =	shalt  }
0x47: {  	_ =	shalt  }
0x48: {  	_ =	shalt  }
0x49: {  	_ =	shalt  }
0x4a: {  	_ =	shalt  }
0x4b: {  	_ =	shalt  }
0x4c: {  	_ =	shalt  }
0x4d: {  	_ =	shalt  }
0x4e: {  	_ =	shalt  }
0x4f: {  	_ =	shalt  }
0x50: {  	_ =	shalt  }
0x51: {  	_ =	shalt  }
0x52: {  	_ =	shalt  }
0x53: {  	_ =	shalt  }
0x54: {  	_ =	shalt  }
0x55: {  	_ =	shalt  }
0x56: {  	_ =	shalt  }
0x57: {  	_ =	shalt  }
0x58: {  	_ =	shalt  }
0x59: {  	_ =	shalt  }
0x5a: {  	_ =	shalt  }
0x5b: {  	_ =	shalt  }
0x5c: {  	_ =	shalt  }
0x5d: {  	_ =	shalt  }
0x5e: {  	_ =	shalt  }
0x5f: {  	_ =	shalt  }
0x60: {  	_ =	shalt  }
0x61: {  	_ =	shalt  }
0x62: {  	_ =	shalt  }
0x63: {  	_ =	shalt  }
0x64: {  	_ =	shalt  }
0x65: {  	_ =	shalt  }
0x66: {  	_ =	shalt  }
0x67: {  	_ =	shalt  }
0x68: {  	_ =	shalt  }
0x69: {  	_ =	shalt  }
0x6a: {  	_ =	shalt  }
0x6b: {  	_ =	shalt  }
0x6c: {  	_ =	shalt  }
0x6d: {  	_ =	shalt  }
0x6e: {  	_ =	shalt  }
0x6f: {  	_ =	shalt  }
0x70: {  	_ =	shalt  }
0x71: {  	_ =	shalt  }
0x72: {  	_ =	shalt  }
0x73: {  	_ =	shalt  }
0x74: {  	_ =	shalt  }
0x75: {  	_ =	shalt  }
0x76: {  	_ =	shalt  }
0x77: {  	_ =	shalt  }
0x78: {  	_ =	shalt  }
0x79: {  	_ =	shalt  }
0x7a: {  	_ =	shalt  }
0x7b: {  	_ =	shalt  }
0x7c: {  	_ =	shalt  }
0x7d: {  	_ =	shalt  }
0x7e: {  	_ =	shalt  }
0x7f: {  	_ =	shalt  }
0x80: {  	_ =	shalt  }
0x81: {  	_ =	shalt  }
0x82: {  	_ =	shalt  }
0x83: {  	_ =	shalt  }
0x84: {  	_ =	shalt  }
0x85: {  	_ =	shalt  }
0x86: {  	_ =	shalt  }
0x87: {  	_ =	shalt  }
.Lfunc_end0:
.L_simem_size_0:
called_computation_lowered:
.L_overlay_start_0:
0x88: {  	s2 =	sld [smem:$0x3FD9]  }
0x89: {  	s3 =	sld [smem:$0x3FFE];
	_ =	sdelay $0x1  }
0x8a: {  	s1 =	srdreg.scid  }
0x8b: {  	s0 =	sand.u32 $0x1, s1  }
0x8c: {  	s17 =	sshll.u32 s0, $0xA;
	s2 =	sadd.s32 s3, s2  }
0x8d: {  	s2 =	sadd.s32 s2, s17  }
0x8e: {  	[smem:$0x3FA0] =	sst s2  }
0x8f: {  	_ = 	snop  }
0x90: {  	s2 =	sld [smem:$0x3FD0];
	(tm) =	ssettm $0x1  }
0x91: {  	s18 =	sld [smem:$0x3FFB];
	_ =	sdelay $0x3  }
0x92: {  	_ =	strace s18  }
0x93: {  	s3 =	sld [smem:$0x3FFC];
	_ =	sdelay $0x3  }
0x94: {  	_ =	strace s3  }
0x95: {  	s3 =	sld [smem:$0x3FFD];
	_ =	sdelay $0x3  }
0x96: {  	_ =	strace s3  }
0x97: {  	_ =	strace $0x8FFFFFFF  }
0x98: {  	s19 =	sld [smem:$0x3FDB];
	_ =	sdelay $0x1  }
0x99: {  	s4 =	simm.s32 $_scs_section_size  }
0x9a: {  	s5 =	simm.s32 $_size__tile_overlayer_lowered;
	s6 =	simm.s32 $_tile_overlayer_lowered  }
0x9b: {  	s22 =	simm.s32 $0x1BFF;
	s21 =	sshll.u32 s6, $0x1;
	s3 =	sadd.s32 s4, s19  }
0x9c: {  	s7 =	simm.s32 $0x0;
	s20 =	sshll.u32 s5, $0x1;
	s5 =	sadd.s32 s21, s3  }
0x9d: {  	[timem:s7], [sflag:s22] =	dma.local [hbm:s5], s20  }
0x9e: {  	_ =	swait.ge [sflag:s22], s20  }
0x9f: {  	s4 =	ssub.s32 $0x0, s20;
	[sflag:s22] =	ssyncset.done $0x0  }
0xa0: {  	[sflag:s22] =	ssyncadd.s32 s4;
	_ =	sdelay $0x1  }
0xa1: {  	s23 =	simm.s32 $0x1B8B  }
0xa2: {  	_ =	swait.ge [sflag:s23], $0x1  }
0xa3: {  	[sflag:s23] =	ssyncset.done $0x0  }
0xa4: {  	s25 =	simm.s32 $0x1B8E;
	s24 =	sld [smem:$0x3FFE];
	[sflag:s23] =	ssyncadd.s32 $0xFFFFFFFF  }
0xa5: {  	s26 =	simm.s32 $execute0_lowered;
	[smem:$0x3FD2] =	sst s25  }
0xa6: {  	s5 =	sshll.u32 s26, $0x1;
	_ =	strace $0x80000046;
	[dreg:$0x1] =	wrdreg $0xFFFFFFFF  }
0xa7: {  	s28 =	simm.s32 $_size_execute0_lowered;
	s3 =	sadd.s32 s3, s5;
	[dreg:$0x0] =	wrdreg $0x0  }
0xa8: {  	s5 =	sshll.u32 s28, $0x1;
	[dreg:$0x2] =	wrdreg s3  }
0xa9: {  	[dreg:$0x3] =	wrdreg s5  }
0xaa: {  	[dreg:$0x4] =	wrdreg $0xC0  }
0xab: {  	_ =	task [dreg:s7], $0x5FFFF  }
0xac: {  	[dreg:$0x1] =	wrdreg $0xFFFFFFFF  }
0xad: {  	[dreg:$0x0] =	wrdreg $0x60  }
0xae: {  	[dreg:$0x2] =	wrdreg s24  }
0xaf: {  	[dreg:$0x3] =	wrdreg s2  }
0xb0: {  	[dreg:$0x4] =	wrdreg $0x9  }
0xb1: {  	_ =	task.clear_ibuf [dreg:s7], $0x5FFFF;
	_ =	strace $0x90000046  }
0xb2: {  	s29 =	simm.s32 $0x9;
	_ =	strace $0x80000048  }
0xb3: {  	_ =	swait.ge [sflag:s29], $0x1  }
0xb4: {  	[sflag:s29] =	ssyncadd.s32 $0xFFFFFFFF  }
0xb5: {  	_ =	strace $0x90000048  }
0xb6: {  	_ =	sfence  }
0xb7: {  	s30 =	sld [smem:$0x0];
	_ =	sdelay $0x2  }
0xb8: {  	s31 =	sshll.u32 s1, $0xD;
	s1 =	sshrl.u32 s1, $0x2  }
0xb9: {  	s3 =	sand.u32 $0x4000, s31;
	s1 =	sadd.s32 s1, s30  }
0xba: {  	s0 =	sor.u32 s3, s0;
	s1 =	sshll.u32 s1, $0x11  }
0xbb: {  	s0 =	sor.u32 s1, s0  }
0xbc: {  	s0 =	sadd.s32 $0x8F2B, s0  }
0xbd: {  	[sflag:s0] =	ssyncadd.remote.s32 $0x1  }
0xbe: {  	_ =	sfence.sel $0xFFFF  }
0xbf: {  	[dreg:$0x0] =	wrdreg $0xFFFFFFFF;
	(pc) =	sbr.abs _section_cstart, $3  }
0xc0: {  	[dreg:$0x1] =	wrdreg $0xFFFFFFFF  }
0xc1: {  	_ =	task.clear_ibuf [dreg:s7], $0x2FFFF;
	_ =	strace $0x9FFFFFFF  }
0xc2: {  	(tm) =	ssettm $0x7FFFFFFF  }
0xc3: {  	_ =	shalt  }
tec
execute0_lowered:
.L_overlay_start_1:
0x0: {  	(tag) =	ssettag $0x1  }
0x1: {  	s1 =	rddreg [dreg:$0x0];
	s2 =	srdreg.scid  }
0x2: {  	s0 =	stileid.u32;
	s11 =	rddreg [dreg:$0x1]  }
0x3: {  	s15 =	simm.s32 $0x80;
	s16 =	simm.s32 $0x880;
	s28 =	simm.s32 $0x6080  }
0x4: {  	s29 =	simm.s32 $0x6880;
	s30 =	simm.s32 $0x7080;
	s31 =	simm.s32 $0x7880  }
0x5: {  	s4 =	sand.u32 $0x1, s2;
	s3 =	sshll.u32 s0, $0x1;
	s2 =	simm.s32 $0x0  }
0x6: {  	s5 =	sor.u32 s4, s3;
	[smem:$0x7FF] =	sst s2;
	s3 =	sadd.s32 $0x27200, s1  }
0x7: {  	s1 =	sadd.s32 $0x67200, s1;
	s4 =	ssub.s32 $0x2, s4;
	s10 =	smul.u32 $0x300, s5  }
0x8: {  	_ =	strace $0x80000047;
	s5 =	smul.u32 $0x6000, s5;
	s7 =	sshrl.u32 s4, $0x1  }
0x9: {  	s13 =	ssub.s32 s4, s7;
	s6 =	sshrl.u32 s10, $0x3;
	s8 =	sor.u32 $0x80, s10  }
0xa: {  	s5 =	sadd.s32 s1, s5;
	s20 =	sadd.s32 $0x100, s10;
	s23 =	sadd.s32 $0x180, s10  }
0xb: {  	s12 =	sadd.s32 $0x200, s10;
	s14 =	sadd.s32 $0x280, s10;
	s13 =	smax.u32 s13, $0x1  }
0xc: {  	s6 =	sadd.s32 s11, s6;
	s17 =	sshrl.u32 s8, $0x3;
	[dreg:$0x4] =	wrdreg s5  }
0xd: {  	s19 =	sshll.u32 s8, $0x5;
	s21 =	sshrl.u32 s20, $0x3;
	s22 =	sshll.u32 s20, $0x5  }
0xe: {  	s24 =	sshrl.u32 s23, $0x3;
	s9 =	sshll.u32 s23, $0x5;
	s25 =	sshrl.u32 s12, $0x3  }
0xf: {  	s12 =	sshll.u32 s12, $0x5;
	s26 =	sshrl.u32 s14, $0x3;
	s14 =	sshll.u32 s14, $0x5  }
0x10: {  	s20 =	simm.s32 $0x2880;
	s23 =	simm.s32 $0x4080;
	[dreg:$0x3] =	wrdreg s6  }
0x11: {  	s18 =	sadd.s32 s11, s17;
	s4 =	sadd.s32 s1, s19;
	s5 =	sadd.s32 s11, s21  }
0x12: {  	s6 =	sadd.s32 s1, s22;
	s7 =	sadd.s32 s11, s24;
	s8 =	sadd.s32 s1, s9  }
0x13: {  	s9 =	sadd.s32 s11, s25;
	s10 =	sadd.s32 s1, s12;
	s11 =	sadd.s32 s11, s26  }
0x14: {  	s12 =	sadd.s32 s1, s14;
	s14 =	simm.s32 $0x2;
	s17 =	simm.s32 $0x1080  }
0x15: {  	v2 =	vlaneseq.u32;
	s19 =	simm.s32 $0x2080;
	s21 =	simm.s32 $0x3080;
	s22 =	simm.s32 $0x3880  }
0x16: {  	vm0 =	vmmov $0xffff;
	v1 =	vshrl.u32 v2, $0x3;
	s24 =	simm.s32 $0x4880;
	s25 =	simm.s32 $0x5080;
	s26 =	simm.s32 $0x5880  }
0x17: {  	v0 =	vand.u32 $0x7, v2;
	v2 =	vor.u32 $0x8, v2;
	v1 =	vmul.u32 $0x8, v1;
	s1 =	simm.s32 $0x1;
	[dreg:$0x5] =	wrdreg s18;
	s18 =	simm.s32 $0x1880  }
.LBB2_1:
0x18: {  	s0 =	rddreg [dreg:$0x3]  }
0x19: {  	[tilespmem:s2], [sflag:$0x2] =	stream.linear.gather [hbm4b:s0+s2], $0x80, $0x38;
	[tilespmem:$0x8080] =	vst v63  }
0x1a: {  	_ =	swait.ge [sflag:s14], $0x80  }
0x1b: {  	[sflag:s14] =	ssyncset.done $0x0  }
0x1c: {  	[sflag:s14] =	ssyncadd.s32 $0xFFFFFF80  }
0x1d: {  	v3 =	vld [tilespmem:$0x0];
	_ =	sdelay $0x4  }
0x1e: {  	v4 =	vshll.u32 v3, $0x1  }
0x1f: {  	v3 =	vand.u32 $0x7, v3;
	v4 =	vand.u32 $0xFFFFFFF0, v4  }
0x20: {  	v3 =	vor.u32 v3, v4  }
0x21: {  	v4 =	vperm.xlane v3, v0;
	_ =	sdelay $0x1  }
0x22: {  	v3 =	vperm.xlane v3, v2;
	v4 =	vadd.s32 v1, v4;
	_ =	sdelay $0x1  }
0x23: {  	v3 =	vadd.s32 v1, v3;
	_ =	sdelay $0x2  }
0x24: {  	[tilespmem:s15], [sflag:$0x1] =	stream.indirect_vreg.gather [hbm4b:s3+s2], $0x80, v4, vm0, $0xb8;
	[tilespmem:$0x8080] =	vst v63  }
0x25: {  	_ = 	snop  }
0x26: {  	[tilespmem:s16], [sflag:$0x1] =	stream.indirect_vreg.gather [hbm4b:s3+s2], $0x80, v3, vm0, $0xb8;
	[tilespmem:$0x8080] =	vst v63  }
0x27: {  	v3 =	vld [tilespmem:$0x10];
	_ =	sdelay $0x4  }
0x28: {  	v17 =	vshll.u32 v3, $0x1  }
0x29: {  	v3 =	vand.u32 $0x7, v3;
	v4 =	vand.u32 $0xFFFFFFF0, v17  }
0x2a: {  	v3 =	vor.u32 v3, v4  }
0x2b: {  	v4 =	vperm.xlane v3, v0;
	_ =	sdelay $0x1  }
0x2c: {  	v3 =	vperm.xlane v3, v2;
	v4 =	vadd.s32 v1, v4;
	_ =	sdelay $0x1  }
0x2d: {  	v3 =	vadd.s32 v1, v3;
	_ =	sdelay $0x2  }
0x2e: {  	[tilespmem:s17], [sflag:$0x1] =	stream.indirect_vreg.gather [hbm4b:s3+s2], $0x80, v4, vm0, $0xb8;
	[tilespmem:$0x8080] =	vst v63  }
0x2f: {  	_ = 	snop  }
0x30: {  	[tilespmem:s18], [sflag:$0x1] =	stream.indirect_vreg.gather [hbm4b:s3+s2], $0x80, v3, vm0, $0xb8;
	[tilespmem:$0x8080] =	vst v63  }
0x31: {  	v3 =	vld [tilespmem:$0x20];
	_ =	sdelay $0x4  }
0x32: {  	v18 =	vshll.u32 v3, $0x1  }
0x33: {  	v3 =	vand.u32 $0x7, v3;
	v4 =	vand.u32 $0xFFFFFFF0, v18  }
0x34: {  	v3 =	vor.u32 v3, v4  }
0x35: {  	v4 =	vperm.xlane v3, v0;
	_ =	sdelay $0x1  }
0x36: {  	v3 =	vperm.xlane v3, v2;
	v4 =	vadd.s32 v1, v4;
	_ =	sdelay $0x1  }
0x37: {  	v3 =	vadd.s32 v1, v3;
	_ =	sdelay $0x2  }
0x38: {  	[tilespmem:s19], [sflag:$0x1] =	stream.indirect_vreg.gather [hbm4b:s3+s2], $0x80, v4, vm0, $0xb8;
	[tilespmem:$0x8080] =	vst v63  }
0x39: {  	_ = 	snop  }
0x3a: {  	[tilespmem:s20], [sflag:$0x1] =	stream.indirect_vreg.gather [hbm4b:s3+s2], $0x80, v3, vm0, $0xb8;
	[tilespmem:$0x8080] =	vst v63  }
0x3b: {  	v3 =	vld [tilespmem:$0x30];
	_ =	sdelay $0x4  }
0x3c: {  	v19 =	vshll.u32 v3, $0x1  }
0x3d: {  	v3 =	vand.u32 $0x7, v3;
	v4 =	vand.u32 $0xFFFFFFF0, v19  }
0x3e: {  	v3 =	vor.u32 v3, v4  }
0x3f: {  	v4 =	vperm.xlane v3, v0;
	_ =	sdelay $0x1  }
0x40: {  	v3 =	vperm.xlane v3, v2;
	v4 =	vadd.s32 v1, v4;
	_ =	sdelay $0x1  }
0x41: {  	v3 =	vadd.s32 v1, v3;
	_ =	sdelay $0x2  }
0x42: {  	[tilespmem:s21], [sflag:$0x1] =	stream.indirect_vreg.gather [hbm4b:s3+s2], $0x80, v4, vm0, $0xb8;
	[tilespmem:$0x8080] =	vst v63  }
0x43: {  	_ = 	snop  }
0x44: {  	[tilespmem:s22], [sflag:$0x1] =	stream.indirect_vreg.gather [hbm4b:s3+s2], $0x80, v3, vm0, $0xb8;
	[tilespmem:$0x8080] =	vst v63  }
0x45: {  	v3 =	vld [tilespmem:$0x40];
	_ =	sdelay $0x4  }
0x46: {  	v20 =	vshll.u32 v3, $0x1  }
0x47: {  	v3 =	vand.u32 $0x7, v3;
	v4 =	vand.u32 $0xFFFFFFF0, v20  }
0x48: {  	v3 =	vor.u32 v3, v4  }
0x49: {  	v4 =	vperm.xlane v3, v0;
	_ =	sdelay $0x1  }
0x4a: {  	v3 =	vperm.xlane v3, v2;
	v4 =	vadd.s32 v1, v4;
	_ =	sdelay $0x1  }
0x4b: {  	v3 =	vadd.s32 v1, v3;
	_ =	sdelay $0x2  }
0x4c: {  	[tilespmem:s23], [sflag:$0x1] =	stream.indirect_vreg.gather [hbm4b:s3+s2], $0x80, v4, vm0, $0xb8;
	[tilespmem:$0x8080] =	vst v63  }
0x4d: {  	_ = 	snop  }
0x4e: {  	[tilespmem:s24], [sflag:$0x1] =	stream.indirect_vreg.gather [hbm4b:s3+s2], $0x80, v3, vm0, $0xb8;
	[tilespmem:$0x8080] =	vst v63  }
0x4f: {  	v3 =	vld [tilespmem:$0x50];
	_ =	sdelay $0x4  }
0x50: {  	v21 =	vshll.u32 v3, $0x1  }
0x51: {  	v3 =	vand.u32 $0x7, v3;
	v4 =	vand.u32 $0xFFFFFFF0, v21  }
0x52: {  	v3 =	vor.u32 v3, v4  }
0x53: {  	v4 =	vperm.xlane v3, v0;
	_ =	sdelay $0x1  }
0x54: {  	v3 =	vperm.xlane v3, v2;
	v4 =	vadd.s32 v1, v4;
	_ =	sdelay $0x1  }
0x55: {  	v3 =	vadd.s32 v1, v3;
	_ =	sdelay $0x2  }
0x56: {  	[tilespmem:s25], [sflag:$0x1] =	stream.indirect_vreg.gather [hbm4b:s3+s2], $0x80, v4, vm0, $0xb8;
	[tilespmem:$0x8080] =	vst v63  }
0x57: {  	_ = 	snop  }
0x58: {  	[tilespmem:s26], [sflag:$0x1] =	stream.indirect_vreg.gather [hbm4b:s3+s2], $0x80, v3, vm0, $0xb8;
	[tilespmem:$0x8080] =	vst v63  }
0x59: {  	v3 =	vld [tilespmem:$0x60];
	_ =	sdelay $0x4  }
0x5a: {  	v22 =	vshll.u32 v3, $0x1  }
0x5b: {  	v3 =	vand.u32 $0x7, v3;
	v4 =	vand.u32 $0xFFFFFFF0, v22  }
0x5c: {  	v3 =	vor.u32 v3, v4  }
0x5d: {  	v4 =	vperm.xlane v3, v0;
	_ =	sdelay $0x1  }
0x5e: {  	v3 =	vperm.xlane v3, v2;
	v4 =	vadd.s32 v1, v4;
	_ =	sdelay $0x1  }
0x5f: {  	v3 =	vadd.s32 v1, v3;
	_ =	sdelay $0x2  }
0x60: {  	[tilespmem:s28], [sflag:$0x1] =	stream.indirect_vreg.gather [hbm4b:s3+s2], $0x80, v4, vm0, $0xb8;
	[tilespmem:$0x8080] =	vst v63  }
0x61: {  	_ = 	snop  }
0x62: {  	[tilespmem:s29], [sflag:$0x1] =	stream.indirect_vreg.gather [hbm4b:s3+s2], $0x80, v3, vm0, $0xb8;
	[tilespmem:$0x8080] =	vst v63  }
0x63: {  	v3 =	vld [tilespmem:$0x70];
	_ =	sdelay $0x4  }
0x64: {  	v23 =	vshll.u32 v3, $0x1  }
0x65: {  	v3 =	vand.u32 $0x7, v3;
	v4 =	vand.u32 $0xFFFFFFF0, v23  }
0x66: {  	v3 =	vor.u32 v3, v4  }
0x67: {  	v4 =	vperm.xlane v3, v0;
	_ =	sdelay $0x1  }
0x68: {  	v3 =	vperm.xlane v3, v2;
	v4 =	vadd.s32 v1, v4;
	_ =	sdelay $0x1  }
0x69: {  	v3 =	vadd.s32 v1, v3;
	_ =	sdelay $0x2  }
0x6a: {  	[tilespmem:s30], [sflag:$0x1] =	stream.indirect_vreg.gather [hbm4b:s3+s2], $0x80, v4, vm0, $0xb8;
	[tilespmem:$0x8080] =	vst v63  }
0x6b: {  	_ = 	snop  }
0x6c: {  	[tilespmem:s31], [sflag:$0x1] =	stream.indirect_vreg.gather [hbm4b:s3+s2], $0x80, v3, vm0, $0xb8;
	[tilespmem:$0x8080] =	vst v63  }
0x6d: {  	_ =	swait.ge [sflag:s1], $0x8000  }
0x6e: {  	[sflag:s1] =	ssyncset.done $0x0  }
0x6f: {  	s0 =	rddreg [dreg:$0x4];
	[sflag:s1] =	ssyncadd.s32 $0xFFFF8000  }
0x70: {  	[hbm4b:s0+s2] =	stream.linear.scatter [tilespmem:s15], [sflag:$0x2], $0x8000, $0x38;
	[tilespmem:$0x8080] =	vst v63  }
0x71: {  	_ =	swait.ge [sflag:s14], $0x8000  }
0x72: {  	[sflag:s14] =	ssyncset.done $0x0  }
0x73: {  	s0 =	rddreg [dreg:$0x5];
	[sflag:s14] =	ssyncadd.s32 $0xFFFF8000  }
0x74: {  	[tilespmem:s2], [sflag:$0x2] =	stream.linear.gather [hbm4b:s0+s2], $0x80, $0x38;
	[tilespmem:$0x8080] =	vst v63  }
0x75: {  	_ =	swait.ge [sflag:s14], $0x80  }
0x76: {  	[sflag:s14] =	ssyncset.done $0x0  }
0x77: {  	[sflag:s14] =	ssyncadd.s32 $0xFFFFFF80  }
0x78: {  	v3 =	vld [tilespmem:$0x0];
	_ =	sdelay $0x4  }
0x79: {  	v24 =	vshll.u32 v3, $0x1  }
0x7a: {  	v3 =	vand.u32 $0x7, v3;
	v4 =	vand.u32 $0xFFFFFFF0, v24  }
0x7b: {  	v3 =	vor.u32 v3, v4  }
0x7c: {  	v4 =	vperm.xlane v3, v0;
	_ =	sdelay $0x1  }
0x7d: {  	v3 =	vperm.xlane v3, v2;
	v4 =	vadd.s32 v1, v4;
	_ =	sdelay $0x1  }
0x7e: {  	v3 =	vadd.s32 v1, v3;
	_ =	sdelay $0x2  }
0x7f: {  	[tilespmem:s15], [sflag:$0x1] =	stream.indirect_vreg.gather [hbm4b:s3+s2], $0x80, v4, vm0, $0xb8;
	[tilespmem:$0x8080] =	vst v63  }
0x80: {  	_ = 	snop  }
0x81: {  	[tilespmem:s16], [sflag:$0x1] =	stream.indirect_vreg.gather [hbm4b:s3+s2], $0x80, v3, vm0, $0xb8;
	[tilespmem:$0x8080] =	vst v63  }
0x82: {  	v3 =	vld [tilespmem:$0x10];
	_ =	sdelay $0x4  }
0x83: {  	v25 =	vshll.u32 v3, $0x1  }
0x84: {  	v3 =	vand.u32 $0x7, v3;
	v4 =	vand.u32 $0xFFFFFFF0, v25  }
0x85: {  	v3 =	vor.u32 v3, v4  }
0x86: {  	v4 =	vperm.xlane v3, v0;
	_ =	sdelay $0x1  }
0x87: {  	v3 =	vperm.xlane v3, v2;
	v4 =	vadd.s32 v1, v4;
	_ =	sdelay $0x1  }
0x88: {  	v3 =	vadd.s32 v1, v3;
	_ =	sdelay $0x2  }
0x89: {  	[tilespmem:s17], [sflag:$0x1] =	stream.indirect_vreg.gather [hbm4b:s3+s2], $0x80, v4, vm0, $0xb8;
	[tilespmem:$0x8080] =	vst v63  }
0x8a: {  	_ = 	snop  }
0x8b: {  	[tilespmem:s18], [sflag:$0x1] =	stream.indirect_vreg.gather [hbm4b:s3+s2], $0x80, v3, vm0, $0xb8;
	[tilespmem:$0x8080] =	vst v63  }
0x8c: {  	v3 =	vld [tilespmem:$0x20];
	_ =	sdelay $0x4  }
0x8d: {  	v26 =	vshll.u32 v3, $0x1  }
0x8e: {  	v3 =	vand.u32 $0x7, v3;
	v4 =	vand.u32 $0xFFFFFFF0, v26  }
0x8f: {  	v3 =	vor.u32 v3, v4  }
0x90: {  	v4 =	vperm.xlane v3, v0;
	_ =	sdelay $0x1  }
0x91: {  	v3 =	vperm.xlane v3, v2;
	v4 =	vadd.s32 v1, v4;
	_ =	sdelay $0x1  }
0x92: {  	v3 =	vadd.s32 v1, v3;
	_ =	sdelay $0x2  }
0x93: {  	[tilespmem:s19], [sflag:$0x1] =	stream.indirect_vreg.gather [hbm4b:s3+s2], $0x80, v4, vm0, $0xb8;
	[tilespmem:$0x8080] =	vst v63  }
0x94: {  	_ = 	snop  }
0x95: {  	[tilespmem:s20], [sflag:$0x1] =	stream.indirect_vreg.gather [hbm4b:s3+s2], $0x80, v3, vm0, $0xb8;
	[tilespmem:$0x8080] =	vst v63  }
0x96: {  	v3 =	vld [tilespmem:$0x30];
	_ =	sdelay $0x4  }
0x97: {  	v27 =	vshll.u32 v3, $0x1  }
0x98: {  	v3 =	vand.u32 $0x7, v3;
	v4 =	vand.u32 $0xFFFFFFF0, v27  }
0x99: {  	v3 =	vor.u32 v3, v4  }
0x9a: {  	v4 =	vperm.xlane v3, v0;
	_ =	sdelay $0x1  }
0x9b: {  	v3 =	vperm.xlane v3, v2;
	v4 =	vadd.s32 v1, v4;
	_ =	sdelay $0x1  }
0x9c: {  	v3 =	vadd.s32 v1, v3;
	_ =	sdelay $0x2  }
0x9d: {  	[tilespmem:s21], [sflag:$0x1] =	stream.indirect_vreg.gather [hbm4b:s3+s2], $0x80, v4, vm0, $0xb8;
	[tilespmem:$0x8080] =	vst v63  }
0x9e: {  	_ = 	snop  }
0x9f: {  	[tilespmem:s22], [sflag:$0x1] =	stream.indirect_vreg.gather [hbm4b:s3+s2], $0x80, v3, vm0, $0xb8;
	[tilespmem:$0x8080] =	vst v63  }
0xa0: {  	v3 =	vld [tilespmem:$0x40];
	_ =	sdelay $0x4  }
0xa1: {  	v28 =	vshll.u32 v3, $0x1  }
0xa2: {  	v3 =	vand.u32 $0x7, v3;
	v4 =	vand.u32 $0xFFFFFFF0, v28  }
0xa3: {  	v3 =	vor.u32 v3, v4  }
0xa4: {  	v4 =	vperm.xlane v3, v0;
	_ =	sdelay $0x1  }
0xa5: {  	v3 =	vperm.xlane v3, v2;
	v4 =	vadd.s32 v1, v4;
	_ =	sdelay $0x1  }
0xa6: {  	v3 =	vadd.s32 v1, v3;
	_ =	sdelay $0x2  }
0xa7: {  	[tilespmem:s23], [sflag:$0x1] =	stream.indirect_vreg.gather [hbm4b:s3+s2], $0x80, v4, vm0, $0xb8;
	[tilespmem:$0x8080] =	vst v63  }
0xa8: {  	_ = 	snop  }
0xa9: {  	[tilespmem:s24], [sflag:$0x1] =	stream.indirect_vreg.gather [hbm4b:s3+s2], $0x80, v3, vm0, $0xb8;
	[tilespmem:$0x8080] =	vst v63  }
0xaa: {  	v3 =	vld [tilespmem:$0x50];
	_ =	sdelay $0x4  }
0xab: {  	v29 =	vshll.u32 v3, $0x1  }
0xac: {  	v3 =	vand.u32 $0x7, v3;
	v4 =	vand.u32 $0xFFFFFFF0, v29  }
0xad: {  	v3 =	vor.u32 v3, v4  }
0xae: {  	v4 =	vperm.xlane v3, v0;
	_ =	sdelay $0x1  }
0xaf: {  	v3 =	vperm.xlane v3, v2;
	v4 =	vadd.s32 v1, v4;
	_ =	sdelay $0x1  }
0xb0: {  	v3 =	vadd.s32 v1, v3;
	_ =	sdelay $0x2  }
0xb1: {  	[tilespmem:s25], [sflag:$0x1] =	stream.indirect_vreg.gather [hbm4b:s3+s2], $0x80, v4, vm0, $0xb8;
	[tilespmem:$0x8080] =	vst v63  }
0xb2: {  	_ = 	snop  }
0xb3: {  	[tilespmem:s26], [sflag:$0x1] =	stream.indirect_vreg.gather [hbm4b:s3+s2], $0x80, v3, vm0, $0xb8;
	[tilespmem:$0x8080] =	vst v63  }
0xb4: {  	v3 =	vld [tilespmem:$0x60];
	_ =	sdelay $0x4  }
0xb5: {  	v30 =	vshll.u32 v3, $0x1  }
0xb6: {  	v3 =	vand.u32 $0x7, v3;
	v4 =	vand.u32 $0xFFFFFFF0, v30  }
0xb7: {  	v3 =	vor.u32 v3, v4  }
0xb8: {  	v4 =	vperm.xlane v3, v0;
	_ =	sdelay $0x1  }
0xb9: {  	v3 =	vperm.xlane v3, v2;
	v4 =	vadd.s32 v1, v4;
	_ =	sdelay $0x1  }
0xba: {  	v3 =	vadd.s32 v1, v3;
	_ =	sdelay $0x2  }
0xbb: {  	[tilespmem:s28], [sflag:$0x1] =	stream.indirect_vreg.gather [hbm4b:s3+s2], $0x80, v4, vm0, $0xb8;
	[tilespmem:$0x8080] =	vst v63  }
0xbc: {  	_ = 	snop  }
0xbd: {  	[tilespmem:s29], [sflag:$0x1] =	stream.indirect_vreg.gather [hbm4b:s3+s2], $0x80, v3, vm0, $0xb8;
	[tilespmem:$0x8080] =	vst v63  }
0xbe: {  	v3 =	vld [tilespmem:$0x70];
	_ =	sdelay $0x4  }
0xbf: {  	v31 =	vshll.u32 v3, $0x1  }
0xc0: {  	v3 =	vand.u32 $0x7, v3;
	v4 =	vand.u32 $0xFFFFFFF0, v31  }
0xc1: {  	v3 =	vor.u32 v3, v4  }
0xc2: {  	v4 =	vperm.xlane v3, v0;
	_ =	sdelay $0x1  }
0xc3: {  	v3 =	vperm.xlane v3, v2;
	v4 =	vadd.s32 v1, v4;
	_ =	sdelay $0x1  }
0xc4: {  	v3 =	vadd.s32 v1, v3;
	_ =	sdelay $0x2  }
0xc5: {  	[tilespmem:s30], [sflag:$0x1] =	stream.indirect_vreg.gather [hbm4b:s3+s2], $0x80, v4, vm0, $0xb8;
	[tilespmem:$0x8080] =	vst v63  }
0xc6: {  	_ = 	snop  }
0xc7: {  	[tilespmem:s31], [sflag:$0x1] =	stream.indirect_vreg.gather [hbm4b:s3+s2], $0x80, v3, vm0, $0xb8;
	[tilespmem:$0x8080] =	vst v63  }
0xc8: {  	_ =	swait.ge [sflag:s1], $0x8000  }
0xc9: {  	[sflag:s1] =	ssyncset.done $0x0  }
0xca: {  	[sflag:s1] =	ssyncadd.s32 $0xFFFF8000  }
0xcb: {  	[hbm4b:s4+s2] =	stream.linear.scatter [tilespmem:s15], [sflag:$0x2], $0x8000, $0x38;
	[tilespmem:$0x8080] =	vst v63  }
0xcc: {  	_ =	swait.ge [sflag:s14], $0x8000  }
0xcd: {  	[sflag:s14] =	ssyncset.done $0x0  }
0xce: {  	[sflag:s14] =	ssyncadd.s32 $0xFFFF8000  }
0xcf: {  	[tilespmem:s2], [sflag:$0x2] =	stream.linear.gather [hbm4b:s5+s2], $0x80, $0x38;
	[tilespmem:$0x8080] =	vst v63  }
0xd0: {  	_ =	swait.ge [sflag:s14], $0x80  }
0xd1: {  	[sflag:s14] =	ssyncset.done $0x0  }
0xd2: {  	[sflag:s14] =	ssyncadd.s32 $0xFFFFFF80  }
0xd3: {  	v3 =	vld [tilespmem:$0x0];
	_ =	sdelay $0x4  }
0xd4: {  	v32 =	vshll.u32 v3, $0x1  }
0xd5: {  	v3 =	vand.u32 $0x7, v3;
	v4 =	vand.u32 $0xFFFFFFF0, v32  }
0xd6: {  	v3 =	vor.u32 v3, v4  }
0xd7: {  	v4 =	vperm.xlane v3, v0;
	_ =	sdelay $0x1  }
0xd8: {  	v3 =	vperm.xlane v3, v2;
	v4 =	vadd.s32 v1, v4;
	_ =	sdelay $0x1  }
0xd9: {  	v3 =	vadd.s32 v1, v3;
	_ =	sdelay $0x2  }
0xda: {  	[tilespmem:s15], [sflag:$0x1] =	stream.indirect_vreg.gather [hbm4b:s3+s2], $0x80, v4, vm0, $0xb8;
	[tilespmem:$0x8080] =	vst v63  }
0xdb: {  	_ = 	snop  }
0xdc: {  	[tilespmem:s16], [sflag:$0x1] =	stream.indirect_vreg.gather [hbm4b:s3+s2], $0x80, v3, vm0, $0xb8;
	[tilespmem:$0x8080] =	vst v63  }
0xdd: {  	v3 =	vld [tilespmem:$0x10];
	_ =	sdelay $0x4  }
0xde: {  	v33 =	vshll.u32 v3, $0x1  }
0xdf: {  	v3 =	vand.u32 $0x7, v3;
	v4 =	vand.u32 $0xFFFFFFF0, v33  }
0xe0: {  	v3 =	vor.u32 v3, v4  }
0xe1: {  	v4 =	vperm.xlane v3, v0;
	_ =	sdelay $0x1  }
0xe2: {  	v3 =	vperm.xlane v3, v2;
	v4 =	vadd.s32 v1, v4;
	_ =	sdelay $0x1  }
0xe3: {  	v3 =	vadd.s32 v1, v3;
	_ =	sdelay $0x2  }
0xe4: {  	[tilespmem:s17], [sflag:$0x1] =	stream.indirect_vreg.gather [hbm4b:s3+s2], $0x80, v4, vm0, $0xb8;
	[tilespmem:$0x8080] =	vst v63  }
0xe5: {  	_ = 	snop  }
0xe6: {  	[tilespmem:s18], [sflag:$0x1] =	stream.indirect_vreg.gather [hbm4b:s3+s2], $0x80, v3, vm0, $0xb8;
	[tilespmem:$0x8080] =	vst v63  }
0xe7: {  	v3 =	vld [tilespmem:$0x20];
	_ =	sdelay $0x4  }
0xe8: {  	v34 =	vshll.u32 v3, $0x1  }
0xe9: {  	v3 =	vand.u32 $0x7, v3;
	v4 =	vand.u32 $0xFFFFFFF0, v34  }
0xea: {  	v3 =	vor.u32 v3, v4  }
0xeb: {  	v4 =	vperm.xlane v3, v0;
	_ =	sdelay $0x1  }
0xec: {  	v3 =	vperm.xlane v3, v2;
	v4 =	vadd.s32 v1, v4;
	_ =	sdelay $0x1  }
0xed: {  	v3 =	vadd.s32 v1, v3;
	_ =	sdelay $0x2  }
0xee: {  	[tilespmem:s19], [sflag:$0x1] =	stream.indirect_vreg.gather [hbm4b:s3+s2], $0x80, v4, vm0, $0xb8;
	[tilespmem:$0x8080] =	vst v63  }
0xef: {  	_ = 	snop  }
0xf0: {  	[tilespmem:s20], [sflag:$0x1] =	stream.indirect_vreg.gather [hbm4b:s3+s2], $0x80, v3, vm0, $0xb8;
	[tilespmem:$0x8080] =	vst v63  }
0xf1: {  	v3 =	vld [tilespmem:$0x30];
	_ =	sdelay $0x4  }
0xf2: {  	v35 =	vshll.u32 v3, $0x1  }
0xf3: {  	v3 =	vand.u32 $0x7, v3;
	v4 =	vand.u32 $0xFFFFFFF0, v35  }
0xf4: {  	v3 =	vor.u32 v3, v4  }
0xf5: {  	v4 =	vperm.xlane v3, v0;
	_ =	sdelay $0x1  }
0xf6: {  	v3 =	vperm.xlane v3, v2;
	v4 =	vadd.s32 v1, v4;
	_ =	sdelay $0x1  }
0xf7: {  	v3 =	vadd.s32 v1, v3;
	_ =	sdelay $0x2  }
0xf8: {  	[tilespmem:s21], [sflag:$0x1] =	stream.indirect_vreg.gather [hbm4b:s3+s2], $0x80, v4, vm0, $0xb8;
	[tilespmem:$0x8080] =	vst v63  }
0xf9: {  	_ = 	snop  }
0xfa: {  	[tilespmem:s22], [sflag:$0x1] =	stream.indirect_vreg.gather [hbm4b:s3+s2], $0x80, v3, vm0, $0xb8;
	[tilespmem:$0x8080] =	vst v63  }
0xfb: {  	v3 =	vld [tilespmem:$0x40];
	_ =	sdelay $0x4  }
0xfc: {  	v36 =	vshll.u32 v3, $0x1  }
0xfd: {  	v3 =	vand.u32 $0x7, v3;
	v4 =	vand.u32 $0xFFFFFFF0, v36  }
0xfe: {  	v3 =	vor.u32 v3, v4  }
0xff: {  	v4 =	vperm.xlane v3, v0;
	_ =	sdelay $0x1  }
0x100: {  	v3 =	vperm.xlane v3, v2;
	v4 =	vadd.s32 v1, v4;
	_ =	sdelay $0x1  }
0x101: {  	v3 =	vadd.s32 v1, v3;
	_ =	sdelay $0x2  }
0x102: {  	[tilespmem:s23], [sflag:$0x1] =	stream.indirect_vreg.gather [hbm4b:s3+s2], $0x80, v4, vm0, $0xb8;
	[tilespmem:$0x8080] =	vst v63  }
0x103: {  	_ = 	snop  }
0x104: {  	[tilespmem:s24], [sflag:$0x1] =	stream.indirect_vreg.gather [hbm4b:s3+s2], $0x80, v3, vm0, $0xb8;
	[tilespmem:$0x8080] =	vst v63  }
0x105: {  	v3 =	vld [tilespmem:$0x50];
	_ =	sdelay $0x4  }
0x106: {  	v37 =	vshll.u32 v3, $0x1  }
0x107: {  	v3 =	vand.u32 $0x7, v3;
	v4 =	vand.u32 $0xFFFFFFF0, v37  }
0x108: {  	v3 =	vor.u32 v3, v4  }
0x109: {  	v4 =	vperm.xlane v3, v0;
	_ =	sdelay $0x1  }
0x10a: {  	v3 =	vperm.xlane v3, v2;
	v4 =	vadd.s32 v1, v4;
	_ =	sdelay $0x1  }
0x10b: {  	v3 =	vadd.s32 v1, v3;
	_ =	sdelay $0x2  }
0x10c: {  	[tilespmem:s25], [sflag:$0x1] =	stream.indirect_vreg.gather [hbm4b:s3+s2], $0x80, v4, vm0, $0xb8;
	[tilespmem:$0x8080] =	vst v63  }
0x10d: {  	_ = 	snop  }
0x10e: {  	[tilespmem:s26], [sflag:$0x1] =	stream.indirect_vreg.gather [hbm4b:s3+s2], $0x80, v3, vm0, $0xb8;
	[tilespmem:$0x8080] =	vst v63  }
0x10f: {  	v3 =	vld [tilespmem:$0x60];
	_ =	sdelay $0x4  }
0x110: {  	v38 =	vshll.u32 v3, $0x1  }
0x111: {  	v3 =	vand.u32 $0x7, v3;
	v4 =	vand.u32 $0xFFFFFFF0, v38  }
0x112: {  	v3 =	vor.u32 v3, v4  }
0x113: {  	v4 =	vperm.xlane v3, v0;
	_ =	sdelay $0x1  }
0x114: {  	v3 =	vperm.xlane v3, v2;
	v4 =	vadd.s32 v1, v4;
	_ =	sdelay $0x1  }
0x115: {  	v3 =	vadd.s32 v1, v3;
	_ =	sdelay $0x2  }
0x116: {  	[tilespmem:s28], [sflag:$0x1] =	stream.indirect_vreg.gather [hbm4b:s3+s2], $0x80, v4, vm0, $0xb8;
	[tilespmem:$0x8080] =	vst v63  }
0x117: {  	_ = 	snop  }
0x118: {  	[tilespmem:s29], [sflag:$0x1] =	stream.indirect_vreg.gather [hbm4b:s3+s2], $0x80, v3, vm0, $0xb8;
	[tilespmem:$0x8080] =	vst v63  }
0x119: {  	v3 =	vld [tilespmem:$0x70];
	_ =	sdelay $0x4  }
0x11a: {  	v39 =	vshll.u32 v3, $0x1  }
0x11b: {  	v3 =	vand.u32 $0x7, v3;
	v4 =	vand.u32 $0xFFFFFFF0, v39  }
0x11c: {  	v3 =	vor.u32 v3, v4  }
0x11d: {  	v4 =	vperm.xlane v3, v0;
	_ =	sdelay $0x1  }
0x11e: {  	v3 =	vperm.xlane v3, v2;
	v4 =	vadd.s32 v1, v4;
	_ =	sdelay $0x1  }
0x11f: {  	v3 =	vadd.s32 v1, v3;
	_ =	sdelay $0x2  }
0x120: {  	[tilespmem:s30], [sflag:$0x1] =	stream.indirect_vreg.gather [hbm4b:s3+s2], $0x80, v4, vm0, $0xb8;
	[tilespmem:$0x8080] =	vst v63  }
0x121: {  	_ = 	snop  }
0x122: {  	[tilespmem:s31], [sflag:$0x1] =	stream.indirect_vreg.gather [hbm4b:s3+s2], $0x80, v3, vm0, $0xb8;
	[tilespmem:$0x8080] =	vst v63  }
0x123: {  	_ =	swait.ge [sflag:s1], $0x8000  }
0x124: {  	[sflag:s1] =	ssyncset.done $0x0  }
0x125: {  	[sflag:s1] =	ssyncadd.s32 $0xFFFF8000  }
0x126: {  	[hbm4b:s6+s2] =	stream.linear.scatter [tilespmem:s15], [sflag:$0x2], $0x8000, $0x38;
	[tilespmem:$0x8080] =	vst v63  }
0x127: {  	_ =	swait.ge [sflag:s14], $0x8000  }
0x128: {  	[sflag:s14] =	ssyncset.done $0x0  }
0x129: {  	[sflag:s14] =	ssyncadd.s32 $0xFFFF8000  }
0x12a: {  	[tilespmem:s2], [sflag:$0x2] =	stream.linear.gather [hbm4b:s7+s2], $0x80, $0x38;
	[tilespmem:$0x8080] =	vst v63  }
0x12b: {  	_ =	swait.ge [sflag:s14], $0x80  }
0x12c: {  	[sflag:s14] =	ssyncset.done $0x0  }
0x12d: {  	[sflag:s14] =	ssyncadd.s32 $0xFFFFFF80  }
0x12e: {  	v3 =	vld [tilespmem:$0x0];
	_ =	sdelay $0x4  }
0x12f: {  	v40 =	vshll.u32 v3, $0x1  }
0x130: {  	v3 =	vand.u32 $0x7, v3;
	v4 =	vand.u32 $0xFFFFFFF0, v40  }
0x131: {  	v3 =	vor.u32 v3, v4  }
0x132: {  	v4 =	vperm.xlane v3, v0;
	_ =	sdelay $0x1  }
0x133: {  	v3 =	vperm.xlane v3, v2;
	v4 =	vadd.s32 v1, v4;
	_ =	sdelay $0x1  }
0x134: {  	v3 =	vadd.s32 v1, v3;
	_ =	sdelay $0x2  }
0x135: {  	[tilespmem:s15], [sflag:$0x1] =	stream.indirect_vreg.gather [hbm4b:s3+s2], $0x80, v4, vm0, $0xb8;
	[tilespmem:$0x8080] =	vst v63  }
0x136: {  	_ = 	snop  }
0x137: {  	[tilespmem:s16], [sflag:$0x1] =	stream.indirect_vreg.gather [hbm4b:s3+s2], $0x80, v3, vm0, $0xb8;
	[tilespmem:$0x8080] =	vst v63  }
0x138: {  	v3 =	vld [tilespmem:$0x10];
	_ =	sdelay $0x4  }
0x139: {  	v41 =	vshll.u32 v3, $0x1  }
0x13a: {  	v3 =	vand.u32 $0x7, v3;
	v4 =	vand.u32 $0xFFFFFFF0, v41  }
0x13b: {  	v3 =	vor.u32 v3, v4  }
0x13c: {  	v4 =	vperm.xlane v3, v0;
	_ =	sdelay $0x1  }
0x13d: {  	v3 =	vperm.xlane v3, v2;
	v4 =	vadd.s32 v1, v4;
	_ =	sdelay $0x1  }
0x13e: {  	v3 =	vadd.s32 v1, v3;
	_ =	sdelay $0x2  }
0x13f: {  	[tilespmem:s17], [sflag:$0x1] =	stream.indirect_vreg.gather [hbm4b:s3+s2], $0x80, v4, vm0, $0xb8;
	[tilespmem:$0x8080] =	vst v63  }
0x140: {  	_ = 	snop  }
0x141: {  	[tilespmem:s18], [sflag:$0x1] =	stream.indirect_vreg.gather [hbm4b:s3+s2], $0x80, v3, vm0, $0xb8;
	[tilespmem:$0x8080] =	vst v63  }
0x142: {  	v3 =	vld [tilespmem:$0x20];
	_ =	sdelay $0x4  }
0x143: {  	v42 =	vshll.u32 v3, $0x1  }
0x144: {  	v3 =	vand.u32 $0x7, v3;
	v4 =	vand.u32 $0xFFFFFFF0, v42  }
0x145: {  	v3 =	vor.u32 v3, v4  }
0x146: {  	v4 =	vperm.xlane v3, v0;
	_ =	sdelay $0x1  }
0x147: {  	v3 =	vperm.xlane v3, v2;
	v4 =	vadd.s32 v1, v4;
	_ =	sdelay $0x1  }
0x148: {  	v3 =	vadd.s32 v1, v3;
	_ =	sdelay $0x2  }
0x149: {  	[tilespmem:s19], [sflag:$0x1] =	stream.indirect_vreg.gather [hbm4b:s3+s2], $0x80, v4, vm0, $0xb8;
	[tilespmem:$0x8080] =	vst v63  }
0x14a: {  	_ = 	snop  }
0x14b: {  	[tilespmem:s20], [sflag:$0x1] =	stream.indirect_vreg.gather [hbm4b:s3+s2], $0x80, v3, vm0, $0xb8;
	[tilespmem:$0x8080] =	vst v63  }
0x14c: {  	v3 =	vld [tilespmem:$0x30];
	_ =	sdelay $0x4  }
0x14d: {  	v43 =	vshll.u32 v3, $0x1  }
0x14e: {  	v3 =	vand.u32 $0x7, v3;
	v4 =	vand.u32 $0xFFFFFFF0, v43  }
0x14f: {  	v3 =	vor.u32 v3, v4  }
0x150: {  	v4 =	vperm.xlane v3, v0;
	_ =	sdelay $0x1  }
0x151: {  	v3 =	vperm.xlane v3, v2;
	v4 =	vadd.s32 v1, v4;
	_ =	sdelay $0x1  }
0x152: {  	v3 =	vadd.s32 v1, v3;
	_ =	sdelay $0x2  }
0x153: {  	[tilespmem:s21], [sflag:$0x1] =	stream.indirect_vreg.gather [hbm4b:s3+s2], $0x80, v4, vm0, $0xb8;
	[tilespmem:$0x8080] =	vst v63  }
0x154: {  	_ = 	snop  }
0x155: {  	[tilespmem:s22], [sflag:$0x1] =	stream.indirect_vreg.gather [hbm4b:s3+s2], $0x80, v3, vm0, $0xb8;
	[tilespmem:$0x8080] =	vst v63  }
0x156: {  	v3 =	vld [tilespmem:$0x40];
	_ =	sdelay $0x4  }
0x157: {  	v44 =	vshll.u32 v3, $0x1  }
0x158: {  	v3 =	vand.u32 $0x7, v3;
	v4 =	vand.u32 $0xFFFFFFF0, v44  }
0x159: {  	v3 =	vor.u32 v3, v4  }
0x15a: {  	v4 =	vperm.xlane v3, v0;
	_ =	sdelay $0x1  }
0x15b: {  	v3 =	vperm.xlane v3, v2;
	v4 =	vadd.s32 v1, v4;
	_ =	sdelay $0x1  }
0x15c: {  	v3 =	vadd.s32 v1, v3;
	_ =	sdelay $0x2  }
0x15d: {  	[tilespmem:s23], [sflag:$0x1] =	stream.indirect_vreg.gather [hbm4b:s3+s2], $0x80, v4, vm0, $0xb8;
	[tilespmem:$0x8080] =	vst v63  }
0x15e: {  	_ = 	snop  }
0x15f: {  	[tilespmem:s24], [sflag:$0x1] =	stream.indirect_vreg.gather [hbm4b:s3+s2], $0x80, v3, vm0, $0xb8;
	[tilespmem:$0x8080] =	vst v63  }
0x160: {  	v3 =	vld [tilespmem:$0x50];
	_ =	sdelay $0x4  }
0x161: {  	v45 =	vshll.u32 v3, $0x1  }
0x162: {  	v3 =	vand.u32 $0x7, v3;
	v4 =	vand.u32 $0xFFFFFFF0, v45  }
0x163: {  	v3 =	vor.u32 v3, v4  }
0x164: {  	v4 =	vperm.xlane v3, v0;
	_ =	sdelay $0x1  }
0x165: {  	v3 =	vperm.xlane v3, v2;
	v4 =	vadd.s32 v1, v4;
	_ =	sdelay $0x1  }
0x166: {  	v3 =	vadd.s32 v1, v3;
	_ =	sdelay $0x2  }
0x167: {  	[tilespmem:s25], [sflag:$0x1] =	stream.indirect_vreg.gather [hbm4b:s3+s2], $0x80, v4, vm0, $0xb8;
	[tilespmem:$0x8080] =	vst v63  }
0x168: {  	_ = 	snop  }
0x169: {  	[tilespmem:s26], [sflag:$0x1] =	stream.indirect_vreg.gather [hbm4b:s3+s2], $0x80, v3, vm0, $0xb8;
	[tilespmem:$0x8080] =	vst v63  }
0x16a: {  	v3 =	vld [tilespmem:$0x60];
	_ =	sdelay $0x4  }
0x16b: {  	v46 =	vshll.u32 v3, $0x1  }
0x16c: {  	v3 =	vand.u32 $0x7, v3;
	v4 =	vand.u32 $0xFFFFFFF0, v46  }
0x16d: {  	v3 =	vor.u32 v3, v4  }
0x16e: {  	v4 =	vperm.xlane v3, v0;
	_ =	sdelay $0x1  }
0x16f: {  	v3 =	vperm.xlane v3, v2;
	v4 =	vadd.s32 v1, v4;
	_ =	sdelay $0x1  }
0x170: {  	v3 =	vadd.s32 v1, v3;
	_ =	sdelay $0x2  }
0x171: {  	[tilespmem:s28], [sflag:$0x1] =	stream.indirect_vreg.gather [hbm4b:s3+s2], $0x80, v4, vm0, $0xb8;
	[tilespmem:$0x8080] =	vst v63  }
0x172: {  	_ = 	snop  }
0x173: {  	[tilespmem:s29], [sflag:$0x1] =	stream.indirect_vreg.gather [hbm4b:s3+s2], $0x80, v3, vm0, $0xb8;
	[tilespmem:$0x8080] =	vst v63  }
0x174: {  	v3 =	vld [tilespmem:$0x70];
	_ =	sdelay $0x4  }
0x175: {  	v47 =	vshll.u32 v3, $0x1  }
0x176: {  	v3 =	vand.u32 $0x7, v3;
	v4 =	vand.u32 $0xFFFFFFF0, v47  }
0x177: {  	v3 =	vor.u32 v3, v4  }
0x178: {  	v4 =	vperm.xlane v3, v0;
	_ =	sdelay $0x1  }
0x179: {  	v3 =	vperm.xlane v3, v2;
	v4 =	vadd.s32 v1, v4;
	_ =	sdelay $0x1  }
0x17a: {  	v3 =	vadd.s32 v1, v3;
	_ =	sdelay $0x2  }
0x17b: {  	[tilespmem:s30], [sflag:$0x1] =	stream.indirect_vreg.gather [hbm4b:s3+s2], $0x80, v4, vm0, $0xb8;
	[tilespmem:$0x8080] =	vst v63  }
0x17c: {  	_ = 	snop  }
0x17d: {  	[tilespmem:s31], [sflag:$0x1] =	stream.indirect_vreg.gather [hbm4b:s3+s2], $0x80, v3, vm0, $0xb8;
	[tilespmem:$0x8080] =	vst v63  }
0x17e: {  	_ =	swait.ge [sflag:s1], $0x8000  }
0x17f: {  	[sflag:s1] =	ssyncset.done $0x0  }
0x180: {  	[sflag:s1] =	ssyncadd.s32 $0xFFFF8000  }
0x181: {  	[hbm4b:s8+s2] =	stream.linear.scatter [tilespmem:s15], [sflag:$0x2], $0x8000, $0x38;
	[tilespmem:$0x8080] =	vst v63  }
0x182: {  	_ =	swait.ge [sflag:s14], $0x8000  }
0x183: {  	[sflag:s14] =	ssyncset.done $0x0  }
0x184: {  	[sflag:s14] =	ssyncadd.s32 $0xFFFF8000  }
0x185: {  	[tilespmem:s2], [sflag:$0x2] =	stream.linear.gather [hbm4b:s9+s2], $0x80, $0x38;
	[tilespmem:$0x8080] =	vst v63  }
0x186: {  	_ =	swait.ge [sflag:s14], $0x80  }
0x187: {  	[sflag:s14] =	ssyncset.done $0x0  }
0x188: {  	[sflag:s14] =	ssyncadd.s32 $0xFFFFFF80  }
0x189: {  	v3 =	vld [tilespmem:$0x0];
	_ =	sdelay $0x4  }
0x18a: {  	v48 =	vshll.u32 v3, $0x1  }
0x18b: {  	v3 =	vand.u32 $0x7, v3;
	v4 =	vand.u32 $0xFFFFFFF0, v48  }
0x18c: {  	v3 =	vor.u32 v3, v4  }
0x18d: {  	v4 =	vperm.xlane v3, v0;
	_ =	sdelay $0x1  }
0x18e: {  	v3 =	vperm.xlane v3, v2;
	v4 =	vadd.s32 v1, v4;
	_ =	sdelay $0x1  }
0x18f: {  	v3 =	vadd.s32 v1, v3;
	_ =	sdelay $0x2  }
0x190: {  	[tilespmem:s15], [sflag:$0x1] =	stream.indirect_vreg.gather [hbm4b:s3+s2], $0x80, v4, vm0, $0xb8;
	[tilespmem:$0x8080] =	vst v63  }
0x191: {  	_ = 	snop  }
0x192: {  	[tilespmem:s16], [sflag:$0x1] =	stream.indirect_vreg.gather [hbm4b:s3+s2], $0x80, v3, vm0, $0xb8;
	[tilespmem:$0x8080] =	vst v63  }
0x193: {  	v3 =	vld [tilespmem:$0x10];
	_ =	sdelay $0x4  }
0x194: {  	v49 =	vshll.u32 v3, $0x1  }
0x195: {  	v3 =	vand.u32 $0x7, v3;
	v4 =	vand.u32 $0xFFFFFFF0, v49  }
0x196: {  	v3 =	vor.u32 v3, v4  }
0x197: {  	v4 =	vperm.xlane v3, v0;
	_ =	sdelay $0x1  }
0x198: {  	v3 =	vperm.xlane v3, v2;
	v4 =	vadd.s32 v1, v4;
	_ =	sdelay $0x1  }
0x199: {  	v3 =	vadd.s32 v1, v3;
	_ =	sdelay $0x2  }
0x19a: {  	[tilespmem:s17], [sflag:$0x1] =	stream.indirect_vreg.gather [hbm4b:s3+s2], $0x80, v4, vm0, $0xb8;
	[tilespmem:$0x8080] =	vst v63  }
0x19b: {  	_ = 	snop  }
0x19c: {  	[tilespmem:s18], [sflag:$0x1] =	stream.indirect_vreg.gather [hbm4b:s3+s2], $0x80, v3, vm0, $0xb8;
	[tilespmem:$0x8080] =	vst v63  }
0x19d: {  	v3 =	vld [tilespmem:$0x20];
	_ =	sdelay $0x4  }
0x19e: {  	v50 =	vshll.u32 v3, $0x1  }
0x19f: {  	v3 =	vand.u32 $0x7, v3;
	v4 =	vand.u32 $0xFFFFFFF0, v50  }
0x1a0: {  	v3 =	vor.u32 v3, v4  }
0x1a1: {  	v4 =	vperm.xlane v3, v0;
	_ =	sdelay $0x1  }
0x1a2: {  	v3 =	vperm.xlane v3, v2;
	v4 =	vadd.s32 v1, v4;
	_ =	sdelay $0x1  }
0x1a3: {  	v3 =	vadd.s32 v1, v3;
	_ =	sdelay $0x2  }
0x1a4: {  	[tilespmem:s19], [sflag:$0x1] =	stream.indirect_vreg.gather [hbm4b:s3+s2], $0x80, v4, vm0, $0xb8;
	[tilespmem:$0x8080] =	vst v63  }
0x1a5: {  	_ = 	snop  }
0x1a6: {  	[tilespmem:s20], [sflag:$0x1] =	stream.indirect_vreg.gather [hbm4b:s3+s2], $0x80, v3, vm0, $0xb8;
	[tilespmem:$0x8080] =	vst v63  }
0x1a7: {  	v3 =	vld [tilespmem:$0x30];
	_ =	sdelay $0x4  }
0x1a8: {  	v51 =	vshll.u32 v3, $0x1  }
0x1a9: {  	v3 =	vand.u32 $0x7, v3;
	v4 =	vand.u32 $0xFFFFFFF0, v51  }
0x1aa: {  	v3 =	vor.u32 v3, v4  }
0x1ab: {  	v4 =	vperm.xlane v3, v0;
	_ =	sdelay $0x1  }
0x1ac: {  	v3 =	vperm.xlane v3, v2;
	v4 =	vadd.s32 v1, v4;
	_ =	sdelay $0x1  }
0x1ad: {  	v3 =	vadd.s32 v1, v3;
	_ =	sdelay $0x2  }
0x1ae: {  	[tilespmem:s21], [sflag:$0x1] =	stream.indirect_vreg.gather [hbm4b:s3+s2], $0x80, v4, vm0, $0xb8;
	[tilespmem:$0x8080] =	vst v63  }
0x1af: {  	_ = 	snop  }
0x1b0: {  	[tilespmem:s22], [sflag:$0x1] =	stream.indirect_vreg.gather [hbm4b:s3+s2], $0x80, v3, vm0, $0xb8;
	[tilespmem:$0x8080] =	vst v63  }
0x1b1: {  	v3 =	vld [tilespmem:$0x40];
	_ =	sdelay $0x4  }
0x1b2: {  	v52 =	vshll.u32 v3, $0x1  }
0x1b3: {  	v3 =	vand.u32 $0x7, v3;
	v4 =	vand.u32 $0xFFFFFFF0, v52  }
0x1b4: {  	v3 =	vor.u32 v3, v4  }
0x1b5: {  	v4 =	vperm.xlane v3, v0;
	_ =	sdelay $0x1  }
0x1b6: {  	v3 =	vperm.xlane v3, v2;
	v4 =	vadd.s32 v1, v4;
	_ =	sdelay $0x1  }
0x1b7: {  	v3 =	vadd.s32 v1, v3;
	_ =	sdelay $0x2  }
0x1b8: {  	[tilespmem:s23], [sflag:$0x1] =	stream.indirect_vreg.gather [hbm4b:s3+s2], $0x80, v4, vm0, $0xb8;
	[tilespmem:$0x8080] =	vst v63  }
0x1b9: {  	_ = 	snop  }
0x1ba: {  	[tilespmem:s24], [sflag:$0x1] =	stream.indirect_vreg.gather [hbm4b:s3+s2], $0x80, v3, vm0, $0xb8;
	[tilespmem:$0x8080] =	vst v63  }
0x1bb: {  	v3 =	vld [tilespmem:$0x50];
	_ =	sdelay $0x4  }
0x1bc: {  	v53 =	vshll.u32 v3, $0x1  }
0x1bd: {  	v3 =	vand.u32 $0x7, v3;
	v4 =	vand.u32 $0xFFFFFFF0, v53  }
0x1be: {  	v3 =	vor.u32 v3, v4  }
0x1bf: {  	v4 =	vperm.xlane v3, v0;
	_ =	sdelay $0x1  }
0x1c0: {  	v3 =	vperm.xlane v3, v2;
	v4 =	vadd.s32 v1, v4;
	_ =	sdelay $0x1  }
0x1c1: {  	v3 =	vadd.s32 v1, v3;
	_ =	sdelay $0x2  }
0x1c2: {  	[tilespmem:s25], [sflag:$0x1] =	stream.indirect_vreg.gather [hbm4b:s3+s2], $0x80, v4, vm0, $0xb8;
	[tilespmem:$0x8080] =	vst v63  }
0x1c3: {  	_ = 	snop  }
0x1c4: {  	[tilespmem:s26], [sflag:$0x1] =	stream.indirect_vreg.gather [hbm4b:s3+s2], $0x80, v3, vm0, $0xb8;
	[tilespmem:$0x8080] =	vst v63  }
0x1c5: {  	v3 =	vld [tilespmem:$0x60];
	_ =	sdelay $0x4  }
0x1c6: {  	v54 =	vshll.u32 v3, $0x1  }
0x1c7: {  	v3 =	vand.u32 $0x7, v3;
	v4 =	vand.u32 $0xFFFFFFF0, v54  }
0x1c8: {  	v3 =	vor.u32 v3, v4  }
0x1c9: {  	v4 =	vperm.xlane v3, v0;
	_ =	sdelay $0x1  }
0x1ca: {  	v3 =	vperm.xlane v3, v2;
	v4 =	vadd.s32 v1, v4;
	_ =	sdelay $0x1  }
0x1cb: {  	v3 =	vadd.s32 v1, v3;
	_ =	sdelay $0x2  }
0x1cc: {  	[tilespmem:s28], [sflag:$0x1] =	stream.indirect_vreg.gather [hbm4b:s3+s2], $0x80, v4, vm0, $0xb8;
	[tilespmem:$0x8080] =	vst v63  }
0x1cd: {  	_ = 	snop  }
0x1ce: {  	[tilespmem:s29], [sflag:$0x1] =	stream.indirect_vreg.gather [hbm4b:s3+s2], $0x80, v3, vm0, $0xb8;
	[tilespmem:$0x8080] =	vst v63  }
0x1cf: {  	v3 =	vld [tilespmem:$0x70];
	_ =	sdelay $0x4  }
0x1d0: {  	v55 =	vshll.u32 v3, $0x1  }
0x1d1: {  	v3 =	vand.u32 $0x7, v3;
	v4 =	vand.u32 $0xFFFFFFF0, v55  }
0x1d2: {  	v3 =	vor.u32 v3, v4  }
0x1d3: {  	v4 =	vperm.xlane v3, v0;
	_ =	sdelay $0x1  }
0x1d4: {  	v3 =	vperm.xlane v3, v2;
	v4 =	vadd.s32 v1, v4;
	_ =	sdelay $0x1  }
0x1d5: {  	v3 =	vadd.s32 v1, v3;
	_ =	sdelay $0x2  }
0x1d6: {  	[tilespmem:s30], [sflag:$0x1] =	stream.indirect_vreg.gather [hbm4b:s3+s2], $0x80, v4, vm0, $0xb8;
	[tilespmem:$0x8080] =	vst v63  }
0x1d7: {  	_ = 	snop  }
0x1d8: {  	[tilespmem:s31], [sflag:$0x1] =	stream.indirect_vreg.gather [hbm4b:s3+s2], $0x80, v3, vm0, $0xb8;
	[tilespmem:$0x8080] =	vst v63  }
0x1d9: {  	_ =	swait.ge [sflag:s1], $0x8000  }
0x1da: {  	[sflag:s1] =	ssyncset.done $0x0  }
0x1db: {  	[sflag:s1] =	ssyncadd.s32 $0xFFFF8000  }
0x1dc: {  	[hbm4b:s10+s2] =	stream.linear.scatter [tilespmem:s15], [sflag:$0x2], $0x8000, $0x38;
	[tilespmem:$0x8080] =	vst v63  }
0x1dd: {  	_ =	swait.ge [sflag:s14], $0x8000  }
0x1de: {  	[sflag:s14] =	ssyncset.done $0x0  }
0x1df: {  	[sflag:s14] =	ssyncadd.s32 $0xFFFF8000  }
0x1e0: {  	[tilespmem:s2], [sflag:$0x2] =	stream.linear.gather [hbm4b:s11+s2], $0x80, $0x38;
	[tilespmem:$0x8080] =	vst v63  }
0x1e1: {  	_ =	swait.ge [sflag:s14], $0x80  }
0x1e2: {  	[sflag:s14] =	ssyncset.done $0x0  }
0x1e3: {  	[sflag:s14] =	ssyncadd.s32 $0xFFFFFF80  }
0x1e4: {  	v3 =	vld [tilespmem:$0x0];
	_ =	sdelay $0x4  }
0x1e5: {  	v56 =	vshll.u32 v3, $0x1  }
0x1e6: {  	v3 =	vand.u32 $0x7, v3;
	v4 =	vand.u32 $0xFFFFFFF0, v56  }
0x1e7: {  	v3 =	vor.u32 v3, v4  }
0x1e8: {  	v4 =	vperm.xlane v3, v0;
	_ =	sdelay $0x1  }
0x1e9: {  	v3 =	vperm.xlane v3, v2;
	v4 =	vadd.s32 v1, v4;
	_ =	sdelay $0x1  }
0x1ea: {  	v3 =	vadd.s32 v1, v3;
	_ =	sdelay $0x2  }
0x1eb: {  	[tilespmem:s15], [sflag:$0x1] =	stream.indirect_vreg.gather [hbm4b:s3+s2], $0x80, v4, vm0, $0xb8;
	[tilespmem:$0x8080] =	vst v63  }
0x1ec: {  	_ = 	snop  }
0x1ed: {  	[tilespmem:s16], [sflag:$0x1] =	stream.indirect_vreg.gather [hbm4b:s3+s2], $0x80, v3, vm0, $0xb8;
	[tilespmem:$0x8080] =	vst v63  }
0x1ee: {  	v3 =	vld [tilespmem:$0x10];
	_ =	sdelay $0x4  }
0x1ef: {  	v57 =	vshll.u32 v3, $0x1  }
0x1f0: {  	v3 =	vand.u32 $0x7, v3;
	v4 =	vand.u32 $0xFFFFFFF0, v57  }
0x1f1: {  	v3 =	vor.u32 v3, v4  }
0x1f2: {  	v4 =	vperm.xlane v3, v0;
	_ =	sdelay $0x1  }
0x1f3: {  	v3 =	vperm.xlane v3, v2;
	v4 =	vadd.s32 v1, v4;
	_ =	sdelay $0x1  }
0x1f4: {  	v3 =	vadd.s32 v1, v3;
	_ =	sdelay $0x2  }
0x1f5: {  	[tilespmem:s17], [sflag:$0x1] =	stream.indirect_vreg.gather [hbm4b:s3+s2], $0x80, v4, vm0, $0xb8;
	[tilespmem:$0x8080] =	vst v63  }
0x1f6: {  	_ = 	snop  }
0x1f7: {  	[tilespmem:s18], [sflag:$0x1] =	stream.indirect_vreg.gather [hbm4b:s3+s2], $0x80, v3, vm0, $0xb8;
	[tilespmem:$0x8080] =	vst v63  }
0x1f8: {  	v3 =	vld [tilespmem:$0x20];
	_ =	sdelay $0x4  }
0x1f9: {  	v58 =	vshll.u32 v3, $0x1  }
0x1fa: {  	v3 =	vand.u32 $0x7, v3;
	v4 =	vand.u32 $0xFFFFFFF0, v58  }
0x1fb: {  	v3 =	vor.u32 v3, v4  }
0x1fc: {  	v4 =	vperm.xlane v3, v0;
	_ =	sdelay $0x1  }
0x1fd: {  	v3 =	vperm.xlane v3, v2;
	v4 =	vadd.s32 v1, v4;
	_ =	sdelay $0x1  }
0x1fe: {  	v3 =	vadd.s32 v1, v3;
	_ =	sdelay $0x2  }
0x1ff: {  	[tilespmem:s19], [sflag:$0x1] =	stream.indirect_vreg.gather [hbm4b:s3+s2], $0x80, v4, vm0, $0xb8;
	[tilespmem:$0x8080] =	vst v63  }
0x200: {  	_ = 	snop  }
0x201: {  	[tilespmem:s20], [sflag:$0x1] =	stream.indirect_vreg.gather [hbm4b:s3+s2], $0x80, v3, vm0, $0xb8;
	[tilespmem:$0x8080] =	vst v63  }
0x202: {  	v3 =	vld [tilespmem:$0x30];
	_ =	sdelay $0x4  }
0x203: {  	v59 =	vshll.u32 v3, $0x1  }
0x204: {  	v3 =	vand.u32 $0x7, v3;
	v4 =	vand.u32 $0xFFFFFFF0, v59  }
0x205: {  	v3 =	vor.u32 v3, v4  }
0x206: {  	v4 =	vperm.xlane v3, v0;
	_ =	sdelay $0x1  }
0x207: {  	v3 =	vperm.xlane v3, v2;
	v4 =	vadd.s32 v1, v4;
	_ =	sdelay $0x1  }
0x208: {  	v3 =	vadd.s32 v1, v3;
	_ =	sdelay $0x2  }
0x209: {  	[tilespmem:s21], [sflag:$0x1] =	stream.indirect_vreg.gather [hbm4b:s3+s2], $0x80, v4, vm0, $0xb8;
	[tilespmem:$0x8080] =	vst v63  }
0x20a: {  	_ = 	snop  }
0x20b: {  	[tilespmem:s22], [sflag:$0x1] =	stream.indirect_vreg.gather [hbm4b:s3+s2], $0x80, v3, vm0, $0xb8;
	[tilespmem:$0x8080] =	vst v63  }
0x20c: {  	v3 =	vld [tilespmem:$0x40];
	_ =	sdelay $0x4  }
0x20d: {  	v60 =	vshll.u32 v3, $0x1  }
0x20e: {  	v3 =	vand.u32 $0x7, v3;
	v4 =	vand.u32 $0xFFFFFFF0, v60  }
0x20f: {  	v3 =	vor.u32 v3, v4  }
0x210: {  	v4 =	vperm.xlane v3, v0;
	_ =	sdelay $0x1  }
0x211: {  	v3 =	vperm.xlane v3, v2;
	v4 =	vadd.s32 v1, v4;
	_ =	sdelay $0x1  }
0x212: {  	v3 =	vadd.s32 v1, v3;
	_ =	sdelay $0x2  }
0x213: {  	[tilespmem:s23], [sflag:$0x1] =	stream.indirect_vreg.gather [hbm4b:s3+s2], $0x80, v4, vm0, $0xb8;
	[tilespmem:$0x8080] =	vst v63  }
0x214: {  	_ = 	snop  }
0x215: {  	[tilespmem:s24], [sflag:$0x1] =	stream.indirect_vreg.gather [hbm4b:s3+s2], $0x80, v3, vm0, $0xb8;
	[tilespmem:$0x8080] =	vst v63  }
0x216: {  	v3 =	vld [tilespmem:$0x50];
	_ =	sdelay $0x4  }
0x217: {  	v61 =	vshll.u32 v3, $0x1  }
0x218: {  	v3 =	vand.u32 $0x7, v3;
	v4 =	vand.u32 $0xFFFFFFF0, v61  }
0x219: {  	v3 =	vor.u32 v3, v4  }
0x21a: {  	v4 =	vperm.xlane v3, v0;
	_ =	sdelay $0x1  }
0x21b: {  	v3 =	vperm.xlane v3, v2;
	v4 =	vadd.s32 v1, v4;
	_ =	sdelay $0x1  }
0x21c: {  	v3 =	vadd.s32 v1, v3;
	_ =	sdelay $0x2  }
0x21d: {  	[tilespmem:s25], [sflag:$0x1] =	stream.indirect_vreg.gather [hbm4b:s3+s2], $0x80, v4, vm0, $0xb8;
	[tilespmem:$0x8080] =	vst v63  }
0x21e: {  	_ = 	snop  }
0x21f: {  	[tilespmem:s26], [sflag:$0x1] =	stream.indirect_vreg.gather [hbm4b:s3+s2], $0x80, v3, vm0, $0xb8;
	[tilespmem:$0x8080] =	vst v63  }
0x220: {  	v3 =	vld [tilespmem:$0x60];
	_ =	sdelay $0x4  }
0x221: {  	v62 =	vshll.u32 v3, $0x1  }
0x222: {  	v3 =	vand.u32 $0x7, v3;
	v4 =	vand.u32 $0xFFFFFFF0, v62  }
0x223: {  	v3 =	vor.u32 v3, v4  }
0x224: {  	v4 =	vperm.xlane v3, v0;
	_ =	sdelay $0x1  }
0x225: {  	v3 =	vperm.xlane v3, v2;
	v4 =	vadd.s32 v1, v4;
	_ =	sdelay $0x1  }
0x226: {  	v3 =	vadd.s32 v1, v3;
	_ =	sdelay $0x2  }
0x227: {  	[tilespmem:s28], [sflag:$0x1] =	stream.indirect_vreg.gather [hbm4b:s3+s2], $0x80, v4, vm0, $0xb8;
	[tilespmem:$0x8080] =	vst v63  }
0x228: {  	_ = 	snop  }
0x229: {  	[tilespmem:s29], [sflag:$0x1] =	stream.indirect_vreg.gather [hbm4b:s3+s2], $0x80, v3, vm0, $0xb8;
	[tilespmem:$0x8080] =	vst v63  }
0x22a: {  	v3 =	vld [tilespmem:$0x70];
	_ =	sdelay $0x4  }
0x22b: {  	v63 =	vshll.u32 v3, $0x1  }
0x22c: {  	v3 =	vand.u32 $0x7, v3;
	v4 =	vand.u32 $0xFFFFFFF0, v63  }
0x22d: {  	v3 =	vor.u32 v3, v4  }
0x22e: {  	v4 =	vperm.xlane v3, v0;
	_ =	sdelay $0x1  }
0x22f: {  	v3 =	vperm.xlane v3, v2;
	v4 =	vadd.s32 v1, v4;
	_ =	sdelay $0x1  }
0x230: {  	v3 =	vadd.s32 v1, v3;
	_ =	sdelay $0x2  }
0x231: {  	[tilespmem:s30], [sflag:$0x1] =	stream.indirect_vreg.gather [hbm4b:s3+s2], $0x80, v4, vm0, $0xb8;
	[tilespmem:$0x8080] =	vst v63  }
0x232: {  	_ = 	snop  }
0x233: {  	[tilespmem:s31], [sflag:$0x1] =	stream.indirect_vreg.gather [hbm4b:s3+s2], $0x80, v3, vm0, $0xb8;
	[tilespmem:$0x8080] =	vst v63  }
0x234: {  	_ =	swait.ge [sflag:s1], $0x8000  }
0x235: {  	p0 =	sne.s32 s13, $0x1;
	[sflag:s1] =	ssyncset.done $0x0  }
.Ltmp0:
0x236: {  	[sflag:s1] =	ssyncadd.s32 $0xFFFF8000;
	(pc) =	sbr.rel @p0 .LBB2_1-.Ltmp0, $4  }
0x237: {  	[hbm4b:s12+s2] =	stream.linear.scatter [tilespmem:s15], [sflag:$0x2], $0x8000, $0x38;
	[tilespmem:$0x8080] =	vst v63  }
0x238: {  	_ =	swait.ge [sflag:s14], $0x8000  }
0x239: {  	[sflag:s14] =	ssyncset.done $0x0  }
0x23a: {  	s13 =	sadd.s32 $0xFFFFFFFF, s13;
	[sflag:s14] =	ssyncadd.s32 $0xFFFF8000  }
0x23b: {  	_ =	sfence.sel $0x180000  }
0x23c: {  	[bflag:$0x0] =	sbarrier.arrive $0xFFFF  }
0x23d: {  	_ =	strace $0x90000047  }
0x23e: {  	s0 =	stileid.u32;
	[bflag:$0x2] =	sbarrier.arrive $0xFFFF  }
0x23f: {  	p0 =	sne.s32 s0, $0x0;
	s0 =	rddreg [dreg:$0x2]  }
0x240: {  	s0 =	sadd.s32 @!p0 $0x100000, s0  }
0x241: {  	[sflag:s0] =	ssyncadd.tile.s32 @!p0 $0x1;
	_ =	shalt  }
.Lfunc_end2:
_tile_overlayer_lowered:
.L_overlay_start_2:
0x242: {  	(tag) =	ssettag $0x2  }
0x243: {  	s0 =	rddreg [dreg:$0x0];
	s2 =	stileid.u32  }
0x244: {  	s1 =	rddreg [dreg:$0x1];
	p0 =	sne.s32 s2, $0x0  }
0x245: {  	s3 =	rddreg [dreg:$0x2];
	[bflag:$0x3] =	sbarrier.arrive $0xFFFF;
	s2 =	simm.s32 @!p0 $0x1C02  }
0x246: {  	[timem:s3], [sflag:s2] =	dma.local @!p0 [hbm:s0], s1  }
0x247: {  	s0 =	simm.s32 @!p0 $0x2  }
0x248: {  	_ =	swait.ge @!p0 [sflag:s0], s1  }
0x249: {  	s1 =	ssub.s32 @!p0 $0x0, s1;
	[sflag:s0] =	ssyncset.done @!p0 $0x0  }
0x24a: {  	[sflag:s0] =	ssyncadd.s32 @!p0 s1  }
0x24b: {  	[bflag:$0x3] =	sbarrier.arrive $0xFFFF  }
0x24c: {  	_ =	shalt  }

// kernel: kernel.19.cloned.1.call-start
scs
__scs_entry_jumppad:
0x0: {  	(pc) =	sbr.rel $0x88, $3  }
0x1: {  	(tag) =	ssettag $0x0;
	lr =	simm.s32 $0x1  }
0x2: {  	[smem:$0x3F79] =	sst lr;
	_ =	strace $0xD0000000  }
0x3: {  	_ = 	snop  }
0x4: {  	_ = 	snop  }
0x5: {  	_ = 	snop  }
0x6: {  	_ = 	snop  }
0x7: {  	_ = 	snop  }
__scs_overlays_trampoline_lowered:
0x8: {  	[smem:$0x3F88] =	sst s0  }
0x9: {  	[smem:$0x3F89] =	sst s1  }
0xa: {  	[smem:$0x3F8A] =	sst s2  }
0xb: {  	[smem:$0x3F8B] =	sst s3  }
0xc: {  	[smem:$0x3F8C] =	sst s4  }
0xd: {  	[smem:$0x3F8D] =	sst s5  }
0xe: {  	[smem:$0x3F8E] =	sst s6  }
0xf: {  	[smem:$0x3F8F] =	sst s7  }
0x10: {  	[smem:$0x3F90] =	sst s8  }
0x11: {  	[smem:$0x3F91] =	sst s9;
	s0 =	simm.s32 @!p0 $0x0  }
0x12: {  	s1 =	sld [smem:$0x3F77];
	s0 =	simm.s32 @p0 $0x1  }
0x13: {  	[smem:$0x3F92] =	sst s0;
	s0 =	simm.s32 @!p1 $0x0  }
0x14: {  	s2 =	sld [smem:$0x3F76];
	s0 =	simm.s32 @p1 $0x1  }
0x15: {  	[smem:$0x3F93] =	sst s0;
	s0 =	simm.s32 @!p2 $0x0  }
0x16: {  	s3 =	sld [smem:$0x3FDB];
	s0 =	simm.s32 @p2 $0x1  }
0x17: {  	s4 =	simm.s32 $0x1BF5;
	[smem:$0x3F95] =	sst s0  }
0x18: {  	s0 =	sld [smem:$0x3F78];
	_ =	swait.ge [sflag:s4], $0x0  }
0x19: {  	s7 =	sld [smem:$0x3F79]  }
0x1a: {  	s8 =	sadd.s32 $0xFFFFE003, lr  }
0x1b: {  	s9 =	sadd.s32 $0xFFFFFEF7, lr;
	s5 =	simm.s32 $0xFFFFFFFF;
	p2 =	slt.u32 s8, $0xFFFFF086  }
0x1c: {  	p1 =	slt.u32 s9, $0xF7A;
	s5 =	simm.s32 @!p2 $0x0  }
0x1d: {  	s5 =	simm.s32 @p1 $0x1;
	p0 =	seq.s32 s7, s2  }
0x1e: {  	s7 =	smul.u32 @!p0 $0xF7A, s2;
	p2 =	seq.s32 @!p0 s5, $0x0  }
0x1f: {  	s9 =	smul.u32 $0xF7A, s1;
	s8 =	simm.s32 @!p0 $0x1BF5;
	p2 =	por !p2, p0  }
0x20: {  	[sflag:s8] =	ssyncset.s32 @!p0 $0xFFFFF086;
	s6 =	sadd.s32 @!p0 s3, s7;
	s7 =	simm.s32 @!p0 $0x108  }
0x21: {  	s3 =	sadd.s32 s3, s9;
	s6 =	sadd.s32 @!p0 $0x88, s6;
	s7 =	simm.s32 @p2 $0x1082  }
0x22: {  	[simem:s7], [sflag:s8] =	dma.local @!p0 [hbm:s6], $0xF7A  }
0x23: {  	s9 =	sor.u32 $0xD0000000, s2;
	s6 =	simm.s32 $0x108;
	_ =	swait.ge @!p0 [sflag:s8], $0x0  }
0x24: {  	s3 =	sadd.s32 $0x88, s3;
	s6 =	simm.s32 @!p1 $0x1082;
	[sflag:s4] =	ssyncset.s32 $0xFFFFF086  }
0x25: {  	[simem:s6], [sflag:s4] =	dma.local [hbm:s3], $0xF7A  }
0x26: {  	[smem:$0x3F79] =	sst s1;
	(tag) =	ssettag s2;
	_ =	strace s9  }
0x27: {  	s1 =	sld [smem:$0x3F89]  }
0x28: {  	s2 =	sld [smem:$0x3F8A]  }
0x29: {  	s4 =	sld [smem:$0x3F8C]  }
0x2a: {  	p0 =	seq.s32 s5, $0x0;
	s5 =	sld [smem:$0x3F8D]  }
0x2b: {  	s6 =	sld [smem:$0x3F8E]  }
0x2c: {  	s7 =	sld [smem:$0x3F8F]  }
0x2d: {  	s3 =	simm.s32 $0x108;
	s8 =	sld [smem:$0x3F90]  }
0x2e: {  	s3 =	simm.s32 @!p0 $0x1082;
	s9 =	sld [smem:$0x3F91]  }
0x2f: {  	lr =	sadd.s32 s0, s3;
	s0 =	sld [smem:$0x3F88]  }
0x30: {  	s3 =	sld [smem:$0x3F8B]  }
0x31: {  	[smem:$0x3F94] =	sst s10  }
0x32: {  	s10 =	sld [smem:$0x3F92];
	_ =	sdelay $0x3  }
0x33: {  	p0 =	seq.s32 s10, $0x1;
	s10 =	sld [smem:$0x3F94];
	_ =	sdelay $0x3  }
0x34: {  	[smem:$0x3F94] =	sst s10  }
0x35: {  	s10 =	sld [smem:$0x3F93];
	_ =	sdelay $0x3  }
0x36: {  	p1 =	seq.s32 s10, $0x1;
	s10 =	sld [smem:$0x3F94];
	_ =	sdelay $0x3  }
0x37: {  	[smem:$0x3F94] =	sst s10  }
0x38: {  	s10 =	sld [smem:$0x3F95]  }
0x39: {  	_ = 	snop;
	(pc) =	sbr.ind lr, $3  }
0x3a: {  	_ = 	snop  }
0x3b: {  	_ = 	snop  }
0x3c: {  	p2 =	seq.s32 s10, $0x1;
	s10 =	sld [smem:$0x3F94]  }
0x3d: {  	_ =	shalt  }
0x3e: {  	_ =	shalt  }
0x3f: {  	_ =	shalt  }
0x40: {  	_ =	shalt  }
0x41: {  	_ =	shalt  }
0x42: {  	_ =	shalt  }
0x43: {  	_ =	shalt  }
0x44: {  	_ =	shalt  }
0x45: {  	_ =	shalt  }
0x46: {  	_ =	shalt  }
0x47: {  	_ =	shalt  }
0x48: {  	_ =	shalt  }
0x49: {  	_ =	shalt  }
0x4a: {  	_ =	shalt  }
0x4b: {  	_ =	shalt  }
0x4c: {  	_ =	shalt  }
0x4d: {  	_ =	shalt  }
0x4e: {  	_ =	shalt  }
0x4f: {  	_ =	shalt  }
0x50: {  	_ =	shalt  }
0x51: {  	_ =	shalt  }
0x52: {  	_ =	shalt  }
0x53: {  	_ =	shalt  }
0x54: {  	_ =	shalt  }
0x55: {  	_ =	shalt  }
0x56: {  	_ =	shalt  }
0x57: {  	_ =	shalt  }
0x58: {  	_ =	shalt  }
0x59: {  	_ =	shalt  }
0x5a: {  	_ =	shalt  }
0x5b: {  	_ =	shalt  }
0x5c: {  	_ =	shalt  }
0x5d: {  	_ =	shalt  }
0x5e: {  	_ =	shalt  }
0x5f: {  	_ =	shalt  }
0x60: {  	_ =	shalt  }
0x61: {  	_ =	shalt  }
0x62: {  	_ =	shalt  }
0x63: {  	_ =	shalt  }
0x64: {  	_ =	shalt  }
0x65: {  	_ =	shalt  }
0x66: {  	_ =	shalt  }
0x67: {  	_ =	shalt  }
0x68: {  	_ =	shalt  }
0x69: {  	_ =	shalt  }
0x6a: {  	_ =	shalt  }
0x6b: {  	_ =	shalt  }
0x6c: {  	_ =	shalt  }
0x6d: {  	_ =	shalt  }
0x6e: {  	_ =	shalt  }
0x6f: {  	_ =	shalt  }
0x70: {  	_ =	shalt  }
0x71: {  	_ =	shalt  }
0x72: {  	_ =	shalt  }
0x73: {  	_ =	shalt  }
0x74: {  	_ =	shalt  }
0x75: {  	_ =	shalt  }
0x76: {  	_ =	shalt  }
0x77: {  	_ =	shalt  }
0x78: {  	_ =	shalt  }
0x79: {  	_ =	shalt  }
0x7a: {  	_ =	shalt  }
0x7b: {  	_ =	shalt  }
0x7c: {  	_ =	shalt  }
0x7d: {  	_ =	shalt  }
0x7e: {  	_ =	shalt  }
0x7f: {  	_ =	shalt  }
0x80: {  	_ =	shalt  }
0x81: {  	_ =	shalt  }
0x82: {  	_ =	shalt  }
0x83: {  	_ =	shalt  }
0x84: {  	_ =	shalt  }
0x85: {  	_ =	shalt  }
0x86: {  	_ =	shalt  }
0x87: {  	_ =	shalt  }
.Lfunc_end0:
.L_simem_size_0:
called_computation.1_lowered:
.L_overlay_start_0:
0x88: {  	s2 =	sld [smem:$0x3FD9]  }
0x89: {  	s3 =	sld [smem:$0x3FFE];
	_ =	sdelay $0x1  }
0x8a: {  	s1 =	srdreg.scid  }
0x8b: {  	s0 =	sand.u32 $0x1, s1  }
0x8c: {  	s17 =	sshll.u32 s0, $0xA;
	s2 =	sadd.s32 s3, s2  }
0x8d: {  	s2 =	sadd.s32 s2, s17  }
0x8e: {  	[smem:$0x3FA0] =	sst s2  }
0x8f: {  	_ = 	snop  }
0x90: {  	s2 =	sld [smem:$0x3FD0];
	(tm) =	ssettm $0x1  }
0x91: {  	s18 =	sld [smem:$0x3FFB];
	_ =	sdelay $0x3  }
0x92: {  	_ =	strace s18  }
0x93: {  	s3 =	sld [smem:$0x3FFC];
	_ =	sdelay $0x3  }
0x94: {  	_ =	strace s3  }
0x95: {  	s3 =	sld [smem:$0x3FFD];
	_ =	sdelay $0x3  }
0x96: {  	_ =	strace s3  }
0x97: {  	_ =	strace $0x8FFFFFFF  }
0x98: {  	s19 =	sld [smem:$0x3FDB];
	_ =	sdelay $0x1  }
0x99: {  	s4 =	simm.s32 $_scs_section_size  }
0x9a: {  	s5 =	simm.s32 $_size__tile_overlayer_lowered;
	s6 =	simm.s32 $_tile_overlayer_lowered  }
0x9b: {  	s22 =	simm.s32 $0x1BFF;
	s21 =	sshll.u32 s6, $0x1;
	s3 =	sadd.s32 s4, s19  }
0x9c: {  	s7 =	simm.s32 $0x0;
	s20 =	sshll.u32 s5, $0x1;
	s5 =	sadd.s32 s21, s3  }
0x9d: {  	[timem:s7], [sflag:s22] =	dma.local [hbm:s5], s20  }
0x9e: {  	_ =	swait.ge [sflag:s22], s20  }
0x9f: {  	s4 =	ssub.s32 $0x0, s20;
	[sflag:s22] =	ssyncset.done $0x0  }
0xa0: {  	[sflag:s22] =	ssyncadd.s32 s4;
	_ =	sdelay $0x1  }
0xa1: {  	s23 =	simm.s32 $0x1B8B  }
0xa2: {  	_ =	swait.ge [sflag:s23], $0x1  }
0xa3: {  	[sflag:s23] =	ssyncset.done $0x0  }
0xa4: {  	s25 =	simm.s32 $0x1B8E;
	s24 =	sld [smem:$0x3FFE];
	[sflag:s23] =	ssyncadd.s32 $0xFFFFFFFF  }
0xa5: {  	s26 =	simm.s32 $execute0_lowered;
	[smem:$0x3FD2] =	sst s25  }
0xa6: {  	s5 =	sshll.u32 s26, $0x1;
	_ =	strace $0x80000049;
	[dreg:$0x1] =	wrdreg $0xFFFFFFFF  }
0xa7: {  	s28 =	simm.s32 $_size_execute0_lowered;
	s3 =	sadd.s32 s3, s5;
	[dreg:$0x0] =	wrdreg $0x0  }
0xa8: {  	s5 =	sshll.u32 s28, $0x1;
	[dreg:$0x2] =	wrdreg s3  }
0xa9: {  	[dreg:$0x3] =	wrdreg s5  }
0xaa: {  	[dreg:$0x4] =	wrdreg $0xC0  }
0xab: {  	_ =	task [dreg:s7], $0x5FFFF  }
0xac: {  	[dreg:$0x1] =	wrdreg $0xFFFFFFFF  }
0xad: {  	[dreg:$0x0] =	wrdreg $0x60  }
0xae: {  	[dreg:$0x2] =	wrdreg s24  }
0xaf: {  	[dreg:$0x3] =	wrdreg s2  }
0xb0: {  	[dreg:$0x4] =	wrdreg $0x9  }
0xb1: {  	_ =	task.clear_ibuf [dreg:s7], $0x5FFFF;
	_ =	strace $0x90000049  }
0xb2: {  	s29 =	simm.s32 $0x9;
	_ =	strace $0x8000004B  }
0xb3: {  	_ =	swait.ge [sflag:s29], $0x1  }
0xb4: {  	[sflag:s29] =	ssyncadd.s32 $0xFFFFFFFF  }
0xb5: {  	_ =	strace $0x9000004B  }
0xb6: {  	_ =	sfence  }
0xb7: {  	s30 =	sld [smem:$0x0];
	_ =	sdelay $0x2  }
0xb8: {  	s31 =	sshll.u32 s1, $0xD;
	s1 =	sshrl.u32 s1, $0x2  }
0xb9: {  	s3 =	sand.u32 $0x4000, s31;
	s1 =	sadd.s32 s1, s30  }
0xba: {  	s0 =	sor.u32 s3, s0;
	s1 =	sshll.u32 s1, $0x11  }
0xbb: {  	s0 =	sor.u32 s1, s0  }
0xbc: {  	s0 =	sadd.s32 $0x8F2B, s0  }
0xbd: {  	[sflag:s0] =	ssyncadd.remote.s32 $0x1  }
0xbe: {  	_ =	sfence.sel $0xFFFF  }
0xbf: {  	[dreg:$0x0] =	wrdreg $0xFFFFFFFF;
	(pc) =	sbr.abs _section_cstart, $3  }
0xc0: {  	[dreg:$0x1] =	wrdreg $0xFFFFFFFF  }
0xc1: {  	_ =	task.clear_ibuf [dreg:s7], $0x2FFFF;
	_ =	strace $0x9FFFFFFF  }
0xc2: {  	(tm) =	ssettm $0x7FFFFFFF  }
0xc3: {  	_ =	shalt  }
tec
execute0_lowered:
.L_overlay_start_1:
0x0: {  	(tag) =	ssettag $0x1  }
0x1: {  	s1 =	srdreg.scid;
	s0 =	stileid.u32  }
0x2: {  	s18 =	sand.u32 $0x1, s1;
	s26 =	sshll.u32 s0, $0x1  }
0x3: {  	s8 =	rddreg [dreg:$0x0];
	s9 =	sor.u32 s18, s26  }
0x4: {  	s17 =	rddreg [dreg:$0x1];
	s19 =	smul.u32 $0x300, s9  }
0x5: {  	s2 =	simm.s32 $0x0;
	s1 =	rddreg [dreg:$0x2]  }
0x6: {  	[smem:$0x7FF] =	sst s2;
	s3 =	sshrl.u32 s19, $0x3  }
0x7: {  	_ =	strace $0x8000004A;
	s4 =	sadd.s32 s17, s3;
	s3 =	simm.s32 $0x2  }
0x8: {  	[tilespmem:s2], [sflag:$0x2] =	stream.linear.gather [hbm4b:s4+s2], $0x80, $0x38;
	[tilespmem:$0x4080] =	vst v63  }
0x9: {  	_ =	swait.ge [sflag:s3], $0x80  }
0xa: {  	s6 =	simm.s32 $0x80;
	[sflag:s3] =	ssyncset.done $0x0  }
0xb: {  	s7 =	simm.s32 $0x1;
	s5 =	sadd.s32 $0x7200, s8;
	[sflag:s3] =	ssyncadd.s32 $0xFFFFFF80  }
0xc: {  	[tilespmem:s6], [sflag:$0x1] =	stream.indirect.gather [hbm4b:s5+s6], $0x80, s2, s6, $0xb8;
	[tilespmem:$0x4080] =	vst v63  }
0xd: {  	s9 =	smul.u32 $0x3000, s9;
	_ =	swait.ge [sflag:s7], $0x4000  }
0xe: {  	s20 =	sadd.s32 $0x27200, s8;
	[sflag:s7] =	ssyncset.done $0x0  }
0xf: {  	s8 =	sadd.s32 s20, s9;
	[sflag:s7] =	ssyncadd.s32 $0xFFFFC000  }
0x10: {  	[hbm4b:s8+s2] =	stream.linear.scatter [tilespmem:s6], [sflag:$0x2], $0x4000, $0x38;
	[tilespmem:$0x4080] =	vst v63  }
0x11: {  	s10 =	sor.u32 $0x80, s19;
	_ =	swait.ge [sflag:s3], $0x4000  }
0x12: {  	s28 =	sshrl.u32 s10, $0x3;
	[sflag:s3] =	ssyncset.done $0x0  }
0x13: {  	s9 =	sadd.s32 s17, s28;
	[sflag:s3] =	ssyncadd.s32 $0xFFFFC000  }
0x14: {  	[tilespmem:s2], [sflag:$0x2] =	stream.linear.gather [hbm4b:s9+s2], $0x80, $0x38;
	[tilespmem:$0x4080] =	vst v63  }
0x15: {  	_ =	swait.ge [sflag:s3], $0x80  }
0x16: {  	[sflag:s3] =	ssyncset.done $0x0  }
0x17: {  	[sflag:s3] =	ssyncadd.s32 $0xFFFFFF80  }
0x18: {  	[tilespmem:s6], [sflag:$0x1] =	stream.indirect.gather [hbm4b:s5+s6], $0x80, s2, s6, $0xb8;
	[tilespmem:$0x4080] =	vst v63  }
0x19: {  	_ =	swait.ge [sflag:s7], $0x4000  }
0x1a: {  	s10 =	sshll.u32 s10, $0x4;
	[sflag:s7] =	ssyncset.done $0x0  }
0x1b: {  	s10 =	sadd.s32 s20, s10;
	[sflag:s7] =	ssyncadd.s32 $0xFFFFC000  }
0x1c: {  	[hbm4b:s10+s2] =	stream.linear.scatter [tilespmem:s6], [sflag:$0x2], $0x4000, $0x38;
	[tilespmem:$0x4080] =	vst v63  }
0x1d: {  	s12 =	sadd.s32 $0x100, s19;
	_ =	swait.ge [sflag:s3], $0x4000  }
0x1e: {  	s11 =	sshrl.u32 s12, $0x3;
	[sflag:s3] =	ssyncset.done $0x0  }
0x1f: {  	s11 =	sadd.s32 s17, s11;
	[sflag:s3] =	ssyncadd.s32 $0xFFFFC000  }
0x20: {  	[tilespmem:s2], [sflag:$0x2] =	stream.linear.gather [hbm4b:s11+s2], $0x80, $0x38;
	[tilespmem:$0x4080] =	vst v63  }
0x21: {  	_ =	swait.ge [sflag:s3], $0x80  }
0x22: {  	[sflag:s3] =	ssyncset.done $0x0  }
0x23: {  	[sflag:s3] =	ssyncadd.s32 $0xFFFFFF80  }
0x24: {  	[tilespmem:s6], [sflag:$0x1] =	stream.indirect.gather [hbm4b:s5+s6], $0x80, s2, s6, $0xb8;
	[tilespmem:$0x4080] =	vst v63  }
0x25: {  	_ =	swait.ge [sflag:s7], $0x4000  }
0x26: {  	s12 =	sshll.u32 s12, $0x4;
	[sflag:s7] =	ssyncset.done $0x0  }
0x27: {  	s12 =	sadd.s32 s20, s12;
	[sflag:s7] =	ssyncadd.s32 $0xFFFFC000  }
0x28: {  	[hbm4b:s12+s2] =	stream.linear.scatter [tilespmem:s6], [sflag:$0x2], $0x4000, $0x38;
	[tilespmem:$0x4080] =	vst v63  }
0x29: {  	s14 =	sadd.s32 $0x180, s19;
	_ =	swait.ge [sflag:s3], $0x4000  }
0x2a: {  	s13 =	sshrl.u32 s14, $0x3;
	[sflag:s3] =	ssyncset.done $0x0  }
0x2b: {  	s13 =	sadd.s32 s17, s13;
	[sflag:s3] =	ssyncadd.s32 $0xFFFFC000  }
0x2c: {  	[tilespmem:s2], [sflag:$0x2] =	stream.linear.gather [hbm4b:s13+s2], $0x80, $0x38;
	[tilespmem:$0x4080] =	vst v63  }
0x2d: {  	_ =	swait.ge [sflag:s3], $0x80  }
0x2e: {  	[sflag:s3] =	ssyncset.done $0x0  }
0x2f: {  	[sflag:s3] =	ssyncadd.s32 $0xFFFFFF80  }
0x30: {  	[tilespmem:s6], [sflag:$0x1] =	stream.indirect.gather [hbm4b:s5+s6], $0x80, s2, s6, $0xb8;
	[tilespmem:$0x4080] =	vst v63  }
0x31: {  	_ =	swait.ge [sflag:s7], $0x4000  }
0x32: {  	s14 =	sshll.u32 s14, $0x4;
	[sflag:s7] =	ssyncset.done $0x0  }
0x33: {  	s14 =	sadd.s32 s20, s14;
	[sflag:s7] =	ssyncadd.s32 $0xFFFFC000  }
0x34: {  	[hbm4b:s14+s2] =	stream.linear.scatter [tilespmem:s6], [sflag:$0x2], $0x4000, $0x38;
	[tilespmem:$0x4080] =	vst v63  }
0x35: {  	s16 =	sadd.s32 $0x200, s19;
	_ =	swait.ge [sflag:s3], $0x4000  }
0x36: {  	s15 =	sshrl.u32 s16, $0x3;
	[sflag:s3] =	ssyncset.done $0x0  }
0x37: {  	s15 =	sadd.s32 s17, s15;
	[sflag:s3] =	ssyncadd.s32 $0xFFFFC000  }
0x38: {  	[tilespmem:s2], [sflag:$0x2] =	stream.linear.gather [hbm4b:s15+s2], $0x80, $0x38;
	[tilespmem:$0x4080] =	vst v63  }
0x39: {  	_ =	swait.ge [sflag:s3], $0x80  }
0x3a: {  	[sflag:s3] =	ssyncset.done $0x0  }
0x3b: {  	[sflag:s3] =	ssyncadd.s32 $0xFFFFFF80  }
0x3c: {  	[tilespmem:s6], [sflag:$0x1] =	stream.indirect.gather [hbm4b:s5+s6], $0x80, s2, s6, $0xb8;
	[tilespmem:$0x4080] =	vst v63  }
0x3d: {  	_ =	swait.ge [sflag:s7], $0x4000  }
0x3e: {  	s16 =	sshll.u32 s16, $0x4;
	[sflag:s7] =	ssyncset.done $0x0  }
0x3f: {  	s16 =	sadd.s32 s20, s16;
	[sflag:s7] =	ssyncadd.s32 $0xFFFFC000  }
0x40: {  	[hbm4b:s16+s2] =	stream.linear.scatter [tilespmem:s6], [sflag:$0x2], $0x4000, $0x38;
	[tilespmem:$0x4080] =	vst v63  }
0x41: {  	s19 =	sadd.s32 $0x280, s19;
	_ =	swait.ge [sflag:s3], $0x4000  }
0x42: {  	s21 =	sshrl.u32 s19, $0x3;
	[sflag:s3] =	ssyncset.done $0x0  }
0x43: {  	s18 =	ssub.s32 $0x2, s18;
	s17 =	sadd.s32 s17, s21;
	[sflag:s3] =	ssyncadd.s32 $0xFFFFC000  }
0x44: {  	[tilespmem:s2], [sflag:$0x2] =	stream.linear.gather [hbm4b:s17+s2], $0x80, $0x38;
	[tilespmem:$0x4080] =	vst v63  }
0x45: {  	s29 =	sshrl.u32 s18, $0x1;
	_ =	swait.ge [sflag:s3], $0x80  }
0x46: {  	s21 =	ssub.s32 s18, s29;
	[sflag:s3] =	ssyncset.done $0x0  }
0x47: {  	s31 =	smax.u32 s21, $0x1;
	[sflag:s3] =	ssyncadd.s32 $0xFFFFFF80  }
0x48: {  	[tilespmem:s6], [sflag:$0x1] =	stream.indirect.gather [hbm4b:s5+s6], $0x80, s2, s6, $0xb8;
	[tilespmem:$0x4080] =	vst v63  }
0x49: {  	p0 =	sne.s32 s31, $0x1;
	_ =	swait.ge [sflag:s7], $0x4000  }
.Ltmp0:
0x4a: {  	s30 =	sshll.u32 s19, $0x4;
	[sflag:s7] =	ssyncset.done $0x0;
	(pc) =	sbr.rel @!p0 .LBB2_2-.Ltmp0, $4  }
0x4b: {  	s18 =	sadd.s32 s20, s30;
	[sflag:s7] =	ssyncadd.s32 $0xFFFFC000  }
0x4c: {  	[hbm4b:s18+s2] =	stream.linear.scatter [tilespmem:s6], [sflag:$0x2], $0x4000, $0x38;
	[tilespmem:$0x4080] =	vst v63  }
0x4d: {  	_ =	swait.ge [sflag:s3], $0x4000  }
0x4e: {  	s19 =	sadd.s32 $0xFFFFFFFF, s31;
	[sflag:s3] =	ssyncset.done $0x0  }
.LBB2_1:
0x4f: {  	p0 =	sne.s32 s19, $0x1;
	s19 =	sadd.s32 $0xFFFFFFFF, s19;
	[sflag:s3] =	ssyncadd.s32 $0xFFFFC000  }
0x50: {  	[tilespmem:s2], [sflag:$0x2] =	stream.linear.gather [hbm4b:s4+s2], $0x80, $0x38;
	[tilespmem:$0x4080] =	vst v63  }
0x51: {  	_ =	swait.ge [sflag:s3], $0x80  }
0x52: {  	[sflag:s3] =	ssyncset.done $0x0  }
0x53: {  	[sflag:s3] =	ssyncadd.s32 $0xFFFFFF80  }
0x54: {  	[tilespmem:s6], [sflag:$0x1] =	stream.indirect.gather [hbm4b:s5+s6], $0x80, s2, s6, $0xb8;
	[tilespmem:$0x4080] =	vst v63  }
0x55: {  	_ =	swait.ge [sflag:s7], $0x4000  }
0x56: {  	[sflag:s7] =	ssyncset.done $0x0  }
0x57: {  	[sflag:s7] =	ssyncadd.s32 $0xFFFFC000  }
0x58: {  	[hbm4b:s8+s2] =	stream.linear.scatter [tilespmem:s6], [sflag:$0x2], $0x4000, $0x38;
	[tilespmem:$0x4080] =	vst v63  }
0x59: {  	_ =	swait.ge [sflag:s3], $0x4000  }
0x5a: {  	[sflag:s3] =	ssyncset.done $0x0  }
0x5b: {  	[sflag:s3] =	ssyncadd.s32 $0xFFFFC000  }
0x5c: {  	[tilespmem:s2], [sflag:$0x2] =	stream.linear.gather [hbm4b:s9+s2], $0x80, $0x38;
	[tilespmem:$0x4080] =	vst v63  }
0x5d: {  	_ =	swait.ge [sflag:s3], $0x80  }
0x5e: {  	[sflag:s3] =	ssyncset.done $0x0  }
0x5f: {  	[sflag:s3] =	ssyncadd.s32 $0xFFFFFF80  }
0x60: {  	[tilespmem:s6], [sflag:$0x1] =	stream.indirect.gather [hbm4b:s5+s6], $0x80, s2, s6, $0xb8;
	[tilespmem:$0x4080] =	vst v63  }
0x61: {  	_ =	swait.ge [sflag:s7], $0x4000  }
0x62: {  	[sflag:s7] =	ssyncset.done $0x0  }
0x63: {  	[sflag:s7] =	ssyncadd.s32 $0xFFFFC000  }
0x64: {  	[hbm4b:s10+s2] =	stream.linear.scatter [tilespmem:s6], [sflag:$0x2], $0x4000, $0x38;
	[tilespmem:$0x4080] =	vst v63  }
0x65: {  	_ =	swait.ge [sflag:s3], $0x4000  }
0x66: {  	[sflag:s3] =	ssyncset.done $0x0  }
0x67: {  	[sflag:s3] =	ssyncadd.s32 $0xFFFFC000  }
0x68: {  	[tilespmem:s2], [sflag:$0x2] =	stream.linear.gather [hbm4b:s11+s2], $0x80, $0x38;
	[tilespmem:$0x4080] =	vst v63  }
0x69: {  	_ =	swait.ge [sflag:s3], $0x80  }
0x6a: {  	[sflag:s3] =	ssyncset.done $0x0  }
0x6b: {  	[sflag:s3] =	ssyncadd.s32 $0xFFFFFF80  }
0x6c: {  	[tilespmem:s6], [sflag:$0x1] =	stream.indirect.gather [hbm4b:s5+s6], $0x80, s2, s6, $0xb8;
	[tilespmem:$0x4080] =	vst v63  }
0x6d: {  	_ =	swait.ge [sflag:s7], $0x4000  }
0x6e: {  	[sflag:s7] =	ssyncset.done $0x0  }
0x6f: {  	[sflag:s7] =	ssyncadd.s32 $0xFFFFC000  }
0x70: {  	[hbm4b:s12+s2] =	stream.linear.scatter [tilespmem:s6], [sflag:$0x2], $0x4000, $0x38;
	[tilespmem:$0x4080] =	vst v63  }
0x71: {  	_ =	swait.ge [sflag:s3], $0x4000  }
0x72: {  	[sflag:s3] =	ssyncset.done $0x0  }
0x73: {  	[sflag:s3] =	ssyncadd.s32 $0xFFFFC000  }
0x74: {  	[tilespmem:s2], [sflag:$0x2] =	stream.linear.gather [hbm4b:s13+s2], $0x80, $0x38;
	[tilespmem:$0x4080] =	vst v63  }
0x75: {  	_ =	swait.ge [sflag:s3], $0x80  }
0x76: {  	[sflag:s3] =	ssyncset.done $0x0  }
0x77: {  	[sflag:s3] =	ssyncadd.s32 $0xFFFFFF80  }
0x78: {  	[tilespmem:s6], [sflag:$0x1] =	stream.indirect.gather [hbm4b:s5+s6], $0x80, s2, s6, $0xb8;
	[tilespmem:$0x4080] =	vst v63  }
0x79: {  	_ =	swait.ge [sflag:s7], $0x4000  }
0x7a: {  	[sflag:s7] =	ssyncset.done $0x0  }
0x7b: {  	[sflag:s7] =	ssyncadd.s32 $0xFFFFC000  }
0x7c: {  	[hbm4b:s14+s2] =	stream.linear.scatter [tilespmem:s6], [sflag:$0x2], $0x4000, $0x38;
	[tilespmem:$0x4080] =	vst v63  }
0x7d: {  	_ =	swait.ge [sflag:s3], $0x4000  }
0x7e: {  	[sflag:s3] =	ssyncset.done $0x0  }
0x7f: {  	[sflag:s3] =	ssyncadd.s32 $0xFFFFC000  }
0x80: {  	[tilespmem:s2], [sflag:$0x2] =	stream.linear.gather [hbm4b:s15+s2], $0x80, $0x38;
	[tilespmem:$0x4080] =	vst v63  }
0x81: {  	_ =	swait.ge [sflag:s3], $0x80  }
0x82: {  	[sflag:s3] =	ssyncset.done $0x0  }
0x83: {  	[sflag:s3] =	ssyncadd.s32 $0xFFFFFF80  }
0x84: {  	[tilespmem:s6], [sflag:$0x1] =	stream.indirect.gather [hbm4b:s5+s6], $0x80, s2, s6, $0xb8;
	[tilespmem:$0x4080] =	vst v63  }
0x85: {  	_ =	swait.ge [sflag:s7], $0x4000  }
0x86: {  	[sflag:s7] =	ssyncset.done $0x0  }
0x87: {  	[sflag:s7] =	ssyncadd.s32 $0xFFFFC000  }
0x88: {  	[hbm4b:s16+s2] =	stream.linear.scatter [tilespmem:s6], [sflag:$0x2], $0x4000, $0x38;
	[tilespmem:$0x4080] =	vst v63  }
0x89: {  	_ =	swait.ge [sflag:s3], $0x4000  }
0x8a: {  	[sflag:s3] =	ssyncset.done $0x0  }
0x8b: {  	[sflag:s3] =	ssyncadd.s32 $0xFFFFC000  }
0x8c: {  	[tilespmem:s2], [sflag:$0x2] =	stream.linear.gather [hbm4b:s17+s2], $0x80, $0x38;
	[tilespmem:$0x4080] =	vst v63  }
0x8d: {  	_ =	swait.ge [sflag:s3], $0x80  }
0x8e: {  	[sflag:s3] =	ssyncset.done $0x0  }
0x8f: {  	[sflag:s3] =	ssyncadd.s32 $0xFFFFFF80  }
0x90: {  	[tilespmem:s6], [sflag:$0x1] =	stream.indirect.gather [hbm4b:s5+s6], $0x80, s2, s6, $0xb8;
	[tilespmem:$0x4080] =	vst v63  }
0x91: {  	_ =	swait.ge [sflag:s7], $0x4000  }
.Ltmp1:
0x92: {  	[sflag:s7] =	ssyncset.done $0x0;
	(pc) =	sbr.rel @p0 .LBB2_1-.Ltmp1, $4  }
0x93: {  	[sflag:s7] =	ssyncadd.s32 $0xFFFFC000  }
0x94: {  	[hbm4b:s18+s2] =	stream.linear.scatter [tilespmem:s6], [sflag:$0x2], $0x4000, $0x38;
	[tilespmem:$0x4080] =	vst v63  }
0x95: {  	_ =	swait.ge [sflag:s3], $0x4000  }
0x96: {  	[sflag:s3] =	ssyncset.done $0x0  }
.LBB2_2:
0x97: {  	[sflag:s3] =	ssyncadd.s32 $0xFFFFC000  }
0x98: {  	_ =	sfence.sel $0x180000  }
0x99: {  	[bflag:$0x0] =	sbarrier.arrive $0xFFFF  }
0x9a: {  	p0 =	sne.s32 s0, $0x0;
	_ =	strace $0x9000004A  }
0x9b: {  	s0 =	sadd.s32 @!p0 $0x100000, s1;
	[bflag:$0x2] =	sbarrier.arrive $0xFFFF  }
0x9c: {  	[sflag:s0] =	ssyncadd.tile.s32 @!p0 $0x1;
	_ =	shalt  }
.Lfunc_end2:
_tile_overlayer_lowered:
.L_overlay_start_2:
0x9d: {  	(tag) =	ssettag $0x2  }
0x9e: {  	s0 =	rddreg [dreg:$0x0];
	s2 =	stileid.u32  }
0x9f: {  	s1 =	rddreg [dreg:$0x1];
	p0 =	sne.s32 s2, $0x0  }
0xa0: {  	s3 =	rddreg [dreg:$0x2];
	[bflag:$0x3] =	sbarrier.arrive $0xFFFF;
	s2 =	simm.s32 @!p0 $0x1C02  }
0xa1: {  	[timem:s3], [sflag:s2] =	dma.local @!p0 [hbm:s0], s1  }
0xa2: {  	s0 =	simm.s32 @!p0 $0x2  }
0xa3: {  	_ =	swait.ge @!p0 [sflag:s0], s1  }
0xa4: {  	s1 =	ssub.s32 @!p0 $0x0, s1;
	[sflag:s0] =	ssyncset.done @!p0 $0x0  }
0xa5: {  	[sflag:s0] =	ssyncadd.s32 @!p0 s1  }
0xa6: {  	[bflag:$0x3] =	sbarrier.arrive $0xFFFF  }
0xa7: {  	_ =	shalt  }

</sc_bundles>
